<compile_context>
chip_gen: v7x
topology: tpu7x:2x2x1
jax: 0.10.2.dev20260603
libtpu: 0.0.44.dev20260713+nightly
codegen_flags: <defaults>
</compile_context>

<pallas_src>
import functools
import math

import jax
import jax.numpy as jnp
import numpy as np
from jax import lax
from jax.experimental import pallas as pl
from jax.experimental.pallas import tpu as pltpu
from jax.experimental.pallas import tpu_sc as plsc

_ALPHA = 0.1
_THETA = 0.5
_NC = 2
_NS = 16
_CHUNK = 128


_NBUF = 2


@functools.lru_cache(maxsize=None)
def _make_sc_spmm(n_pad, d, cpw, passes):
    nw = _NC * _NS
    rows_per_sub = n_pad // _NS
    cpp = cpw // passes
    groups = cpp // _NBUF
    mesh = plsc.VectorSubcoreMesh(core_axis_name="c", subcore_axis_name="s")

    @functools.partial(
        pl.kernel,
        out_type=jax.ShapeDtypeStruct((_NC, n_pad, d), jnp.float32),
        mesh=mesh,
        scratch_types=[
            pltpu.VMEM((cpp, _CHUNK), jnp.int32),
            pltpu.VMEM((cpp, _CHUNK), jnp.int32),
            pltpu.VMEM((_NBUF, _CHUNK, d), jnp.float32),
            pltpu.VMEM_SHARED((n_pad, d), jnp.float32),
        ] + [pltpu.SemaphoreType.DMA] * _NBUF,
    )
    def sc_spmm(xc_hbm, src_hbm, dst_hbm, zeros_hbm, out_hbm,
                sidx, didx, rows, accum, *gsems):
        c = lax.axis_index("c")
        s = lax.axis_index("s")
        wid = s * _NC + c
        pltpu.sync_copy(zeros_hbm, accum.at[pl.ds(s * rows_per_sub, rows_per_sub)])
        plsc.subcore_barrier()

        def g_start(j, b):
            pltpu.async_copy(xc_hbm.at[sidx.at[j]], rows.at[b], gsems[b])

        def g_wait(j, b):
            pltpu.make_async_copy(xc_hbm.at[sidx.at[j]], rows.at[b], gsems[b]).wait()

        def step(j, b, last):
            if not last:
                g_start(j + 1, 1 - b)
            g_wait(j, b)
            pltpu.sync_copy(rows.at[b], accum.at[didx.at[j]], add=True)

        for p in range(passes):
            pltpu.sync_copy(src_hbm.at[pl.ds(wid * cpw + p * cpp, cpp)], sidx)
            pltpu.sync_copy(dst_hbm.at[pl.ds(wid * cpw + p * cpp, cpp)], didx)

            g_start(0, 0)

            def body(m, carry):
                for b in range(_NBUF):
                    step(m * _NBUF + b, b, last=False)
                return carry

            lax.fori_loop(0, groups - 1, body, 0)

            for b in range(_NBUF):
                j = cpp - _NBUF + b
                step(j, b, last=(j == cpp - 1))

        plsc.subcore_barrier()
        pltpu.sync_copy(
            accum.at[pl.ds(s * rows_per_sub, rows_per_sub)],
            out_hbm.at[c, pl.ds(s * rows_per_sub, rows_per_sub)],
        )

    return sc_spmm


def _pick_block(n):
    for bn in (1024, 1000, 800, 640, 512, 400, 250, 200, 128, 8, 1):
        if n % bn == 0:
            return bn
    return 1


def _linear_body(x_ref, w_ref, b_ref, o_ref, *, relu):
    y = jnp.dot(x_ref[...], w_ref[...], preferred_element_type=jnp.float32)
    y = y + b_ref[...]
    o_ref[...] = jnp.maximum(y, 0.0) if relu else y


def _linear(x, w, b, relu):
    n, d_in = x.shape
    d_out = w.shape[1]
    bn = _pick_block(n)
    return pl.pallas_call(
        functools.partial(_linear_body, relu=relu),
        grid=(n // bn,),
        in_specs=[
            pl.BlockSpec((bn, d_in), lambda i: (i, 0)),
            pl.BlockSpec((d_in, d_out), lambda i: (0, 0)),
            pl.BlockSpec((1, d_out), lambda i: (0, 0)),
        ],
        out_specs=pl.BlockSpec((bn, d_out), lambda i: (i, 0)),
        out_shape=jax.ShapeDtypeStruct((n, d_out), jnp.float32),
    )(x, w, b.reshape(1, d_out))


def _combine_body(p_ref, x0_ref, w_ref, o_ref, *, beta):
    agg = p_ref[0] + p_ref[1]
    s = (1.0 - _ALPHA) * agg + _ALPHA * x0_ref[...]
    y = (1.0 - beta) * s + beta * jnp.dot(
        s, w_ref[...], preferred_element_type=jnp.float32)
    o_ref[...] = jnp.maximum(y, 0.0)


def _combine(partial, x0, w, beta):
    n, d = x0.shape
    bn = _pick_block(n)
    return pl.pallas_call(
        functools.partial(_combine_body, beta=beta),
        grid=(n // bn,),
        in_specs=[
            pl.BlockSpec((_NC, bn, d), lambda i: (0, i, 0)),
            pl.BlockSpec((bn, d), lambda i: (i, 0)),
            pl.BlockSpec((d, d), lambda i: (0, 0)),
        ],
        out_specs=pl.BlockSpec((bn, d), lambda i: (i, 0)),
        out_shape=jax.ShapeDtypeStruct((n, d), jnp.float32),
    )(partial, x0, w)


def kernel(x, edge_index, lin0_W, lin0_b, convW, lin1_W, lin1_b):
    n, d = x.shape
    num_layers = convW.shape[0]
    e = edge_index.shape[1]
    nw = _NC * _NS

    cpw = ((math.ceil(e / (_CHUNK * nw)) + 7) // 8) * 8
    e_pad = cpw * nw * _CHUNK
    n_pad = ((n + 1 + _NS * 8 - 1) // (_NS * 8)) * (_NS * 8)

    src = edge_index[0]
    dst = edge_index[1]
    pad = e_pad - e
    if pad:
        src = jnp.concatenate([src, jnp.zeros((pad,), jnp.int32)])
        dst = jnp.concatenate([dst, jnp.full((pad,), n, jnp.int32)])
    src2d = src.reshape(nw * cpw, _CHUNK)
    dst2d = dst.reshape(nw * cpw, _CHUNK)
    zeros = jnp.zeros((n_pad // _NS, d), jnp.float32)

    spmem_budget = 2_000_000
    per_tile_free = (spmem_budget - n_pad * d) // _NS - _NBUF * _CHUNK * d
    passes = 1
    while cpw % passes or (cpw // passes) % 8 or 2 * (cpw // passes) * _CHUNK > per_tile_free:
        passes += 1
        if passes > cpw:
            raise ValueError("no feasible index staging split")

    sc_spmm = _make_sc_spmm(n_pad, d, cpw, passes)

    h = _linear(x, lin0_W, lin0_b, relu=True)
    x0 = h
    xc = h
    for i in range(num_layers):
        partial = sc_spmm(xc, src2d, dst2d, zeros)
        beta = float(np.log(_THETA / (i + 1) + 1.0))
        xc = _combine(partial, x0, convW[i], beta)
    return _linear(xc, lin1_W, lin1_b, relu=False)

# --- scband reference (transcript-rebuilt; emitter-appended) ---
"""Pipeline reference for scband-gcn2-12893491822964 (READ-ONLY COPY).

The authoritative reference and input builder live on the scoring server;
editing this copy changes nothing except your own understanding.
"""

import jax, jax.numpy as jnp
import numpy as np

N = 10000
E = 320000
D_IN = 128
D_HID = 128
D_OUT = 128
L = 4
ALPHA = 0.1
THETA = 0.5


def setup_inputs(seed: int = 0) -> dict:
    key = jax.random.key(seed)
    ks = jax.random.split(key, 8)
    x = jax.random.normal(ks[0], (N, D_IN), dtype=jnp.float32)
    edge_index = jax.random.randint(ks[1], (2, E), 0, N, dtype=jnp.int32)
    lin0_W = jax.random.normal(ks[2], (D_IN, D_HID), dtype=jnp.float32) / np.sqrt(D_IN)
    lin0_b = jnp.zeros((D_HID,), dtype=jnp.float32)
    convW = jax.random.normal(ks[3], (L, D_HID, D_HID), dtype=jnp.float32) / np.sqrt(D_HID)
    lin1_W = jax.random.normal(ks[4], (D_HID, D_OUT), dtype=jnp.float32) / np.sqrt(D_HID)
    lin1_b = jnp.zeros((D_OUT,), dtype=jnp.float32)
    return {"x": x, "edge_index": edge_index, "lin0_W": lin0_W, "lin0_b": lin0_b,
            "convW": convW, "lin1_W": lin1_W, "lin1_b": lin1_b}


def reference(x, edge_index, lin0_W, lin0_b, convW, lin1_W, lin1_b):
    # GCN2 (GCNII) forward; dropout=0.0, batch_norm=False, residual=False,
    # shared_weights=True, normalize=False (adj used as-is, unit edge weights),
    # add_self_loops=False, activation=relu.
    src = edge_index[0]
    dst = edge_index[1]
    h = jax.nn.relu(x @ lin0_W + lin0_b)
    x0 = h
    xc = h
    for i in range(L):
        # spmm: adj_t @ x  -> out[dst] += x[src]  (gather + scatter-add)
        agg = jax.ops.segment_sum(xc[src], dst, num_segments=N)
        beta = float(np.log(THETA / (i + 1) + 1.0))
        s = (1.0 - ALPHA) * agg + ALPHA * x0
        out = (1.0 - beta) * s + beta * (s @ convW[i])
        xc = jax.nn.relu(out)
    return xc @ lin1_W + lin1_b

if __name__ == "__main__":
    import jax
    _d = setup_inputs()
    print(jax.jit(kernel)(*tuple(_d.values())))

</pallas_src>

<mosaic_0001>
#map = affine_map<(d0, d1) -> (0, 0)>
#map1 = affine_map<(d0, d1) -> (0, 0, 0)>
module attributes {stable_mosaic.version = 14 : i64} {
  func.func @sc_spmm(%arg0: i32, %arg1: i32, %arg2: memref<10000x128xf32, #tpu.memory_space<hbm>>, %arg3: memref<2560x128xi32, #tpu.memory_space<hbm>>, %arg4: memref<2560x128xi32, #tpu.memory_space<hbm>>, %arg5: memref<632x128xf32, #tpu.memory_space<hbm>>, %arg6: memref<2x10112x128xf32, #tpu.memory_space<hbm>>, %arg7: memref<40x128xi32, #tpu.memory_space<vmem>>, %arg8: memref<40x128xi32, #tpu.memory_space<vmem>>, %arg9: memref<2x128x128xf32, #tpu.memory_space<vmem>>, %arg10: memref<10112x128xf32, #tpu.memory_space<vmem_shared>>, %arg11: memref<!tpu.dma_semaphore, #tpu.memory_space<semaphore_mem>>, %arg12: memref<!tpu.dma_semaphore, #tpu.memory_space<semaphore_mem>>) attributes {dimension_semantics = [#tpu.dimension_semantics<core_parallel>, #tpu.dimension_semantics<subcore_parallel>], iteration_bounds = array<i64: 2, 16>, scalar_prefetch = 0 : i64, scratch_operands = 6 : i64, tpu.core_type = #tpu.core_type<sc_vector_subcore>, window_params = [{transform_indices = #map}, {transform_indices = #map}, {transform_indices = #map}, {transform_indices = #map}, {transform_indices = #map1}]} {
    %mul3A = arith.constant 2 : i32
    %mul3A_0 = arith.muli %arg1, %mul3A : i32
    %add3A = arith.addi %mul3A_0, %arg0 : i32
    %mul3A_1 = arith.constant 632 : i32
    %mul3A_2 = arith.muli %arg1, %mul3A_1 : i32
    "tpu.region"() ({
      %run_scoped3A_136 = tpu.sem_alloc : memref<!tpu.dma_semaphore, #tpu.memory_space<semaphore_mem>>
      %dma_start3A_137 = arith.constant 0 : i32
      %dma_start3A_138 = tpu.memref_slice %arg10[%mul3A_2, %dma_start3A_137] : memref<10112x128xf32, #tpu.memory_space<vmem_shared>> -> memref<632x128xf32, #tpu.memory_space<vmem_shared>>
      tpu.enqueue_dma source(%arg5 : memref<632x128xf32, #tpu.memory_space<hbm>>) target(%dma_start3A_138 : memref<632x128xf32, #tpu.memory_space<vmem_shared>>) target_semaphore(%run_scoped3A_136 : memref<!tpu.dma_semaphore, #tpu.memory_space<semaphore_mem>>)
      %dma_wait3A_139 = arith.constant 0 : i32
      %dma_wait3A_140 = tpu.memref_slice %arg10[%mul3A_2, %dma_wait3A_139] : memref<10112x128xf32, #tpu.memory_space<vmem_shared>> -> memref<632x128xf32, #tpu.memory_space<vmem_shared>>
      tpu.wait_dma2 semaphore(%run_scoped3A_136 : memref<!tpu.dma_semaphore, #tpu.memory_space<semaphore_mem>>) src(%arg5 : memref<632x128xf32, #tpu.memory_space<hbm>>) dst(%dma_wait3A_140 : memref<632x128xf32, #tpu.memory_space<vmem_shared>>)
      tpu.yield
    }) : () -> ()
    %barrier3A = arith.constant 0 : index
    tpu.barrier barrier_id(%barrier3A)
    %mul3A_3 = arith.constant 80 : i32
    %mul3A_4 = arith.muli %add3A, %mul3A_3 : i32
    %add3A_5 = arith.constant 0 : i32
    %add3A_6 = arith.addi %mul3A_4, %add3A_5 : i32
    "tpu.region"() ({
      %run_scoped3A_136 = tpu.sem_alloc : memref<!tpu.dma_semaphore, #tpu.memory_space<semaphore_mem>>
      %dma_start3A_137 = arith.constant 0 : i32
      %dma_start3A_138 = tpu.memref_slice %arg3[%add3A_6, %dma_start3A_137] : memref<2560x128xi32, #tpu.memory_space<hbm>> -> memref<40x128xi32, #tpu.memory_space<hbm>>
      %dma_start3A_139 = arith.constant 0 : i32
      %dma_start3A_140 = tpu.memref_slice %arg3[%add3A_6, %dma_start3A_139] : memref<2560x128xi32, #tpu.memory_space<hbm>> -> memref<40x128xi32, #tpu.memory_space<hbm>>
      tpu.enqueue_dma source(%dma_start3A_140 : memref<40x128xi32, #tpu.memory_space<hbm>>) target(%arg7 : memref<40x128xi32, #tpu.memory_space<vmem>>) target_semaphore(%run_scoped3A_136 : memref<!tpu.dma_semaphore, #tpu.memory_space<semaphore_mem>>)
      %dma_wait3A_141 = arith.constant 0 : i32
      %dma_wait3A_142 = tpu.memref_slice %arg3[%add3A_6, %dma_wait3A_141] : memref<2560x128xi32, #tpu.memory_space<hbm>> -> memref<40x128xi32, #tpu.memory_space<hbm>>
      %dma_wait3A_143 = arith.constant 0 : i32
      %dma_wait3A_144 = tpu.memref_slice %arg3[%add3A_6, %dma_wait3A_143] : memref<2560x128xi32, #tpu.memory_space<hbm>> -> memref<40x128xi32, #tpu.memory_space<hbm>>
      tpu.wait_dma2 semaphore(%run_scoped3A_136 : memref<!tpu.dma_semaphore, #tpu.memory_space<semaphore_mem>>) src(%dma_wait3A_144 : memref<40x128xi32, #tpu.memory_space<hbm>>) dst(%arg7 : memref<40x128xi32, #tpu.memory_space<vmem>>)
      tpu.yield
    }) : () -> ()
    %mul3A_7 = arith.constant 80 : i32
    %mul3A_8 = arith.muli %add3A, %mul3A_7 : i32
    %add3A_9 = arith.constant 0 : i32
    %add3A_10 = arith.addi %mul3A_8, %add3A_9 : i32
    "tpu.region"() ({
      %run_scoped3A_136 = tpu.sem_alloc : memref<!tpu.dma_semaphore, #tpu.memory_space<semaphore_mem>>
      %dma_start3A_137 = arith.constant 0 : i32
      %dma_start3A_138 = tpu.memref_slice %arg4[%add3A_10, %dma_start3A_137] : memref<2560x128xi32, #tpu.memory_space<hbm>> -> memref<40x128xi32, #tpu.memory_space<hbm>>
      %dma_start3A_139 = arith.constant 0 : i32
      %dma_start3A_140 = tpu.memref_slice %arg4[%add3A_10, %dma_start3A_139] : memref<2560x128xi32, #tpu.memory_space<hbm>> -> memref<40x128xi32, #tpu.memory_space<hbm>>
      tpu.enqueue_dma source(%dma_start3A_140 : memref<40x128xi32, #tpu.memory_space<hbm>>) target(%arg8 : memref<40x128xi32, #tpu.memory_space<vmem>>) target_semaphore(%run_scoped3A_136 : memref<!tpu.dma_semaphore, #tpu.memory_space<semaphore_mem>>)
      %dma_wait3A_141 = arith.constant 0 : i32
      %dma_wait3A_142 = tpu.memref_slice %arg4[%add3A_10, %dma_wait3A_141] : memref<2560x128xi32, #tpu.memory_space<hbm>> -> memref<40x128xi32, #tpu.memory_space<hbm>>
      %dma_wait3A_143 = arith.constant 0 : i32
      %dma_wait3A_144 = tpu.memref_slice %arg4[%add3A_10, %dma_wait3A_143] : memref<2560x128xi32, #tpu.memory_space<hbm>> -> memref<40x128xi32, #tpu.memory_space<hbm>>
      tpu.wait_dma2 semaphore(%run_scoped3A_136 : memref<!tpu.dma_semaphore, #tpu.memory_space<semaphore_mem>>) src(%dma_wait3A_144 : memref<40x128xi32, #tpu.memory_space<hbm>>) dst(%arg8 : memref<40x128xi32, #tpu.memory_space<vmem>>)
      tpu.yield
    }) : () -> ()
    %dma_start3A = arith.constant 0 : i32
    %dma_start3A_11 = arith.constant 0 : i32
    %dma_start3A_12 = arith.constant 0 : i32
    %dma_start3A_13 = arith.constant 0 : i32
    %dma_start3A_14 = tpu.memref_slice %arg9[%dma_start3A_11, %dma_start3A_12, %dma_start3A_13] : memref<2x128x128xf32, #tpu.memory_space<vmem>> -> memref<1x128x128xf32, #tpu.memory_space<vmem>>
    %dma_start3A_15 = tpu.memref_squeeze %dma_start3A_14 : memref<1x128x128xf32, #tpu.memory_space<vmem>> -> memref<128x128xf32, #tpu.memory_space<vmem>>
    %dma_start3A_16 = arith.constant 0 : i32
    %dma_start3A_17 = tpu.memref_slice %arg7[%dma_start3A, %dma_start3A_16] : memref<40x128xi32, #tpu.memory_space<vmem>> -> memref<1x128xi32, #tpu.memory_space<vmem>>
    %dma_start3A_18 = tpu.memref_squeeze %dma_start3A_17 : memref<1x128xi32, #tpu.memory_space<vmem>> -> memref<128xi32, #tpu.memory_space<vmem>>
    %dma_start3A_19 = arith.constant 0 : i32
    %dma_start3A_20 = arith.constant 0 : i32
    %dma_start3A_21 = tpu.memref_slice %arg2[%dma_start3A_19, %dma_start3A_20] : memref<10000x128xf32, #tpu.memory_space<hbm>> -> memref<10000x128xf32, #tpu.memory_space<hbm>>
    tpu.enqueue_indirect_dma source(%dma_start3A_21 : memref<10000x128xf32, #tpu.memory_space<hbm>>) target(%dma_start3A_15 : memref<128x128xf32, #tpu.memory_space<vmem>>) offsets(%dma_start3A_18 : memref<128xi32, #tpu.memory_space<vmem>>) semaphore(%arg11 : memref<!tpu.dma_semaphore, #tpu.memory_space<semaphore_mem>>)
    %scan3A = arith.constant 0 : i32
    %scan3A_22 = arith.constant 0 : i32
    %scan3A_23 = arith.constant 19 : i32
    %scan3A_24 = arith.addi %scan3A_22, %scan3A_23 : i32
    %scan3A_25 = arith.constant 1 : i32
    scf.for %scan3A_136 = %scan3A_22 to %scan3A_24 step %scan3A_25  : i32 {
      %mul3A_137 = arith.constant 2 : i32
      %mul3A_138 = arith.muli %scan3A_136, %mul3A_137 : i32
      %add3A_139 = arith.constant 0 : i32
      %add3A_140 = arith.addi %mul3A_138, %add3A_139 : i32
      %add3A_141 = arith.constant 1 : i32
      %add3A_142 = arith.addi %add3A_140, %add3A_141 : i32
      %dma_start3A_143 = arith.constant 1 : i32
      %dma_start3A_144 = arith.constant 0 : i32
      %dma_start3A_145 = arith.constant 0 : i32
      %dma_start3A_146 = tpu.memref_slice %arg9[%dma_start3A_143, %dma_start3A_144, %dma_start3A_145] : memref<2x128x128xf32, #tpu.memory_space<vmem>> -> memref<1x128x128xf32, #tpu.memory_space<vmem>>
      %dma_start3A_147 = tpu.memref_squeeze %dma_start3A_146 : memref<1x128x128xf32, #tpu.memory_space<vmem>> -> memref<128x128xf32, #tpu.memory_space<vmem>>
      %dma_start3A_148 = arith.constant 0 : i32
      %dma_start3A_149 = tpu.memref_slice %arg7[%add3A_142, %dma_start3A_148] : memref<40x128xi32, #tpu.memory_space<vmem>> -> memref<1x128xi32, #tpu.memory_space<vmem>>
      %dma_start3A_150 = tpu.memref_squeeze %dma_start3A_149 : memref<1x128xi32, #tpu.memory_space<vmem>> -> memref<128xi32, #tpu.memory_space<vmem>>
      %dma_start3A_151 = arith.constant 0 : i32
      %dma_start3A_152 = arith.constant 0 : i32
      %dma_start3A_153 = tpu.memref_slice %arg2[%dma_start3A_151, %dma_start3A_152] : memref<10000x128xf32, #tpu.memory_space<hbm>> -> memref<10000x128xf32, #tpu.memory_space<hbm>>
      tpu.enqueue_indirect_dma source(%dma_start3A_153 : memref<10000x128xf32, #tpu.memory_space<hbm>>) target(%dma_start3A_147 : memref<128x128xf32, #tpu.memory_space<vmem>>) offsets(%dma_start3A_150 : memref<128xi32, #tpu.memory_space<vmem>>) semaphore(%arg12 : memref<!tpu.dma_semaphore, #tpu.memory_space<semaphore_mem>>)
      %dma_wait3A_154 = arith.constant 0 : i32
      %dma_wait3A_155 = arith.constant 0 : i32
      %dma_wait3A_156 = arith.constant 0 : i32
      %dma_wait3A_157 = tpu.memref_slice %arg9[%dma_wait3A_154, %dma_wait3A_155, %dma_wait3A_156] : memref<2x128x128xf32, #tpu.memory_space<vmem>> -> memref<1x128x128xf32, #tpu.memory_space<vmem>>
      %dma_wait3A_158 = tpu.memref_squeeze %dma_wait3A_157 : memref<1x128x128xf32, #tpu.memory_space<vmem>> -> memref<128x128xf32, #tpu.memory_space<vmem>>
      %dma_wait3A_159 = arith.constant 0 : i32
      %dma_wait3A_160 = tpu.memref_slice %arg7[%add3A_140, %dma_wait3A_159] : memref<40x128xi32, #tpu.memory_space<vmem>> -> memref<1x128xi32, #tpu.memory_space<vmem>>
      %dma_wait3A_161 = tpu.memref_squeeze %dma_wait3A_160 : memref<1x128xi32, #tpu.memory_space<vmem>> -> memref<128xi32, #tpu.memory_space<vmem>>
      %dma_wait3A_162 = arith.constant 0 : i32
      %dma_wait3A_163 = arith.constant 0 : i32
      %dma_wait3A_164 = tpu.memref_slice %arg2[%dma_wait3A_162, %dma_wait3A_163] : memref<10000x128xf32, #tpu.memory_space<hbm>> -> memref<10000x128xf32, #tpu.memory_space<hbm>>
      tpu.wait_indirect_dma semaphore(%arg11 : memref<!tpu.dma_semaphore, #tpu.memory_space<semaphore_mem>>) src(%dma_wait3A_164 : memref<10000x128xf32, #tpu.memory_space<hbm>>) dst(%dma_wait3A_158 : memref<128x128xf32, #tpu.memory_space<vmem>>)
      %run_scoped3A_165 = arith.constant 0 : i32
      "tpu.region"() ({
        %run_scoped3A_195 = tpu.sem_alloc : memref<!tpu.dma_semaphore, #tpu.memory_space<semaphore_mem>>
        %dma_start3A_196 = arith.constant 0 : i32
        %dma_start3A_197 = arith.constant 0 : i32
        %dma_start3A_198 = tpu.memref_slice %arg9[%run_scoped3A_165, %dma_start3A_196, %dma_start3A_197] : memref<2x128x128xf32, #tpu.memory_space<vmem>> -> memref<1x128x128xf32, #tpu.memory_space<vmem>>
        %dma_start3A_199 = tpu.memref_squeeze %dma_start3A_198 : memref<1x128x128xf32, #tpu.memory_space<vmem>> -> memref<128x128xf32, #tpu.memory_space<vmem>>
        %dma_start3A_200 = arith.constant 0 : i32
        %dma_start3A_201 = tpu.memref_slice %arg8[%add3A_140, %dma_start3A_200] : memref<40x128xi32, #tpu.memory_space<vmem>> -> memref<1x128xi32, #tpu.memory_space<vmem>>
        %dma_start3A_202 = tpu.memref_squeeze %dma_start3A_201 : memref<1x128xi32, #tpu.memory_space<vmem>> -> memref<128xi32, #tpu.memory_space<vmem>>
        %dma_start3A_203 = arith.constant 0 : i32
        %dma_start3A_204 = arith.constant 0 : i32
        %dma_start3A_205 = tpu.memref_slice %arg10[%dma_start3A_203, %dma_start3A_204] : memref<10112x128xf32, #tpu.memory_space<vmem_shared>> -> memref<10112x128xf32, #tpu.memory_space<vmem_shared>>
        tpu.enqueue_indirect_dma source(%dma_start3A_199 : memref<128x128xf32, #tpu.memory_space<vmem>>) target(%dma_start3A_205 : memref<10112x128xf32, #tpu.memory_space<vmem_shared>>) offsets(%dma_start3A_202 : memref<128xi32, #tpu.memory_space<vmem>>) semaphore(%run_scoped3A_195 : memref<!tpu.dma_semaphore, #tpu.memory_space<semaphore_mem>>) {add = true}
        %dma_wait3A_206 = arith.constant 0 : i32
        %dma_wait3A_207 = arith.constant 0 : i32
        %dma_wait3A_208 = tpu.memref_slice %arg9[%run_scoped3A_165, %dma_wait3A_206, %dma_wait3A_207] : memref<2x128x128xf32, #tpu.memory_space<vmem>> -> memref<1x128x128xf32, #tpu.memory_space<vmem>>
        %dma_wait3A_209 = tpu.memref_squeeze %dma_wait3A_208 : memref<1x128x128xf32, #tpu.memory_space<vmem>> -> memref<128x128xf32, #tpu.memory_space<vmem>>
        %dma_wait3A_210 = arith.constant 0 : i32
        %dma_wait3A_211 = tpu.memref_slice %arg8[%add3A_140, %dma_wait3A_210] : memref<40x128xi32, #tpu.memory_space<vmem>> -> memref<1x128xi32, #tpu.memory_space<vmem>>
        %dma_wait3A_212 = tpu.memref_squeeze %dma_wait3A_211 : memref<1x128xi32, #tpu.memory_space<vmem>> -> memref<128xi32, #tpu.memory_space<vmem>>
        %dma_wait3A_213 = arith.constant 0 : i32
        %dma_wait3A_214 = arith.constant 0 : i32
        %dma_wait3A_215 = tpu.memref_slice %arg10[%dma_wait3A_213, %dma_wait3A_214] : memref<10112x128xf32, #tpu.memory_space<vmem_shared>> -> memref<10112x128xf32, #tpu.memory_space<vmem_shared>>
        tpu.wait_indirect_dma semaphore(%run_scoped3A_195 : memref<!tpu.dma_semaphore, #tpu.memory_space<semaphore_mem>>) src(%dma_wait3A_209 : memref<128x128xf32, #tpu.memory_space<vmem>>) dst(%dma_wait3A_215 : memref<10112x128xf32, #tpu.memory_space<vmem_shared>>)
        tpu.yield
      }) : () -> ()
      %mul3A_166 = arith.constant 2 : i32
      %mul3A_167 = arith.muli %scan3A_136, %mul3A_166 : i32
      %add3A_168 = arith.constant 1 : i32
      %add3A_169 = arith.addi %mul3A_167, %add3A_168 : i32
      %add3A_170 = arith.constant 1 : i32
      %add3A_171 = arith.addi %add3A_169, %add3A_170 : i32
      %dma_start3A_172 = arith.constant 0 : i32
      %dma_start3A_173 = arith.constant 0 : i32
      %dma_start3A_174 = arith.constant 0 : i32
      %dma_start3A_175 = tpu.memref_slice %arg9[%dma_start3A_172, %dma_start3A_173, %dma_start3A_174] : memref<2x128x128xf32, #tpu.memory_space<vmem>> -> memref<1x128x128xf32, #tpu.memory_space<vmem>>
      %dma_start3A_176 = tpu.memref_squeeze %dma_start3A_175 : memref<1x128x128xf32, #tpu.memory_space<vmem>> -> memref<128x128xf32, #tpu.memory_space<vmem>>
      %dma_start3A_177 = arith.constant 0 : i32
      %dma_start3A_178 = tpu.memref_slice %arg7[%add3A_171, %dma_start3A_177] : memref<40x128xi32, #tpu.memory_space<vmem>> -> memref<1x128xi32, #tpu.memory_space<vmem>>
      %dma_start3A_179 = tpu.memref_squeeze %dma_start3A_178 : memref<1x128xi32, #tpu.memory_space<vmem>> -> memref<128xi32, #tpu.memory_space<vmem>>
      %dma_start3A_180 = arith.constant 0 : i32
      %dma_start3A_181 = arith.constant 0 : i32
      %dma_start3A_182 = tpu.memref_slice %arg2[%dma_start3A_180, %dma_start3A_181] : memref<10000x128xf32, #tpu.memory_space<hbm>> -> memref<10000x128xf32, #tpu.memory_space<hbm>>
      tpu.enqueue_indirect_dma source(%dma_start3A_182 : memref<10000x128xf32, #tpu.memory_space<hbm>>) target(%dma_start3A_176 : memref<128x128xf32, #tpu.memory_space<vmem>>) offsets(%dma_start3A_179 : memref<128xi32, #tpu.memory_space<vmem>>) semaphore(%arg11 : memref<!tpu.dma_semaphore, #tpu.memory_space<semaphore_mem>>)
      %dma_wait3A_183 = arith.constant 1 : i32
      %dma_wait3A_184 = arith.constant 0 : i32
      %dma_wait3A_185 = arith.constant 0 : i32
      %dma_wait3A_186 = tpu.memref_slice %arg9[%dma_wait3A_183, %dma_wait3A_184, %dma_wait3A_185] : memref<2x128x128xf32, #tpu.memory_space<vmem>> -> memref<1x128x128xf32, #tpu.memory_space<vmem>>
      %dma_wait3A_187 = tpu.memref_squeeze %dma_wait3A_186 : memref<1x128x128xf32, #tpu.memory_space<vmem>> -> memref<128x128xf32, #tpu.memory_space<vmem>>
      %dma_wait3A_188 = arith.constant 0 : i32
      %dma_wait3A_189 = tpu.memref_slice %arg7[%add3A_169, %dma_wait3A_188] : memref<40x128xi32, #tpu.memory_space<vmem>> -> memref<1x128xi32, #tpu.memory_space<vmem>>
      %dma_wait3A_190 = tpu.memref_squeeze %dma_wait3A_189 : memref<1x128xi32, #tpu.memory_space<vmem>> -> memref<128xi32, #tpu.memory_space<vmem>>
      %dma_wait3A_191 = arith.constant 0 : i32
      %dma_wait3A_192 = arith.constant 0 : i32
      %dma_wait3A_193 = tpu.memref_slice %arg2[%dma_wait3A_191, %dma_wait3A_192] : memref<10000x128xf32, #tpu.memory_space<hbm>> -> memref<10000x128xf32, #tpu.memory_space<hbm>>
      tpu.wait_indirect_dma semaphore(%arg12 : memref<!tpu.dma_semaphore, #tpu.memory_space<semaphore_mem>>) src(%dma_wait3A_193 : memref<10000x128xf32, #tpu.memory_space<hbm>>) dst(%dma_wait3A_187 : memref<128x128xf32, #tpu.memory_space<vmem>>)
      %run_scoped3A_194 = arith.constant 1 : i32
      "tpu.region"() ({
        %run_scoped3A_195 = tpu.sem_alloc : memref<!tpu.dma_semaphore, #tpu.memory_space<semaphore_mem>>
        %dma_start3A_196 = arith.constant 0 : i32
        %dma_start3A_197 = arith.constant 0 : i32
        %dma_start3A_198 = tpu.memref_slice %arg9[%run_scoped3A_194, %dma_start3A_196, %dma_start3A_197] : memref<2x128x128xf32, #tpu.memory_space<vmem>> -> memref<1x128x128xf32, #tpu.memory_space<vmem>>
        %dma_start3A_199 = tpu.memref_squeeze %dma_start3A_198 : memref<1x128x128xf32, #tpu.memory_space<vmem>> -> memref<128x128xf32, #tpu.memory_space<vmem>>
        %dma_start3A_200 = arith.constant 0 : i32
        %dma_start3A_201 = tpu.memref_slice %arg8[%add3A_169, %dma_start3A_200] : memref<40x128xi32, #tpu.memory_space<vmem>> -> memref<1x128xi32, #tpu.memory_space<vmem>>
        %dma_start3A_202 = tpu.memref_squeeze %dma_start3A_201 : memref<1x128xi32, #tpu.memory_space<vmem>> -> memref<128xi32, #tpu.memory_space<vmem>>
        %dma_start3A_203 = arith.constant 0 : i32
        %dma_start3A_204 = arith.constant 0 : i32
        %dma_start3A_205 = tpu.memref_slice %arg10[%dma_start3A_203, %dma_start3A_204] : memref<10112x128xf32, #tpu.memory_space<vmem_shared>> -> memref<10112x128xf32, #tpu.memory_space<vmem_shared>>
        tpu.enqueue_indirect_dma source(%dma_start3A_199 : memref<128x128xf32, #tpu.memory_space<vmem>>) target(%dma_start3A_205 : memref<10112x128xf32, #tpu.memory_space<vmem_shared>>) offsets(%dma_start3A_202 : memref<128xi32, #tpu.memory_space<vmem>>) semaphore(%run_scoped3A_195 : memref<!tpu.dma_semaphore, #tpu.memory_space<semaphore_mem>>) {add = true}
        %dma_wait3A_206 = arith.constant 0 : i32
        %dma_wait3A_207 = arith.constant 0 : i32
        %dma_wait3A_208 = tpu.memref_slice %arg9[%run_scoped3A_194, %dma_wait3A_206, %dma_wait3A_207] : memref<2x128x128xf32, #tpu.memory_space<vmem>> -> memref<1x128x128xf32, #tpu.memory_space<vmem>>
        %dma_wait3A_209 = tpu.memref_squeeze %dma_wait3A_208 : memref<1x128x128xf32, #tpu.memory_space<vmem>> -> memref<128x128xf32, #tpu.memory_space<vmem>>
        %dma_wait3A_210 = arith.constant 0 : i32
        %dma_wait3A_211 = tpu.memref_slice %arg8[%add3A_169, %dma_wait3A_210] : memref<40x128xi32, #tpu.memory_space<vmem>> -> memref<1x128xi32, #tpu.memory_space<vmem>>
        %dma_wait3A_212 = tpu.memref_squeeze %dma_wait3A_211 : memref<1x128xi32, #tpu.memory_space<vmem>> -> memref<128xi32, #tpu.memory_space<vmem>>
        %dma_wait3A_213 = arith.constant 0 : i32
        %dma_wait3A_214 = arith.constant 0 : i32
        %dma_wait3A_215 = tpu.memref_slice %arg10[%dma_wait3A_213, %dma_wait3A_214] : memref<10112x128xf32, #tpu.memory_space<vmem_shared>> -> memref<10112x128xf32, #tpu.memory_space<vmem_shared>>
        tpu.wait_indirect_dma semaphore(%run_scoped3A_195 : memref<!tpu.dma_semaphore, #tpu.memory_space<semaphore_mem>>) src(%dma_wait3A_209 : memref<128x128xf32, #tpu.memory_space<vmem>>) dst(%dma_wait3A_215 : memref<10112x128xf32, #tpu.memory_space<vmem_shared>>)
        tpu.yield
      }) : () -> ()
    }
    %scan3A_26 = arith.constant 19 : i32
    %dma_start3A_27 = arith.constant 39 : i32
    %dma_start3A_28 = arith.constant 1 : i32
    %dma_start3A_29 = arith.constant 0 : i32
    %dma_start3A_30 = arith.constant 0 : i32
    %dma_start3A_31 = tpu.memref_slice %arg9[%dma_start3A_28, %dma_start3A_29, %dma_start3A_30] : memref<2x128x128xf32, #tpu.memory_space<vmem>> -> memref<1x128x128xf32, #tpu.memory_space<vmem>>
    %dma_start3A_32 = tpu.memref_squeeze %dma_start3A_31 : memref<1x128x128xf32, #tpu.memory_space<vmem>> -> memref<128x128xf32, #tpu.memory_space<vmem>>
    %dma_start3A_33 = arith.constant 0 : i32
    %dma_start3A_34 = tpu.memref_slice %arg7[%dma_start3A_27, %dma_start3A_33] : memref<40x128xi32, #tpu.memory_space<vmem>> -> memref<1x128xi32, #tpu.memory_space<vmem>>
    %dma_start3A_35 = tpu.memref_squeeze %dma_start3A_34 : memref<1x128xi32, #tpu.memory_space<vmem>> -> memref<128xi32, #tpu.memory_space<vmem>>
    %dma_start3A_36 = arith.constant 0 : i32
    %dma_start3A_37 = arith.constant 0 : i32
    %dma_start3A_38 = tpu.memref_slice %arg2[%dma_start3A_36, %dma_start3A_37] : memref<10000x128xf32, #tpu.memory_space<hbm>> -> memref<10000x128xf32, #tpu.memory_space<hbm>>
    tpu.enqueue_indirect_dma source(%dma_start3A_38 : memref<10000x128xf32, #tpu.memory_space<hbm>>) target(%dma_start3A_32 : memref<128x128xf32, #tpu.memory_space<vmem>>) offsets(%dma_start3A_35 : memref<128xi32, #tpu.memory_space<vmem>>) semaphore(%arg12 : memref<!tpu.dma_semaphore, #tpu.memory_space<semaphore_mem>>)
    %dma_wait3A = arith.constant 38 : i32
    %dma_wait3A_39 = arith.constant 0 : i32
    %dma_wait3A_40 = arith.constant 0 : i32
    %dma_wait3A_41 = arith.constant 0 : i32
    %dma_wait3A_42 = tpu.memref_slice %arg9[%dma_wait3A_39, %dma_wait3A_40, %dma_wait3A_41] : memref<2x128x128xf32, #tpu.memory_space<vmem>> -> memref<1x128x128xf32, #tpu.memory_space<vmem>>
    %dma_wait3A_43 = tpu.memref_squeeze %dma_wait3A_42 : memref<1x128x128xf32, #tpu.memory_space<vmem>> -> memref<128x128xf32, #tpu.memory_space<vmem>>
    %dma_wait3A_44 = arith.constant 0 : i32
    %dma_wait3A_45 = tpu.memref_slice %arg7[%dma_wait3A, %dma_wait3A_44] : memref<40x128xi32, #tpu.memory_space<vmem>> -> memref<1x128xi32, #tpu.memory_space<vmem>>
    %dma_wait3A_46 = tpu.memref_squeeze %dma_wait3A_45 : memref<1x128xi32, #tpu.memory_space<vmem>> -> memref<128xi32, #tpu.memory_space<vmem>>
    %dma_wait3A_47 = arith.constant 0 : i32
    %dma_wait3A_48 = arith.constant 0 : i32
    %dma_wait3A_49 = tpu.memref_slice %arg2[%dma_wait3A_47, %dma_wait3A_48] : memref<10000x128xf32, #tpu.memory_space<hbm>> -> memref<10000x128xf32, #tpu.memory_space<hbm>>
    tpu.wait_indirect_dma semaphore(%arg11 : memref<!tpu.dma_semaphore, #tpu.memory_space<semaphore_mem>>) src(%dma_wait3A_49 : memref<10000x128xf32, #tpu.memory_space<hbm>>) dst(%dma_wait3A_43 : memref<128x128xf32, #tpu.memory_space<vmem>>)
    %run_scoped3A = arith.constant 0 : i32
    %run_scoped3A_50 = arith.constant 38 : i32
    "tpu.region"() ({
      %run_scoped3A_136 = tpu.sem_alloc : memref<!tpu.dma_semaphore, #tpu.memory_space<semaphore_mem>>
      %dma_start3A_137 = arith.constant 0 : i32
      %dma_start3A_138 = arith.constant 0 : i32
      %dma_start3A_139 = tpu.memref_slice %arg9[%run_scoped3A, %dma_start3A_137, %dma_start3A_138] : memref<2x128x128xf32, #tpu.memory_space<vmem>> -> memref<1x128x128xf32, #tpu.memory_space<vmem>>
      %dma_start3A_140 = tpu.memref_squeeze %dma_start3A_139 : memref<1x128x128xf32, #tpu.memory_space<vmem>> -> memref<128x128xf32, #tpu.memory_space<vmem>>
      %dma_start3A_141 = arith.constant 0 : i32
      %dma_start3A_142 = tpu.memref_slice %arg8[%run_scoped3A_50, %dma_start3A_141] : memref<40x128xi32, #tpu.memory_space<vmem>> -> memref<1x128xi32, #tpu.memory_space<vmem>>
      %dma_start3A_143 = tpu.memref_squeeze %dma_start3A_142 : memref<1x128xi32, #tpu.memory_space<vmem>> -> memref<128xi32, #tpu.memory_space<vmem>>
      %dma_start3A_144 = arith.constant 0 : i32
      %dma_start3A_145 = arith.constant 0 : i32
      %dma_start3A_146 = tpu.memref_slice %arg10[%dma_start3A_144, %dma_start3A_145] : memref<10112x128xf32, #tpu.memory_space<vmem_shared>> -> memref<10112x128xf32, #tpu.memory_space<vmem_shared>>
      tpu.enqueue_indirect_dma source(%dma_start3A_140 : memref<128x128xf32, #tpu.memory_space<vmem>>) target(%dma_start3A_146 : memref<10112x128xf32, #tpu.memory_space<vmem_shared>>) offsets(%dma_start3A_143 : memref<128xi32, #tpu.memory_space<vmem>>) semaphore(%run_scoped3A_136 : memref<!tpu.dma_semaphore, #tpu.memory_space<semaphore_mem>>) {add = true}
      %dma_wait3A_147 = arith.constant 0 : i32
      %dma_wait3A_148 = arith.constant 0 : i32
      %dma_wait3A_149 = tpu.memref_slice %arg9[%run_scoped3A, %dma_wait3A_147, %dma_wait3A_148] : memref<2x128x128xf32, #tpu.memory_space<vmem>> -> memref<1x128x128xf32, #tpu.memory_space<vmem>>
      %dma_wait3A_150 = tpu.memref_squeeze %dma_wait3A_149 : memref<1x128x128xf32, #tpu.memory_space<vmem>> -> memref<128x128xf32, #tpu.memory_space<vmem>>
      %dma_wait3A_151 = arith.constant 0 : i32
      %dma_wait3A_152 = tpu.memref_slice %arg8[%run_scoped3A_50, %dma_wait3A_151] : memref<40x128xi32, #tpu.memory_space<vmem>> -> memref<1x128xi32, #tpu.memory_space<vmem>>
      %dma_wait3A_153 = tpu.memref_squeeze %dma_wait3A_152 : memref<1x128xi32, #tpu.memory_space<vmem>> -> memref<128xi32, #tpu.memory_space<vmem>>
      %dma_wait3A_154 = arith.constant 0 : i32
      %dma_wait3A_155 = arith.constant 0 : i32
      %dma_wait3A_156 = tpu.memref_slice %arg10[%dma_wait3A_154, %dma_wait3A_155] : memref<10112x128xf32, #tpu.memory_space<vmem_shared>> -> memref<10112x128xf32, #tpu.memory_space<vmem_shared>>
      tpu.wait_indirect_dma semaphore(%run_scoped3A_136 : memref<!tpu.dma_semaphore, #tpu.memory_space<semaphore_mem>>) src(%dma_wait3A_150 : memref<128x128xf32, #tpu.memory_space<vmem>>) dst(%dma_wait3A_156 : memref<10112x128xf32, #tpu.memory_space<vmem_shared>>)
      tpu.yield
    }) : () -> ()
    %dma_wait3A_51 = arith.constant 39 : i32
    %dma_wait3A_52 = arith.constant 1 : i32
    %dma_wait3A_53 = arith.constant 0 : i32
    %dma_wait3A_54 = arith.constant 0 : i32
    %dma_wait3A_55 = tpu.memref_slice %arg9[%dma_wait3A_52, %dma_wait3A_53, %dma_wait3A_54] : memref<2x128x128xf32, #tpu.memory_space<vmem>> -> memref<1x128x128xf32, #tpu.memory_space<vmem>>
    %dma_wait3A_56 = tpu.memref_squeeze %dma_wait3A_55 : memref<1x128x128xf32, #tpu.memory_space<vmem>> -> memref<128x128xf32, #tpu.memory_space<vmem>>
    %dma_wait3A_57 = arith.constant 0 : i32
    %dma_wait3A_58 = tpu.memref_slice %arg7[%dma_wait3A_51, %dma_wait3A_57] : memref<40x128xi32, #tpu.memory_space<vmem>> -> memref<1x128xi32, #tpu.memory_space<vmem>>
    %dma_wait3A_59 = tpu.memref_squeeze %dma_wait3A_58 : memref<1x128xi32, #tpu.memory_space<vmem>> -> memref<128xi32, #tpu.memory_space<vmem>>
    %dma_wait3A_60 = arith.constant 0 : i32
    %dma_wait3A_61 = arith.constant 0 : i32
    %dma_wait3A_62 = tpu.memref_slice %arg2[%dma_wait3A_60, %dma_wait3A_61] : memref<10000x128xf32, #tpu.memory_space<hbm>> -> memref<10000x128xf32, #tpu.memory_space<hbm>>
    tpu.wait_indirect_dma semaphore(%arg12 : memref<!tpu.dma_semaphore, #tpu.memory_space<semaphore_mem>>) src(%dma_wait3A_62 : memref<10000x128xf32, #tpu.memory_space<hbm>>) dst(%dma_wait3A_56 : memref<128x128xf32, #tpu.memory_space<vmem>>)
    %run_scoped3A_63 = arith.constant 1 : i32
    %run_scoped3A_64 = arith.constant 39 : i32
    "tpu.region"() ({
      %run_scoped3A_136 = tpu.sem_alloc : memref<!tpu.dma_semaphore, #tpu.memory_space<semaphore_mem>>
      %dma_start3A_137 = arith.constant 0 : i32
      %dma_start3A_138 = arith.constant 0 : i32
      %dma_start3A_139 = tpu.memref_slice %arg9[%run_scoped3A_63, %dma_start3A_137, %dma_start3A_138] : memref<2x128x128xf32, #tpu.memory_space<vmem>> -> memref<1x128x128xf32, #tpu.memory_space<vmem>>
      %dma_start3A_140 = tpu.memref_squeeze %dma_start3A_139 : memref<1x128x128xf32, #tpu.memory_space<vmem>> -> memref<128x128xf32, #tpu.memory_space<vmem>>
      %dma_start3A_141 = arith.constant 0 : i32
      %dma_start3A_142 = tpu.memref_slice %arg8[%run_scoped3A_64, %dma_start3A_141] : memref<40x128xi32, #tpu.memory_space<vmem>> -> memref<1x128xi32, #tpu.memory_space<vmem>>
      %dma_start3A_143 = tpu.memref_squeeze %dma_start3A_142 : memref<1x128xi32, #tpu.memory_space<vmem>> -> memref<128xi32, #tpu.memory_space<vmem>>
      %dma_start3A_144 = arith.constant 0 : i32
      %dma_start3A_145 = arith.constant 0 : i32
      %dma_start3A_146 = tpu.memref_slice %arg10[%dma_start3A_144, %dma_start3A_145] : memref<10112x128xf32, #tpu.memory_space<vmem_shared>> -> memref<10112x128xf32, #tpu.memory_space<vmem_shared>>
      tpu.enqueue_indirect_dma source(%dma_start3A_140 : memref<128x128xf32, #tpu.memory_space<vmem>>) target(%dma_start3A_146 : memref<10112x128xf32, #tpu.memory_space<vmem_shared>>) offsets(%dma_start3A_143 : memref<128xi32, #tpu.memory_space<vmem>>) semaphore(%run_scoped3A_136 : memref<!tpu.dma_semaphore, #tpu.memory_space<semaphore_mem>>) {add = true}
      %dma_wait3A_147 = arith.constant 0 : i32
      %dma_wait3A_148 = arith.constant 0 : i32
      %dma_wait3A_149 = tpu.memref_slice %arg9[%run_scoped3A_63, %dma_wait3A_147, %dma_wait3A_148] : memref<2x128x128xf32, #tpu.memory_space<vmem>> -> memref<1x128x128xf32, #tpu.memory_space<vmem>>
      %dma_wait3A_150 = tpu.memref_squeeze %dma_wait3A_149 : memref<1x128x128xf32, #tpu.memory_space<vmem>> -> memref<128x128xf32, #tpu.memory_space<vmem>>
      %dma_wait3A_151 = arith.constant 0 : i32
      %dma_wait3A_152 = tpu.memref_slice %arg8[%run_scoped3A_64, %dma_wait3A_151] : memref<40x128xi32, #tpu.memory_space<vmem>> -> memref<1x128xi32, #tpu.memory_space<vmem>>
      %dma_wait3A_153 = tpu.memref_squeeze %dma_wait3A_152 : memref<1x128xi32, #tpu.memory_space<vmem>> -> memref<128xi32, #tpu.memory_space<vmem>>
      %dma_wait3A_154 = arith.constant 0 : i32
      %dma_wait3A_155 = arith.constant 0 : i32
      %dma_wait3A_156 = tpu.memref_slice %arg10[%dma_wait3A_154, %dma_wait3A_155] : memref<10112x128xf32, #tpu.memory_space<vmem_shared>> -> memref<10112x128xf32, #tpu.memory_space<vmem_shared>>
      tpu.wait_indirect_dma semaphore(%run_scoped3A_136 : memref<!tpu.dma_semaphore, #tpu.memory_space<semaphore_mem>>) src(%dma_wait3A_150 : memref<128x128xf32, #tpu.memory_space<vmem>>) dst(%dma_wait3A_156 : memref<10112x128xf32, #tpu.memory_space<vmem_shared>>)
      tpu.yield
    }) : () -> ()
    %mul3A_65 = arith.constant 80 : i32
    %mul3A_66 = arith.muli %add3A, %mul3A_65 : i32
    %add3A_67 = arith.constant 40 : i32
    %add3A_68 = arith.addi %mul3A_66, %add3A_67 : i32
    "tpu.region"() ({
      %run_scoped3A_136 = tpu.sem_alloc : memref<!tpu.dma_semaphore, #tpu.memory_space<semaphore_mem>>
      %dma_start3A_137 = arith.constant 0 : i32
      %dma_start3A_138 = tpu.memref_slice %arg3[%add3A_68, %dma_start3A_137] : memref<2560x128xi32, #tpu.memory_space<hbm>> -> memref<40x128xi32, #tpu.memory_space<hbm>>
      %dma_start3A_139 = arith.constant 0 : i32
      %dma_start3A_140 = tpu.memref_slice %arg3[%add3A_68, %dma_start3A_139] : memref<2560x128xi32, #tpu.memory_space<hbm>> -> memref<40x128xi32, #tpu.memory_space<hbm>>
      tpu.enqueue_dma source(%dma_start3A_140 : memref<40x128xi32, #tpu.memory_space<hbm>>) target(%arg7 : memref<40x128xi32, #tpu.memory_space<vmem>>) target_semaphore(%run_scoped3A_136 : memref<!tpu.dma_semaphore, #tpu.memory_space<semaphore_mem>>)
      %dma_wait3A_141 = arith.constant 0 : i32
      %dma_wait3A_142 = tpu.memref_slice %arg3[%add3A_68, %dma_wait3A_141] : memref<2560x128xi32, #tpu.memory_space<hbm>> -> memref<40x128xi32, #tpu.memory_space<hbm>>
      %dma_wait3A_143 = arith.constant 0 : i32
      %dma_wait3A_144 = tpu.memref_slice %arg3[%add3A_68, %dma_wait3A_143] : memref<2560x128xi32, #tpu.memory_space<hbm>> -> memref<40x128xi32, #tpu.memory_space<hbm>>
      tpu.wait_dma2 semaphore(%run_scoped3A_136 : memref<!tpu.dma_semaphore, #tpu.memory_space<semaphore_mem>>) src(%dma_wait3A_144 : memref<40x128xi32, #tpu.memory_space<hbm>>) dst(%arg7 : memref<40x128xi32, #tpu.memory_space<vmem>>)
      tpu.yield
    }) : () -> ()
    %mul3A_69 = arith.constant 80 : i32
    %mul3A_70 = arith.muli %add3A, %mul3A_69 : i32
    %add3A_71 = arith.constant 40 : i32
    %add3A_72 = arith.addi %mul3A_70, %add3A_71 : i32
    "tpu.region"() ({
      %run_scoped3A_136 = tpu.sem_alloc : memref<!tpu.dma_semaphore, #tpu.memory_space<semaphore_mem>>
      %dma_start3A_137 = arith.constant 0 : i32
      %dma_start3A_138 = tpu.memref_slice %arg4[%add3A_72, %dma_start3A_137] : memref<2560x128xi32, #tpu.memory_space<hbm>> -> memref<40x128xi32, #tpu.memory_space<hbm>>
      %dma_start3A_139 = arith.constant 0 : i32
      %dma_start3A_140 = tpu.memref_slice %arg4[%add3A_72, %dma_start3A_139] : memref<2560x128xi32, #tpu.memory_space<hbm>> -> memref<40x128xi32, #tpu.memory_space<hbm>>
      tpu.enqueue_dma source(%dma_start3A_140 : memref<40x128xi32, #tpu.memory_space<hbm>>) target(%arg8 : memref<40x128xi32, #tpu.memory_space<vmem>>) target_semaphore(%run_scoped3A_136 : memref<!tpu.dma_semaphore, #tpu.memory_space<semaphore_mem>>)
      %dma_wait3A_141 = arith.constant 0 : i32
      %dma_wait3A_142 = tpu.memref_slice %arg4[%add3A_72, %dma_wait3A_141] : memref<2560x128xi32, #tpu.memory_space<hbm>> -> memref<40x128xi32, #tpu.memory_space<hbm>>
      %dma_wait3A_143 = arith.constant 0 : i32
      %dma_wait3A_144 = tpu.memref_slice %arg4[%add3A_72, %dma_wait3A_143] : memref<2560x128xi32, #tpu.memory_space<hbm>> -> memref<40x128xi32, #tpu.memory_space<hbm>>
      tpu.wait_dma2 semaphore(%run_scoped3A_136 : memref<!tpu.dma_semaphore, #tpu.memory_space<semaphore_mem>>) src(%dma_wait3A_144 : memref<40x128xi32, #tpu.memory_space<hbm>>) dst(%arg8 : memref<40x128xi32, #tpu.memory_space<vmem>>)
      tpu.yield
    }) : () -> ()
    %dma_start3A_73 = arith.constant 0 : i32
    %dma_start3A_74 = arith.constant 0 : i32
    %dma_start3A_75 = arith.constant 0 : i32
    %dma_start3A_76 = arith.constant 0 : i32
    %dma_start3A_77 = tpu.memref_slice %arg9[%dma_start3A_74, %dma_start3A_75, %dma_start3A_76] : memref<2x128x128xf32, #tpu.memory_space<vmem>> -> memref<1x128x128xf32, #tpu.memory_space<vmem>>
    %dma_start3A_78 = tpu.memref_squeeze %dma_start3A_77 : memref<1x128x128xf32, #tpu.memory_space<vmem>> -> memref<128x128xf32, #tpu.memory_space<vmem>>
    %dma_start3A_79 = arith.constant 0 : i32
    %dma_start3A_80 = tpu.memref_slice %arg7[%dma_start3A_73, %dma_start3A_79] : memref<40x128xi32, #tpu.memory_space<vmem>> -> memref<1x128xi32, #tpu.memory_space<vmem>>
    %dma_start3A_81 = tpu.memref_squeeze %dma_start3A_80 : memref<1x128xi32, #tpu.memory_space<vmem>> -> memref<128xi32, #tpu.memory_space<vmem>>
    %dma_start3A_82 = arith.constant 0 : i32
    %dma_start3A_83 = arith.constant 0 : i32
    %dma_start3A_84 = tpu.memref_slice %arg2[%dma_start3A_82, %dma_start3A_83] : memref<10000x128xf32, #tpu.memory_space<hbm>> -> memref<10000x128xf32, #tpu.memory_space<hbm>>
    tpu.enqueue_indirect_dma source(%dma_start3A_84 : memref<10000x128xf32, #tpu.memory_space<hbm>>) target(%dma_start3A_78 : memref<128x128xf32, #tpu.memory_space<vmem>>) offsets(%dma_start3A_81 : memref<128xi32, #tpu.memory_space<vmem>>) semaphore(%arg11 : memref<!tpu.dma_semaphore, #tpu.memory_space<semaphore_mem>>)
    %scan3A_85 = arith.constant 0 : i32
    %scan3A_86 = arith.constant 0 : i32
    %scan3A_87 = arith.constant 19 : i32
    %scan3A_88 = arith.addi %scan3A_86, %scan3A_87 : i32
    %scan3A_89 = arith.constant 1 : i32
    scf.for %scan3A_136 = %scan3A_86 to %scan3A_88 step %scan3A_89  : i32 {
      %mul3A_137 = arith.constant 2 : i32
      %mul3A_138 = arith.muli %scan3A_136, %mul3A_137 : i32
      %add3A_139 = arith.constant 0 : i32
      %add3A_140 = arith.addi %mul3A_138, %add3A_139 : i32
      %add3A_141 = arith.constant 1 : i32
      %add3A_142 = arith.addi %add3A_140, %add3A_141 : i32
      %dma_start3A_143 = arith.constant 1 : i32
      %dma_start3A_144 = arith.constant 0 : i32
      %dma_start3A_145 = arith.constant 0 : i32
      %dma_start3A_146 = tpu.memref_slice %arg9[%dma_start3A_143, %dma_start3A_144, %dma_start3A_145] : memref<2x128x128xf32, #tpu.memory_space<vmem>> -> memref<1x128x128xf32, #tpu.memory_space<vmem>>
      %dma_start3A_147 = tpu.memref_squeeze %dma_start3A_146 : memref<1x128x128xf32, #tpu.memory_space<vmem>> -> memref<128x128xf32, #tpu.memory_space<vmem>>
      %dma_start3A_148 = arith.constant 0 : i32
      %dma_start3A_149 = tpu.memref_slice %arg7[%add3A_142, %dma_start3A_148] : memref<40x128xi32, #tpu.memory_space<vmem>> -> memref<1x128xi32, #tpu.memory_space<vmem>>
      %dma_start3A_150 = tpu.memref_squeeze %dma_start3A_149 : memref<1x128xi32, #tpu.memory_space<vmem>> -> memref<128xi32, #tpu.memory_space<vmem>>
      %dma_start3A_151 = arith.constant 0 : i32
      %dma_start3A_152 = arith.constant 0 : i32
      %dma_start3A_153 = tpu.memref_slice %arg2[%dma_start3A_151, %dma_start3A_152] : memref<10000x128xf32, #tpu.memory_space<hbm>> -> memref<10000x128xf32, #tpu.memory_space<hbm>>
      tpu.enqueue_indirect_dma source(%dma_start3A_153 : memref<10000x128xf32, #tpu.memory_space<hbm>>) target(%dma_start3A_147 : memref<128x128xf32, #tpu.memory_space<vmem>>) offsets(%dma_start3A_150 : memref<128xi32, #tpu.memory_space<vmem>>) semaphore(%arg12 : memref<!tpu.dma_semaphore, #tpu.memory_space<semaphore_mem>>)
      %dma_wait3A_154 = arith.constant 0 : i32
      %dma_wait3A_155 = arith.constant 0 : i32
      %dma_wait3A_156 = arith.constant 0 : i32
      %dma_wait3A_157 = tpu.memref_slice %arg9[%dma_wait3A_154, %dma_wait3A_155, %dma_wait3A_156] : memref<2x128x128xf32, #tpu.memory_space<vmem>> -> memref<1x128x128xf32, #tpu.memory_space<vmem>>
      %dma_wait3A_158 = tpu.memref_squeeze %dma_wait3A_157 : memref<1x128x128xf32, #tpu.memory_space<vmem>> -> memref<128x128xf32, #tpu.memory_space<vmem>>
      %dma_wait3A_159 = arith.constant 0 : i32
      %dma_wait3A_160 = tpu.memref_slice %arg7[%add3A_140, %dma_wait3A_159] : memref<40x128xi32, #tpu.memory_space<vmem>> -> memref<1x128xi32, #tpu.memory_space<vmem>>
      %dma_wait3A_161 = tpu.memref_squeeze %dma_wait3A_160 : memref<1x128xi32, #tpu.memory_space<vmem>> -> memref<128xi32, #tpu.memory_space<vmem>>
      %dma_wait3A_162 = arith.constant 0 : i32
      %dma_wait3A_163 = arith.constant 0 : i32
      %dma_wait3A_164 = tpu.memref_slice %arg2[%dma_wait3A_162, %dma_wait3A_163] : memref<10000x128xf32, #tpu.memory_space<hbm>> -> memref<10000x128xf32, #tpu.memory_space<hbm>>
      tpu.wait_indirect_dma semaphore(%arg11 : memref<!tpu.dma_semaphore, #tpu.memory_space<semaphore_mem>>) src(%dma_wait3A_164 : memref<10000x128xf32, #tpu.memory_space<hbm>>) dst(%dma_wait3A_158 : memref<128x128xf32, #tpu.memory_space<vmem>>)
      %run_scoped3A_165 = arith.constant 0 : i32
      "tpu.region"() ({
        %run_scoped3A_195 = tpu.sem_alloc : memref<!tpu.dma_semaphore, #tpu.memory_space<semaphore_mem>>
        %dma_start3A_196 = arith.constant 0 : i32
        %dma_start3A_197 = arith.constant 0 : i32
        %dma_start3A_198 = tpu.memref_slice %arg9[%run_scoped3A_165, %dma_start3A_196, %dma_start3A_197] : memref<2x128x128xf32, #tpu.memory_space<vmem>> -> memref<1x128x128xf32, #tpu.memory_space<vmem>>
        %dma_start3A_199 = tpu.memref_squeeze %dma_start3A_198 : memref<1x128x128xf32, #tpu.memory_space<vmem>> -> memref<128x128xf32, #tpu.memory_space<vmem>>
        %dma_start3A_200 = arith.constant 0 : i32
        %dma_start3A_201 = tpu.memref_slice %arg8[%add3A_140, %dma_start3A_200] : memref<40x128xi32, #tpu.memory_space<vmem>> -> memref<1x128xi32, #tpu.memory_space<vmem>>
        %dma_start3A_202 = tpu.memref_squeeze %dma_start3A_201 : memref<1x128xi32, #tpu.memory_space<vmem>> -> memref<128xi32, #tpu.memory_space<vmem>>
        %dma_start3A_203 = arith.constant 0 : i32
        %dma_start3A_204 = arith.constant 0 : i32
        %dma_start3A_205 = tpu.memref_slice %arg10[%dma_start3A_203, %dma_start3A_204] : memref<10112x128xf32, #tpu.memory_space<vmem_shared>> -> memref<10112x128xf32, #tpu.memory_space<vmem_shared>>
        tpu.enqueue_indirect_dma source(%dma_start3A_199 : memref<128x128xf32, #tpu.memory_space<vmem>>) target(%dma_start3A_205 : memref<10112x128xf32, #tpu.memory_space<vmem_shared>>) offsets(%dma_start3A_202 : memref<128xi32, #tpu.memory_space<vmem>>) semaphore(%run_scoped3A_195 : memref<!tpu.dma_semaphore, #tpu.memory_space<semaphore_mem>>) {add = true}
        %dma_wait3A_206 = arith.constant 0 : i32
        %dma_wait3A_207 = arith.constant 0 : i32
        %dma_wait3A_208 = tpu.memref_slice %arg9[%run_scoped3A_165, %dma_wait3A_206, %dma_wait3A_207] : memref<2x128x128xf32, #tpu.memory_space<vmem>> -> memref<1x128x128xf32, #tpu.memory_space<vmem>>
        %dma_wait3A_209 = tpu.memref_squeeze %dma_wait3A_208 : memref<1x128x128xf32, #tpu.memory_space<vmem>> -> memref<128x128xf32, #tpu.memory_space<vmem>>
        %dma_wait3A_210 = arith.constant 0 : i32
        %dma_wait3A_211 = tpu.memref_slice %arg8[%add3A_140, %dma_wait3A_210] : memref<40x128xi32, #tpu.memory_space<vmem>> -> memref<1x128xi32, #tpu.memory_space<vmem>>
        %dma_wait3A_212 = tpu.memref_squeeze %dma_wait3A_211 : memref<1x128xi32, #tpu.memory_space<vmem>> -> memref<128xi32, #tpu.memory_space<vmem>>
        %dma_wait3A_213 = arith.constant 0 : i32
        %dma_wait3A_214 = arith.constant 0 : i32
        %dma_wait3A_215 = tpu.memref_slice %arg10[%dma_wait3A_213, %dma_wait3A_214] : memref<10112x128xf32, #tpu.memory_space<vmem_shared>> -> memref<10112x128xf32, #tpu.memory_space<vmem_shared>>
        tpu.wait_indirect_dma semaphore(%run_scoped3A_195 : memref<!tpu.dma_semaphore, #tpu.memory_space<semaphore_mem>>) src(%dma_wait3A_209 : memref<128x128xf32, #tpu.memory_space<vmem>>) dst(%dma_wait3A_215 : memref<10112x128xf32, #tpu.memory_space<vmem_shared>>)
        tpu.yield
      }) : () -> ()
      %mul3A_166 = arith.constant 2 : i32
      %mul3A_167 = arith.muli %scan3A_136, %mul3A_166 : i32
      %add3A_168 = arith.constant 1 : i32
      %add3A_169 = arith.addi %mul3A_167, %add3A_168 : i32
      %add3A_170 = arith.constant 1 : i32
      %add3A_171 = arith.addi %add3A_169, %add3A_170 : i32
      %dma_start3A_172 = arith.constant 0 : i32
      %dma_start3A_173 = arith.constant 0 : i32
      %dma_start3A_174 = arith.constant 0 : i32
      %dma_start3A_175 = tpu.memref_slice %arg9[%dma_start3A_172, %dma_start3A_173, %dma_start3A_174] : memref<2x128x128xf32, #tpu.memory_space<vmem>> -> memref<1x128x128xf32, #tpu.memory_space<vmem>>
      %dma_start3A_176 = tpu.memref_squeeze %dma_start3A_175 : memref<1x128x128xf32, #tpu.memory_space<vmem>> -> memref<128x128xf32, #tpu.memory_space<vmem>>
      %dma_start3A_177 = arith.constant 0 : i32
      %dma_start3A_178 = tpu.memref_slice %arg7[%add3A_171, %dma_start3A_177] : memref<40x128xi32, #tpu.memory_space<vmem>> -> memref<1x128xi32, #tpu.memory_space<vmem>>
      %dma_start3A_179 = tpu.memref_squeeze %dma_start3A_178 : memref<1x128xi32, #tpu.memory_space<vmem>> -> memref<128xi32, #tpu.memory_space<vmem>>
      %dma_start3A_180 = arith.constant 0 : i32
      %dma_start3A_181 = arith.constant 0 : i32
      %dma_start3A_182 = tpu.memref_slice %arg2[%dma_start3A_180, %dma_start3A_181] : memref<10000x128xf32, #tpu.memory_space<hbm>> -> memref<10000x128xf32, #tpu.memory_space<hbm>>
      tpu.enqueue_indirect_dma source(%dma_start3A_182 : memref<10000x128xf32, #tpu.memory_space<hbm>>) target(%dma_start3A_176 : memref<128x128xf32, #tpu.memory_space<vmem>>) offsets(%dma_start3A_179 : memref<128xi32, #tpu.memory_space<vmem>>) semaphore(%arg11 : memref<!tpu.dma_semaphore, #tpu.memory_space<semaphore_mem>>)
      %dma_wait3A_183 = arith.constant 1 : i32
      %dma_wait3A_184 = arith.constant 0 : i32
      %dma_wait3A_185 = arith.constant 0 : i32
      %dma_wait3A_186 = tpu.memref_slice %arg9[%dma_wait3A_183, %dma_wait3A_184, %dma_wait3A_185] : memref<2x128x128xf32, #tpu.memory_space<vmem>> -> memref<1x128x128xf32, #tpu.memory_space<vmem>>
      %dma_wait3A_187 = tpu.memref_squeeze %dma_wait3A_186 : memref<1x128x128xf32, #tpu.memory_space<vmem>> -> memref<128x128xf32, #tpu.memory_space<vmem>>
      %dma_wait3A_188 = arith.constant 0 : i32
      %dma_wait3A_189 = tpu.memref_slice %arg7[%add3A_169, %dma_wait3A_188] : memref<40x128xi32, #tpu.memory_space<vmem>> -> memref<1x128xi32, #tpu.memory_space<vmem>>
      %dma_wait3A_190 = tpu.memref_squeeze %dma_wait3A_189 : memref<1x128xi32, #tpu.memory_space<vmem>> -> memref<128xi32, #tpu.memory_space<vmem>>
      %dma_wait3A_191 = arith.constant 0 : i32
      %dma_wait3A_192 = arith.constant 0 : i32
      %dma_wait3A_193 = tpu.memref_slice %arg2[%dma_wait3A_191, %dma_wait3A_192] : memref<10000x128xf32, #tpu.memory_space<hbm>> -> memref<10000x128xf32, #tpu.memory_space<hbm>>
      tpu.wait_indirect_dma semaphore(%arg12 : memref<!tpu.dma_semaphore, #tpu.memory_space<semaphore_mem>>) src(%dma_wait3A_193 : memref<10000x128xf32, #tpu.memory_space<hbm>>) dst(%dma_wait3A_187 : memref<128x128xf32, #tpu.memory_space<vmem>>)
      %run_scoped3A_194 = arith.constant 1 : i32
      "tpu.region"() ({
        %run_scoped3A_195 = tpu.sem_alloc : memref<!tpu.dma_semaphore, #tpu.memory_space<semaphore_mem>>
        %dma_start3A_196 = arith.constant 0 : i32
        %dma_start3A_197 = arith.constant 0 : i32
        %dma_start3A_198 = tpu.memref_slice %arg9[%run_scoped3A_194, %dma_start3A_196, %dma_start3A_197] : memref<2x128x128xf32, #tpu.memory_space<vmem>> -> memref<1x128x128xf32, #tpu.memory_space<vmem>>
        %dma_start3A_199 = tpu.memref_squeeze %dma_start3A_198 : memref<1x128x128xf32, #tpu.memory_space<vmem>> -> memref<128x128xf32, #tpu.memory_space<vmem>>
        %dma_start3A_200 = arith.constant 0 : i32
        %dma_start3A_201 = tpu.memref_slice %arg8[%add3A_169, %dma_start3A_200] : memref<40x128xi32, #tpu.memory_space<vmem>> -> memref<1x128xi32, #tpu.memory_space<vmem>>
        %dma_start3A_202 = tpu.memref_squeeze %dma_start3A_201 : memref<1x128xi32, #tpu.memory_space<vmem>> -> memref<128xi32, #tpu.memory_space<vmem>>
        %dma_start3A_203 = arith.constant 0 : i32
        %dma_start3A_204 = arith.constant 0 : i32
        %dma_start3A_205 = tpu.memref_slice %arg10[%dma_start3A_203, %dma_start3A_204] : memref<10112x128xf32, #tpu.memory_space<vmem_shared>> -> memref<10112x128xf32, #tpu.memory_space<vmem_shared>>
        tpu.enqueue_indirect_dma source(%dma_start3A_199 : memref<128x128xf32, #tpu.memory_space<vmem>>) target(%dma_start3A_205 : memref<10112x128xf32, #tpu.memory_space<vmem_shared>>) offsets(%dma_start3A_202 : memref<128xi32, #tpu.memory_space<vmem>>) semaphore(%run_scoped3A_195 : memref<!tpu.dma_semaphore, #tpu.memory_space<semaphore_mem>>) {add = true}
        %dma_wait3A_206 = arith.constant 0 : i32
        %dma_wait3A_207 = arith.constant 0 : i32
        %dma_wait3A_208 = tpu.memref_slice %arg9[%run_scoped3A_194, %dma_wait3A_206, %dma_wait3A_207] : memref<2x128x128xf32, #tpu.memory_space<vmem>> -> memref<1x128x128xf32, #tpu.memory_space<vmem>>
        %dma_wait3A_209 = tpu.memref_squeeze %dma_wait3A_208 : memref<1x128x128xf32, #tpu.memory_space<vmem>> -> memref<128x128xf32, #tpu.memory_space<vmem>>
        %dma_wait3A_210 = arith.constant 0 : i32
        %dma_wait3A_211 = tpu.memref_slice %arg8[%add3A_169, %dma_wait3A_210] : memref<40x128xi32, #tpu.memory_space<vmem>> -> memref<1x128xi32, #tpu.memory_space<vmem>>
        %dma_wait3A_212 = tpu.memref_squeeze %dma_wait3A_211 : memref<1x128xi32, #tpu.memory_space<vmem>> -> memref<128xi32, #tpu.memory_space<vmem>>
        %dma_wait3A_213 = arith.constant 0 : i32
        %dma_wait3A_214 = arith.constant 0 : i32
        %dma_wait3A_215 = tpu.memref_slice %arg10[%dma_wait3A_213, %dma_wait3A_214] : memref<10112x128xf32, #tpu.memory_space<vmem_shared>> -> memref<10112x128xf32, #tpu.memory_space<vmem_shared>>
        tpu.wait_indirect_dma semaphore(%run_scoped3A_195 : memref<!tpu.dma_semaphore, #tpu.memory_space<semaphore_mem>>) src(%dma_wait3A_209 : memref<128x128xf32, #tpu.memory_space<vmem>>) dst(%dma_wait3A_215 : memref<10112x128xf32, #tpu.memory_space<vmem_shared>>)
        tpu.yield
      }) : () -> ()
    }
    %scan3A_90 = arith.constant 19 : i32
    %dma_start3A_91 = arith.constant 39 : i32
    %dma_start3A_92 = arith.constant 1 : i32
    %dma_start3A_93 = arith.constant 0 : i32
    %dma_start3A_94 = arith.constant 0 : i32
    %dma_start3A_95 = tpu.memref_slice %arg9[%dma_start3A_92, %dma_start3A_93, %dma_start3A_94] : memref<2x128x128xf32, #tpu.memory_space<vmem>> -> memref<1x128x128xf32, #tpu.memory_space<vmem>>
    %dma_start3A_96 = tpu.memref_squeeze %dma_start3A_95 : memref<1x128x128xf32, #tpu.memory_space<vmem>> -> memref<128x128xf32, #tpu.memory_space<vmem>>
    %dma_start3A_97 = arith.constant 0 : i32
    %dma_start3A_98 = tpu.memref_slice %arg7[%dma_start3A_91, %dma_start3A_97] : memref<40x128xi32, #tpu.memory_space<vmem>> -> memref<1x128xi32, #tpu.memory_space<vmem>>
    %dma_start3A_99 = tpu.memref_squeeze %dma_start3A_98 : memref<1x128xi32, #tpu.memory_space<vmem>> -> memref<128xi32, #tpu.memory_space<vmem>>
    %dma_start3A_100 = arith.constant 0 : i32
    %dma_start3A_101 = arith.constant 0 : i32
    %dma_start3A_102 = tpu.memref_slice %arg2[%dma_start3A_100, %dma_start3A_101] : memref<10000x128xf32, #tpu.memory_space<hbm>> -> memref<10000x128xf32, #tpu.memory_space<hbm>>
    tpu.enqueue_indirect_dma source(%dma_start3A_102 : memref<10000x128xf32, #tpu.memory_space<hbm>>) target(%dma_start3A_96 : memref<128x128xf32, #tpu.memory_space<vmem>>) offsets(%dma_start3A_99 : memref<128xi32, #tpu.memory_space<vmem>>) semaphore(%arg12 : memref<!tpu.dma_semaphore, #tpu.memory_space<semaphore_mem>>)
    %dma_wait3A_103 = arith.constant 38 : i32
    %dma_wait3A_104 = arith.constant 0 : i32
    %dma_wait3A_105 = arith.constant 0 : i32
    %dma_wait3A_106 = arith.constant 0 : i32
    %dma_wait3A_107 = tpu.memref_slice %arg9[%dma_wait3A_104, %dma_wait3A_105, %dma_wait3A_106] : memref<2x128x128xf32, #tpu.memory_space<vmem>> -> memref<1x128x128xf32, #tpu.memory_space<vmem>>
    %dma_wait3A_108 = tpu.memref_squeeze %dma_wait3A_107 : memref<1x128x128xf32, #tpu.memory_space<vmem>> -> memref<128x128xf32, #tpu.memory_space<vmem>>
    %dma_wait3A_109 = arith.constant 0 : i32
    %dma_wait3A_110 = tpu.memref_slice %arg7[%dma_wait3A_103, %dma_wait3A_109] : memref<40x128xi32, #tpu.memory_space<vmem>> -> memref<1x128xi32, #tpu.memory_space<vmem>>
    %dma_wait3A_111 = tpu.memref_squeeze %dma_wait3A_110 : memref<1x128xi32, #tpu.memory_space<vmem>> -> memref<128xi32, #tpu.memory_space<vmem>>
    %dma_wait3A_112 = arith.constant 0 : i32
    %dma_wait3A_113 = arith.constant 0 : i32
    %dma_wait3A_114 = tpu.memref_slice %arg2[%dma_wait3A_112, %dma_wait3A_113] : memref<10000x128xf32, #tpu.memory_space<hbm>> -> memref<10000x128xf32, #tpu.memory_space<hbm>>
    tpu.wait_indirect_dma semaphore(%arg11 : memref<!tpu.dma_semaphore, #tpu.memory_space<semaphore_mem>>) src(%dma_wait3A_114 : memref<10000x128xf32, #tpu.memory_space<hbm>>) dst(%dma_wait3A_108 : memref<128x128xf32, #tpu.memory_space<vmem>>)
    %run_scoped3A_115 = arith.constant 0 : i32
    %run_scoped3A_116 = arith.constant 38 : i32
    "tpu.region"() ({
      %run_scoped3A_136 = tpu.sem_alloc : memref<!tpu.dma_semaphore, #tpu.memory_space<semaphore_mem>>
      %dma_start3A_137 = arith.constant 0 : i32
      %dma_start3A_138 = arith.constant 0 : i32
      %dma_start3A_139 = tpu.memref_slice %arg9[%run_scoped3A_115, %dma_start3A_137, %dma_start3A_138] : memref<2x128x128xf32, #tpu.memory_space<vmem>> -> memref<1x128x128xf32, #tpu.memory_space<vmem>>
      %dma_start3A_140 = tpu.memref_squeeze %dma_start3A_139 : memref<1x128x128xf32, #tpu.memory_space<vmem>> -> memref<128x128xf32, #tpu.memory_space<vmem>>
      %dma_start3A_141 = arith.constant 0 : i32
      %dma_start3A_142 = tpu.memref_slice %arg8[%run_scoped3A_116, %dma_start3A_141] : memref<40x128xi32, #tpu.memory_space<vmem>> -> memref<1x128xi32, #tpu.memory_space<vmem>>
      %dma_start3A_143 = tpu.memref_squeeze %dma_start3A_142 : memref<1x128xi32, #tpu.memory_space<vmem>> -> memref<128xi32, #tpu.memory_space<vmem>>
      %dma_start3A_144 = arith.constant 0 : i32
      %dma_start3A_145 = arith.constant 0 : i32
      %dma_start3A_146 = tpu.memref_slice %arg10[%dma_start3A_144, %dma_start3A_145] : memref<10112x128xf32, #tpu.memory_space<vmem_shared>> -> memref<10112x128xf32, #tpu.memory_space<vmem_shared>>
      tpu.enqueue_indirect_dma source(%dma_start3A_140 : memref<128x128xf32, #tpu.memory_space<vmem>>) target(%dma_start3A_146 : memref<10112x128xf32, #tpu.memory_space<vmem_shared>>) offsets(%dma_start3A_143 : memref<128xi32, #tpu.memory_space<vmem>>) semaphore(%run_scoped3A_136 : memref<!tpu.dma_semaphore, #tpu.memory_space<semaphore_mem>>) {add = true}
      %dma_wait3A_147 = arith.constant 0 : i32
      %dma_wait3A_148 = arith.constant 0 : i32
      %dma_wait3A_149 = tpu.memref_slice %arg9[%run_scoped3A_115, %dma_wait3A_147, %dma_wait3A_148] : memref<2x128x128xf32, #tpu.memory_space<vmem>> -> memref<1x128x128xf32, #tpu.memory_space<vmem>>
      %dma_wait3A_150 = tpu.memref_squeeze %dma_wait3A_149 : memref<1x128x128xf32, #tpu.memory_space<vmem>> -> memref<128x128xf32, #tpu.memory_space<vmem>>
      %dma_wait3A_151 = arith.constant 0 : i32
      %dma_wait3A_152 = tpu.memref_slice %arg8[%run_scoped3A_116, %dma_wait3A_151] : memref<40x128xi32, #tpu.memory_space<vmem>> -> memref<1x128xi32, #tpu.memory_space<vmem>>
      %dma_wait3A_153 = tpu.memref_squeeze %dma_wait3A_152 : memref<1x128xi32, #tpu.memory_space<vmem>> -> memref<128xi32, #tpu.memory_space<vmem>>
      %dma_wait3A_154 = arith.constant 0 : i32
      %dma_wait3A_155 = arith.constant 0 : i32
      %dma_wait3A_156 = tpu.memref_slice %arg10[%dma_wait3A_154, %dma_wait3A_155] : memref<10112x128xf32, #tpu.memory_space<vmem_shared>> -> memref<10112x128xf32, #tpu.memory_space<vmem_shared>>
      tpu.wait_indirect_dma semaphore(%run_scoped3A_136 : memref<!tpu.dma_semaphore, #tpu.memory_space<semaphore_mem>>) src(%dma_wait3A_150 : memref<128x128xf32, #tpu.memory_space<vmem>>) dst(%dma_wait3A_156 : memref<10112x128xf32, #tpu.memory_space<vmem_shared>>)
      tpu.yield
    }) : () -> ()
    %dma_wait3A_117 = arith.constant 39 : i32
    %dma_wait3A_118 = arith.constant 1 : i32
    %dma_wait3A_119 = arith.constant 0 : i32
    %dma_wait3A_120 = arith.constant 0 : i32
    %dma_wait3A_121 = tpu.memref_slice %arg9[%dma_wait3A_118, %dma_wait3A_119, %dma_wait3A_120] : memref<2x128x128xf32, #tpu.memory_space<vmem>> -> memref<1x128x128xf32, #tpu.memory_space<vmem>>
    %dma_wait3A_122 = tpu.memref_squeeze %dma_wait3A_121 : memref<1x128x128xf32, #tpu.memory_space<vmem>> -> memref<128x128xf32, #tpu.memory_space<vmem>>
    %dma_wait3A_123 = arith.constant 0 : i32
    %dma_wait3A_124 = tpu.memref_slice %arg7[%dma_wait3A_117, %dma_wait3A_123] : memref<40x128xi32, #tpu.memory_space<vmem>> -> memref<1x128xi32, #tpu.memory_space<vmem>>
    %dma_wait3A_125 = tpu.memref_squeeze %dma_wait3A_124 : memref<1x128xi32, #tpu.memory_space<vmem>> -> memref<128xi32, #tpu.memory_space<vmem>>
    %dma_wait3A_126 = arith.constant 0 : i32
    %dma_wait3A_127 = arith.constant 0 : i32
    %dma_wait3A_128 = tpu.memref_slice %arg2[%dma_wait3A_126, %dma_wait3A_127] : memref<10000x128xf32, #tpu.memory_space<hbm>> -> memref<10000x128xf32, #tpu.memory_space<hbm>>
    tpu.wait_indirect_dma semaphore(%arg12 : memref<!tpu.dma_semaphore, #tpu.memory_space<semaphore_mem>>) src(%dma_wait3A_128 : memref<10000x128xf32, #tpu.memory_space<hbm>>) dst(%dma_wait3A_122 : memref<128x128xf32, #tpu.memory_space<vmem>>)
    %run_scoped3A_129 = arith.constant 1 : i32
    %run_scoped3A_130 = arith.constant 39 : i32
    "tpu.region"() ({
      %run_scoped3A_136 = tpu.sem_alloc : memref<!tpu.dma_semaphore, #tpu.memory_space<semaphore_mem>>
      %dma_start3A_137 = arith.constant 0 : i32
      %dma_start3A_138 = arith.constant 0 : i32
      %dma_start3A_139 = tpu.memref_slice %arg9[%run_scoped3A_129, %dma_start3A_137, %dma_start3A_138] : memref<2x128x128xf32, #tpu.memory_space<vmem>> -> memref<1x128x128xf32, #tpu.memory_space<vmem>>
      %dma_start3A_140 = tpu.memref_squeeze %dma_start3A_139 : memref<1x128x128xf32, #tpu.memory_space<vmem>> -> memref<128x128xf32, #tpu.memory_space<vmem>>
      %dma_start3A_141 = arith.constant 0 : i32
      %dma_start3A_142 = tpu.memref_slice %arg8[%run_scoped3A_130, %dma_start3A_141] : memref<40x128xi32, #tpu.memory_space<vmem>> -> memref<1x128xi32, #tpu.memory_space<vmem>>
      %dma_start3A_143 = tpu.memref_squeeze %dma_start3A_142 : memref<1x128xi32, #tpu.memory_space<vmem>> -> memref<128xi32, #tpu.memory_space<vmem>>
      %dma_start3A_144 = arith.constant 0 : i32
      %dma_start3A_145 = arith.constant 0 : i32
      %dma_start3A_146 = tpu.memref_slice %arg10[%dma_start3A_144, %dma_start3A_145] : memref<10112x128xf32, #tpu.memory_space<vmem_shared>> -> memref<10112x128xf32, #tpu.memory_space<vmem_shared>>
      tpu.enqueue_indirect_dma source(%dma_start3A_140 : memref<128x128xf32, #tpu.memory_space<vmem>>) target(%dma_start3A_146 : memref<10112x128xf32, #tpu.memory_space<vmem_shared>>) offsets(%dma_start3A_143 : memref<128xi32, #tpu.memory_space<vmem>>) semaphore(%run_scoped3A_136 : memref<!tpu.dma_semaphore, #tpu.memory_space<semaphore_mem>>) {add = true}
      %dma_wait3A_147 = arith.constant 0 : i32
      %dma_wait3A_148 = arith.constant 0 : i32
      %dma_wait3A_149 = tpu.memref_slice %arg9[%run_scoped3A_129, %dma_wait3A_147, %dma_wait3A_148] : memref<2x128x128xf32, #tpu.memory_space<vmem>> -> memref<1x128x128xf32, #tpu.memory_space<vmem>>
      %dma_wait3A_150 = tpu.memref_squeeze %dma_wait3A_149 : memref<1x128x128xf32, #tpu.memory_space<vmem>> -> memref<128x128xf32, #tpu.memory_space<vmem>>
      %dma_wait3A_151 = arith.constant 0 : i32
      %dma_wait3A_152 = tpu.memref_slice %arg8[%run_scoped3A_130, %dma_wait3A_151] : memref<40x128xi32, #tpu.memory_space<vmem>> -> memref<1x128xi32, #tpu.memory_space<vmem>>
      %dma_wait3A_153 = tpu.memref_squeeze %dma_wait3A_152 : memref<1x128xi32, #tpu.memory_space<vmem>> -> memref<128xi32, #tpu.memory_space<vmem>>
      %dma_wait3A_154 = arith.constant 0 : i32
      %dma_wait3A_155 = arith.constant 0 : i32
      %dma_wait3A_156 = tpu.memref_slice %arg10[%dma_wait3A_154, %dma_wait3A_155] : memref<10112x128xf32, #tpu.memory_space<vmem_shared>> -> memref<10112x128xf32, #tpu.memory_space<vmem_shared>>
      tpu.wait_indirect_dma semaphore(%run_scoped3A_136 : memref<!tpu.dma_semaphore, #tpu.memory_space<semaphore_mem>>) src(%dma_wait3A_150 : memref<128x128xf32, #tpu.memory_space<vmem>>) dst(%dma_wait3A_156 : memref<10112x128xf32, #tpu.memory_space<vmem_shared>>)
      tpu.yield
    }) : () -> ()
    %barrier3A_131 = arith.constant 0 : index
    tpu.barrier barrier_id(%barrier3A_131)
    %mul3A_132 = arith.constant 632 : i32
    %mul3A_133 = arith.muli %arg1, %mul3A_132 : i32
    %mul3A_134 = arith.constant 632 : i32
    %mul3A_135 = arith.muli %arg1, %mul3A_134 : i32
    "tpu.region"() ({
      %run_scoped3A_136 = tpu.sem_alloc : memref<!tpu.dma_semaphore, #tpu.memory_space<semaphore_mem>>
      %dma_start3A_137 = arith.constant 0 : i32
      %dma_start3A_138 = tpu.memref_slice %arg6[%arg0, %mul3A_135, %dma_start3A_137] : memref<2x10112x128xf32, #tpu.memory_space<hbm>> -> memref<1x632x128xf32, #tpu.memory_space<hbm>>
      %dma_start3A_139 = tpu.memref_squeeze %dma_start3A_138 : memref<1x632x128xf32, #tpu.memory_space<hbm>> -> memref<632x128xf32, #tpu.memory_space<hbm>>
      %dma_start3A_140 = arith.constant 0 : i32
      %dma_start3A_141 = tpu.memref_slice %arg10[%mul3A_133, %dma_start3A_140] : memref<10112x128xf32, #tpu.memory_space<vmem_shared>> -> memref<632x128xf32, #tpu.memory_space<vmem_shared>>
      tpu.enqueue_dma source(%dma_start3A_141 : memref<632x128xf32, #tpu.memory_space<vmem_shared>>) target(%dma_start3A_139 : memref<632x128xf32, #tpu.memory_space<hbm>>) target_semaphore(%run_scoped3A_136 : memref<!tpu.dma_semaphore, #tpu.memory_space<semaphore_mem>>)
      %dma_wait3A_142 = arith.constant 0 : i32
      %dma_wait3A_143 = tpu.memref_slice %arg6[%arg0, %mul3A_135, %dma_wait3A_142] : memref<2x10112x128xf32, #tpu.memory_space<hbm>> -> memref<1x632x128xf32, #tpu.memory_space<hbm>>
      %dma_wait3A_144 = tpu.memref_squeeze %dma_wait3A_143 : memref<1x632x128xf32, #tpu.memory_space<hbm>> -> memref<632x128xf32, #tpu.memory_space<hbm>>
      %dma_wait3A_145 = arith.constant 0 : i32
      %dma_wait3A_146 = tpu.memref_slice %arg10[%mul3A_133, %dma_wait3A_145] : memref<10112x128xf32, #tpu.memory_space<vmem_shared>> -> memref<632x128xf32, #tpu.memory_space<vmem_shared>>
      tpu.wait_dma2 semaphore(%run_scoped3A_136 : memref<!tpu.dma_semaphore, #tpu.memory_space<semaphore_mem>>) src(%dma_wait3A_146 : memref<632x128xf32, #tpu.memory_space<vmem_shared>>) dst(%dma_wait3A_144 : memref<632x128xf32, #tpu.memory_space<hbm>>)
      tpu.yield
    }) : () -> ()
    return
  }
}

#map = affine_map<(d0, d1) -> (0, 0)>
#map1 = affine_map<(d0, d1) -> (0, 0, 0)>
module attributes {stable_mosaic.version = 14 : i64} {
  func.func @sc_spmm(%arg0: i32, %arg1: i32, %arg2: memref<10000x128xf32, #tpu.memory_space<hbm>>, %arg3: memref<2560x128xi32, #tpu.memory_space<hbm>>, %arg4: memref<2560x128xi32, #tpu.memory_space<hbm>>, %arg5: memref<632x128xf32, #tpu.memory_space<hbm>>, %arg6: memref<2x10112x128xf32, #tpu.memory_space<hbm>>, %arg7: memref<40x128xi32, #tpu.memory_space<vmem>>, %arg8: memref<40x128xi32, #tpu.memory_space<vmem>>, %arg9: memref<2x128x128xf32, #tpu.memory_space<vmem>>, %arg10: memref<10112x128xf32, #tpu.memory_space<vmem_shared>>, %arg11: memref<!tpu.dma_semaphore, #tpu.memory_space<semaphore_mem>>, %arg12: memref<!tpu.dma_semaphore, #tpu.memory_space<semaphore_mem>>) attributes {dimension_semantics = [#tpu.dimension_semantics<core_parallel>, #tpu.dimension_semantics<subcore_parallel>], iteration_bounds = array<i64: 2, 16>, scalar_prefetch = 0 : i64, scratch_operands = 6 : i64, tpu.core_type = #tpu.core_type<sc_vector_subcore>, window_params = [{transform_indices = #map}, {transform_indices = #map}, {transform_indices = #map}, {transform_indices = #map}, {transform_indices = #map1}]} {
    %mul3A = arith.constant 2 : i32
    %mul3A_0 = arith.muli %arg1, %mul3A : i32
    %add3A = arith.addi %mul3A_0, %arg0 : i32
    %mul3A_1 = arith.constant 632 : i32
    %mul3A_2 = arith.muli %arg1, %mul3A_1 : i32
    "tpu.region"() ({
      %run_scoped3A_136 = tpu.sem_alloc : memref<!tpu.dma_semaphore, #tpu.memory_space<semaphore_mem>>
      %dma_start3A_137 = arith.constant 0 : i32
      %dma_start3A_138 = tpu.memref_slice %arg10[%mul3A_2, %dma_start3A_137] : memref<10112x128xf32, #tpu.memory_space<vmem_shared>> -> memref<632x128xf32, #tpu.memory_space<vmem_shared>>
      tpu.enqueue_dma source(%arg5 : memref<632x128xf32, #tpu.memory_space<hbm>>) target(%dma_start3A_138 : memref<632x128xf32, #tpu.memory_space<vmem_shared>>) target_semaphore(%run_scoped3A_136 : memref<!tpu.dma_semaphore, #tpu.memory_space<semaphore_mem>>)
      %dma_wait3A_139 = arith.constant 0 : i32
      %dma_wait3A_140 = tpu.memref_slice %arg10[%mul3A_2, %dma_wait3A_139] : memref<10112x128xf32, #tpu.memory_space<vmem_shared>> -> memref<632x128xf32, #tpu.memory_space<vmem_shared>>
      tpu.wait_dma2 semaphore(%run_scoped3A_136 : memref<!tpu.dma_semaphore, #tpu.memory_space<semaphore_mem>>) src(%arg5 : memref<632x128xf32, #tpu.memory_space<hbm>>) dst(%dma_wait3A_140 : memref<632x128xf32, #tpu.memory_space<vmem_shared>>)
      tpu.yield
    }) : () -> ()
    %barrier3A = arith.constant 0 : index
    tpu.barrier barrier_id(%barrier3A)
    %mul3A_3 = arith.constant 80 : i32
    %mul3A_4 = arith.muli %add3A, %mul3A_3 : i32
    %add3A_5 = arith.constant 0 : i32
    %add3A_6 = arith.addi %mul3A_4, %add3A_5 : i32
    "tpu.region"() ({
      %run_scoped3A_136 = tpu.sem_alloc : memref<!tpu.dma_semaphore, #tpu.memory_space<semaphore_mem>>
      %dma_start3A_137 = arith.constant 0 : i32
      %dma_start3A_138 = tpu.memref_slice %arg3[%add3A_6, %dma_start3A_137] : memref<2560x128xi32, #tpu.memory_space<hbm>> -> memref<40x128xi32, #tpu.memory_space<hbm>>
      %dma_start3A_139 = arith.constant 0 : i32
      %dma_start3A_140 = tpu.memref_slice %arg3[%add3A_6, %dma_start3A_139] : memref<2560x128xi32, #tpu.memory_space<hbm>> -> memref<40x128xi32, #tpu.memory_space<hbm>>
      tpu.enqueue_dma source(%dma_start3A_140 : memref<40x128xi32, #tpu.memory_space<hbm>>) target(%arg7 : memref<40x128xi32, #tpu.memory_space<vmem>>) target_semaphore(%run_scoped3A_136 : memref<!tpu.dma_semaphore, #tpu.memory_space<semaphore_mem>>)
      %dma_wait3A_141 = arith.constant 0 : i32
      %dma_wait3A_142 = tpu.memref_slice %arg3[%add3A_6, %dma_wait3A_141] : memref<2560x128xi32, #tpu.memory_space<hbm>> -> memref<40x128xi32, #tpu.memory_space<hbm>>
      %dma_wait3A_143 = arith.constant 0 : i32
      %dma_wait3A_144 = tpu.memref_slice %arg3[%add3A_6, %dma_wait3A_143] : memref<2560x128xi32, #tpu.memory_space<hbm>> -> memref<40x128xi32, #tpu.memory_space<hbm>>
      tpu.wait_dma2 semaphore(%run_scoped3A_136 : memref<!tpu.dma_semaphore, #tpu.memory_space<semaphore_mem>>) src(%dma_wait3A_144 : memref<40x128xi32, #tpu.memory_space<hbm>>) dst(%arg7 : memref<40x128xi32, #tpu.memory_space<vmem>>)
      tpu.yield
    }) : () -> ()
    %mul3A_7 = arith.constant 80 : i32
    %mul3A_8 = arith.muli %add3A, %mul3A_7 : i32
    %add3A_9 = arith.constant 0 : i32
    %add3A_10 = arith.addi %mul3A_8, %add3A_9 : i32
    "tpu.region"() ({
      %run_scoped3A_136 = tpu.sem_alloc : memref<!tpu.dma_semaphore, #tpu.memory_space<semaphore_mem>>
      %dma_start3A_137 = arith.constant 0 : i32
      %dma_start3A_138 = tpu.memref_slice %arg4[%add3A_10, %dma_start3A_137] : memref<2560x128xi32, #tpu.memory_space<hbm>> -> memref<40x128xi32, #tpu.memory_space<hbm>>
      %dma_start3A_139 = arith.constant 0 : i32
      %dma_start3A_140 = tpu.memref_slice %arg4[%add3A_10, %dma_start3A_139] : memref<2560x128xi32, #tpu.memory_space<hbm>> -> memref<40x128xi32, #tpu.memory_space<hbm>>
      tpu.enqueue_dma source(%dma_start3A_140 : memref<40x128xi32, #tpu.memory_space<hbm>>) target(%arg8 : memref<40x128xi32, #tpu.memory_space<vmem>>) target_semaphore(%run_scoped3A_136 : memref<!tpu.dma_semaphore, #tpu.memory_space<semaphore_mem>>)
      %dma_wait3A_141 = arith.constant 0 : i32
      %dma_wait3A_142 = tpu.memref_slice %arg4[%add3A_10, %dma_wait3A_141] : memref<2560x128xi32, #tpu.memory_space<hbm>> -> memref<40x128xi32, #tpu.memory_space<hbm>>
      %dma_wait3A_143 = arith.constant 0 : i32
      %dma_wait3A_144 = tpu.memref_slice %arg4[%add3A_10, %dma_wait3A_143] : memref<2560x128xi32, #tpu.memory_space<hbm>> -> memref<40x128xi32, #tpu.memory_space<hbm>>
      tpu.wait_dma2 semaphore(%run_scoped3A_136 : memref<!tpu.dma_semaphore, #tpu.memory_space<semaphore_mem>>) src(%dma_wait3A_144 : memref<40x128xi32, #tpu.memory_space<hbm>>) dst(%arg8 : memref<40x128xi32, #tpu.memory_space<vmem>>)
      tpu.yield
    }) : () -> ()
    %dma_start3A = arith.constant 0 : i32
    %dma_start3A_11 = arith.constant 0 : i32
    %dma_start3A_12 = arith.constant 0 : i32
    %dma_start3A_13 = arith.constant 0 : i32
    %dma_start3A_14 = tpu.memref_slice %arg9[%dma_start3A_11, %dma_start3A_12, %dma_start3A_13] : memref<2x128x128xf32, #tpu.memory_space<vmem>> -> memref<1x128x128xf32, #tpu.memory_space<vmem>>
    %dma_start3A_15 = tpu.memref_squeeze %dma_start3A_14 : memref<1x128x128xf32, #tpu.memory_space<vmem>> -> memref<128x128xf32, #tpu.memory_space<vmem>>
    %dma_start3A_16 = arith.constant 0 : i32
    %dma_start3A_17 = tpu.memref_slice %arg7[%dma_start3A, %dma_start3A_16] : memref<40x128xi32, #tpu.memory_space<vmem>> -> memref<1x128xi32, #tpu.memory_space<vmem>>
    %dma_start3A_18 = tpu.memref_squeeze %dma_start3A_17 : memref<1x128xi32, #tpu.memory_space<vmem>> -> memref<128xi32, #tpu.memory_space<vmem>>
    %dma_start3A_19 = arith.constant 0 : i32
    %dma_start3A_20 = arith.constant 0 : i32
    %dma_start3A_21 = tpu.memref_slice %arg2[%dma_start3A_19, %dma_start3A_20] : memref<10000x128xf32, #tpu.memory_space<hbm>> -> memref<10000x128xf32, #tpu.memory_space<hbm>>
    tpu.enqueue_indirect_dma source(%dma_start3A_21 : memref<10000x128xf32, #tpu.memory_space<hbm>>) target(%dma_start3A_15 : memref<128x128xf32, #tpu.memory_space<vmem>>) offsets(%dma_start3A_18 : memref<128xi32, #tpu.memory_space<vmem>>) semaphore(%arg11 : memref<!tpu.dma_semaphore, #tpu.memory_space<semaphore_mem>>)
    %scan3A = arith.constant 0 : i32
    %scan3A_22 = arith.constant 0 : i32
    %scan3A_23 = arith.constant 19 : i32
    %scan3A_24 = arith.addi %scan3A_22, %scan3A_23 : i32
    %scan3A_25 = arith.constant 1 : i32
    scf.for %scan3A_136 = %scan3A_22 to %scan3A_24 step %scan3A_25  : i32 {
      %mul3A_137 = arith.constant 2 : i32
      %mul3A_138 = arith.muli %scan3A_136, %mul3A_137 : i32
      %add3A_139 = arith.constant 0 : i32
      %add3A_140 = arith.addi %mul3A_138, %add3A_139 : i32
      %add3A_141 = arith.constant 1 : i32
      %add3A_142 = arith.addi %add3A_140, %add3A_141 : i32
      %dma_start3A_143 = arith.constant 1 : i32
      %dma_start3A_144 = arith.constant 0 : i32
      %dma_start3A_145 = arith.constant 0 : i32
      %dma_start3A_146 = tpu.memref_slice %arg9[%dma_start3A_143, %dma_start3A_144, %dma_start3A_145] : memref<2x128x128xf32, #tpu.memory_space<vmem>> -> memref<1x128x128xf32, #tpu.memory_space<vmem>>
      %dma_start3A_147 = tpu.memref_squeeze %dma_start3A_146 : memref<1x128x128xf32, #tpu.memory_space<vmem>> -> memref<128x128xf32, #tpu.memory_space<vmem>>
      %dma_start3A_148 = arith.constant 0 : i32
      %dma_start3A_149 = tpu.memref_slice %arg7[%add3A_142, %dma_start3A_148] : memref<40x128xi32, #tpu.memory_space<vmem>> -> memref<1x128xi32, #tpu.memory_space<vmem>>
      %dma_start3A_150 = tpu.memref_squeeze %dma_start3A_149 : memref<1x128xi32, #tpu.memory_space<vmem>> -> memref<128xi32, #tpu.memory_space<vmem>>
      %dma_start3A_151 = arith.constant 0 : i32
      %dma_start3A_152 = arith.constant 0 : i32
      %dma_start3A_153 = tpu.memref_slice %arg2[%dma_start3A_151, %dma_start3A_152] : memref<10000x128xf32, #tpu.memory_space<hbm>> -> memref<10000x128xf32, #tpu.memory_space<hbm>>
      tpu.enqueue_indirect_dma source(%dma_start3A_153 : memref<10000x128xf32, #tpu.memory_space<hbm>>) target(%dma_start3A_147 : memref<128x128xf32, #tpu.memory_space<vmem>>) offsets(%dma_start3A_150 : memref<128xi32, #tpu.memory_space<vmem>>) semaphore(%arg12 : memref<!tpu.dma_semaphore, #tpu.memory_space<semaphore_mem>>)
      %dma_wait3A_154 = arith.constant 0 : i32
      %dma_wait3A_155 = arith.constant 0 : i32
      %dma_wait3A_156 = arith.constant 0 : i32
      %dma_wait3A_157 = tpu.memref_slice %arg9[%dma_wait3A_154, %dma_wait3A_155, %dma_wait3A_156] : memref<2x128x128xf32, #tpu.memory_space<vmem>> -> memref<1x128x128xf32, #tpu.memory_space<vmem>>
      %dma_wait3A_158 = tpu.memref_squeeze %dma_wait3A_157 : memref<1x128x128xf32, #tpu.memory_space<vmem>> -> memref<128x128xf32, #tpu.memory_space<vmem>>
      %dma_wait3A_159 = arith.constant 0 : i32
      %dma_wait3A_160 = tpu.memref_slice %arg7[%add3A_140, %dma_wait3A_159] : memref<40x128xi32, #tpu.memory_space<vmem>> -> memref<1x128xi32, #tpu.memory_space<vmem>>
      %dma_wait3A_161 = tpu.memref_squeeze %dma_wait3A_160 : memref<1x128xi32, #tpu.memory_space<vmem>> -> memref<128xi32, #tpu.memory_space<vmem>>
      %dma_wait3A_162 = arith.constant 0 : i32
      %dma_wait3A_163 = arith.constant 0 : i32
      %dma_wait3A_164 = tpu.memref_slice %arg2[%dma_wait3A_162, %dma_wait3A_163] : memref<10000x128xf32, #tpu.memory_space<hbm>> -> memref<10000x128xf32, #tpu.memory_space<hbm>>
      tpu.wait_indirect_dma semaphore(%arg11 : memref<!tpu.dma_semaphore, #tpu.memory_space<semaphore_mem>>) src(%dma_wait3A_164 : memref<10000x128xf32, #tpu.memory_space<hbm>>) dst(%dma_wait3A_158 : memref<128x128xf32, #tpu.memory_space<vmem>>)
      %run_scoped3A_165 = arith.constant 0 : i32
      "tpu.region"() ({
        %run_scoped3A_195 = tpu.sem_alloc : memref<!tpu.dma_semaphore, #tpu.memory_space<semaphore_mem>>
        %dma_start3A_196 = arith.constant 0 : i32
        %dma_start3A_197 = arith.constant 0 : i32
        %dma_start3A_198 = tpu.memref_slice %arg9[%run_scoped3A_165, %dma_start3A_196, %dma_start3A_197] : memref<2x128x128xf32, #tpu.memory_space<vmem>> -> memref<1x128x128xf32, #tpu.memory_space<vmem>>
        %dma_start3A_199 = tpu.memref_squeeze %dma_start3A_198 : memref<1x128x128xf32, #tpu.memory_space<vmem>> -> memref<128x128xf32, #tpu.memory_space<vmem>>
        %dma_start3A_200 = arith.constant 0 : i32
        %dma_start3A_201 = tpu.memref_slice %arg8[%add3A_140, %dma_start3A_200] : memref<40x128xi32, #tpu.memory_space<vmem>> -> memref<1x128xi32, #tpu.memory_space<vmem>>
        %dma_start3A_202 = tpu.memref_squeeze %dma_start3A_201 : memref<1x128xi32, #tpu.memory_space<vmem>> -> memref<128xi32, #tpu.memory_space<vmem>>
        %dma_start3A_203 = arith.constant 0 : i32
        %dma_start3A_204 = arith.constant 0 : i32
        %dma_start3A_205 = tpu.memref_slice %arg10[%dma_start3A_203, %dma_start3A_204] : memref<10112x128xf32, #tpu.memory_space<vmem_shared>> -> memref<10112x128xf32, #tpu.memory_space<vmem_shared>>
        tpu.enqueue_indirect_dma source(%dma_start3A_199 : memref<128x128xf32, #tpu.memory_space<vmem>>) target(%dma_start3A_205 : memref<10112x128xf32, #tpu.memory_space<vmem_shared>>) offsets(%dma_start3A_202 : memref<128xi32, #tpu.memory_space<vmem>>) semaphore(%run_scoped3A_195 : memref<!tpu.dma_semaphore, #tpu.memory_space<semaphore_mem>>) {add = true}
        %dma_wait3A_206 = arith.constant 0 : i32
        %dma_wait3A_207 = arith.constant 0 : i32
        %dma_wait3A_208 = tpu.memref_slice %arg9[%run_scoped3A_165, %dma_wait3A_206, %dma_wait3A_207] : memref<2x128x128xf32, #tpu.memory_space<vmem>> -> memref<1x128x128xf32, #tpu.memory_space<vmem>>
        %dma_wait3A_209 = tpu.memref_squeeze %dma_wait3A_208 : memref<1x128x128xf32, #tpu.memory_space<vmem>> -> memref<128x128xf32, #tpu.memory_space<vmem>>
        %dma_wait3A_210 = arith.constant 0 : i32
        %dma_wait3A_211 = tpu.memref_slice %arg8[%add3A_140, %dma_wait3A_210] : memref<40x128xi32, #tpu.memory_space<vmem>> -> memref<1x128xi32, #tpu.memory_space<vmem>>
        %dma_wait3A_212 = tpu.memref_squeeze %dma_wait3A_211 : memref<1x128xi32, #tpu.memory_space<vmem>> -> memref<128xi32, #tpu.memory_space<vmem>>
        %dma_wait3A_213 = arith.constant 0 : i32
        %dma_wait3A_214 = arith.constant 0 : i32
        %dma_wait3A_215 = tpu.memref_slice %arg10[%dma_wait3A_213, %dma_wait3A_214] : memref<10112x128xf32, #tpu.memory_space<vmem_shared>> -> memref<10112x128xf32, #tpu.memory_space<vmem_shared>>
        tpu.wait_indirect_dma semaphore(%run_scoped3A_195 : memref<!tpu.dma_semaphore, #tpu.memory_space<semaphore_mem>>) src(%dma_wait3A_209 : memref<128x128xf32, #tpu.memory_space<vmem>>) dst(%dma_wait3A_215 : memref<10112x128xf32, #tpu.memory_space<vmem_shared>>)
        tpu.yield
      }) : () -> ()
      %mul3A_166 = arith.constant 2 : i32
      %mul3A_167 = arith.muli %scan3A_136, %mul3A_166 : i32
      %add3A_168 = arith.constant 1 : i32
      %add3A_169 = arith.addi %mul3A_167, %add3A_168 : i32
      %add3A_170 = arith.constant 1 : i32
      %add3A_171 = arith.addi %add3A_169, %add3A_170 : i32
      %dma_start3A_172 = arith.constant 0 : i32
      %dma_start3A_173 = arith.constant 0 : i32
      %dma_start3A_174 = arith.constant 0 : i32
      %dma_start3A_175 = tpu.memref_slice %arg9[%dma_start3A_172, %dma_start3A_173, %dma_start3A_174] : memref<2x128x128xf32, #tpu.memory_space<vmem>> -> memref<1x128x128xf32, #tpu.memory_space<vmem>>
      %dma_start3A_176 = tpu.memref_squeeze %dma_start3A_175 : memref<1x128x128xf32, #tpu.memory_space<vmem>> -> memref<128x128xf32, #tpu.memory_space<vmem>>
      %dma_start3A_177 = arith.constant 0 : i32
      %dma_start3A_178 = tpu.memref_slice %arg7[%add3A_171, %dma_start3A_177] : memref<40x128xi32, #tpu.memory_space<vmem>> -> memref<1x128xi32, #tpu.memory_space<vmem>>
      %dma_start3A_179 = tpu.memref_squeeze %dma_start3A_178 : memref<1x128xi32, #tpu.memory_space<vmem>> -> memref<128xi32, #tpu.memory_space<vmem>>
      %dma_start3A_180 = arith.constant 0 : i32
      %dma_start3A_181 = arith.constant 0 : i32
      %dma_start3A_182 = tpu.memref_slice %arg2[%dma_start3A_180, %dma_start3A_181] : memref<10000x128xf32, #tpu.memory_space<hbm>> -> memref<10000x128xf32, #tpu.memory_space<hbm>>
      tpu.enqueue_indirect_dma source(%dma_start3A_182 : memref<10000x128xf32, #tpu.memory_space<hbm>>) target(%dma_start3A_176 : memref<128x128xf32, #tpu.memory_space<vmem>>) offsets(%dma_start3A_179 : memref<128xi32, #tpu.memory_space<vmem>>) semaphore(%arg11 : memref<!tpu.dma_semaphore, #tpu.memory_space<semaphore_mem>>)
      %dma_wait3A_183 = arith.constant 1 : i32
      %dma_wait3A_184 = arith.constant 0 : i32
      %dma_wait3A_185 = arith.constant 0 : i32
      %dma_wait3A_186 = tpu.memref_slice %arg9[%dma_wait3A_183, %dma_wait3A_184, %dma_wait3A_185] : memref<2x128x128xf32, #tpu.memory_space<vmem>> -> memref<1x128x128xf32, #tpu.memory_space<vmem>>
      %dma_wait3A_187 = tpu.memref_squeeze %dma_wait3A_186 : memref<1x128x128xf32, #tpu.memory_space<vmem>> -> memref<128x128xf32, #tpu.memory_space<vmem>>
      %dma_wait3A_188 = arith.constant 0 : i32
      %dma_wait3A_189 = tpu.memref_slice %arg7[%add3A_169, %dma_wait3A_188] : memref<40x128xi32, #tpu.memory_space<vmem>> -> memref<1x128xi32, #tpu.memory_space<vmem>>
      %dma_wait3A_190 = tpu.memref_squeeze %dma_wait3A_189 : memref<1x128xi32, #tpu.memory_space<vmem>> -> memref<128xi32, #tpu.memory_space<vmem>>
      %dma_wait3A_191 = arith.constant 0 : i32
      %dma_wait3A_192 = arith.constant 0 : i32
      %dma_wait3A_193 = tpu.memref_slice %arg2[%dma_wait3A_191, %dma_wait3A_192] : memref<10000x128xf32, #tpu.memory_space<hbm>> -> memref<10000x128xf32, #tpu.memory_space<hbm>>
      tpu.wait_indirect_dma semaphore(%arg12 : memref<!tpu.dma_semaphore, #tpu.memory_space<semaphore_mem>>) src(%dma_wait3A_193 : memref<10000x128xf32, #tpu.memory_space<hbm>>) dst(%dma_wait3A_187 : memref<128x128xf32, #tpu.memory_space<vmem>>)
      %run_scoped3A_194 = arith.constant 1 : i32
      "tpu.region"() ({
        %run_scoped3A_195 = tpu.sem_alloc : memref<!tpu.dma_semaphore, #tpu.memory_space<semaphore_mem>>
        %dma_start3A_196 = arith.constant 0 : i32
        %dma_start3A_197 = arith.constant 0 : i32
        %dma_start3A_198 = tpu.memref_slice %arg9[%run_scoped3A_194, %dma_start3A_196, %dma_start3A_197] : memref<2x128x128xf32, #tpu.memory_space<vmem>> -> memref<1x128x128xf32, #tpu.memory_space<vmem>>
        %dma_start3A_199 = tpu.memref_squeeze %dma_start3A_198 : memref<1x128x128xf32, #tpu.memory_space<vmem>> -> memref<128x128xf32, #tpu.memory_space<vmem>>
        %dma_start3A_200 = arith.constant 0 : i32
        %dma_start3A_201 = tpu.memref_slice %arg8[%add3A_169, %dma_start3A_200] : memref<40x128xi32, #tpu.memory_space<vmem>> -> memref<1x128xi32, #tpu.memory_space<vmem>>
        %dma_start3A_202 = tpu.memref_squeeze %dma_start3A_201 : memref<1x128xi32, #tpu.memory_space<vmem>> -> memref<128xi32, #tpu.memory_space<vmem>>
        %dma_start3A_203 = arith.constant 0 : i32
        %dma_start3A_204 = arith.constant 0 : i32
        %dma_start3A_205 = tpu.memref_slice %arg10[%dma_start3A_203, %dma_start3A_204] : memref<10112x128xf32, #tpu.memory_space<vmem_shared>> -> memref<10112x128xf32, #tpu.memory_space<vmem_shared>>
        tpu.enqueue_indirect_dma source(%dma_start3A_199 : memref<128x128xf32, #tpu.memory_space<vmem>>) target(%dma_start3A_205 : memref<10112x128xf32, #tpu.memory_space<vmem_shared>>) offsets(%dma_start3A_202 : memref<128xi32, #tpu.memory_space<vmem>>) semaphore(%run_scoped3A_195 : memref<!tpu.dma_semaphore, #tpu.memory_space<semaphore_mem>>) {add = true}
        %dma_wait3A_206 = arith.constant 0 : i32
        %dma_wait3A_207 = arith.constant 0 : i32
        %dma_wait3A_208 = tpu.memref_slice %arg9[%run_scoped3A_194, %dma_wait3A_206, %dma_wait3A_207] : memref<2x128x128xf32, #tpu.memory_space<vmem>> -> memref<1x128x128xf32, #tpu.memory_space<vmem>>
        %dma_wait3A_209 = tpu.memref_squeeze %dma_wait3A_208 : memref<1x128x128xf32, #tpu.memory_space<vmem>> -> memref<128x128xf32, #tpu.memory_space<vmem>>
        %dma_wait3A_210 = arith.constant 0 : i32
        %dma_wait3A_211 = tpu.memref_slice %arg8[%add3A_169, %dma_wait3A_210] : memref<40x128xi32, #tpu.memory_space<vmem>> -> memref<1x128xi32, #tpu.memory_space<vmem>>
        %dma_wait3A_212 = tpu.memref_squeeze %dma_wait3A_211 : memref<1x128xi32, #tpu.memory_space<vmem>> -> memref<128xi32, #tpu.memory_space<vmem>>
        %dma_wait3A_213 = arith.constant 0 : i32
        %dma_wait3A_214 = arith.constant 0 : i32
        %dma_wait3A_215 = tpu.memref_slice %arg10[%dma_wait3A_213, %dma_wait3A_214] : memref<10112x128xf32, #tpu.memory_space<vmem_shared>> -> memref<10112x128xf32, #tpu.memory_space<vmem_shared>>
        tpu.wait_indirect_dma semaphore(%run_scoped3A_195 : memref<!tpu.dma_semaphore, #tpu.memory_space<semaphore_mem>>) src(%dma_wait3A_209 : memref<128x128xf32, #tpu.memory_space<vmem>>) dst(%dma_wait3A_215 : memref<10112x128xf32, #tpu.memory_space<vmem_shared>>)
        tpu.yield
      }) : () -> ()
    }
    %scan3A_26 = arith.constant 19 : i32
    %dma_start3A_27 = arith.constant 39 : i32
    %dma_start3A_28 = arith.constant 1 : i32
    %dma_start3A_29 = arith.constant 0 : i32
    %dma_start3A_30 = arith.constant 0 : i32
    %dma_start3A_31 = tpu.memref_slice %arg9[%dma_start3A_28, %dma_start3A_29, %dma_start3A_30] : memref<2x128x128xf32, #tpu.memory_space<vmem>> -> memref<1x128x128xf32, #tpu.memory_space<vmem>>
    %dma_start3A_32 = tpu.memref_squeeze %dma_start3A_31 : memref<1x128x128xf32, #tpu.memory_space<vmem>> -> memref<128x128xf32, #tpu.memory_space<vmem>>
    %dma_start3A_33 = arith.constant 0 : i32
    %dma_start3A_34 = tpu.memref_slice %arg7[%dma_start3A_27, %dma_start3A_33] : memref<40x128xi32, #tpu.memory_space<vmem>> -> memref<1x128xi32, #tpu.memory_space<vmem>>
    %dma_start3A_35 = tpu.memref_squeeze %dma_start3A_34 : memref<1x128xi32, #tpu.memory_space<vmem>> -> memref<128xi32, #tpu.memory_space<vmem>>
    %dma_start3A_36 = arith.constant 0 : i32
    %dma_start3A_37 = arith.constant 0 : i32
    %dma_start3A_38 = tpu.memref_slice %arg2[%dma_start3A_36, %dma_start3A_37] : memref<10000x128xf32, #tpu.memory_space<hbm>> -> memref<10000x128xf32, #tpu.memory_space<hbm>>
    tpu.enqueue_indirect_dma source(%dma_start3A_38 : memref<10000x128xf32, #tpu.memory_space<hbm>>) target(%dma_start3A_32 : memref<128x128xf32, #tpu.memory_space<vmem>>) offsets(%dma_start3A_35 : memref<128xi32, #tpu.memory_space<vmem>>) semaphore(%arg12 : memref<!tpu.dma_semaphore, #tpu.memory_space<semaphore_mem>>)
    %dma_wait3A = arith.constant 38 : i32
    %dma_wait3A_39 = arith.constant 0 : i32
    %dma_wait3A_40 = arith.constant 0 : i32
    %dma_wait3A_41 = arith.constant 0 : i32
    %dma_wait3A_42 = tpu.memref_slice %arg9[%dma_wait3A_39, %dma_wait3A_40, %dma_wait3A_41] : memref<2x128x128xf32, #tpu.memory_space<vmem>> -> memref<1x128x128xf32, #tpu.memory_space<vmem>>
    %dma_wait3A_43 = tpu.memref_squeeze %dma_wait3A_42 : memref<1x128x128xf32, #tpu.memory_space<vmem>> -> memref<128x128xf32, #tpu.memory_space<vmem>>
    %dma_wait3A_44 = arith.constant 0 : i32
    %dma_wait3A_45 = tpu.memref_slice %arg7[%dma_wait3A, %dma_wait3A_44] : memref<40x128xi32, #tpu.memory_space<vmem>> -> memref<1x128xi32, #tpu.memory_space<vmem>>
    %dma_wait3A_46 = tpu.memref_squeeze %dma_wait3A_45 : memref<1x128xi32, #tpu.memory_space<vmem>> -> memref<128xi32, #tpu.memory_space<vmem>>
    %dma_wait3A_47 = arith.constant 0 : i32
    %dma_wait3A_48 = arith.constant 0 : i32
    %dma_wait3A_49 = tpu.memref_slice %arg2[%dma_wait3A_47, %dma_wait3A_48] : memref<10000x128xf32, #tpu.memory_space<hbm>> -> memref<10000x128xf32, #tpu.memory_space<hbm>>
    tpu.wait_indirect_dma semaphore(%arg11 : memref<!tpu.dma_semaphore, #tpu.memory_space<semaphore_mem>>) src(%dma_wait3A_49 : memref<10000x128xf32, #tpu.memory_space<hbm>>) dst(%dma_wait3A_43 : memref<128x128xf32, #tpu.memory_space<vmem>>)
    %run_scoped3A = arith.constant 0 : i32
    %run_scoped3A_50 = arith.constant 38 : i32
    "tpu.region"() ({
      %run_scoped3A_136 = tpu.sem_alloc : memref<!tpu.dma_semaphore, #tpu.memory_space<semaphore_mem>>
      %dma_start3A_137 = arith.constant 0 : i32
      %dma_start3A_138 = arith.constant 0 : i32
      %dma_start3A_139 = tpu.memref_slice %arg9[%run_scoped3A, %dma_start3A_137, %dma_start3A_138] : memref<2x128x128xf32, #tpu.memory_space<vmem>> -> memref<1x128x128xf32, #tpu.memory_space<vmem>>
      %dma_start3A_140 = tpu.memref_squeeze %dma_start3A_139 : memref<1x128x128xf32, #tpu.memory_space<vmem>> -> memref<128x128xf32, #tpu.memory_space<vmem>>
      %dma_start3A_141 = arith.constant 0 : i32
      %dma_start3A_142 = tpu.memref_slice %arg8[%run_scoped3A_50, %dma_start3A_141] : memref<40x128xi32, #tpu.memory_space<vmem>> -> memref<1x128xi32, #tpu.memory_space<vmem>>
      %dma_start3A_143 = tpu.memref_squeeze %dma_start3A_142 : memref<1x128xi32, #tpu.memory_space<vmem>> -> memref<128xi32, #tpu.memory_space<vmem>>
      %dma_start3A_144 = arith.constant 0 : i32
      %dma_start3A_145 = arith.constant 0 : i32
      %dma_start3A_146 = tpu.memref_slice %arg10[%dma_start3A_144, %dma_start3A_145] : memref<10112x128xf32, #tpu.memory_space<vmem_shared>> -> memref<10112x128xf32, #tpu.memory_space<vmem_shared>>
      tpu.enqueue_indirect_dma source(%dma_start3A_140 : memref<128x128xf32, #tpu.memory_space<vmem>>) target(%dma_start3A_146 : memref<10112x128xf32, #tpu.memory_space<vmem_shared>>) offsets(%dma_start3A_143 : memref<128xi32, #tpu.memory_space<vmem>>) semaphore(%run_scoped3A_136 : memref<!tpu.dma_semaphore, #tpu.memory_space<semaphore_mem>>) {add = true}
      %dma_wait3A_147 = arith.constant 0 : i32
      %dma_wait3A_148 = arith.constant 0 : i32
      %dma_wait3A_149 = tpu.memref_slice %arg9[%run_scoped3A, %dma_wait3A_147, %dma_wait3A_148] : memref<2x128x128xf32, #tpu.memory_space<vmem>> -> memref<1x128x128xf32, #tpu.memory_space<vmem>>
      %dma_wait3A_150 = tpu.memref_squeeze %dma_wait3A_149 : memref<1x128x128xf32, #tpu.memory_space<vmem>> -> memref<128x128xf32, #tpu.memory_space<vmem>>
      %dma_wait3A_151 = arith.constant 0 : i32
      %dma_wait3A_152 = tpu.memref_slice %arg8[%run_scoped3A_50, %dma_wait3A_151] : memref<40x128xi32, #tpu.memory_space<vmem>> -> memref<1x128xi32, #tpu.memory_space<vmem>>
      %dma_wait3A_153 = tpu.memref_squeeze %dma_wait3A_152 : memref<1x128xi32, #tpu.memory_space<vmem>> -> memref<128xi32, #tpu.memory_space<vmem>>
      %dma_wait3A_154 = arith.constant 0 : i32
      %dma_wait3A_155 = arith.constant 0 : i32
      %dma_wait3A_156 = tpu.memref_slice %arg10[%dma_wait3A_154, %dma_wait3A_155] : memref<10112x128xf32, #tpu.memory_space<vmem_shared>> -> memref<10112x128xf32, #tpu.memory_space<vmem_shared>>
      tpu.wait_indirect_dma semaphore(%run_scoped3A_136 : memref<!tpu.dma_semaphore, #tpu.memory_space<semaphore_mem>>) src(%dma_wait3A_150 : memref<128x128xf32, #tpu.memory_space<vmem>>) dst(%dma_wait3A_156 : memref<10112x128xf32, #tpu.memory_space<vmem_shared>>)
      tpu.yield
    }) : () -> ()
    %dma_wait3A_51 = arith.constant 39 : i32
    %dma_wait3A_52 = arith.constant 1 : i32
    %dma_wait3A_53 = arith.constant 0 : i32
    %dma_wait3A_54 = arith.constant 0 : i32
    %dma_wait3A_55 = tpu.memref_slice %arg9[%dma_wait3A_52, %dma_wait3A_53, %dma_wait3A_54] : memref<2x128x128xf32, #tpu.memory_space<vmem>> -> memref<1x128x128xf32, #tpu.memory_space<vmem>>
    %dma_wait3A_56 = tpu.memref_squeeze %dma_wait3A_55 : memref<1x128x128xf32, #tpu.memory_space<vmem>> -> memref<128x128xf32, #tpu.memory_space<vmem>>
    %dma_wait3A_57 = arith.constant 0 : i32
    %dma_wait3A_58 = tpu.memref_slice %arg7[%dma_wait3A_51, %dma_wait3A_57] : memref<40x128xi32, #tpu.memory_space<vmem>> -> memref<1x128xi32, #tpu.memory_space<vmem>>
    %dma_wait3A_59 = tpu.memref_squeeze %dma_wait3A_58 : memref<1x128xi32, #tpu.memory_space<vmem>> -> memref<128xi32, #tpu.memory_space<vmem>>
    %dma_wait3A_60 = arith.constant 0 : i32
    %dma_wait3A_61 = arith.constant 0 : i32
    %dma_wait3A_62 = tpu.memref_slice %arg2[%dma_wait3A_60, %dma_wait3A_61] : memref<10000x128xf32, #tpu.memory_space<hbm>> -> memref<10000x128xf32, #tpu.memory_space<hbm>>
    tpu.wait_indirect_dma semaphore(%arg12 : memref<!tpu.dma_semaphore, #tpu.memory_space<semaphore_mem>>) src(%dma_wait3A_62 : memref<10000x128xf32, #tpu.memory_space<hbm>>) dst(%dma_wait3A_56 : memref<128x128xf32, #tpu.memory_space<vmem>>)
    %run_scoped3A_63 = arith.constant 1 : i32
    %run_scoped3A_64 = arith.constant 39 : i32
    "tpu.region"() ({
      %run_scoped3A_136 = tpu.sem_alloc : memref<!tpu.dma_semaphore, #tpu.memory_space<semaphore_mem>>
      %dma_start3A_137 = arith.constant 0 : i32
      %dma_start3A_138 = arith.constant 0 : i32
      %dma_start3A_139 = tpu.memref_slice %arg9[%run_scoped3A_63, %dma_start3A_137, %dma_start3A_138] : memref<2x128x128xf32, #tpu.memory_space<vmem>> -> memref<1x128x128xf32, #tpu.memory_space<vmem>>
      %dma_start3A_140 = tpu.memref_squeeze %dma_start3A_139 : memref<1x128x128xf32, #tpu.memory_space<vmem>> -> memref<128x128xf32, #tpu.memory_space<vmem>>
      %dma_start3A_141 = arith.constant 0 : i32
      %dma_start3A_142 = tpu.memref_slice %arg8[%run_scoped3A_64, %dma_start3A_141] : memref<40x128xi32, #tpu.memory_space<vmem>> -> memref<1x128xi32, #tpu.memory_space<vmem>>
      %dma_start3A_143 = tpu.memref_squeeze %dma_start3A_142 : memref<1x128xi32, #tpu.memory_space<vmem>> -> memref<128xi32, #tpu.memory_space<vmem>>
      %dma_start3A_144 = arith.constant 0 : i32
      %dma_start3A_145 = arith.constant 0 : i32
      %dma_start3A_146 = tpu.memref_slice %arg10[%dma_start3A_144, %dma_start3A_145] : memref<10112x128xf32, #tpu.memory_space<vmem_shared>> -> memref<10112x128xf32, #tpu.memory_space<vmem_shared>>
      tpu.enqueue_indirect_dma source(%dma_start3A_140 : memref<128x128xf32, #tpu.memory_space<vmem>>) target(%dma_start3A_146 : memref<10112x128xf32, #tpu.memory_space<vmem_shared>>) offsets(%dma_start3A_143 : memref<128xi32, #tpu.memory_space<vmem>>) semaphore(%run_scoped3A_136 : memref<!tpu.dma_semaphore, #tpu.memory_space<semaphore_mem>>) {add = true}
      %dma_wait3A_147 = arith.constant 0 : i32
      %dma_wait3A_148 = arith.constant 0 : i32
      %dma_wait3A_149 = tpu.memref_slice %arg9[%run_scoped3A_63, %dma_wait3A_147, %dma_wait3A_148] : memref<2x128x128xf32, #tpu.memory_space<vmem>> -> memref<1x128x128xf32, #tpu.memory_space<vmem>>
      %dma_wait3A_150 = tpu.memref_squeeze %dma_wait3A_149 : memref<1x128x128xf32, #tpu.memory_space<vmem>> -> memref<128x128xf32, #tpu.memory_space<vmem>>
      %dma_wait3A_151 = arith.constant 0 : i32
      %dma_wait3A_152 = tpu.memref_slice %arg8[%run_scoped3A_64, %dma_wait3A_151] : memref<40x128xi32, #tpu.memory_space<vmem>> -> memref<1x128xi32, #tpu.memory_space<vmem>>
      %dma_wait3A_153 = tpu.memref_squeeze %dma_wait3A_152 : memref<1x128xi32, #tpu.memory_space<vmem>> -> memref<128xi32, #tpu.memory_space<vmem>>
      %dma_wait3A_154 = arith.constant 0 : i32
      %dma_wait3A_155 = arith.constant 0 : i32
      %dma_wait3A_156 = tpu.memref_slice %arg10[%dma_wait3A_154, %dma_wait3A_155] : memref<10112x128xf32, #tpu.memory_space<vmem_shared>> -> memref<10112x128xf32, #tpu.memory_space<vmem_shared>>
      tpu.wait_indirect_dma semaphore(%run_scoped3A_136 : memref<!tpu.dma_semaphore, #tpu.memory_space<semaphore_mem>>) src(%dma_wait3A_150 : memref<128x128xf32, #tpu.memory_space<vmem>>) dst(%dma_wait3A_156 : memref<10112x128xf32, #tpu.memory_space<vmem_shared>>)
      tpu.yield
    }) : () -> ()
    %mul3A_65 = arith.constant 80 : i32
    %mul3A_66 = arith.muli %add3A, %mul3A_65 : i32
    %add3A_67 = arith.constant 40 : i32
    %add3A_68 = arith.addi %mul3A_66, %add3A_67 : i32
    "tpu.region"() ({
      %run_scoped3A_136 = tpu.sem_alloc : memref<!tpu.dma_semaphore, #tpu.memory_space<semaphore_mem>>
      %dma_start3A_137 = arith.constant 0 : i32
      %dma_start3A_138 = tpu.memref_slice %arg3[%add3A_68, %dma_start3A_137] : memref<2560x128xi32, #tpu.memory_space<hbm>> -> memref<40x128xi32, #tpu.memory_space<hbm>>
      %dma_start3A_139 = arith.constant 0 : i32
      %dma_start3A_140 = tpu.memref_slice %arg3[%add3A_68, %dma_start3A_139] : memref<2560x128xi32, #tpu.memory_space<hbm>> -> memref<40x128xi32, #tpu.memory_space<hbm>>
      tpu.enqueue_dma source(%dma_start3A_140 : memref<40x128xi32, #tpu.memory_space<hbm>>) target(%arg7 : memref<40x128xi32, #tpu.memory_space<vmem>>) target_semaphore(%run_scoped3A_136 : memref<!tpu.dma_semaphore, #tpu.memory_space<semaphore_mem>>)
      %dma_wait3A_141 = arith.constant 0 : i32
      %dma_wait3A_142 = tpu.memref_slice %arg3[%add3A_68, %dma_wait3A_141] : memref<2560x128xi32, #tpu.memory_space<hbm>> -> memref<40x128xi32, #tpu.memory_space<hbm>>
      %dma_wait3A_143 = arith.constant 0 : i32
      %dma_wait3A_144 = tpu.memref_slice %arg3[%add3A_68, %dma_wait3A_143] : memref<2560x128xi32, #tpu.memory_space<hbm>> -> memref<40x128xi32, #tpu.memory_space<hbm>>
      tpu.wait_dma2 semaphore(%run_scoped3A_136 : memref<!tpu.dma_semaphore, #tpu.memory_space<semaphore_mem>>) src(%dma_wait3A_144 : memref<40x128xi32, #tpu.memory_space<hbm>>) dst(%arg7 : memref<40x128xi32, #tpu.memory_space<vmem>>)
      tpu.yield
    }) : () -> ()
    %mul3A_69 = arith.constant 80 : i32
    %mul3A_70 = arith.muli %add3A, %mul3A_69 : i32
    %add3A_71 = arith.constant 40 : i32
    %add3A_72 = arith.addi %mul3A_70, %add3A_71 : i32
    "tpu.region"() ({
      %run_scoped3A_136 = tpu.sem_alloc : memref<!tpu.dma_semaphore, #tpu.memory_space<semaphore_mem>>
      %dma_start3A_137 = arith.constant 0 : i32
      %dma_start3A_138 = tpu.memref_slice %arg4[%add3A_72, %dma_start3A_137] : memref<2560x128xi32, #tpu.memory_space<hbm>> -> memref<40x128xi32, #tpu.memory_space<hbm>>
      %dma_start3A_139 = arith.constant 0 : i32
      %dma_start3A_140 = tpu.memref_slice %arg4[%add3A_72, %dma_start3A_139] : memref<2560x128xi32, #tpu.memory_space<hbm>> -> memref<40x128xi32, #tpu.memory_space<hbm>>
      tpu.enqueue_dma source(%dma_start3A_140 : memref<40x128xi32, #tpu.memory_space<hbm>>) target(%arg8 : memref<40x128xi32, #tpu.memory_space<vmem>>) target_semaphore(%run_scoped3A_136 : memref<!tpu.dma_semaphore, #tpu.memory_space<semaphore_mem>>)
      %dma_wait3A_141 = arith.constant 0 : i32
      %dma_wait3A_142 = tpu.memref_slice %arg4[%add3A_72, %dma_wait3A_141] : memref<2560x128xi32, #tpu.memory_space<hbm>> -> memref<40x128xi32, #tpu.memory_space<hbm>>
      %dma_wait3A_143 = arith.constant 0 : i32
      %dma_wait3A_144 = tpu.memref_slice %arg4[%add3A_72, %dma_wait3A_143] : memref<2560x128xi32, #tpu.memory_space<hbm>> -> memref<40x128xi32, #tpu.memory_space<hbm>>
      tpu.wait_dma2 semaphore(%run_scoped3A_136 : memref<!tpu.dma_semaphore, #tpu.memory_space<semaphore_mem>>) src(%dma_wait3A_144 : memref<40x128xi32, #tpu.memory_space<hbm>>) dst(%arg8 : memref<40x128xi32, #tpu.memory_space<vmem>>)
      tpu.yield
    }) : () -> ()
    %dma_start3A_73 = arith.constant 0 : i32
    %dma_start3A_74 = arith.constant 0 : i32
    %dma_start3A_75 = arith.constant 0 : i32
    %dma_start3A_76 = arith.constant 0 : i32
    %dma_start3A_77 = tpu.memref_slice %arg9[%dma_start3A_74, %dma_start3A_75, %dma_start3A_76] : memref<2x128x128xf32, #tpu.memory_space<vmem>> -> memref<1x128x128xf32, #tpu.memory_space<vmem>>
    %dma_start3A_78 = tpu.memref_squeeze %dma_start3A_77 : memref<1x128x128xf32, #tpu.memory_space<vmem>> -> memref<128x128xf32, #tpu.memory_space<vmem>>
    %dma_start3A_79 = arith.constant 0 : i32
    %dma_start3A_80 = tpu.memref_slice %arg7[%dma_start3A_73, %dma_start3A_79] : memref<40x128xi32, #tpu.memory_space<vmem>> -> memref<1x128xi32, #tpu.memory_space<vmem>>
    %dma_start3A_81 = tpu.memref_squeeze %dma_start3A_80 : memref<1x128xi32, #tpu.memory_space<vmem>> -> memref<128xi32, #tpu.memory_space<vmem>>
    %dma_start3A_82 = arith.constant 0 : i32
    %dma_start3A_83 = arith.constant 0 : i32
    %dma_start3A_84 = tpu.memref_slice %arg2[%dma_start3A_82, %dma_start3A_83] : memref<10000x128xf32, #tpu.memory_space<hbm>> -> memref<10000x128xf32, #tpu.memory_space<hbm>>
    tpu.enqueue_indirect_dma source(%dma_start3A_84 : memref<10000x128xf32, #tpu.memory_space<hbm>>) target(%dma_start3A_78 : memref<128x128xf32, #tpu.memory_space<vmem>>) offsets(%dma_start3A_81 : memref<128xi32, #tpu.memory_space<vmem>>) semaphore(%arg11 : memref<!tpu.dma_semaphore, #tpu.memory_space<semaphore_mem>>)
    %scan3A_85 = arith.constant 0 : i32
    %scan3A_86 = arith.constant 0 : i32
    %scan3A_87 = arith.constant 19 : i32
    %scan3A_88 = arith.addi %scan3A_86, %scan3A_87 : i32
    %scan3A_89 = arith.constant 1 : i32
    scf.for %scan3A_136 = %scan3A_86 to %scan3A_88 step %scan3A_89  : i32 {
      %mul3A_137 = arith.constant 2 : i32
      %mul3A_138 = arith.muli %scan3A_136, %mul3A_137 : i32
      %add3A_139 = arith.constant 0 : i32
      %add3A_140 = arith.addi %mul3A_138, %add3A_139 : i32
      %add3A_141 = arith.constant 1 : i32
      %add3A_142 = arith.addi %add3A_140, %add3A_141 : i32
      %dma_start3A_143 = arith.constant 1 : i32
      %dma_start3A_144 = arith.constant 0 : i32
      %dma_start3A_145 = arith.constant 0 : i32
      %dma_start3A_146 = tpu.memref_slice %arg9[%dma_start3A_143, %dma_start3A_144, %dma_start3A_145] : memref<2x128x128xf32, #tpu.memory_space<vmem>> -> memref<1x128x128xf32, #tpu.memory_space<vmem>>
      %dma_start3A_147 = tpu.memref_squeeze %dma_start3A_146 : memref<1x128x128xf32, #tpu.memory_space<vmem>> -> memref<128x128xf32, #tpu.memory_space<vmem>>
      %dma_start3A_148 = arith.constant 0 : i32
      %dma_start3A_149 = tpu.memref_slice %arg7[%add3A_142, %dma_start3A_148] : memref<40x128xi32, #tpu.memory_space<vmem>> -> memref<1x128xi32, #tpu.memory_space<vmem>>
      %dma_start3A_150 = tpu.memref_squeeze %dma_start3A_149 : memref<1x128xi32, #tpu.memory_space<vmem>> -> memref<128xi32, #tpu.memory_space<vmem>>
      %dma_start3A_151 = arith.constant 0 : i32
      %dma_start3A_152 = arith.constant 0 : i32
      %dma_start3A_153 = tpu.memref_slice %arg2[%dma_start3A_151, %dma_start3A_152] : memref<10000x128xf32, #tpu.memory_space<hbm>> -> memref<10000x128xf32, #tpu.memory_space<hbm>>
      tpu.enqueue_indirect_dma source(%dma_start3A_153 : memref<10000x128xf32, #tpu.memory_space<hbm>>) target(%dma_start3A_147 : memref<128x128xf32, #tpu.memory_space<vmem>>) offsets(%dma_start3A_150 : memref<128xi32, #tpu.memory_space<vmem>>) semaphore(%arg12 : memref<!tpu.dma_semaphore, #tpu.memory_space<semaphore_mem>>)
      %dma_wait3A_154 = arith.constant 0 : i32
      %dma_wait3A_155 = arith.constant 0 : i32
      %dma_wait3A_156 = arith.constant 0 : i32
      %dma_wait3A_157 = tpu.memref_slice %arg9[%dma_wait3A_154, %dma_wait3A_155, %dma_wait3A_156] : memref<2x128x128xf32, #tpu.memory_space<vmem>> -> memref<1x128x128xf32, #tpu.memory_space<vmem>>
      %dma_wait3A_158 = tpu.memref_squeeze %dma_wait3A_157 : memref<1x128x128xf32, #tpu.memory_space<vmem>> -> memref<128x128xf32, #tpu.memory_space<vmem>>
      %dma_wait3A_159 = arith.constant 0 : i32
      %dma_wait3A_160 = tpu.memref_slice %arg7[%add3A_140, %dma_wait3A_159] : memref<40x128xi32, #tpu.memory_space<vmem>> -> memref<1x128xi32, #tpu.memory_space<vmem>>
      %dma_wait3A_161 = tpu.memref_squeeze %dma_wait3A_160 : memref<1x128xi32, #tpu.memory_space<vmem>> -> memref<128xi32, #tpu.memory_space<vmem>>
      %dma_wait3A_162 = arith.constant 0 : i32
      %dma_wait3A_163 = arith.constant 0 : i32
      %dma_wait3A_164 = tpu.memref_slice %arg2[%dma_wait3A_162, %dma_wait3A_163] : memref<10000x128xf32, #tpu.memory_space<hbm>> -> memref<10000x128xf32, #tpu.memory_space<hbm>>
      tpu.wait_indirect_dma semaphore(%arg11 : memref<!tpu.dma_semaphore, #tpu.memory_space<semaphore_mem>>) src(%dma_wait3A_164 : memref<10000x128xf32, #tpu.memory_space<hbm>>) dst(%dma_wait3A_158 : memref<128x128xf32, #tpu.memory_space<vmem>>)
      %run_scoped3A_165 = arith.constant 0 : i32
      "tpu.region"() ({
        %run_scoped3A_195 = tpu.sem_alloc : memref<!tpu.dma_semaphore, #tpu.memory_space<semaphore_mem>>
        %dma_start3A_196 = arith.constant 0 : i32
        %dma_start3A_197 = arith.constant 0 : i32
        %dma_start3A_198 = tpu.memref_slice %arg9[%run_scoped3A_165, %dma_start3A_196, %dma_start3A_197] : memref<2x128x128xf32, #tpu.memory_space<vmem>> -> memref<1x128x128xf32, #tpu.memory_space<vmem>>
        %dma_start3A_199 = tpu.memref_squeeze %dma_start3A_198 : memref<1x128x128xf32, #tpu.memory_space<vmem>> -> memref<128x128xf32, #tpu.memory_space<vmem>>
        %dma_start3A_200 = arith.constant 0 : i32
        %dma_start3A_201 = tpu.memref_slice %arg8[%add3A_140, %dma_start3A_200] : memref<40x128xi32, #tpu.memory_space<vmem>> -> memref<1x128xi32, #tpu.memory_space<vmem>>
        %dma_start3A_202 = tpu.memref_squeeze %dma_start3A_201 : memref<1x128xi32, #tpu.memory_space<vmem>> -> memref<128xi32, #tpu.memory_space<vmem>>
        %dma_start3A_203 = arith.constant 0 : i32
        %dma_start3A_204 = arith.constant 0 : i32
        %dma_start3A_205 = tpu.memref_slice %arg10[%dma_start3A_203, %dma_start3A_204] : memref<10112x128xf32, #tpu.memory_space<vmem_shared>> -> memref<10112x128xf32, #tpu.memory_space<vmem_shared>>
        tpu.enqueue_indirect_dma source(%dma_start3A_199 : memref<128x128xf32, #tpu.memory_space<vmem>>) target(%dma_start3A_205 : memref<10112x128xf32, #tpu.memory_space<vmem_shared>>) offsets(%dma_start3A_202 : memref<128xi32, #tpu.memory_space<vmem>>) semaphore(%run_scoped3A_195 : memref<!tpu.dma_semaphore, #tpu.memory_space<semaphore_mem>>) {add = true}
        %dma_wait3A_206 = arith.constant 0 : i32
        %dma_wait3A_207 = arith.constant 0 : i32
        %dma_wait3A_208 = tpu.memref_slice %arg9[%run_scoped3A_165, %dma_wait3A_206, %dma_wait3A_207] : memref<2x128x128xf32, #tpu.memory_space<vmem>> -> memref<1x128x128xf32, #tpu.memory_space<vmem>>
        %dma_wait3A_209 = tpu.memref_squeeze %dma_wait3A_208 : memref<1x128x128xf32, #tpu.memory_space<vmem>> -> memref<128x128xf32, #tpu.memory_space<vmem>>
        %dma_wait3A_210 = arith.constant 0 : i32
        %dma_wait3A_211 = tpu.memref_slice %arg8[%add3A_140, %dma_wait3A_210] : memref<40x128xi32, #tpu.memory_space<vmem>> -> memref<1x128xi32, #tpu.memory_space<vmem>>
        %dma_wait3A_212 = tpu.memref_squeeze %dma_wait3A_211 : memref<1x128xi32, #tpu.memory_space<vmem>> -> memref<128xi32, #tpu.memory_space<vmem>>
        %dma_wait3A_213 = arith.constant 0 : i32
        %dma_wait3A_214 = arith.constant 0 : i32
        %dma_wait3A_215 = tpu.memref_slice %arg10[%dma_wait3A_213, %dma_wait3A_214] : memref<10112x128xf32, #tpu.memory_space<vmem_shared>> -> memref<10112x128xf32, #tpu.memory_space<vmem_shared>>
        tpu.wait_indirect_dma semaphore(%run_scoped3A_195 : memref<!tpu.dma_semaphore, #tpu.memory_space<semaphore_mem>>) src(%dma_wait3A_209 : memref<128x128xf32, #tpu.memory_space<vmem>>) dst(%dma_wait3A_215 : memref<10112x128xf32, #tpu.memory_space<vmem_shared>>)
        tpu.yield
      }) : () -> ()
      %mul3A_166 = arith.constant 2 : i32
      %mul3A_167 = arith.muli %scan3A_136, %mul3A_166 : i32
      %add3A_168 = arith.constant 1 : i32
      %add3A_169 = arith.addi %mul3A_167, %add3A_168 : i32
      %add3A_170 = arith.constant 1 : i32
      %add3A_171 = arith.addi %add3A_169, %add3A_170 : i32
      %dma_start3A_172 = arith.constant 0 : i32
      %dma_start3A_173 = arith.constant 0 : i32
      %dma_start3A_174 = arith.constant 0 : i32
      %dma_start3A_175 = tpu.memref_slice %arg9[%dma_start3A_172, %dma_start3A_173, %dma_start3A_174] : memref<2x128x128xf32, #tpu.memory_space<vmem>> -> memref<1x128x128xf32, #tpu.memory_space<vmem>>
      %dma_start3A_176 = tpu.memref_squeeze %dma_start3A_175 : memref<1x128x128xf32, #tpu.memory_space<vmem>> -> memref<128x128xf32, #tpu.memory_space<vmem>>
      %dma_start3A_177 = arith.constant 0 : i32
      %dma_start3A_178 = tpu.memref_slice %arg7[%add3A_171, %dma_start3A_177] : memref<40x128xi32, #tpu.memory_space<vmem>> -> memref<1x128xi32, #tpu.memory_space<vmem>>
      %dma_start3A_179 = tpu.memref_squeeze %dma_start3A_178 : memref<1x128xi32, #tpu.memory_space<vmem>> -> memref<128xi32, #tpu.memory_space<vmem>>
      %dma_start3A_180 = arith.constant 0 : i32
      %dma_start3A_181 = arith.constant 0 : i32
      %dma_start3A_182 = tpu.memref_slice %arg2[%dma_start3A_180, %dma_start3A_181] : memref<10000x128xf32, #tpu.memory_space<hbm>> -> memref<10000x128xf32, #tpu.memory_space<hbm>>
      tpu.enqueue_indirect_dma source(%dma_start3A_182 : memref<10000x128xf32, #tpu.memory_space<hbm>>) target(%dma_start3A_176 : memref<128x128xf32, #tpu.memory_space<vmem>>) offsets(%dma_start3A_179 : memref<128xi32, #tpu.memory_space<vmem>>) semaphore(%arg11 : memref<!tpu.dma_semaphore, #tpu.memory_space<semaphore_mem>>)
      %dma_wait3A_183 = arith.constant 1 : i32
      %dma_wait3A_184 = arith.constant 0 : i32
      %dma_wait3A_185 = arith.constant 0 : i32
      %dma_wait3A_186 = tpu.memref_slice %arg9[%dma_wait3A_183, %dma_wait3A_184, %dma_wait3A_185] : memref<2x128x128xf32, #tpu.memory_space<vmem>> -> memref<1x128x128xf32, #tpu.memory_space<vmem>>
      %dma_wait3A_187 = tpu.memref_squeeze %dma_wait3A_186 : memref<1x128x128xf32, #tpu.memory_space<vmem>> -> memref<128x128xf32, #tpu.memory_space<vmem>>
      %dma_wait3A_188 = arith.constant 0 : i32
      %dma_wait3A_189 = tpu.memref_slice %arg7[%add3A_169, %dma_wait3A_188] : memref<40x128xi32, #tpu.memory_space<vmem>> -> memref<1x128xi32, #tpu.memory_space<vmem>>
      %dma_wait3A_190 = tpu.memref_squeeze %dma_wait3A_189 : memref<1x128xi32, #tpu.memory_space<vmem>> -> memref<128xi32, #tpu.memory_space<vmem>>
      %dma_wait3A_191 = arith.constant 0 : i32
      %dma_wait3A_192 = arith.constant 0 : i32
      %dma_wait3A_193 = tpu.memref_slice %arg2[%dma_wait3A_191, %dma_wait3A_192] : memref<10000x128xf32, #tpu.memory_space<hbm>> -> memref<10000x128xf32, #tpu.memory_space<hbm>>
      tpu.wait_indirect_dma semaphore(%arg12 : memref<!tpu.dma_semaphore, #tpu.memory_space<semaphore_mem>>) src(%dma_wait3A_193 : memref<10000x128xf32, #tpu.memory_space<hbm>>) dst(%dma_wait3A_187 : memref<128x128xf32, #tpu.memory_space<vmem>>)
      %run_scoped3A_194 = arith.constant 1 : i32
      "tpu.region"() ({
        %run_scoped3A_195 = tpu.sem_alloc : memref<!tpu.dma_semaphore, #tpu.memory_space<semaphore_mem>>
        %dma_start3A_196 = arith.constant 0 : i32
        %dma_start3A_197 = arith.constant 0 : i32
        %dma_start3A_198 = tpu.memref_slice %arg9[%run_scoped3A_194, %dma_start3A_196, %dma_start3A_197] : memref<2x128x128xf32, #tpu.memory_space<vmem>> -> memref<1x128x128xf32, #tpu.memory_space<vmem>>
        %dma_start3A_199 = tpu.memref_squeeze %dma_start3A_198 : memref<1x128x128xf32, #tpu.memory_space<vmem>> -> memref<128x128xf32, #tpu.memory_space<vmem>>
        %dma_start3A_200 = arith.constant 0 : i32
        %dma_start3A_201 = tpu.memref_slice %arg8[%add3A_169, %dma_start3A_200] : memref<40x128xi32, #tpu.memory_space<vmem>> -> memref<1x128xi32, #tpu.memory_space<vmem>>
        %dma_start3A_202 = tpu.memref_squeeze %dma_start3A_201 : memref<1x128xi32, #tpu.memory_space<vmem>> -> memref<128xi32, #tpu.memory_space<vmem>>
        %dma_start3A_203 = arith.constant 0 : i32
        %dma_start3A_204 = arith.constant 0 : i32
        %dma_start3A_205 = tpu.memref_slice %arg10[%dma_start3A_203, %dma_start3A_204] : memref<10112x128xf32, #tpu.memory_space<vmem_shared>> -> memref<10112x128xf32, #tpu.memory_space<vmem_shared>>
        tpu.enqueue_indirect_dma source(%dma_start3A_199 : memref<128x128xf32, #tpu.memory_space<vmem>>) target(%dma_start3A_205 : memref<10112x128xf32, #tpu.memory_space<vmem_shared>>) offsets(%dma_start3A_202 : memref<128xi32, #tpu.memory_space<vmem>>) semaphore(%run_scoped3A_195 : memref<!tpu.dma_semaphore, #tpu.memory_space<semaphore_mem>>) {add = true}
        %dma_wait3A_206 = arith.constant 0 : i32
        %dma_wait3A_207 = arith.constant 0 : i32
        %dma_wait3A_208 = tpu.memref_slice %arg9[%run_scoped3A_194, %dma_wait3A_206, %dma_wait3A_207] : memref<2x128x128xf32, #tpu.memory_space<vmem>> -> memref<1x128x128xf32, #tpu.memory_space<vmem>>
        %dma_wait3A_209 = tpu.memref_squeeze %dma_wait3A_208 : memref<1x128x128xf32, #tpu.memory_space<vmem>> -> memref<128x128xf32, #tpu.memory_space<vmem>>
        %dma_wait3A_210 = arith.constant 0 : i32
        %dma_wait3A_211 = tpu.memref_slice %arg8[%add3A_169, %dma_wait3A_210] : memref<40x128xi32, #tpu.memory_space<vmem>> -> memref<1x128xi32, #tpu.memory_space<vmem>>
        %dma_wait3A_212 = tpu.memref_squeeze %dma_wait3A_211 : memref<1x128xi32, #tpu.memory_space<vmem>> -> memref<128xi32, #tpu.memory_space<vmem>>
        %dma_wait3A_213 = arith.constant 0 : i32
        %dma_wait3A_214 = arith.constant 0 : i32
        %dma_wait3A_215 = tpu.memref_slice %arg10[%dma_wait3A_213, %dma_wait3A_214] : memref<10112x128xf32, #tpu.memory_space<vmem_shared>> -> memref<10112x128xf32, #tpu.memory_space<vmem_shared>>
        tpu.wait_indirect_dma semaphore(%run_scoped3A_195 : memref<!tpu.dma_semaphore, #tpu.memory_space<semaphore_mem>>) src(%dma_wait3A_209 : memref<128x128xf32, #tpu.memory_space<vmem>>) dst(%dma_wait3A_215 : memref<10112x128xf32, #tpu.memory_space<vmem_shared>>)
        tpu.yield
      }) : () -> ()
    }
    %scan3A_90 = arith.constant 19 : i32
    %dma_start3A_91 = arith.constant 39 : i32
    %dma_start3A_92 = arith.constant 1 : i32
    %dma_start3A_93 = arith.constant 0 : i32
    %dma_start3A_94 = arith.constant 0 : i32
    %dma_start3A_95 = tpu.memref_slice %arg9[%dma_start3A_92, %dma_start3A_93, %dma_start3A_94] : memref<2x128x128xf32, #tpu.memory_space<vmem>> -> memref<1x128x128xf32, #tpu.memory_space<vmem>>
    %dma_start3A_96 = tpu.memref_squeeze %dma_start3A_95 : memref<1x128x128xf32, #tpu.memory_space<vmem>> -> memref<128x128xf32, #tpu.memory_space<vmem>>
    %dma_start3A_97 = arith.constant 0 : i32
    %dma_start3A_98 = tpu.memref_slice %arg7[%dma_start3A_91, %dma_start3A_97] : memref<40x128xi32, #tpu.memory_space<vmem>> -> memref<1x128xi32, #tpu.memory_space<vmem>>
    %dma_start3A_99 = tpu.memref_squeeze %dma_start3A_98 : memref<1x128xi32, #tpu.memory_space<vmem>> -> memref<128xi32, #tpu.memory_space<vmem>>
    %dma_start3A_100 = arith.constant 0 : i32
    %dma_start3A_101 = arith.constant 0 : i32
    %dma_start3A_102 = tpu.memref_slice %arg2[%dma_start3A_100, %dma_start3A_101] : memref<10000x128xf32, #tpu.memory_space<hbm>> -> memref<10000x128xf32, #tpu.memory_space<hbm>>
    tpu.enqueue_indirect_dma source(%dma_start3A_102 : memref<10000x128xf32, #tpu.memory_space<hbm>>) target(%dma_start3A_96 : memref<128x128xf32, #tpu.memory_space<vmem>>) offsets(%dma_start3A_99 : memref<128xi32, #tpu.memory_space<vmem>>) semaphore(%arg12 : memref<!tpu.dma_semaphore, #tpu.memory_space<semaphore_mem>>)
    %dma_wait3A_103 = arith.constant 38 : i32
    %dma_wait3A_104 = arith.constant 0 : i32
    %dma_wait3A_105 = arith.constant 0 : i32
    %dma_wait3A_106 = arith.constant 0 : i32
    %dma_wait3A_107 = tpu.memref_slice %arg9[%dma_wait3A_104, %dma_wait3A_105, %dma_wait3A_106] : memref<2x128x128xf32, #tpu.memory_space<vmem>> -> memref<1x128x128xf32, #tpu.memory_space<vmem>>
    %dma_wait3A_108 = tpu.memref_squeeze %dma_wait3A_107 : memref<1x128x128xf32, #tpu.memory_space<vmem>> -> memref<128x128xf32, #tpu.memory_space<vmem>>
    %dma_wait3A_109 = arith.constant 0 : i32
    %dma_wait3A_110 = tpu.memref_slice %arg7[%dma_wait3A_103, %dma_wait3A_109] : memref<40x128xi32, #tpu.memory_space<vmem>> -> memref<1x128xi32, #tpu.memory_space<vmem>>
    %dma_wait3A_111 = tpu.memref_squeeze %dma_wait3A_110 : memref<1x128xi32, #tpu.memory_space<vmem>> -> memref<128xi32, #tpu.memory_space<vmem>>
    %dma_wait3A_112 = arith.constant 0 : i32
    %dma_wait3A_113 = arith.constant 0 : i32
    %dma_wait3A_114 = tpu.memref_slice %arg2[%dma_wait3A_112, %dma_wait3A_113] : memref<10000x128xf32, #tpu.memory_space<hbm>> -> memref<10000x128xf32, #tpu.memory_space<hbm>>
    tpu.wait_indirect_dma semaphore(%arg11 : memref<!tpu.dma_semaphore, #tpu.memory_space<semaphore_mem>>) src(%dma_wait3A_114 : memref<10000x128xf32, #tpu.memory_space<hbm>>) dst(%dma_wait3A_108 : memref<128x128xf32, #tpu.memory_space<vmem>>)
    %run_scoped3A_115 = arith.constant 0 : i32
    %run_scoped3A_116 = arith.constant 38 : i32
    "tpu.region"() ({
      %run_scoped3A_136 = tpu.sem_alloc : memref<!tpu.dma_semaphore, #tpu.memory_space<semaphore_mem>>
      %dma_start3A_137 = arith.constant 0 : i32
      %dma_start3A_138 = arith.constant 0 : i32
      %dma_start3A_139 = tpu.memref_slice %arg9[%run_scoped3A_115, %dma_start3A_137, %dma_start3A_138] : memref<2x128x128xf32, #tpu.memory_space<vmem>> -> memref<1x128x128xf32, #tpu.memory_space<vmem>>
      %dma_start3A_140 = tpu.memref_squeeze %dma_start3A_139 : memref<1x128x128xf32, #tpu.memory_space<vmem>> -> memref<128x128xf32, #tpu.memory_space<vmem>>
      %dma_start3A_141 = arith.constant 0 : i32
      %dma_start3A_142 = tpu.memref_slice %arg8[%run_scoped3A_116, %dma_start3A_141] : memref<40x128xi32, #tpu.memory_space<vmem>> -> memref<1x128xi32, #tpu.memory_space<vmem>>
      %dma_start3A_143 = tpu.memref_squeeze %dma_start3A_142 : memref<1x128xi32, #tpu.memory_space<vmem>> -> memref<128xi32, #tpu.memory_space<vmem>>
      %dma_start3A_144 = arith.constant 0 : i32
      %dma_start3A_145 = arith.constant 0 : i32
      %dma_start3A_146 = tpu.memref_slice %arg10[%dma_start3A_144, %dma_start3A_145] : memref<10112x128xf32, #tpu.memory_space<vmem_shared>> -> memref<10112x128xf32, #tpu.memory_space<vmem_shared>>
      tpu.enqueue_indirect_dma source(%dma_start3A_140 : memref<128x128xf32, #tpu.memory_space<vmem>>) target(%dma_start3A_146 : memref<10112x128xf32, #tpu.memory_space<vmem_shared>>) offsets(%dma_start3A_143 : memref<128xi32, #tpu.memory_space<vmem>>) semaphore(%run_scoped3A_136 : memref<!tpu.dma_semaphore, #tpu.memory_space<semaphore_mem>>) {add = true}
      %dma_wait3A_147 = arith.constant 0 : i32
      %dma_wait3A_148 = arith.constant 0 : i32
      %dma_wait3A_149 = tpu.memref_slice %arg9[%run_scoped3A_115, %dma_wait3A_147, %dma_wait3A_148] : memref<2x128x128xf32, #tpu.memory_space<vmem>> -> memref<1x128x128xf32, #tpu.memory_space<vmem>>
      %dma_wait3A_150 = tpu.memref_squeeze %dma_wait3A_149 : memref<1x128x128xf32, #tpu.memory_space<vmem>> -> memref<128x128xf32, #tpu.memory_space<vmem>>
      %dma_wait3A_151 = arith.constant 0 : i32
      %dma_wait3A_152 = tpu.memref_slice %arg8[%run_scoped3A_116, %dma_wait3A_151] : memref<40x128xi32, #tpu.memory_space<vmem>> -> memref<1x128xi32, #tpu.memory_space<vmem>>
      %dma_wait3A_153 = tpu.memref_squeeze %dma_wait3A_152 : memref<1x128xi32, #tpu.memory_space<vmem>> -> memref<128xi32, #tpu.memory_space<vmem>>
      %dma_wait3A_154 = arith.constant 0 : i32
      %dma_wait3A_155 = arith.constant 0 : i32
      %dma_wait3A_156 = tpu.memref_slice %arg10[%dma_wait3A_154, %dma_wait3A_155] : memref<10112x128xf32, #tpu.memory_space<vmem_shared>> -> memref<10112x128xf32, #tpu.memory_space<vmem_shared>>
      tpu.wait_indirect_dma semaphore(%run_scoped3A_136 : memref<!tpu.dma_semaphore, #tpu.memory_space<semaphore_mem>>) src(%dma_wait3A_150 : memref<128x128xf32, #tpu.memory_space<vmem>>) dst(%dma_wait3A_156 : memref<10112x128xf32, #tpu.memory_space<vmem_shared>>)
      tpu.yield
    }) : () -> ()
    %dma_wait3A_117 = arith.constant 39 : i32
    %dma_wait3A_118 = arith.constant 1 : i32
    %dma_wait3A_119 = arith.constant 0 : i32
    %dma_wait3A_120 = arith.constant 0 : i32
    %dma_wait3A_121 = tpu.memref_slice %arg9[%dma_wait3A_118, %dma_wait3A_119, %dma_wait3A_120] : memref<2x128x128xf32, #tpu.memory_space<vmem>> -> memref<1x128x128xf32, #tpu.memory_space<vmem>>
    %dma_wait3A_122 = tpu.memref_squeeze %dma_wait3A_121 : memref<1x128x128xf32, #tpu.memory_space<vmem>> -> memref<128x128xf32, #tpu.memory_space<vmem>>
    %dma_wait3A_123 = arith.constant 0 : i32
    %dma_wait3A_124 = tpu.memref_slice %arg7[%dma_wait3A_117, %dma_wait3A_123] : memref<40x128xi32, #tpu.memory_space<vmem>> -> memref<1x128xi32, #tpu.memory_space<vmem>>
    %dma_wait3A_125 = tpu.memref_squeeze %dma_wait3A_124 : memref<1x128xi32, #tpu.memory_space<vmem>> -> memref<128xi32, #tpu.memory_space<vmem>>
    %dma_wait3A_126 = arith.constant 0 : i32
    %dma_wait3A_127 = arith.constant 0 : i32
    %dma_wait3A_128 = tpu.memref_slice %arg2[%dma_wait3A_126, %dma_wait3A_127] : memref<10000x128xf32, #tpu.memory_space<hbm>> -> memref<10000x128xf32, #tpu.memory_space<hbm>>
    tpu.wait_indirect_dma semaphore(%arg12 : memref<!tpu.dma_semaphore, #tpu.memory_space<semaphore_mem>>) src(%dma_wait3A_128 : memref<10000x128xf32, #tpu.memory_space<hbm>>) dst(%dma_wait3A_122 : memref<128x128xf32, #tpu.memory_space<vmem>>)
    %run_scoped3A_129 = arith.constant 1 : i32
    %run_scoped3A_130 = arith.constant 39 : i32
    "tpu.region"() ({
      %run_scoped3A_136 = tpu.sem_alloc : memref<!tpu.dma_semaphore, #tpu.memory_space<semaphore_mem>>
      %dma_start3A_137 = arith.constant 0 : i32
      %dma_start3A_138 = arith.constant 0 : i32
      %dma_start3A_139 = tpu.memref_slice %arg9[%run_scoped3A_129, %dma_start3A_137, %dma_start3A_138] : memref<2x128x128xf32, #tpu.memory_space<vmem>> -> memref<1x128x128xf32, #tpu.memory_space<vmem>>
      %dma_start3A_140 = tpu.memref_squeeze %dma_start3A_139 : memref<1x128x128xf32, #tpu.memory_space<vmem>> -> memref<128x128xf32, #tpu.memory_space<vmem>>
      %dma_start3A_141 = arith.constant 0 : i32
      %dma_start3A_142 = tpu.memref_slice %arg8[%run_scoped3A_130, %dma_start3A_141] : memref<40x128xi32, #tpu.memory_space<vmem>> -> memref<1x128xi32, #tpu.memory_space<vmem>>
      %dma_start3A_143 = tpu.memref_squeeze %dma_start3A_142 : memref<1x128xi32, #tpu.memory_space<vmem>> -> memref<128xi32, #tpu.memory_space<vmem>>
      %dma_start3A_144 = arith.constant 0 : i32
      %dma_start3A_145 = arith.constant 0 : i32
      %dma_start3A_146 = tpu.memref_slice %arg10[%dma_start3A_144, %dma_start3A_145] : memref<10112x128xf32, #tpu.memory_space<vmem_shared>> -> memref<10112x128xf32, #tpu.memory_space<vmem_shared>>
      tpu.enqueue_indirect_dma source(%dma_start3A_140 : memref<128x128xf32, #tpu.memory_space<vmem>>) target(%dma_start3A_146 : memref<10112x128xf32, #tpu.memory_space<vmem_shared>>) offsets(%dma_start3A_143 : memref<128xi32, #tpu.memory_space<vmem>>) semaphore(%run_scoped3A_136 : memref<!tpu.dma_semaphore, #tpu.memory_space<semaphore_mem>>) {add = true}
      %dma_wait3A_147 = arith.constant 0 : i32
      %dma_wait3A_148 = arith.constant 0 : i32
      %dma_wait3A_149 = tpu.memref_slice %arg9[%run_scoped3A_129, %dma_wait3A_147, %dma_wait3A_148] : memref<2x128x128xf32, #tpu.memory_space<vmem>> -> memref<1x128x128xf32, #tpu.memory_space<vmem>>
      %dma_wait3A_150 = tpu.memref_squeeze %dma_wait3A_149 : memref<1x128x128xf32, #tpu.memory_space<vmem>> -> memref<128x128xf32, #tpu.memory_space<vmem>>
      %dma_wait3A_151 = arith.constant 0 : i32
      %dma_wait3A_152 = tpu.memref_slice %arg8[%run_scoped3A_130, %dma_wait3A_151] : memref<40x128xi32, #tpu.memory_space<vmem>> -> memref<1x128xi32, #tpu.memory_space<vmem>>
      %dma_wait3A_153 = tpu.memref_squeeze %dma_wait3A_152 : memref<1x128xi32, #tpu.memory_space<vmem>> -> memref<128xi32, #tpu.memory_space<vmem>>
      %dma_wait3A_154 = arith.constant 0 : i32
      %dma_wait3A_155 = arith.constant 0 : i32
      %dma_wait3A_156 = tpu.memref_slice %arg10[%dma_wait3A_154, %dma_wait3A_155] : memref<10112x128xf32, #tpu.memory_space<vmem_shared>> -> memref<10112x128xf32, #tpu.memory_space<vmem_shared>>
      tpu.wait_indirect_dma semaphore(%run_scoped3A_136 : memref<!tpu.dma_semaphore, #tpu.memory_space<semaphore_mem>>) src(%dma_wait3A_150 : memref<128x128xf32, #tpu.memory_space<vmem>>) dst(%dma_wait3A_156 : memref<10112x128xf32, #tpu.memory_space<vmem_shared>>)
      tpu.yield
    }) : () -> ()
    %barrier3A_131 = arith.constant 0 : index
    tpu.barrier barrier_id(%barrier3A_131)
    %mul3A_132 = arith.constant 632 : i32
    %mul3A_133 = arith.muli %arg1, %mul3A_132 : i32
    %mul3A_134 = arith.constant 632 : i32
    %mul3A_135 = arith.muli %arg1, %mul3A_134 : i32
    "tpu.region"() ({
      %run_scoped3A_136 = tpu.sem_alloc : memref<!tpu.dma_semaphore, #tpu.memory_space<semaphore_mem>>
      %dma_start3A_137 = arith.constant 0 : i32
      %dma_start3A_138 = tpu.memref_slice %arg6[%arg0, %mul3A_135, %dma_start3A_137] : memref<2x10112x128xf32, #tpu.memory_space<hbm>> -> memref<1x632x128xf32, #tpu.memory_space<hbm>>
      %dma_start3A_139 = tpu.memref_squeeze %dma_start3A_138 : memref<1x632x128xf32, #tpu.memory_space<hbm>> -> memref<632x128xf32, #tpu.memory_space<hbm>>
      %dma_start3A_140 = arith.constant 0 : i32
      %dma_start3A_141 = tpu.memref_slice %arg10[%mul3A_133, %dma_start3A_140] : memref<10112x128xf32, #tpu.memory_space<vmem_shared>> -> memref<632x128xf32, #tpu.memory_space<vmem_shared>>
      tpu.enqueue_dma source(%dma_start3A_141 : memref<632x128xf32, #tpu.memory_space<vmem_shared>>) target(%dma_start3A_139 : memref<632x128xf32, #tpu.memory_space<hbm>>) target_semaphore(%run_scoped3A_136 : memref<!tpu.dma_semaphore, #tpu.memory_space<semaphore_mem>>)
      %dma_wait3A_142 = arith.constant 0 : i32
      %dma_wait3A_143 = tpu.memref_slice %arg6[%arg0, %mul3A_135, %dma_wait3A_142] : memref<2x10112x128xf32, #tpu.memory_space<hbm>> -> memref<1x632x128xf32, #tpu.memory_space<hbm>>
      %dma_wait3A_144 = tpu.memref_squeeze %dma_wait3A_143 : memref<1x632x128xf32, #tpu.memory_space<hbm>> -> memref<632x128xf32, #tpu.memory_space<hbm>>
      %dma_wait3A_145 = arith.constant 0 : i32
      %dma_wait3A_146 = tpu.memref_slice %arg10[%mul3A_133, %dma_wait3A_145] : memref<10112x128xf32, #tpu.memory_space<vmem_shared>> -> memref<632x128xf32, #tpu.memory_space<vmem_shared>>
      tpu.wait_dma2 semaphore(%run_scoped3A_136 : memref<!tpu.dma_semaphore, #tpu.memory_space<semaphore_mem>>) src(%dma_wait3A_146 : memref<632x128xf32, #tpu.memory_space<vmem_shared>>) dst(%dma_wait3A_144 : memref<632x128xf32, #tpu.memory_space<hbm>>)
      tpu.yield
    }) : () -> ()
    return
  }
}

#map = affine_map<(d0, d1) -> (0, 0)>
#map1 = affine_map<(d0, d1) -> (0, 0, 0)>
module attributes {stable_mosaic.version = 14 : i64} {
  func.func @sc_spmm(%arg0: i32, %arg1: i32, %arg2: memref<10000x128xf32, #tpu.memory_space<hbm>>, %arg3: memref<2560x128xi32, #tpu.memory_space<hbm>>, %arg4: memref<2560x128xi32, #tpu.memory_space<hbm>>, %arg5: memref<632x128xf32, #tpu.memory_space<hbm>>, %arg6: memref<2x10112x128xf32, #tpu.memory_space<hbm>>, %arg7: memref<40x128xi32, #tpu.memory_space<vmem>>, %arg8: memref<40x128xi32, #tpu.memory_space<vmem>>, %arg9: memref<2x128x128xf32, #tpu.memory_space<vmem>>, %arg10: memref<10112x128xf32, #tpu.memory_space<vmem_shared>>, %arg11: memref<!tpu.dma_semaphore, #tpu.memory_space<semaphore_mem>>, %arg12: memref<!tpu.dma_semaphore, #tpu.memory_space<semaphore_mem>>) attributes {dimension_semantics = [#tpu.dimension_semantics<core_parallel>, #tpu.dimension_semantics<subcore_parallel>], iteration_bounds = array<i64: 2, 16>, scalar_prefetch = 0 : i64, scratch_operands = 6 : i64, tpu.core_type = #tpu.core_type<sc_vector_subcore>, window_params = [{transform_indices = #map}, {transform_indices = #map}, {transform_indices = #map}, {transform_indices = #map}, {transform_indices = #map1}]} {
    %mul3A = arith.constant 2 : i32
    %mul3A_0 = arith.muli %arg1, %mul3A : i32
    %add3A = arith.addi %mul3A_0, %arg0 : i32
    %mul3A_1 = arith.constant 632 : i32
    %mul3A_2 = arith.muli %arg1, %mul3A_1 : i32
    "tpu.region"() ({
      %run_scoped3A_136 = tpu.sem_alloc : memref<!tpu.dma_semaphore, #tpu.memory_space<semaphore_mem>>
      %dma_start3A_137 = arith.constant 0 : i32
      %dma_start3A_138 = tpu.memref_slice %arg10[%mul3A_2, %dma_start3A_137] : memref<10112x128xf32, #tpu.memory_space<vmem_shared>> -> memref<632x128xf32, #tpu.memory_space<vmem_shared>>
      tpu.enqueue_dma source(%arg5 : memref<632x128xf32, #tpu.memory_space<hbm>>) target(%dma_start3A_138 : memref<632x128xf32, #tpu.memory_space<vmem_shared>>) target_semaphore(%run_scoped3A_136 : memref<!tpu.dma_semaphore, #tpu.memory_space<semaphore_mem>>)
      %dma_wait3A_139 = arith.constant 0 : i32
      %dma_wait3A_140 = tpu.memref_slice %arg10[%mul3A_2, %dma_wait3A_139] : memref<10112x128xf32, #tpu.memory_space<vmem_shared>> -> memref<632x128xf32, #tpu.memory_space<vmem_shared>>
      tpu.wait_dma2 semaphore(%run_scoped3A_136 : memref<!tpu.dma_semaphore, #tpu.memory_space<semaphore_mem>>) src(%arg5 : memref<632x128xf32, #tpu.memory_space<hbm>>) dst(%dma_wait3A_140 : memref<632x128xf32, #tpu.memory_space<vmem_shared>>)
      tpu.yield
    }) : () -> ()
    %barrier3A = arith.constant 0 : index
    tpu.barrier barrier_id(%barrier3A)
    %mul3A_3 = arith.constant 80 : i32
    %mul3A_4 = arith.muli %add3A, %mul3A_3 : i32
    %add3A_5 = arith.constant 0 : i32
    %add3A_6 = arith.addi %mul3A_4, %add3A_5 : i32
    "tpu.region"() ({
      %run_scoped3A_136 = tpu.sem_alloc : memref<!tpu.dma_semaphore, #tpu.memory_space<semaphore_mem>>
      %dma_start3A_137 = arith.constant 0 : i32
      %dma_start3A_138 = tpu.memref_slice %arg3[%add3A_6, %dma_start3A_137] : memref<2560x128xi32, #tpu.memory_space<hbm>> -> memref<40x128xi32, #tpu.memory_space<hbm>>
      %dma_start3A_139 = arith.constant 0 : i32
      %dma_start3A_140 = tpu.memref_slice %arg3[%add3A_6, %dma_start3A_139] : memref<2560x128xi32, #tpu.memory_space<hbm>> -> memref<40x128xi32, #tpu.memory_space<hbm>>
      tpu.enqueue_dma source(%dma_start3A_140 : memref<40x128xi32, #tpu.memory_space<hbm>>) target(%arg7 : memref<40x128xi32, #tpu.memory_space<vmem>>) target_semaphore(%run_scoped3A_136 : memref<!tpu.dma_semaphore, #tpu.memory_space<semaphore_mem>>)
      %dma_wait3A_141 = arith.constant 0 : i32
      %dma_wait3A_142 = tpu.memref_slice %arg3[%add3A_6, %dma_wait3A_141] : memref<2560x128xi32, #tpu.memory_space<hbm>> -> memref<40x128xi32, #tpu.memory_space<hbm>>
      %dma_wait3A_143 = arith.constant 0 : i32
      %dma_wait3A_144 = tpu.memref_slice %arg3[%add3A_6, %dma_wait3A_143] : memref<2560x128xi32, #tpu.memory_space<hbm>> -> memref<40x128xi32, #tpu.memory_space<hbm>>
      tpu.wait_dma2 semaphore(%run_scoped3A_136 : memref<!tpu.dma_semaphore, #tpu.memory_space<semaphore_mem>>) src(%dma_wait3A_144 : memref<40x128xi32, #tpu.memory_space<hbm>>) dst(%arg7 : memref<40x128xi32, #tpu.memory_space<vmem>>)
      tpu.yield
    }) : () -> ()
    %mul3A_7 = arith.constant 80 : i32
    %mul3A_8 = arith.muli %add3A, %mul3A_7 : i32
    %add3A_9 = arith.constant 0 : i32
    %add3A_10 = arith.addi %mul3A_8, %add3A_9 : i32
    "tpu.region"() ({
      %run_scoped3A_136 = tpu.sem_alloc : memref<!tpu.dma_semaphore, #tpu.memory_space<semaphore_mem>>
      %dma_start3A_137 = arith.constant 0 : i32
      %dma_start3A_138 = tpu.memref_slice %arg4[%add3A_10, %dma_start3A_137] : memref<2560x128xi32, #tpu.memory_space<hbm>> -> memref<40x128xi32, #tpu.memory_space<hbm>>
      %dma_start3A_139 = arith.constant 0 : i32
      %dma_start3A_140 = tpu.memref_slice %arg4[%add3A_10, %dma_start3A_139] : memref<2560x128xi32, #tpu.memory_space<hbm>> -> memref<40x128xi32, #tpu.memory_space<hbm>>
      tpu.enqueue_dma source(%dma_start3A_140 : memref<40x128xi32, #tpu.memory_space<hbm>>) target(%arg8 : memref<40x128xi32, #tpu.memory_space<vmem>>) target_semaphore(%run_scoped3A_136 : memref<!tpu.dma_semaphore, #tpu.memory_space<semaphore_mem>>)
      %dma_wait3A_141 = arith.constant 0 : i32
      %dma_wait3A_142 = tpu.memref_slice %arg4[%add3A_10, %dma_wait3A_141] : memref<2560x128xi32, #tpu.memory_space<hbm>> -> memref<40x128xi32, #tpu.memory_space<hbm>>
      %dma_wait3A_143 = arith.constant 0 : i32
      %dma_wait3A_144 = tpu.memref_slice %arg4[%add3A_10, %dma_wait3A_143] : memref<2560x128xi32, #tpu.memory_space<hbm>> -> memref<40x128xi32, #tpu.memory_space<hbm>>
      tpu.wait_dma2 semaphore(%run_scoped3A_136 : memref<!tpu.dma_semaphore, #tpu.memory_space<semaphore_mem>>) src(%dma_wait3A_144 : memref<40x128xi32, #tpu.memory_space<hbm>>) dst(%arg8 : memref<40x128xi32, #tpu.memory_space<vmem>>)
      tpu.yield
    }) : () -> ()
    %dma_start3A = arith.constant 0 : i32
    %dma_start3A_11 = arith.constant 0 : i32
    %dma_start3A_12 = arith.constant 0 : i32
    %dma_start3A_13 = arith.constant 0 : i32
    %dma_start3A_14 = tpu.memref_slice %arg9[%dma_start3A_11, %dma_start3A_12, %dma_start3A_13] : memref<2x128x128xf32, #tpu.memory_space<vmem>> -> memref<1x128x128xf32, #tpu.memory_space<vmem>>
    %dma_start3A_15 = tpu.memref_squeeze %dma_start3A_14 : memref<1x128x128xf32, #tpu.memory_space<vmem>> -> memref<128x128xf32, #tpu.memory_space<vmem>>
    %dma_start3A_16 = arith.constant 0 : i32
    %dma_start3A_17 = tpu.memref_slice %arg7[%dma_start3A, %dma_start3A_16] : memref<40x128xi32, #tpu.memory_space<vmem>> -> memref<1x128xi32, #tpu.memory_space<vmem>>
    %dma_start3A_18 = tpu.memref_squeeze %dma_start3A_17 : memref<1x128xi32, #tpu.memory_space<vmem>> -> memref<128xi32, #tpu.memory_space<vmem>>
    %dma_start3A_19 = arith.constant 0 : i32
    %dma_start3A_20 = arith.constant 0 : i32
    %dma_start3A_21 = tpu.memref_slice %arg2[%dma_start3A_19, %dma_start3A_20] : memref<10000x128xf32, #tpu.memory_space<hbm>> -> memref<10000x128xf32, #tpu.memory_space<hbm>>
    tpu.enqueue_indirect_dma source(%dma_start3A_21 : memref<10000x128xf32, #tpu.memory_space<hbm>>) target(%dma_start3A_15 : memref<128x128xf32, #tpu.memory_space<vmem>>) offsets(%dma_start3A_18 : memref<128xi32, #tpu.memory_space<vmem>>) semaphore(%arg11 : memref<!tpu.dma_semaphore, #tpu.memory_space<semaphore_mem>>)
    %scan3A = arith.constant 0 : i32
    %scan3A_22 = arith.constant 0 : i32
    %scan3A_23 = arith.constant 19 : i32
    %scan3A_24 = arith.addi %scan3A_22, %scan3A_23 : i32
    %scan3A_25 = arith.constant 1 : i32
    scf.for %scan3A_136 = %scan3A_22 to %scan3A_24 step %scan3A_25  : i32 {
      %mul3A_137 = arith.constant 2 : i32
      %mul3A_138 = arith.muli %scan3A_136, %mul3A_137 : i32
      %add3A_139 = arith.constant 0 : i32
      %add3A_140 = arith.addi %mul3A_138, %add3A_139 : i32
      %add3A_141 = arith.constant 1 : i32
      %add3A_142 = arith.addi %add3A_140, %add3A_141 : i32
      %dma_start3A_143 = arith.constant 1 : i32
      %dma_start3A_144 = arith.constant 0 : i32
      %dma_start3A_145 = arith.constant 0 : i32
      %dma_start3A_146 = tpu.memref_slice %arg9[%dma_start3A_143, %dma_start3A_144, %dma_start3A_145] : memref<2x128x128xf32, #tpu.memory_space<vmem>> -> memref<1x128x128xf32, #tpu.memory_space<vmem>>
      %dma_start3A_147 = tpu.memref_squeeze %dma_start3A_146 : memref<1x128x128xf32, #tpu.memory_space<vmem>> -> memref<128x128xf32, #tpu.memory_space<vmem>>
      %dma_start3A_148 = arith.constant 0 : i32
      %dma_start3A_149 = tpu.memref_slice %arg7[%add3A_142, %dma_start3A_148] : memref<40x128xi32, #tpu.memory_space<vmem>> -> memref<1x128xi32, #tpu.memory_space<vmem>>
      %dma_start3A_150 = tpu.memref_squeeze %dma_start3A_149 : memref<1x128xi32, #tpu.memory_space<vmem>> -> memref<128xi32, #tpu.memory_space<vmem>>
      %dma_start3A_151 = arith.constant 0 : i32
      %dma_start3A_152 = arith.constant 0 : i32
      %dma_start3A_153 = tpu.memref_slice %arg2[%dma_start3A_151, %dma_start3A_152] : memref<10000x128xf32, #tpu.memory_space<hbm>> -> memref<10000x128xf32, #tpu.memory_space<hbm>>
      tpu.enqueue_indirect_dma source(%dma_start3A_153 : memref<10000x128xf32, #tpu.memory_space<hbm>>) target(%dma_start3A_147 : memref<128x128xf32, #tpu.memory_space<vmem>>) offsets(%dma_start3A_150 : memref<128xi32, #tpu.memory_space<vmem>>) semaphore(%arg12 : memref<!tpu.dma_semaphore, #tpu.memory_space<semaphore_mem>>)
      %dma_wait3A_154 = arith.constant 0 : i32
      %dma_wait3A_155 = arith.constant 0 : i32
      %dma_wait3A_156 = arith.constant 0 : i32
      %dma_wait3A_157 = tpu.memref_slice %arg9[%dma_wait3A_154, %dma_wait3A_155, %dma_wait3A_156] : memref<2x128x128xf32, #tpu.memory_space<vmem>> -> memref<1x128x128xf32, #tpu.memory_space<vmem>>
      %dma_wait3A_158 = tpu.memref_squeeze %dma_wait3A_157 : memref<1x128x128xf32, #tpu.memory_space<vmem>> -> memref<128x128xf32, #tpu.memory_space<vmem>>
      %dma_wait3A_159 = arith.constant 0 : i32
      %dma_wait3A_160 = tpu.memref_slice %arg7[%add3A_140, %dma_wait3A_159] : memref<40x128xi32, #tpu.memory_space<vmem>> -> memref<1x128xi32, #tpu.memory_space<vmem>>
      %dma_wait3A_161 = tpu.memref_squeeze %dma_wait3A_160 : memref<1x128xi32, #tpu.memory_space<vmem>> -> memref<128xi32, #tpu.memory_space<vmem>>
      %dma_wait3A_162 = arith.constant 0 : i32
      %dma_wait3A_163 = arith.constant 0 : i32
      %dma_wait3A_164 = tpu.memref_slice %arg2[%dma_wait3A_162, %dma_wait3A_163] : memref<10000x128xf32, #tpu.memory_space<hbm>> -> memref<10000x128xf32, #tpu.memory_space<hbm>>
      tpu.wait_indirect_dma semaphore(%arg11 : memref<!tpu.dma_semaphore, #tpu.memory_space<semaphore_mem>>) src(%dma_wait3A_164 : memref<10000x128xf32, #tpu.memory_space<hbm>>) dst(%dma_wait3A_158 : memref<128x128xf32, #tpu.memory_space<vmem>>)
      %run_scoped3A_165 = arith.constant 0 : i32
      "tpu.region"() ({
        %run_scoped3A_195 = tpu.sem_alloc : memref<!tpu.dma_semaphore, #tpu.memory_space<semaphore_mem>>
        %dma_start3A_196 = arith.constant 0 : i32
        %dma_start3A_197 = arith.constant 0 : i32
        %dma_start3A_198 = tpu.memref_slice %arg9[%run_scoped3A_165, %dma_start3A_196, %dma_start3A_197] : memref<2x128x128xf32, #tpu.memory_space<vmem>> -> memref<1x128x128xf32, #tpu.memory_space<vmem>>
        %dma_start3A_199 = tpu.memref_squeeze %dma_start3A_198 : memref<1x128x128xf32, #tpu.memory_space<vmem>> -> memref<128x128xf32, #tpu.memory_space<vmem>>
        %dma_start3A_200 = arith.constant 0 : i32
        %dma_start3A_201 = tpu.memref_slice %arg8[%add3A_140, %dma_start3A_200] : memref<40x128xi32, #tpu.memory_space<vmem>> -> memref<1x128xi32, #tpu.memory_space<vmem>>
        %dma_start3A_202 = tpu.memref_squeeze %dma_start3A_201 : memref<1x128xi32, #tpu.memory_space<vmem>> -> memref<128xi32, #tpu.memory_space<vmem>>
        %dma_start3A_203 = arith.constant 0 : i32
        %dma_start3A_204 = arith.constant 0 : i32
        %dma_start3A_205 = tpu.memref_slice %arg10[%dma_start3A_203, %dma_start3A_204] : memref<10112x128xf32, #tpu.memory_space<vmem_shared>> -> memref<10112x128xf32, #tpu.memory_space<vmem_shared>>
        tpu.enqueue_indirect_dma source(%dma_start3A_199 : memref<128x128xf32, #tpu.memory_space<vmem>>) target(%dma_start3A_205 : memref<10112x128xf32, #tpu.memory_space<vmem_shared>>) offsets(%dma_start3A_202 : memref<128xi32, #tpu.memory_space<vmem>>) semaphore(%run_scoped3A_195 : memref<!tpu.dma_semaphore, #tpu.memory_space<semaphore_mem>>) {add = true}
        %dma_wait3A_206 = arith.constant 0 : i32
        %dma_wait3A_207 = arith.constant 0 : i32
        %dma_wait3A_208 = tpu.memref_slice %arg9[%run_scoped3A_165, %dma_wait3A_206, %dma_wait3A_207] : memref<2x128x128xf32, #tpu.memory_space<vmem>> -> memref<1x128x128xf32, #tpu.memory_space<vmem>>
        %dma_wait3A_209 = tpu.memref_squeeze %dma_wait3A_208 : memref<1x128x128xf32, #tpu.memory_space<vmem>> -> memref<128x128xf32, #tpu.memory_space<vmem>>
        %dma_wait3A_210 = arith.constant 0 : i32
        %dma_wait3A_211 = tpu.memref_slice %arg8[%add3A_140, %dma_wait3A_210] : memref<40x128xi32, #tpu.memory_space<vmem>> -> memref<1x128xi32, #tpu.memory_space<vmem>>
        %dma_wait3A_212 = tpu.memref_squeeze %dma_wait3A_211 : memref<1x128xi32, #tpu.memory_space<vmem>> -> memref<128xi32, #tpu.memory_space<vmem>>
        %dma_wait3A_213 = arith.constant 0 : i32
        %dma_wait3A_214 = arith.constant 0 : i32
        %dma_wait3A_215 = tpu.memref_slice %arg10[%dma_wait3A_213, %dma_wait3A_214] : memref<10112x128xf32, #tpu.memory_space<vmem_shared>> -> memref<10112x128xf32, #tpu.memory_space<vmem_shared>>
        tpu.wait_indirect_dma semaphore(%run_scoped3A_195 : memref<!tpu.dma_semaphore, #tpu.memory_space<semaphore_mem>>) src(%dma_wait3A_209 : memref<128x128xf32, #tpu.memory_space<vmem>>) dst(%dma_wait3A_215 : memref<10112x128xf32, #tpu.memory_space<vmem_shared>>)
        tpu.yield
      }) : () -> ()
      %mul3A_166 = arith.constant 2 : i32
      %mul3A_167 = arith.muli %scan3A_136, %mul3A_166 : i32
      %add3A_168 = arith.constant 1 : i32
      %add3A_169 = arith.addi %mul3A_167, %add3A_168 : i32
      %add3A_170 = arith.constant 1 : i32
      %add3A_171 = arith.addi %add3A_169, %add3A_170 : i32
      %dma_start3A_172 = arith.constant 0 : i32
      %dma_start3A_173 = arith.constant 0 : i32
      %dma_start3A_174 = arith.constant 0 : i32
      %dma_start3A_175 = tpu.memref_slice %arg9[%dma_start3A_172, %dma_start3A_173, %dma_start3A_174] : memref<2x128x128xf32, #tpu.memory_space<vmem>> -> memref<1x128x128xf32, #tpu.memory_space<vmem>>
      %dma_start3A_176 = tpu.memref_squeeze %dma_start3A_175 : memref<1x128x128xf32, #tpu.memory_space<vmem>> -> memref<128x128xf32, #tpu.memory_space<vmem>>
      %dma_start3A_177 = arith.constant 0 : i32
      %dma_start3A_178 = tpu.memref_slice %arg7[%add3A_171, %dma_start3A_177] : memref<40x128xi32, #tpu.memory_space<vmem>> -> memref<1x128xi32, #tpu.memory_space<vmem>>
      %dma_start3A_179 = tpu.memref_squeeze %dma_start3A_178 : memref<1x128xi32, #tpu.memory_space<vmem>> -> memref<128xi32, #tpu.memory_space<vmem>>
      %dma_start3A_180 = arith.constant 0 : i32
      %dma_start3A_181 = arith.constant 0 : i32
      %dma_start3A_182 = tpu.memref_slice %arg2[%dma_start3A_180, %dma_start3A_181] : memref<10000x128xf32, #tpu.memory_space<hbm>> -> memref<10000x128xf32, #tpu.memory_space<hbm>>
      tpu.enqueue_indirect_dma source(%dma_start3A_182 : memref<10000x128xf32, #tpu.memory_space<hbm>>) target(%dma_start3A_176 : memref<128x128xf32, #tpu.memory_space<vmem>>) offsets(%dma_start3A_179 : memref<128xi32, #tpu.memory_space<vmem>>) semaphore(%arg11 : memref<!tpu.dma_semaphore, #tpu.memory_space<semaphore_mem>>)
      %dma_wait3A_183 = arith.constant 1 : i32
      %dma_wait3A_184 = arith.constant 0 : i32
      %dma_wait3A_185 = arith.constant 0 : i32
      %dma_wait3A_186 = tpu.memref_slice %arg9[%dma_wait3A_183, %dma_wait3A_184, %dma_wait3A_185] : memref<2x128x128xf32, #tpu.memory_space<vmem>> -> memref<1x128x128xf32, #tpu.memory_space<vmem>>
      %dma_wait3A_187 = tpu.memref_squeeze %dma_wait3A_186 : memref<1x128x128xf32, #tpu.memory_space<vmem>> -> memref<128x128xf32, #tpu.memory_space<vmem>>
      %dma_wait3A_188 = arith.constant 0 : i32
      %dma_wait3A_189 = tpu.memref_slice %arg7[%add3A_169, %dma_wait3A_188] : memref<40x128xi32, #tpu.memory_space<vmem>> -> memref<1x128xi32, #tpu.memory_space<vmem>>
      %dma_wait3A_190 = tpu.memref_squeeze %dma_wait3A_189 : memref<1x128xi32, #tpu.memory_space<vmem>> -> memref<128xi32, #tpu.memory_space<vmem>>
      %dma_wait3A_191 = arith.constant 0 : i32
      %dma_wait3A_192 = arith.constant 0 : i32
      %dma_wait3A_193 = tpu.memref_slice %arg2[%dma_wait3A_191, %dma_wait3A_192] : memref<10000x128xf32, #tpu.memory_space<hbm>> -> memref<10000x128xf32, #tpu.memory_space<hbm>>
      tpu.wait_indirect_dma semaphore(%arg12 : memref<!tpu.dma_semaphore, #tpu.memory_space<semaphore_mem>>) src(%dma_wait3A_193 : memref<10000x128xf32, #tpu.memory_space<hbm>>) dst(%dma_wait3A_187 : memref<128x128xf32, #tpu.memory_space<vmem>>)
      %run_scoped3A_194 = arith.constant 1 : i32
      "tpu.region"() ({
        %run_scoped3A_195 = tpu.sem_alloc : memref<!tpu.dma_semaphore, #tpu.memory_space<semaphore_mem>>
        %dma_start3A_196 = arith.constant 0 : i32
        %dma_start3A_197 = arith.constant 0 : i32
        %dma_start3A_198 = tpu.memref_slice %arg9[%run_scoped3A_194, %dma_start3A_196, %dma_start3A_197] : memref<2x128x128xf32, #tpu.memory_space<vmem>> -> memref<1x128x128xf32, #tpu.memory_space<vmem>>
        %dma_start3A_199 = tpu.memref_squeeze %dma_start3A_198 : memref<1x128x128xf32, #tpu.memory_space<vmem>> -> memref<128x128xf32, #tpu.memory_space<vmem>>
        %dma_start3A_200 = arith.constant 0 : i32
        %dma_start3A_201 = tpu.memref_slice %arg8[%add3A_169, %dma_start3A_200] : memref<40x128xi32, #tpu.memory_space<vmem>> -> memref<1x128xi32, #tpu.memory_space<vmem>>
        %dma_start3A_202 = tpu.memref_squeeze %dma_start3A_201 : memref<1x128xi32, #tpu.memory_space<vmem>> -> memref<128xi32, #tpu.memory_space<vmem>>
        %dma_start3A_203 = arith.constant 0 : i32
        %dma_start3A_204 = arith.constant 0 : i32
        %dma_start3A_205 = tpu.memref_slice %arg10[%dma_start3A_203, %dma_start3A_204] : memref<10112x128xf32, #tpu.memory_space<vmem_shared>> -> memref<10112x128xf32, #tpu.memory_space<vmem_shared>>
        tpu.enqueue_indirect_dma source(%dma_start3A_199 : memref<128x128xf32, #tpu.memory_space<vmem>>) target(%dma_start3A_205 : memref<10112x128xf32, #tpu.memory_space<vmem_shared>>) offsets(%dma_start3A_202 : memref<128xi32, #tpu.memory_space<vmem>>) semaphore(%run_scoped3A_195 : memref<!tpu.dma_semaphore, #tpu.memory_space<semaphore_mem>>) {add = true}
        %dma_wait3A_206 = arith.constant 0 : i32
        %dma_wait3A_207 = arith.constant 0 : i32
        %dma_wait3A_208 = tpu.memref_slice %arg9[%run_scoped3A_194, %dma_wait3A_206, %dma_wait3A_207] : memref<2x128x128xf32, #tpu.memory_space<vmem>> -> memref<1x128x128xf32, #tpu.memory_space<vmem>>
        %dma_wait3A_209 = tpu.memref_squeeze %dma_wait3A_208 : memref<1x128x128xf32, #tpu.memory_space<vmem>> -> memref<128x128xf32, #tpu.memory_space<vmem>>
        %dma_wait3A_210 = arith.constant 0 : i32
        %dma_wait3A_211 = tpu.memref_slice %arg8[%add3A_169, %dma_wait3A_210] : memref<40x128xi32, #tpu.memory_space<vmem>> -> memref<1x128xi32, #tpu.memory_space<vmem>>
        %dma_wait3A_212 = tpu.memref_squeeze %dma_wait3A_211 : memref<1x128xi32, #tpu.memory_space<vmem>> -> memref<128xi32, #tpu.memory_space<vmem>>
        %dma_wait3A_213 = arith.constant 0 : i32
        %dma_wait3A_214 = arith.constant 0 : i32
        %dma_wait3A_215 = tpu.memref_slice %arg10[%dma_wait3A_213, %dma_wait3A_214] : memref<10112x128xf32, #tpu.memory_space<vmem_shared>> -> memref<10112x128xf32, #tpu.memory_space<vmem_shared>>
        tpu.wait_indirect_dma semaphore(%run_scoped3A_195 : memref<!tpu.dma_semaphore, #tpu.memory_space<semaphore_mem>>) src(%dma_wait3A_209 : memref<128x128xf32, #tpu.memory_space<vmem>>) dst(%dma_wait3A_215 : memref<10112x128xf32, #tpu.memory_space<vmem_shared>>)
        tpu.yield
      }) : () -> ()
    }
    %scan3A_26 = arith.constant 19 : i32
    %dma_start3A_27 = arith.constant 39 : i32
    %dma_start3A_28 = arith.constant 1 : i32
    %dma_start3A_29 = arith.constant 0 : i32
    %dma_start3A_30 = arith.constant 0 : i32
    %dma_start3A_31 = tpu.memref_slice %arg9[%dma_start3A_28, %dma_start3A_29, %dma_start3A_30] : memref<2x128x128xf32, #tpu.memory_space<vmem>> -> memref<1x128x128xf32, #tpu.memory_space<vmem>>
    %dma_start3A_32 = tpu.memref_squeeze %dma_start3A_31 : memref<1x128x128xf32, #tpu.memory_space<vmem>> -> memref<128x128xf32, #tpu.memory_space<vmem>>
    %dma_start3A_33 = arith.constant 0 : i32
    %dma_start3A_34 = tpu.memref_slice %arg7[%dma_start3A_27, %dma_start3A_33] : memref<40x128xi32, #tpu.memory_space<vmem>> -> memref<1x128xi32, #tpu.memory_space<vmem>>
    %dma_start3A_35 = tpu.memref_squeeze %dma_start3A_34 : memref<1x128xi32, #tpu.memory_space<vmem>> -> memref<128xi32, #tpu.memory_space<vmem>>
    %dma_start3A_36 = arith.constant 0 : i32
    %dma_start3A_37 = arith.constant 0 : i32
    %dma_start3A_38 = tpu.memref_slice %arg2[%dma_start3A_36, %dma_start3A_37] : memref<10000x128xf32, #tpu.memory_space<hbm>> -> memref<10000x128xf32, #tpu.memory_space<hbm>>
    tpu.enqueue_indirect_dma source(%dma_start3A_38 : memref<10000x128xf32, #tpu.memory_space<hbm>>) target(%dma_start3A_32 : memref<128x128xf32, #tpu.memory_space<vmem>>) offsets(%dma_start3A_35 : memref<128xi32, #tpu.memory_space<vmem>>) semaphore(%arg12 : memref<!tpu.dma_semaphore, #tpu.memory_space<semaphore_mem>>)
    %dma_wait3A = arith.constant 38 : i32
    %dma_wait3A_39 = arith.constant 0 : i32
    %dma_wait3A_40 = arith.constant 0 : i32
    %dma_wait3A_41 = arith.constant 0 : i32
    %dma_wait3A_42 = tpu.memref_slice %arg9[%dma_wait3A_39, %dma_wait3A_40, %dma_wait3A_41] : memref<2x128x128xf32, #tpu.memory_space<vmem>> -> memref<1x128x128xf32, #tpu.memory_space<vmem>>
    %dma_wait3A_43 = tpu.memref_squeeze %dma_wait3A_42 : memref<1x128x128xf32, #tpu.memory_space<vmem>> -> memref<128x128xf32, #tpu.memory_space<vmem>>
    %dma_wait3A_44 = arith.constant 0 : i32
    %dma_wait3A_45 = tpu.memref_slice %arg7[%dma_wait3A, %dma_wait3A_44] : memref<40x128xi32, #tpu.memory_space<vmem>> -> memref<1x128xi32, #tpu.memory_space<vmem>>
    %dma_wait3A_46 = tpu.memref_squeeze %dma_wait3A_45 : memref<1x128xi32, #tpu.memory_space<vmem>> -> memref<128xi32, #tpu.memory_space<vmem>>
    %dma_wait3A_47 = arith.constant 0 : i32
    %dma_wait3A_48 = arith.constant 0 : i32
    %dma_wait3A_49 = tpu.memref_slice %arg2[%dma_wait3A_47, %dma_wait3A_48] : memref<10000x128xf32, #tpu.memory_space<hbm>> -> memref<10000x128xf32, #tpu.memory_space<hbm>>
    tpu.wait_indirect_dma semaphore(%arg11 : memref<!tpu.dma_semaphore, #tpu.memory_space<semaphore_mem>>) src(%dma_wait3A_49 : memref<10000x128xf32, #tpu.memory_space<hbm>>) dst(%dma_wait3A_43 : memref<128x128xf32, #tpu.memory_space<vmem>>)
    %run_scoped3A = arith.constant 0 : i32
    %run_scoped3A_50 = arith.constant 38 : i32
    "tpu.region"() ({
      %run_scoped3A_136 = tpu.sem_alloc : memref<!tpu.dma_semaphore, #tpu.memory_space<semaphore_mem>>
      %dma_start3A_137 = arith.constant 0 : i32
      %dma_start3A_138 = arith.constant 0 : i32
      %dma_start3A_139 = tpu.memref_slice %arg9[%run_scoped3A, %dma_start3A_137, %dma_start3A_138] : memref<2x128x128xf32, #tpu.memory_space<vmem>> -> memref<1x128x128xf32, #tpu.memory_space<vmem>>
      %dma_start3A_140 = tpu.memref_squeeze %dma_start3A_139 : memref<1x128x128xf32, #tpu.memory_space<vmem>> -> memref<128x128xf32, #tpu.memory_space<vmem>>
      %dma_start3A_141 = arith.constant 0 : i32
      %dma_start3A_142 = tpu.memref_slice %arg8[%run_scoped3A_50, %dma_start3A_141] : memref<40x128xi32, #tpu.memory_space<vmem>> -> memref<1x128xi32, #tpu.memory_space<vmem>>
      %dma_start3A_143 = tpu.memref_squeeze %dma_start3A_142 : memref<1x128xi32, #tpu.memory_space<vmem>> -> memref<128xi32, #tpu.memory_space<vmem>>
      %dma_start3A_144 = arith.constant 0 : i32
      %dma_start3A_145 = arith.constant 0 : i32
      %dma_start3A_146 = tpu.memref_slice %arg10[%dma_start3A_144, %dma_start3A_145] : memref<10112x128xf32, #tpu.memory_space<vmem_shared>> -> memref<10112x128xf32, #tpu.memory_space<vmem_shared>>
      tpu.enqueue_indirect_dma source(%dma_start3A_140 : memref<128x128xf32, #tpu.memory_space<vmem>>) target(%dma_start3A_146 : memref<10112x128xf32, #tpu.memory_space<vmem_shared>>) offsets(%dma_start3A_143 : memref<128xi32, #tpu.memory_space<vmem>>) semaphore(%run_scoped3A_136 : memref<!tpu.dma_semaphore, #tpu.memory_space<semaphore_mem>>) {add = true}
      %dma_wait3A_147 = arith.constant 0 : i32
      %dma_wait3A_148 = arith.constant 0 : i32
      %dma_wait3A_149 = tpu.memref_slice %arg9[%run_scoped3A, %dma_wait3A_147, %dma_wait3A_148] : memref<2x128x128xf32, #tpu.memory_space<vmem>> -> memref<1x128x128xf32, #tpu.memory_space<vmem>>
      %dma_wait3A_150 = tpu.memref_squeeze %dma_wait3A_149 : memref<1x128x128xf32, #tpu.memory_space<vmem>> -> memref<128x128xf32, #tpu.memory_space<vmem>>
      %dma_wait3A_151 = arith.constant 0 : i32
      %dma_wait3A_152 = tpu.memref_slice %arg8[%run_scoped3A_50, %dma_wait3A_151] : memref<40x128xi32, #tpu.memory_space<vmem>> -> memref<1x128xi32, #tpu.memory_space<vmem>>
      %dma_wait3A_153 = tpu.memref_squeeze %dma_wait3A_152 : memref<1x128xi32, #tpu.memory_space<vmem>> -> memref<128xi32, #tpu.memory_space<vmem>>
      %dma_wait3A_154 = arith.constant 0 : i32
      %dma_wait3A_155 = arith.constant 0 : i32
      %dma_wait3A_156 = tpu.memref_slice %arg10[%dma_wait3A_154, %dma_wait3A_155] : memref<10112x128xf32, #tpu.memory_space<vmem_shared>> -> memref<10112x128xf32, #tpu.memory_space<vmem_shared>>
      tpu.wait_indirect_dma semaphore(%run_scoped3A_136 : memref<!tpu.dma_semaphore, #tpu.memory_space<semaphore_mem>>) src(%dma_wait3A_150 : memref<128x128xf32, #tpu.memory_space<vmem>>) dst(%dma_wait3A_156 : memref<10112x128xf32, #tpu.memory_space<vmem_shared>>)
      tpu.yield
    }) : () -> ()
    %dma_wait3A_51 = arith.constant 39 : i32
    %dma_wait3A_52 = arith.constant 1 : i32
    %dma_wait3A_53 = arith.constant 0 : i32
    %dma_wait3A_54 = arith.constant 0 : i32
    %dma_wait3A_55 = tpu.memref_slice %arg9[%dma_wait3A_52, %dma_wait3A_53, %dma_wait3A_54] : memref<2x128x128xf32, #tpu.memory_space<vmem>> -> memref<1x128x128xf32, #tpu.memory_space<vmem>>
    %dma_wait3A_56 = tpu.memref_squeeze %dma_wait3A_55 : memref<1x128x128xf32, #tpu.memory_space<vmem>> -> memref<128x128xf32, #tpu.memory_space<vmem>>
    %dma_wait3A_57 = arith.constant 0 : i32
    %dma_wait3A_58 = tpu.memref_slice %arg7[%dma_wait3A_51, %dma_wait3A_57] : memref<40x128xi32, #tpu.memory_space<vmem>> -> memref<1x128xi32, #tpu.memory_space<vmem>>
    %dma_wait3A_59 = tpu.memref_squeeze %dma_wait3A_58 : memref<1x128xi32, #tpu.memory_space<vmem>> -> memref<128xi32, #tpu.memory_space<vmem>>
    %dma_wait3A_60 = arith.constant 0 : i32
    %dma_wait3A_61 = arith.constant 0 : i32
    %dma_wait3A_62 = tpu.memref_slice %arg2[%dma_wait3A_60, %dma_wait3A_61] : memref<10000x128xf32, #tpu.memory_space<hbm>> -> memref<10000x128xf32, #tpu.memory_space<hbm>>
    tpu.wait_indirect_dma semaphore(%arg12 : memref<!tpu.dma_semaphore, #tpu.memory_space<semaphore_mem>>) src(%dma_wait3A_62 : memref<10000x128xf32, #tpu.memory_space<hbm>>) dst(%dma_wait3A_56 : memref<128x128xf32, #tpu.memory_space<vmem>>)
    %run_scoped3A_63 = arith.constant 1 : i32
    %run_scoped3A_64 = arith.constant 39 : i32
    "tpu.region"() ({
      %run_scoped3A_136 = tpu.sem_alloc : memref<!tpu.dma_semaphore, #tpu.memory_space<semaphore_mem>>
      %dma_start3A_137 = arith.constant 0 : i32
      %dma_start3A_138 = arith.constant 0 : i32
      %dma_start3A_139 = tpu.memref_slice %arg9[%run_scoped3A_63, %dma_start3A_137, %dma_start3A_138] : memref<2x128x128xf32, #tpu.memory_space<vmem>> -> memref<1x128x128xf32, #tpu.memory_space<vmem>>
      %dma_start3A_140 = tpu.memref_squeeze %dma_start3A_139 : memref<1x128x128xf32, #tpu.memory_space<vmem>> -> memref<128x128xf32, #tpu.memory_space<vmem>>
      %dma_start3A_141 = arith.constant 0 : i32
      %dma_start3A_142 = tpu.memref_slice %arg8[%run_scoped3A_64, %dma_start3A_141] : memref<40x128xi32, #tpu.memory_space<vmem>> -> memref<1x128xi32, #tpu.memory_space<vmem>>
      %dma_start3A_143 = tpu.memref_squeeze %dma_start3A_142 : memref<1x128xi32, #tpu.memory_space<vmem>> -> memref<128xi32, #tpu.memory_space<vmem>>
      %dma_start3A_144 = arith.constant 0 : i32
      %dma_start3A_145 = arith.constant 0 : i32
      %dma_start3A_146 = tpu.memref_slice %arg10[%dma_start3A_144, %dma_start3A_145] : memref<10112x128xf32, #tpu.memory_space<vmem_shared>> -> memref<10112x128xf32, #tpu.memory_space<vmem_shared>>
      tpu.enqueue_indirect_dma source(%dma_start3A_140 : memref<128x128xf32, #tpu.memory_space<vmem>>) target(%dma_start3A_146 : memref<10112x128xf32, #tpu.memory_space<vmem_shared>>) offsets(%dma_start3A_143 : memref<128xi32, #tpu.memory_space<vmem>>) semaphore(%run_scoped3A_136 : memref<!tpu.dma_semaphore, #tpu.memory_space<semaphore_mem>>) {add = true}
      %dma_wait3A_147 = arith.constant 0 : i32
      %dma_wait3A_148 = arith.constant 0 : i32
      %dma_wait3A_149 = tpu.memref_slice %arg9[%run_scoped3A_63, %dma_wait3A_147, %dma_wait3A_148] : memref<2x128x128xf32, #tpu.memory_space<vmem>> -> memref<1x128x128xf32, #tpu.memory_space<vmem>>
      %dma_wait3A_150 = tpu.memref_squeeze %dma_wait3A_149 : memref<1x128x128xf32, #tpu.memory_space<vmem>> -> memref<128x128xf32, #tpu.memory_space<vmem>>
      %dma_wait3A_151 = arith.constant 0 : i32
      %dma_wait3A_152 = tpu.memref_slice %arg8[%run_scoped3A_64, %dma_wait3A_151] : memref<40x128xi32, #tpu.memory_space<vmem>> -> memref<1x128xi32, #tpu.memory_space<vmem>>
      %dma_wait3A_153 = tpu.memref_squeeze %dma_wait3A_152 : memref<1x128xi32, #tpu.memory_space<vmem>> -> memref<128xi32, #tpu.memory_space<vmem>>
      %dma_wait3A_154 = arith.constant 0 : i32
      %dma_wait3A_155 = arith.constant 0 : i32
      %dma_wait3A_156 = tpu.memref_slice %arg10[%dma_wait3A_154, %dma_wait3A_155] : memref<10112x128xf32, #tpu.memory_space<vmem_shared>> -> memref<10112x128xf32, #tpu.memory_space<vmem_shared>>
      tpu.wait_indirect_dma semaphore(%run_scoped3A_136 : memref<!tpu.dma_semaphore, #tpu.memory_space<semaphore_mem>>) src(%dma_wait3A_150 : memref<128x128xf32, #tpu.memory_space<vmem>>) dst(%dma_wait3A_156 : memref<10112x128xf32, #tpu.memory_space<vmem_shared>>)
      tpu.yield
    }) : () -> ()
    %mul3A_65 = arith.constant 80 : i32
    %mul3A_66 = arith.muli %add3A, %mul3A_65 : i32
    %add3A_67 = arith.constant 40 : i32
    %add3A_68 = arith.addi %mul3A_66, %add3A_67 : i32
    "tpu.region"() ({
      %run_scoped3A_136 = tpu.sem_alloc : memref<!tpu.dma_semaphore, #tpu.memory_space<semaphore_mem>>
      %dma_start3A_137 = arith.constant 0 : i32
      %dma_start3A_138 = tpu.memref_slice %arg3[%add3A_68, %dma_start3A_137] : memref<2560x128xi32, #tpu.memory_space<hbm>> -> memref<40x128xi32, #tpu.memory_space<hbm>>
      %dma_start3A_139 = arith.constant 0 : i32
      %dma_start3A_140 = tpu.memref_slice %arg3[%add3A_68, %dma_start3A_139] : memref<2560x128xi32, #tpu.memory_space<hbm>> -> memref<40x128xi32, #tpu.memory_space<hbm>>
      tpu.enqueue_dma source(%dma_start3A_140 : memref<40x128xi32, #tpu.memory_space<hbm>>) target(%arg7 : memref<40x128xi32, #tpu.memory_space<vmem>>) target_semaphore(%run_scoped3A_136 : memref<!tpu.dma_semaphore, #tpu.memory_space<semaphore_mem>>)
      %dma_wait3A_141 = arith.constant 0 : i32
      %dma_wait3A_142 = tpu.memref_slice %arg3[%add3A_68, %dma_wait3A_141] : memref<2560x128xi32, #tpu.memory_space<hbm>> -> memref<40x128xi32, #tpu.memory_space<hbm>>
      %dma_wait3A_143 = arith.constant 0 : i32
      %dma_wait3A_144 = tpu.memref_slice %arg3[%add3A_68, %dma_wait3A_143] : memref<2560x128xi32, #tpu.memory_space<hbm>> -> memref<40x128xi32, #tpu.memory_space<hbm>>
      tpu.wait_dma2 semaphore(%run_scoped3A_136 : memref<!tpu.dma_semaphore, #tpu.memory_space<semaphore_mem>>) src(%dma_wait3A_144 : memref<40x128xi32, #tpu.memory_space<hbm>>) dst(%arg7 : memref<40x128xi32, #tpu.memory_space<vmem>>)
      tpu.yield
    }) : () -> ()
    %mul3A_69 = arith.constant 80 : i32
    %mul3A_70 = arith.muli %add3A, %mul3A_69 : i32
    %add3A_71 = arith.constant 40 : i32
    %add3A_72 = arith.addi %mul3A_70, %add3A_71 : i32
    "tpu.region"() ({
      %run_scoped3A_136 = tpu.sem_alloc : memref<!tpu.dma_semaphore, #tpu.memory_space<semaphore_mem>>
      %dma_start3A_137 = arith.constant 0 : i32
      %dma_start3A_138 = tpu.memref_slice %arg4[%add3A_72, %dma_start3A_137] : memref<2560x128xi32, #tpu.memory_space<hbm>> -> memref<40x128xi32, #tpu.memory_space<hbm>>
      %dma_start3A_139 = arith.constant 0 : i32
      %dma_start3A_140 = tpu.memref_slice %arg4[%add3A_72, %dma_start3A_139] : memref<2560x128xi32, #tpu.memory_space<hbm>> -> memref<40x128xi32, #tpu.memory_space<hbm>>
      tpu.enqueue_dma source(%dma_start3A_140 : memref<40x128xi32, #tpu.memory_space<hbm>>) target(%arg8 : memref<40x128xi32, #tpu.memory_space<vmem>>) target_semaphore(%run_scoped3A_136 : memref<!tpu.dma_semaphore, #tpu.memory_space<semaphore_mem>>)
      %dma_wait3A_141 = arith.constant 0 : i32
      %dma_wait3A_142 = tpu.memref_slice %arg4[%add3A_72, %dma_wait3A_141] : memref<2560x128xi32, #tpu.memory_space<hbm>> -> memref<40x128xi32, #tpu.memory_space<hbm>>
      %dma_wait3A_143 = arith.constant 0 : i32
      %dma_wait3A_144 = tpu.memref_slice %arg4[%add3A_72, %dma_wait3A_143] : memref<2560x128xi32, #tpu.memory_space<hbm>> -> memref<40x128xi32, #tpu.memory_space<hbm>>
      tpu.wait_dma2 semaphore(%run_scoped3A_136 : memref<!tpu.dma_semaphore, #tpu.memory_space<semaphore_mem>>) src(%dma_wait3A_144 : memref<40x128xi32, #tpu.memory_space<hbm>>) dst(%arg8 : memref<40x128xi32, #tpu.memory_space<vmem>>)
      tpu.yield
    }) : () -> ()
    %dma_start3A_73 = arith.constant 0 : i32
    %dma_start3A_74 = arith.constant 0 : i32
    %dma_start3A_75 = arith.constant 0 : i32
    %dma_start3A_76 = arith.constant 0 : i32
    %dma_start3A_77 = tpu.memref_slice %arg9[%dma_start3A_74, %dma_start3A_75, %dma_start3A_76] : memref<2x128x128xf32, #tpu.memory_space<vmem>> -> memref<1x128x128xf32, #tpu.memory_space<vmem>>
    %dma_start3A_78 = tpu.memref_squeeze %dma_start3A_77 : memref<1x128x128xf32, #tpu.memory_space<vmem>> -> memref<128x128xf32, #tpu.memory_space<vmem>>
    %dma_start3A_79 = arith.constant 0 : i32
    %dma_start3A_80 = tpu.memref_slice %arg7[%dma_start3A_73, %dma_start3A_79] : memref<40x128xi32, #tpu.memory_space<vmem>> -> memref<1x128xi32, #tpu.memory_space<vmem>>
    %dma_start3A_81 = tpu.memref_squeeze %dma_start3A_80 : memref<1x128xi32, #tpu.memory_space<vmem>> -> memref<128xi32, #tpu.memory_space<vmem>>
    %dma_start3A_82 = arith.constant 0 : i32
    %dma_start3A_83 = arith.constant 0 : i32
    %dma_start3A_84 = tpu.memref_slice %arg2[%dma_start3A_82, %dma_start3A_83] : memref<10000x128xf32, #tpu.memory_space<hbm>> -> memref<10000x128xf32, #tpu.memory_space<hbm>>
    tpu.enqueue_indirect_dma source(%dma_start3A_84 : memref<10000x128xf32, #tpu.memory_space<hbm>>) target(%dma_start3A_78 : memref<128x128xf32, #tpu.memory_space<vmem>>) offsets(%dma_start3A_81 : memref<128xi32, #tpu.memory_space<vmem>>) semaphore(%arg11 : memref<!tpu.dma_semaphore, #tpu.memory_space<semaphore_mem>>)
    %scan3A_85 = arith.constant 0 : i32
    %scan3A_86 = arith.constant 0 : i32
    %scan3A_87 = arith.constant 19 : i32
    %scan3A_88 = arith.addi %scan3A_86, %scan3A_87 : i32
    %scan3A_89 = arith.constant 1 : i32
    scf.for %scan3A_136 = %scan3A_86 to %scan3A_88 step %scan3A_89  : i32 {
      %mul3A_137 = arith.constant 2 : i32
      %mul3A_138 = arith.muli %scan3A_136, %mul3A_137 : i32
      %add3A_139 = arith.constant 0 : i32
      %add3A_140 = arith.addi %mul3A_138, %add3A_139 : i32
      %add3A_141 = arith.constant 1 : i32
      %add3A_142 = arith.addi %add3A_140, %add3A_141 : i32
      %dma_start3A_143 = arith.constant 1 : i32
      %dma_start3A_144 = arith.constant 0 : i32
      %dma_start3A_145 = arith.constant 0 : i32
      %dma_start3A_146 = tpu.memref_slice %arg9[%dma_start3A_143, %dma_start3A_144, %dma_start3A_145] : memref<2x128x128xf32, #tpu.memory_space<vmem>> -> memref<1x128x128xf32, #tpu.memory_space<vmem>>
      %dma_start3A_147 = tpu.memref_squeeze %dma_start3A_146 : memref<1x128x128xf32, #tpu.memory_space<vmem>> -> memref<128x128xf32, #tpu.memory_space<vmem>>
      %dma_start3A_148 = arith.constant 0 : i32
      %dma_start3A_149 = tpu.memref_slice %arg7[%add3A_142, %dma_start3A_148] : memref<40x128xi32, #tpu.memory_space<vmem>> -> memref<1x128xi32, #tpu.memory_space<vmem>>
      %dma_start3A_150 = tpu.memref_squeeze %dma_start3A_149 : memref<1x128xi32, #tpu.memory_space<vmem>> -> memref<128xi32, #tpu.memory_space<vmem>>
      %dma_start3A_151 = arith.constant 0 : i32
      %dma_start3A_152 = arith.constant 0 : i32
      %dma_start3A_153 = tpu.memref_slice %arg2[%dma_start3A_151, %dma_start3A_152] : memref<10000x128xf32, #tpu.memory_space<hbm>> -> memref<10000x128xf32, #tpu.memory_space<hbm>>
      tpu.enqueue_indirect_dma source(%dma_start3A_153 : memref<10000x128xf32, #tpu.memory_space<hbm>>) target(%dma_start3A_147 : memref<128x128xf32, #tpu.memory_space<vmem>>) offsets(%dma_start3A_150 : memref<128xi32, #tpu.memory_space<vmem>>) semaphore(%arg12 : memref<!tpu.dma_semaphore, #tpu.memory_space<semaphore_mem>>)
      %dma_wait3A_154 = arith.constant 0 : i32
      %dma_wait3A_155 = arith.constant 0 : i32
      %dma_wait3A_156 = arith.constant 0 : i32
      %dma_wait3A_157 = tpu.memref_slice %arg9[%dma_wait3A_154, %dma_wait3A_155, %dma_wait3A_156] : memref<2x128x128xf32, #tpu.memory_space<vmem>> -> memref<1x128x128xf32, #tpu.memory_space<vmem>>
      %dma_wait3A_158 = tpu.memref_squeeze %dma_wait3A_157 : memref<1x128x128xf32, #tpu.memory_space<vmem>> -> memref<128x128xf32, #tpu.memory_space<vmem>>
      %dma_wait3A_159 = arith.constant 0 : i32
      %dma_wait3A_160 = tpu.memref_slice %arg7[%add3A_140, %dma_wait3A_159] : memref<40x128xi32, #tpu.memory_space<vmem>> -> memref<1x128xi32, #tpu.memory_space<vmem>>
      %dma_wait3A_161 = tpu.memref_squeeze %dma_wait3A_160 : memref<1x128xi32, #tpu.memory_space<vmem>> -> memref<128xi32, #tpu.memory_space<vmem>>
      %dma_wait3A_162 = arith.constant 0 : i32
      %dma_wait3A_163 = arith.constant 0 : i32
      %dma_wait3A_164 = tpu.memref_slice %arg2[%dma_wait3A_162, %dma_wait3A_163] : memref<10000x128xf32, #tpu.memory_space<hbm>> -> memref<10000x128xf32, #tpu.memory_space<hbm>>
      tpu.wait_indirect_dma semaphore(%arg11 : memref<!tpu.dma_semaphore, #tpu.memory_space<semaphore_mem>>) src(%dma_wait3A_164 : memref<10000x128xf32, #tpu.memory_space<hbm>>) dst(%dma_wait3A_158 : memref<128x128xf32, #tpu.memory_space<vmem>>)
      %run_scoped3A_165 = arith.constant 0 : i32
      "tpu.region"() ({
        %run_scoped3A_195 = tpu.sem_alloc : memref<!tpu.dma_semaphore, #tpu.memory_space<semaphore_mem>>
        %dma_start3A_196 = arith.constant 0 : i32
        %dma_start3A_197 = arith.constant 0 : i32
        %dma_start3A_198 = tpu.memref_slice %arg9[%run_scoped3A_165, %dma_start3A_196, %dma_start3A_197] : memref<2x128x128xf32, #tpu.memory_space<vmem>> -> memref<1x128x128xf32, #tpu.memory_space<vmem>>
        %dma_start3A_199 = tpu.memref_squeeze %dma_start3A_198 : memref<1x128x128xf32, #tpu.memory_space<vmem>> -> memref<128x128xf32, #tpu.memory_space<vmem>>
        %dma_start3A_200 = arith.constant 0 : i32
        %dma_start3A_201 = tpu.memref_slice %arg8[%add3A_140, %dma_start3A_200] : memref<40x128xi32, #tpu.memory_space<vmem>> -> memref<1x128xi32, #tpu.memory_space<vmem>>
        %dma_start3A_202 = tpu.memref_squeeze %dma_start3A_201 : memref<1x128xi32, #tpu.memory_space<vmem>> -> memref<128xi32, #tpu.memory_space<vmem>>
        %dma_start3A_203 = arith.constant 0 : i32
        %dma_start3A_204 = arith.constant 0 : i32
        %dma_start3A_205 = tpu.memref_slice %arg10[%dma_start3A_203, %dma_start3A_204] : memref<10112x128xf32, #tpu.memory_space<vmem_shared>> -> memref<10112x128xf32, #tpu.memory_space<vmem_shared>>
        tpu.enqueue_indirect_dma source(%dma_start3A_199 : memref<128x128xf32, #tpu.memory_space<vmem>>) target(%dma_start3A_205 : memref<10112x128xf32, #tpu.memory_space<vmem_shared>>) offsets(%dma_start3A_202 : memref<128xi32, #tpu.memory_space<vmem>>) semaphore(%run_scoped3A_195 : memref<!tpu.dma_semaphore, #tpu.memory_space<semaphore_mem>>) {add = true}
        %dma_wait3A_206 = arith.constant 0 : i32
        %dma_wait3A_207 = arith.constant 0 : i32
        %dma_wait3A_208 = tpu.memref_slice %arg9[%run_scoped3A_165, %dma_wait3A_206, %dma_wait3A_207] : memref<2x128x128xf32, #tpu.memory_space<vmem>> -> memref<1x128x128xf32, #tpu.memory_space<vmem>>
        %dma_wait3A_209 = tpu.memref_squeeze %dma_wait3A_208 : memref<1x128x128xf32, #tpu.memory_space<vmem>> -> memref<128x128xf32, #tpu.memory_space<vmem>>
        %dma_wait3A_210 = arith.constant 0 : i32
        %dma_wait3A_211 = tpu.memref_slice %arg8[%add3A_140, %dma_wait3A_210] : memref<40x128xi32, #tpu.memory_space<vmem>> -> memref<1x128xi32, #tpu.memory_space<vmem>>
        %dma_wait3A_212 = tpu.memref_squeeze %dma_wait3A_211 : memref<1x128xi32, #tpu.memory_space<vmem>> -> memref<128xi32, #tpu.memory_space<vmem>>
        %dma_wait3A_213 = arith.constant 0 : i32
        %dma_wait3A_214 = arith.constant 0 : i32
        %dma_wait3A_215 = tpu.memref_slice %arg10[%dma_wait3A_213, %dma_wait3A_214] : memref<10112x128xf32, #tpu.memory_space<vmem_shared>> -> memref<10112x128xf32, #tpu.memory_space<vmem_shared>>
        tpu.wait_indirect_dma semaphore(%run_scoped3A_195 : memref<!tpu.dma_semaphore, #tpu.memory_space<semaphore_mem>>) src(%dma_wait3A_209 : memref<128x128xf32, #tpu.memory_space<vmem>>) dst(%dma_wait3A_215 : memref<10112x128xf32, #tpu.memory_space<vmem_shared>>)
        tpu.yield
      }) : () -> ()
      %mul3A_166 = arith.constant 2 : i32
      %mul3A_167 = arith.muli %scan3A_136, %mul3A_166 : i32
      %add3A_168 = arith.constant 1 : i32
      %add3A_169 = arith.addi %mul3A_167, %add3A_168 : i32
      %add3A_170 = arith.constant 1 : i32
      %add3A_171 = arith.addi %add3A_169, %add3A_170 : i32
      %dma_start3A_172 = arith.constant 0 : i32
      %dma_start3A_173 = arith.constant 0 : i32
      %dma_start3A_174 = arith.constant 0 : i32
      %dma_start3A_175 = tpu.memref_slice %arg9[%dma_start3A_172, %dma_start3A_173, %dma_start3A_174] : memref<2x128x128xf32, #tpu.memory_space<vmem>> -> memref<1x128x128xf32, #tpu.memory_space<vmem>>
      %dma_start3A_176 = tpu.memref_squeeze %dma_start3A_175 : memref<1x128x128xf32, #tpu.memory_space<vmem>> -> memref<128x128xf32, #tpu.memory_space<vmem>>
      %dma_start3A_177 = arith.constant 0 : i32
      %dma_start3A_178 = tpu.memref_slice %arg7[%add3A_171, %dma_start3A_177] : memref<40x128xi32, #tpu.memory_space<vmem>> -> memref<1x128xi32, #tpu.memory_space<vmem>>
      %dma_start3A_179 = tpu.memref_squeeze %dma_start3A_178 : memref<1x128xi32, #tpu.memory_space<vmem>> -> memref<128xi32, #tpu.memory_space<vmem>>
      %dma_start3A_180 = arith.constant 0 : i32
      %dma_start3A_181 = arith.constant 0 : i32
      %dma_start3A_182 = tpu.memref_slice %arg2[%dma_start3A_180, %dma_start3A_181] : memref<10000x128xf32, #tpu.memory_space<hbm>> -> memref<10000x128xf32, #tpu.memory_space<hbm>>
      tpu.enqueue_indirect_dma source(%dma_start3A_182 : memref<10000x128xf32, #tpu.memory_space<hbm>>) target(%dma_start3A_176 : memref<128x128xf32, #tpu.memory_space<vmem>>) offsets(%dma_start3A_179 : memref<128xi32, #tpu.memory_space<vmem>>) semaphore(%arg11 : memref<!tpu.dma_semaphore, #tpu.memory_space<semaphore_mem>>)
      %dma_wait3A_183 = arith.constant 1 : i32
      %dma_wait3A_184 = arith.constant 0 : i32
      %dma_wait3A_185 = arith.constant 0 : i32
      %dma_wait3A_186 = tpu.memref_slice %arg9[%dma_wait3A_183, %dma_wait3A_184, %dma_wait3A_185] : memref<2x128x128xf32, #tpu.memory_space<vmem>> -> memref<1x128x128xf32, #tpu.memory_space<vmem>>
      %dma_wait3A_187 = tpu.memref_squeeze %dma_wait3A_186 : memref<1x128x128xf32, #tpu.memory_space<vmem>> -> memref<128x128xf32, #tpu.memory_space<vmem>>
      %dma_wait3A_188 = arith.constant 0 : i32
      %dma_wait3A_189 = tpu.memref_slice %arg7[%add3A_169, %dma_wait3A_188] : memref<40x128xi32, #tpu.memory_space<vmem>> -> memref<1x128xi32, #tpu.memory_space<vmem>>
      %dma_wait3A_190 = tpu.memref_squeeze %dma_wait3A_189 : memref<1x128xi32, #tpu.memory_space<vmem>> -> memref<128xi32, #tpu.memory_space<vmem>>
      %dma_wait3A_191 = arith.constant 0 : i32
      %dma_wait3A_192 = arith.constant 0 : i32
      %dma_wait3A_193 = tpu.memref_slice %arg2[%dma_wait3A_191, %dma_wait3A_192] : memref<10000x128xf32, #tpu.memory_space<hbm>> -> memref<10000x128xf32, #tpu.memory_space<hbm>>
      tpu.wait_indirect_dma semaphore(%arg12 : memref<!tpu.dma_semaphore, #tpu.memory_space<semaphore_mem>>) src(%dma_wait3A_193 : memref<10000x128xf32, #tpu.memory_space<hbm>>) dst(%dma_wait3A_187 : memref<128x128xf32, #tpu.memory_space<vmem>>)
      %run_scoped3A_194 = arith.constant 1 : i32
      "tpu.region"() ({
        %run_scoped3A_195 = tpu.sem_alloc : memref<!tpu.dma_semaphore, #tpu.memory_space<semaphore_mem>>
        %dma_start3A_196 = arith.constant 0 : i32
        %dma_start3A_197 = arith.constant 0 : i32
        %dma_start3A_198 = tpu.memref_slice %arg9[%run_scoped3A_194, %dma_start3A_196, %dma_start3A_197] : memref<2x128x128xf32, #tpu.memory_space<vmem>> -> memref<1x128x128xf32, #tpu.memory_space<vmem>>
        %dma_start3A_199 = tpu.memref_squeeze %dma_start3A_198 : memref<1x128x128xf32, #tpu.memory_space<vmem>> -> memref<128x128xf32, #tpu.memory_space<vmem>>
        %dma_start3A_200 = arith.constant 0 : i32
        %dma_start3A_201 = tpu.memref_slice %arg8[%add3A_169, %dma_start3A_200] : memref<40x128xi32, #tpu.memory_space<vmem>> -> memref<1x128xi32, #tpu.memory_space<vmem>>
        %dma_start3A_202 = tpu.memref_squeeze %dma_start3A_201 : memref<1x128xi32, #tpu.memory_space<vmem>> -> memref<128xi32, #tpu.memory_space<vmem>>
        %dma_start3A_203 = arith.constant 0 : i32
        %dma_start3A_204 = arith.constant 0 : i32
        %dma_start3A_205 = tpu.memref_slice %arg10[%dma_start3A_203, %dma_start3A_204] : memref<10112x128xf32, #tpu.memory_space<vmem_shared>> -> memref<10112x128xf32, #tpu.memory_space<vmem_shared>>
        tpu.enqueue_indirect_dma source(%dma_start3A_199 : memref<128x128xf32, #tpu.memory_space<vmem>>) target(%dma_start3A_205 : memref<10112x128xf32, #tpu.memory_space<vmem_shared>>) offsets(%dma_start3A_202 : memref<128xi32, #tpu.memory_space<vmem>>) semaphore(%run_scoped3A_195 : memref<!tpu.dma_semaphore, #tpu.memory_space<semaphore_mem>>) {add = true}
        %dma_wait3A_206 = arith.constant 0 : i32
        %dma_wait3A_207 = arith.constant 0 : i32
        %dma_wait3A_208 = tpu.memref_slice %arg9[%run_scoped3A_194, %dma_wait3A_206, %dma_wait3A_207] : memref<2x128x128xf32, #tpu.memory_space<vmem>> -> memref<1x128x128xf32, #tpu.memory_space<vmem>>
        %dma_wait3A_209 = tpu.memref_squeeze %dma_wait3A_208 : memref<1x128x128xf32, #tpu.memory_space<vmem>> -> memref<128x128xf32, #tpu.memory_space<vmem>>
        %dma_wait3A_210 = arith.constant 0 : i32
        %dma_wait3A_211 = tpu.memref_slice %arg8[%add3A_169, %dma_wait3A_210] : memref<40x128xi32, #tpu.memory_space<vmem>> -> memref<1x128xi32, #tpu.memory_space<vmem>>
        %dma_wait3A_212 = tpu.memref_squeeze %dma_wait3A_211 : memref<1x128xi32, #tpu.memory_space<vmem>> -> memref<128xi32, #tpu.memory_space<vmem>>
        %dma_wait3A_213 = arith.constant 0 : i32
        %dma_wait3A_214 = arith.constant 0 : i32
        %dma_wait3A_215 = tpu.memref_slice %arg10[%dma_wait3A_213, %dma_wait3A_214] : memref<10112x128xf32, #tpu.memory_space<vmem_shared>> -> memref<10112x128xf32, #tpu.memory_space<vmem_shared>>
        tpu.wait_indirect_dma semaphore(%run_scoped3A_195 : memref<!tpu.dma_semaphore, #tpu.memory_space<semaphore_mem>>) src(%dma_wait3A_209 : memref<128x128xf32, #tpu.memory_space<vmem>>) dst(%dma_wait3A_215 : memref<10112x128xf32, #tpu.memory_space<vmem_shared>>)
        tpu.yield
      }) : () -> ()
    }
    %scan3A_90 = arith.constant 19 : i32
    %dma_start3A_91 = arith.constant 39 : i32
    %dma_start3A_92 = arith.constant 1 : i32
    %dma_start3A_93 = arith.constant 0 : i32
    %dma_start3A_94 = arith.constant 0 : i32
    %dma_start3A_95 = tpu.memref_slice %arg9[%dma_start3A_92, %dma_start3A_93, %dma_start3A_94] : memref<2x128x128xf32, #tpu.memory_space<vmem>> -> memref<1x128x128xf32, #tpu.memory_space<vmem>>
    %dma_start3A_96 = tpu.memref_squeeze %dma_start3A_95 : memref<1x128x128xf32, #tpu.memory_space<vmem>> -> memref<128x128xf32, #tpu.memory_space<vmem>>
    %dma_start3A_97 = arith.constant 0 : i32
    %dma_start3A_98 = tpu.memref_slice %arg7[%dma_start3A_91, %dma_start3A_97] : memref<40x128xi32, #tpu.memory_space<vmem>> -> memref<1x128xi32, #tpu.memory_space<vmem>>
    %dma_start3A_99 = tpu.memref_squeeze %dma_start3A_98 : memref<1x128xi32, #tpu.memory_space<vmem>> -> memref<128xi32, #tpu.memory_space<vmem>>
    %dma_start3A_100 = arith.constant 0 : i32
    %dma_start3A_101 = arith.constant 0 : i32
    %dma_start3A_102 = tpu.memref_slice %arg2[%dma_start3A_100, %dma_start3A_101] : memref<10000x128xf32, #tpu.memory_space<hbm>> -> memref<10000x128xf32, #tpu.memory_space<hbm>>
    tpu.enqueue_indirect_dma source(%dma_start3A_102 : memref<10000x128xf32, #tpu.memory_space<hbm>>) target(%dma_start3A_96 : memref<128x128xf32, #tpu.memory_space<vmem>>) offsets(%dma_start3A_99 : memref<128xi32, #tpu.memory_space<vmem>>) semaphore(%arg12 : memref<!tpu.dma_semaphore, #tpu.memory_space<semaphore_mem>>)
    %dma_wait3A_103 = arith.constant 38 : i32
    %dma_wait3A_104 = arith.constant 0 : i32
    %dma_wait3A_105 = arith.constant 0 : i32
    %dma_wait3A_106 = arith.constant 0 : i32
    %dma_wait3A_107 = tpu.memref_slice %arg9[%dma_wait3A_104, %dma_wait3A_105, %dma_wait3A_106] : memref<2x128x128xf32, #tpu.memory_space<vmem>> -> memref<1x128x128xf32, #tpu.memory_space<vmem>>
    %dma_wait3A_108 = tpu.memref_squeeze %dma_wait3A_107 : memref<1x128x128xf32, #tpu.memory_space<vmem>> -> memref<128x128xf32, #tpu.memory_space<vmem>>
    %dma_wait3A_109 = arith.constant 0 : i32
    %dma_wait3A_110 = tpu.memref_slice %arg7[%dma_wait3A_103, %dma_wait3A_109] : memref<40x128xi32, #tpu.memory_space<vmem>> -> memref<1x128xi32, #tpu.memory_space<vmem>>
    %dma_wait3A_111 = tpu.memref_squeeze %dma_wait3A_110 : memref<1x128xi32, #tpu.memory_space<vmem>> -> memref<128xi32, #tpu.memory_space<vmem>>
    %dma_wait3A_112 = arith.constant 0 : i32
    %dma_wait3A_113 = arith.constant 0 : i32
    %dma_wait3A_114 = tpu.memref_slice %arg2[%dma_wait3A_112, %dma_wait3A_113] : memref<10000x128xf32, #tpu.memory_space<hbm>> -> memref<10000x128xf32, #tpu.memory_space<hbm>>
    tpu.wait_indirect_dma semaphore(%arg11 : memref<!tpu.dma_semaphore, #tpu.memory_space<semaphore_mem>>) src(%dma_wait3A_114 : memref<10000x128xf32, #tpu.memory_space<hbm>>) dst(%dma_wait3A_108 : memref<128x128xf32, #tpu.memory_space<vmem>>)
    %run_scoped3A_115 = arith.constant 0 : i32
    %run_scoped3A_116 = arith.constant 38 : i32
    "tpu.region"() ({
      %run_scoped3A_136 = tpu.sem_alloc : memref<!tpu.dma_semaphore, #tpu.memory_space<semaphore_mem>>
      %dma_start3A_137 = arith.constant 0 : i32
      %dma_start3A_138 = arith.constant 0 : i32
      %dma_start3A_139 = tpu.memref_slice %arg9[%run_scoped3A_115, %dma_start3A_137, %dma_start3A_138] : memref<2x128x128xf32, #tpu.memory_space<vmem>> -> memref<1x128x128xf32, #tpu.memory_space<vmem>>
      %dma_start3A_140 = tpu.memref_squeeze %dma_start3A_139 : memref<1x128x128xf32, #tpu.memory_space<vmem>> -> memref<128x128xf32, #tpu.memory_space<vmem>>
      %dma_start3A_141 = arith.constant 0 : i32
      %dma_start3A_142 = tpu.memref_slice %arg8[%run_scoped3A_116, %dma_start3A_141] : memref<40x128xi32, #tpu.memory_space<vmem>> -> memref<1x128xi32, #tpu.memory_space<vmem>>
      %dma_start3A_143 = tpu.memref_squeeze %dma_start3A_142 : memref<1x128xi32, #tpu.memory_space<vmem>> -> memref<128xi32, #tpu.memory_space<vmem>>
      %dma_start3A_144 = arith.constant 0 : i32
      %dma_start3A_145 = arith.constant 0 : i32
      %dma_start3A_146 = tpu.memref_slice %arg10[%dma_start3A_144, %dma_start3A_145] : memref<10112x128xf32, #tpu.memory_space<vmem_shared>> -> memref<10112x128xf32, #tpu.memory_space<vmem_shared>>
      tpu.enqueue_indirect_dma source(%dma_start3A_140 : memref<128x128xf32, #tpu.memory_space<vmem>>) target(%dma_start3A_146 : memref<10112x128xf32, #tpu.memory_space<vmem_shared>>) offsets(%dma_start3A_143 : memref<128xi32, #tpu.memory_space<vmem>>) semaphore(%run_scoped3A_136 : memref<!tpu.dma_semaphore, #tpu.memory_space<semaphore_mem>>) {add = true}
      %dma_wait3A_147 = arith.constant 0 : i32
      %dma_wait3A_148 = arith.constant 0 : i32
      %dma_wait3A_149 = tpu.memref_slice %arg9[%run_scoped3A_115, %dma_wait3A_147, %dma_wait3A_148] : memref<2x128x128xf32, #tpu.memory_space<vmem>> -> memref<1x128x128xf32, #tpu.memory_space<vmem>>
      %dma_wait3A_150 = tpu.memref_squeeze %dma_wait3A_149 : memref<1x128x128xf32, #tpu.memory_space<vmem>> -> memref<128x128xf32, #tpu.memory_space<vmem>>
      %dma_wait3A_151 = arith.constant 0 : i32
      %dma_wait3A_152 = tpu.memref_slice %arg8[%run_scoped3A_116, %dma_wait3A_151] : memref<40x128xi32, #tpu.memory_space<vmem>> -> memref<1x128xi32, #tpu.memory_space<vmem>>
      %dma_wait3A_153 = tpu.memref_squeeze %dma_wait3A_152 : memref<1x128xi32, #tpu.memory_space<vmem>> -> memref<128xi32, #tpu.memory_space<vmem>>
      %dma_wait3A_154 = arith.constant 0 : i32
      %dma_wait3A_155 = arith.constant 0 : i32
      %dma_wait3A_156 = tpu.memref_slice %arg10[%dma_wait3A_154, %dma_wait3A_155] : memref<10112x128xf32, #tpu.memory_space<vmem_shared>> -> memref<10112x128xf32, #tpu.memory_space<vmem_shared>>
      tpu.wait_indirect_dma semaphore(%run_scoped3A_136 : memref<!tpu.dma_semaphore, #tpu.memory_space<semaphore_mem>>) src(%dma_wait3A_150 : memref<128x128xf32, #tpu.memory_space<vmem>>) dst(%dma_wait3A_156 : memref<10112x128xf32, #tpu.memory_space<vmem_shared>>)
      tpu.yield
    }) : () -> ()
    %dma_wait3A_117 = arith.constant 39 : i32
    %dma_wait3A_118 = arith.constant 1 : i32
    %dma_wait3A_119 = arith.constant 0 : i32
    %dma_wait3A_120 = arith.constant 0 : i32
    %dma_wait3A_121 = tpu.memref_slice %arg9[%dma_wait3A_118, %dma_wait3A_119, %dma_wait3A_120] : memref<2x128x128xf32, #tpu.memory_space<vmem>> -> memref<1x128x128xf32, #tpu.memory_space<vmem>>
    %dma_wait3A_122 = tpu.memref_squeeze %dma_wait3A_121 : memref<1x128x128xf32, #tpu.memory_space<vmem>> -> memref<128x128xf32, #tpu.memory_space<vmem>>
    %dma_wait3A_123 = arith.constant 0 : i32
    %dma_wait3A_124 = tpu.memref_slice %arg7[%dma_wait3A_117, %dma_wait3A_123] : memref<40x128xi32, #tpu.memory_space<vmem>> -> memref<1x128xi32, #tpu.memory_space<vmem>>
    %dma_wait3A_125 = tpu.memref_squeeze %dma_wait3A_124 : memref<1x128xi32, #tpu.memory_space<vmem>> -> memref<128xi32, #tpu.memory_space<vmem>>
    %dma_wait3A_126 = arith.constant 0 : i32
    %dma_wait3A_127 = arith.constant 0 : i32
    %dma_wait3A_128 = tpu.memref_slice %arg2[%dma_wait3A_126, %dma_wait3A_127] : memref<10000x128xf32, #tpu.memory_space<hbm>> -> memref<10000x128xf32, #tpu.memory_space<hbm>>
    tpu.wait_indirect_dma semaphore(%arg12 : memref<!tpu.dma_semaphore, #tpu.memory_space<semaphore_mem>>) src(%dma_wait3A_128 : memref<10000x128xf32, #tpu.memory_space<hbm>>) dst(%dma_wait3A_122 : memref<128x128xf32, #tpu.memory_space<vmem>>)
    %run_scoped3A_129 = arith.constant 1 : i32
    %run_scoped3A_130 = arith.constant 39 : i32
    "tpu.region"() ({
      %run_scoped3A_136 = tpu.sem_alloc : memref<!tpu.dma_semaphore, #tpu.memory_space<semaphore_mem>>
      %dma_start3A_137 = arith.constant 0 : i32
      %dma_start3A_138 = arith.constant 0 : i32
      %dma_start3A_139 = tpu.memref_slice %arg9[%run_scoped3A_129, %dma_start3A_137, %dma_start3A_138] : memref<2x128x128xf32, #tpu.memory_space<vmem>> -> memref<1x128x128xf32, #tpu.memory_space<vmem>>
      %dma_start3A_140 = tpu.memref_squeeze %dma_start3A_139 : memref<1x128x128xf32, #tpu.memory_space<vmem>> -> memref<128x128xf32, #tpu.memory_space<vmem>>
      %dma_start3A_141 = arith.constant 0 : i32
      %dma_start3A_142 = tpu.memref_slice %arg8[%run_scoped3A_130, %dma_start3A_141] : memref<40x128xi32, #tpu.memory_space<vmem>> -> memref<1x128xi32, #tpu.memory_space<vmem>>
      %dma_start3A_143 = tpu.memref_squeeze %dma_start3A_142 : memref<1x128xi32, #tpu.memory_space<vmem>> -> memref<128xi32, #tpu.memory_space<vmem>>
      %dma_start3A_144 = arith.constant 0 : i32
      %dma_start3A_145 = arith.constant 0 : i32
      %dma_start3A_146 = tpu.memref_slice %arg10[%dma_start3A_144, %dma_start3A_145] : memref<10112x128xf32, #tpu.memory_space<vmem_shared>> -> memref<10112x128xf32, #tpu.memory_space<vmem_shared>>
      tpu.enqueue_indirect_dma source(%dma_start3A_140 : memref<128x128xf32, #tpu.memory_space<vmem>>) target(%dma_start3A_146 : memref<10112x128xf32, #tpu.memory_space<vmem_shared>>) offsets(%dma_start3A_143 : memref<128xi32, #tpu.memory_space<vmem>>) semaphore(%run_scoped3A_136 : memref<!tpu.dma_semaphore, #tpu.memory_space<semaphore_mem>>) {add = true}
      %dma_wait3A_147 = arith.constant 0 : i32
      %dma_wait3A_148 = arith.constant 0 : i32
      %dma_wait3A_149 = tpu.memref_slice %arg9[%run_scoped3A_129, %dma_wait3A_147, %dma_wait3A_148] : memref<2x128x128xf32, #tpu.memory_space<vmem>> -> memref<1x128x128xf32, #tpu.memory_space<vmem>>
      %dma_wait3A_150 = tpu.memref_squeeze %dma_wait3A_149 : memref<1x128x128xf32, #tpu.memory_space<vmem>> -> memref<128x128xf32, #tpu.memory_space<vmem>>
      %dma_wait3A_151 = arith.constant 0 : i32
      %dma_wait3A_152 = tpu.memref_slice %arg8[%run_scoped3A_130, %dma_wait3A_151] : memref<40x128xi32, #tpu.memory_space<vmem>> -> memref<1x128xi32, #tpu.memory_space<vmem>>
      %dma_wait3A_153 = tpu.memref_squeeze %dma_wait3A_152 : memref<1x128xi32, #tpu.memory_space<vmem>> -> memref<128xi32, #tpu.memory_space<vmem>>
      %dma_wait3A_154 = arith.constant 0 : i32
      %dma_wait3A_155 = arith.constant 0 : i32
      %dma_wait3A_156 = tpu.memref_slice %arg10[%dma_wait3A_154, %dma_wait3A_155] : memref<10112x128xf32, #tpu.memory_space<vmem_shared>> -> memref<10112x128xf32, #tpu.memory_space<vmem_shared>>
      tpu.wait_indirect_dma semaphore(%run_scoped3A_136 : memref<!tpu.dma_semaphore, #tpu.memory_space<semaphore_mem>>) src(%dma_wait3A_150 : memref<128x128xf32, #tpu.memory_space<vmem>>) dst(%dma_wait3A_156 : memref<10112x128xf32, #tpu.memory_space<vmem_shared>>)
      tpu.yield
    }) : () -> ()
    %barrier3A_131 = arith.constant 0 : index
    tpu.barrier barrier_id(%barrier3A_131)
    %mul3A_132 = arith.constant 632 : i32
    %mul3A_133 = arith.muli %arg1, %mul3A_132 : i32
    %mul3A_134 = arith.constant 632 : i32
    %mul3A_135 = arith.muli %arg1, %mul3A_134 : i32
    "tpu.region"() ({
      %run_scoped3A_136 = tpu.sem_alloc : memref<!tpu.dma_semaphore, #tpu.memory_space<semaphore_mem>>
      %dma_start3A_137 = arith.constant 0 : i32
      %dma_start3A_138 = tpu.memref_slice %arg6[%arg0, %mul3A_135, %dma_start3A_137] : memref<2x10112x128xf32, #tpu.memory_space<hbm>> -> memref<1x632x128xf32, #tpu.memory_space<hbm>>
      %dma_start3A_139 = tpu.memref_squeeze %dma_start3A_138 : memref<1x632x128xf32, #tpu.memory_space<hbm>> -> memref<632x128xf32, #tpu.memory_space<hbm>>
      %dma_start3A_140 = arith.constant 0 : i32
      %dma_start3A_141 = tpu.memref_slice %arg10[%mul3A_133, %dma_start3A_140] : memref<10112x128xf32, #tpu.memory_space<vmem_shared>> -> memref<632x128xf32, #tpu.memory_space<vmem_shared>>
      tpu.enqueue_dma source(%dma_start3A_141 : memref<632x128xf32, #tpu.memory_space<vmem_shared>>) target(%dma_start3A_139 : memref<632x128xf32, #tpu.memory_space<hbm>>) target_semaphore(%run_scoped3A_136 : memref<!tpu.dma_semaphore, #tpu.memory_space<semaphore_mem>>)
      %dma_wait3A_142 = arith.constant 0 : i32
      %dma_wait3A_143 = tpu.memref_slice %arg6[%arg0, %mul3A_135, %dma_wait3A_142] : memref<2x10112x128xf32, #tpu.memory_space<hbm>> -> memref<1x632x128xf32, #tpu.memory_space<hbm>>
      %dma_wait3A_144 = tpu.memref_squeeze %dma_wait3A_143 : memref<1x632x128xf32, #tpu.memory_space<hbm>> -> memref<632x128xf32, #tpu.memory_space<hbm>>
      %dma_wait3A_145 = arith.constant 0 : i32
      %dma_wait3A_146 = tpu.memref_slice %arg10[%mul3A_133, %dma_wait3A_145] : memref<10112x128xf32, #tpu.memory_space<vmem_shared>> -> memref<632x128xf32, #tpu.memory_space<vmem_shared>>
      tpu.wait_dma2 semaphore(%run_scoped3A_136 : memref<!tpu.dma_semaphore, #tpu.memory_space<semaphore_mem>>) src(%dma_wait3A_146 : memref<632x128xf32, #tpu.memory_space<vmem_shared>>) dst(%dma_wait3A_144 : memref<632x128xf32, #tpu.memory_space<hbm>>)
      tpu.yield
    }) : () -> ()
    return
  }
}

#map = affine_map<(d0, d1) -> (0, 0)>
#map1 = affine_map<(d0, d1) -> (0, 0, 0)>
module attributes {stable_mosaic.version = 14 : i64} {
  func.func @sc_spmm(%arg0: i32, %arg1: i32, %arg2: memref<10000x128xf32, #tpu.memory_space<hbm>>, %arg3: memref<2560x128xi32, #tpu.memory_space<hbm>>, %arg4: memref<2560x128xi32, #tpu.memory_space<hbm>>, %arg5: memref<632x128xf32, #tpu.memory_space<hbm>>, %arg6: memref<2x10112x128xf32, #tpu.memory_space<hbm>>, %arg7: memref<40x128xi32, #tpu.memory_space<vmem>>, %arg8: memref<40x128xi32, #tpu.memory_space<vmem>>, %arg9: memref<2x128x128xf32, #tpu.memory_space<vmem>>, %arg10: memref<10112x128xf32, #tpu.memory_space<vmem_shared>>, %arg11: memref<!tpu.dma_semaphore, #tpu.memory_space<semaphore_mem>>, %arg12: memref<!tpu.dma_semaphore, #tpu.memory_space<semaphore_mem>>) attributes {dimension_semantics = [#tpu.dimension_semantics<core_parallel>, #tpu.dimension_semantics<subcore_parallel>], iteration_bounds = array<i64: 2, 16>, scalar_prefetch = 0 : i64, scratch_operands = 6 : i64, tpu.core_type = #tpu.core_type<sc_vector_subcore>, window_params = [{transform_indices = #map}, {transform_indices = #map}, {transform_indices = #map}, {transform_indices = #map}, {transform_indices = #map1}]} {
    %mul3A = arith.constant 2 : i32
    %mul3A_0 = arith.muli %arg1, %mul3A : i32
    %add3A = arith.addi %mul3A_0, %arg0 : i32
    %mul3A_1 = arith.constant 632 : i32
    %mul3A_2 = arith.muli %arg1, %mul3A_1 : i32
    "tpu.region"() ({
      %run_scoped3A_136 = tpu.sem_alloc : memref<!tpu.dma_semaphore, #tpu.memory_space<semaphore_mem>>
      %dma_start3A_137 = arith.constant 0 : i32
      %dma_start3A_138 = tpu.memref_slice %arg10[%mul3A_2, %dma_start3A_137] : memref<10112x128xf32, #tpu.memory_space<vmem_shared>> -> memref<632x128xf32, #tpu.memory_space<vmem_shared>>
      tpu.enqueue_dma source(%arg5 : memref<632x128xf32, #tpu.memory_space<hbm>>) target(%dma_start3A_138 : memref<632x128xf32, #tpu.memory_space<vmem_shared>>) target_semaphore(%run_scoped3A_136 : memref<!tpu.dma_semaphore, #tpu.memory_space<semaphore_mem>>)
      %dma_wait3A_139 = arith.constant 0 : i32
      %dma_wait3A_140 = tpu.memref_slice %arg10[%mul3A_2, %dma_wait3A_139] : memref<10112x128xf32, #tpu.memory_space<vmem_shared>> -> memref<632x128xf32, #tpu.memory_space<vmem_shared>>
      tpu.wait_dma2 semaphore(%run_scoped3A_136 : memref<!tpu.dma_semaphore, #tpu.memory_space<semaphore_mem>>) src(%arg5 : memref<632x128xf32, #tpu.memory_space<hbm>>) dst(%dma_wait3A_140 : memref<632x128xf32, #tpu.memory_space<vmem_shared>>)
      tpu.yield
    }) : () -> ()
    %barrier3A = arith.constant 0 : index
    tpu.barrier barrier_id(%barrier3A)
    %mul3A_3 = arith.constant 80 : i32
    %mul3A_4 = arith.muli %add3A, %mul3A_3 : i32
    %add3A_5 = arith.constant 0 : i32
    %add3A_6 = arith.addi %mul3A_4, %add3A_5 : i32
    "tpu.region"() ({
      %run_scoped3A_136 = tpu.sem_alloc : memref<!tpu.dma_semaphore, #tpu.memory_space<semaphore_mem>>
      %dma_start3A_137 = arith.constant 0 : i32
      %dma_start3A_138 = tpu.memref_slice %arg3[%add3A_6, %dma_start3A_137] : memref<2560x128xi32, #tpu.memory_space<hbm>> -> memref<40x128xi32, #tpu.memory_space<hbm>>
      %dma_start3A_139 = arith.constant 0 : i32
      %dma_start3A_140 = tpu.memref_slice %arg3[%add3A_6, %dma_start3A_139] : memref<2560x128xi32, #tpu.memory_space<hbm>> -> memref<40x128xi32, #tpu.memory_space<hbm>>
      tpu.enqueue_dma source(%dma_start3A_140 : memref<40x128xi32, #tpu.memory_space<hbm>>) target(%arg7 : memref<40x128xi32, #tpu.memory_space<vmem>>) target_semaphore(%run_scoped3A_136 : memref<!tpu.dma_semaphore, #tpu.memory_space<semaphore_mem>>)
      %dma_wait3A_141 = arith.constant 0 : i32
      %dma_wait3A_142 = tpu.memref_slice %arg3[%add3A_6, %dma_wait3A_141] : memref<2560x128xi32, #tpu.memory_space<hbm>> -> memref<40x128xi32, #tpu.memory_space<hbm>>
      %dma_wait3A_143 = arith.constant 0 : i32
      %dma_wait3A_144 = tpu.memref_slice %arg3[%add3A_6, %dma_wait3A_143] : memref<2560x128xi32, #tpu.memory_space<hbm>> -> memref<40x128xi32, #tpu.memory_space<hbm>>
      tpu.wait_dma2 semaphore(%run_scoped3A_136 : memref<!tpu.dma_semaphore, #tpu.memory_space<semaphore_mem>>) src(%dma_wait3A_144 : memref<40x128xi32, #tpu.memory_space<hbm>>) dst(%arg7 : memref<40x128xi32, #tpu.memory_space<vmem>>)
      tpu.yield
    }) : () -> ()
    %mul3A_7 = arith.constant 80 : i32
    %mul3A_8 = arith.muli %add3A, %mul3A_7 : i32
    %add3A_9 = arith.constant 0 : i32
    %add3A_10 = arith.addi %mul3A_8, %add3A_9 : i32
    "tpu.region"() ({
      %run_scoped3A_136 = tpu.sem_alloc : memref<!tpu.dma_semaphore, #tpu.memory_space<semaphore_mem>>
      %dma_start3A_137 = arith.constant 0 : i32
      %dma_start3A_138 = tpu.memref_slice %arg4[%add3A_10, %dma_start3A_137] : memref<2560x128xi32, #tpu.memory_space<hbm>> -> memref<40x128xi32, #tpu.memory_space<hbm>>
      %dma_start3A_139 = arith.constant 0 : i32
      %dma_start3A_140 = tpu.memref_slice %arg4[%add3A_10, %dma_start3A_139] : memref<2560x128xi32, #tpu.memory_space<hbm>> -> memref<40x128xi32, #tpu.memory_space<hbm>>
      tpu.enqueue_dma source(%dma_start3A_140 : memref<40x128xi32, #tpu.memory_space<hbm>>) target(%arg8 : memref<40x128xi32, #tpu.memory_space<vmem>>) target_semaphore(%run_scoped3A_136 : memref<!tpu.dma_semaphore, #tpu.memory_space<semaphore_mem>>)
      %dma_wait3A_141 = arith.constant 0 : i32
      %dma_wait3A_142 = tpu.memref_slice %arg4[%add3A_10, %dma_wait3A_141] : memref<2560x128xi32, #tpu.memory_space<hbm>> -> memref<40x128xi32, #tpu.memory_space<hbm>>
      %dma_wait3A_143 = arith.constant 0 : i32
      %dma_wait3A_144 = tpu.memref_slice %arg4[%add3A_10, %dma_wait3A_143] : memref<2560x128xi32, #tpu.memory_space<hbm>> -> memref<40x128xi32, #tpu.memory_space<hbm>>
      tpu.wait_dma2 semaphore(%run_scoped3A_136 : memref<!tpu.dma_semaphore, #tpu.memory_space<semaphore_mem>>) src(%dma_wait3A_144 : memref<40x128xi32, #tpu.memory_space<hbm>>) dst(%arg8 : memref<40x128xi32, #tpu.memory_space<vmem>>)
      tpu.yield
    }) : () -> ()
    %dma_start3A = arith.constant 0 : i32
    %dma_start3A_11 = arith.constant 0 : i32
    %dma_start3A_12 = arith.constant 0 : i32
    %dma_start3A_13 = arith.constant 0 : i32
    %dma_start3A_14 = tpu.memref_slice %arg9[%dma_start3A_11, %dma_start3A_12, %dma_start3A_13] : memref<2x128x128xf32, #tpu.memory_space<vmem>> -> memref<1x128x128xf32, #tpu.memory_space<vmem>>
    %dma_start3A_15 = tpu.memref_squeeze %dma_start3A_14 : memref<1x128x128xf32, #tpu.memory_space<vmem>> -> memref<128x128xf32, #tpu.memory_space<vmem>>
    %dma_start3A_16 = arith.constant 0 : i32
    %dma_start3A_17 = tpu.memref_slice %arg7[%dma_start3A, %dma_start3A_16] : memref<40x128xi32, #tpu.memory_space<vmem>> -> memref<1x128xi32, #tpu.memory_space<vmem>>
    %dma_start3A_18 = tpu.memref_squeeze %dma_start3A_17 : memref<1x128xi32, #tpu.memory_space<vmem>> -> memref<128xi32, #tpu.memory_space<vmem>>
    %dma_start3A_19 = arith.constant 0 : i32
    %dma_start3A_20 = arith.constant 0 : i32
    %dma_start3A_21 = tpu.memref_slice %arg2[%dma_start3A_19, %dma_start3A_20] : memref<10000x128xf32, #tpu.memory_space<hbm>> -> memref<10000x128xf32, #tpu.memory_space<hbm>>
    tpu.enqueue_indirect_dma source(%dma_start3A_21 : memref<10000x128xf32, #tpu.memory_space<hbm>>) target(%dma_start3A_15 : memref<128x128xf32, #tpu.memory_space<vmem>>) offsets(%dma_start3A_18 : memref<128xi32, #tpu.memory_space<vmem>>) semaphore(%arg11 : memref<!tpu.dma_semaphore, #tpu.memory_space<semaphore_mem>>)
    %scan3A = arith.constant 0 : i32
    %scan3A_22 = arith.constant 0 : i32
    %scan3A_23 = arith.constant 19 : i32
    %scan3A_24 = arith.addi %scan3A_22, %scan3A_23 : i32
    %scan3A_25 = arith.constant 1 : i32
    scf.for %scan3A_136 = %scan3A_22 to %scan3A_24 step %scan3A_25  : i32 {
      %mul3A_137 = arith.constant 2 : i32
      %mul3A_138 = arith.muli %scan3A_136, %mul3A_137 : i32
      %add3A_139 = arith.constant 0 : i32
      %add3A_140 = arith.addi %mul3A_138, %add3A_139 : i32
      %add3A_141 = arith.constant 1 : i32
      %add3A_142 = arith.addi %add3A_140, %add3A_141 : i32
      %dma_start3A_143 = arith.constant 1 : i32
      %dma_start3A_144 = arith.constant 0 : i32
      %dma_start3A_145 = arith.constant 0 : i32
      %dma_start3A_146 = tpu.memref_slice %arg9[%dma_start3A_143, %dma_start3A_144, %dma_start3A_145] : memref<2x128x128xf32, #tpu.memory_space<vmem>> -> memref<1x128x128xf32, #tpu.memory_space<vmem>>
      %dma_start3A_147 = tpu.memref_squeeze %dma_start3A_146 : memref<1x128x128xf32, #tpu.memory_space<vmem>> -> memref<128x128xf32, #tpu.memory_space<vmem>>
      %dma_start3A_148 = arith.constant 0 : i32
      %dma_start3A_149 = tpu.memref_slice %arg7[%add3A_142, %dma_start3A_148] : memref<40x128xi32, #tpu.memory_space<vmem>> -> memref<1x128xi32, #tpu.memory_space<vmem>>
      %dma_start3A_150 = tpu.memref_squeeze %dma_start3A_149 : memref<1x128xi32, #tpu.memory_space<vmem>> -> memref<128xi32, #tpu.memory_space<vmem>>
      %dma_start3A_151 = arith.constant 0 : i32
      %dma_start3A_152 = arith.constant 0 : i32
      %dma_start3A_153 = tpu.memref_slice %arg2[%dma_start3A_151, %dma_start3A_152] : memref<10000x128xf32, #tpu.memory_space<hbm>> -> memref<10000x128xf32, #tpu.memory_space<hbm>>
      tpu.enqueue_indirect_dma source(%dma_start3A_153 : memref<10000x128xf32, #tpu.memory_space<hbm>>) target(%dma_start3A_147 : memref<128x128xf32, #tpu.memory_space<vmem>>) offsets(%dma_start3A_150 : memref<128xi32, #tpu.memory_space<vmem>>) semaphore(%arg12 : memref<!tpu.dma_semaphore, #tpu.memory_space<semaphore_mem>>)
      %dma_wait3A_154 = arith.constant 0 : i32
      %dma_wait3A_155 = arith.constant 0 : i32
      %dma_wait3A_156 = arith.constant 0 : i32
      %dma_wait3A_157 = tpu.memref_slice %arg9[%dma_wait3A_154, %dma_wait3A_155, %dma_wait3A_156] : memref<2x128x128xf32, #tpu.memory_space<vmem>> -> memref<1x128x128xf32, #tpu.memory_space<vmem>>
      %dma_wait3A_158 = tpu.memref_squeeze %dma_wait3A_157 : memref<1x128x128xf32, #tpu.memory_space<vmem>> -> memref<128x128xf32, #tpu.memory_space<vmem>>
      %dma_wait3A_159 = arith.constant 0 : i32
      %dma_wait3A_160 = tpu.memref_slice %arg7[%add3A_140, %dma_wait3A_159] : memref<40x128xi32, #tpu.memory_space<vmem>> -> memref<1x128xi32, #tpu.memory_space<vmem>>
      %dma_wait3A_161 = tpu.memref_squeeze %dma_wait3A_160 : memref<1x128xi32, #tpu.memory_space<vmem>> -> memref<128xi32, #tpu.memory_space<vmem>>
      %dma_wait3A_162 = arith.constant 0 : i32
      %dma_wait3A_163 = arith.constant 0 : i32
      %dma_wait3A_164 = tpu.memref_slice %arg2[%dma_wait3A_162, %dma_wait3A_163] : memref<10000x128xf32, #tpu.memory_space<hbm>> -> memref<10000x128xf32, #tpu.memory_space<hbm>>
      tpu.wait_indirect_dma semaphore(%arg11 : memref<!tpu.dma_semaphore, #tpu.memory_space<semaphore_mem>>) src(%dma_wait3A_164 : memref<10000x128xf32, #tpu.memory_space<hbm>>) dst(%dma_wait3A_158 : memref<128x128xf32, #tpu.memory_space<vmem>>)
      %run_scoped3A_165 = arith.constant 0 : i32
      "tpu.region"() ({
        %run_scoped3A_195 = tpu.sem_alloc : memref<!tpu.dma_semaphore, #tpu.memory_space<semaphore_mem>>
        %dma_start3A_196 = arith.constant 0 : i32
        %dma_start3A_197 = arith.constant 0 : i32
        %dma_start3A_198 = tpu.memref_slice %arg9[%run_scoped3A_165, %dma_start3A_196, %dma_start3A_197] : memref<2x128x128xf32, #tpu.memory_space<vmem>> -> memref<1x128x128xf32, #tpu.memory_space<vmem>>
        %dma_start3A_199 = tpu.memref_squeeze %dma_start3A_198 : memref<1x128x128xf32, #tpu.memory_space<vmem>> -> memref<128x128xf32, #tpu.memory_space<vmem>>
        %dma_start3A_200 = arith.constant 0 : i32
        %dma_start3A_201 = tpu.memref_slice %arg8[%add3A_140, %dma_start3A_200] : memref<40x128xi32, #tpu.memory_space<vmem>> -> memref<1x128xi32, #tpu.memory_space<vmem>>
        %dma_start3A_202 = tpu.memref_squeeze %dma_start3A_201 : memref<1x128xi32, #tpu.memory_space<vmem>> -> memref<128xi32, #tpu.memory_space<vmem>>
        %dma_start3A_203 = arith.constant 0 : i32
        %dma_start3A_204 = arith.constant 0 : i32
        %dma_start3A_205 = tpu.memref_slice %arg10[%dma_start3A_203, %dma_start3A_204] : memref<10112x128xf32, #tpu.memory_space<vmem_shared>> -> memref<10112x128xf32, #tpu.memory_space<vmem_shared>>
        tpu.enqueue_indirect_dma source(%dma_start3A_199 : memref<128x128xf32, #tpu.memory_space<vmem>>) target(%dma_start3A_205 : memref<10112x128xf32, #tpu.memory_space<vmem_shared>>) offsets(%dma_start3A_202 : memref<128xi32, #tpu.memory_space<vmem>>) semaphore(%run_scoped3A_195 : memref<!tpu.dma_semaphore, #tpu.memory_space<semaphore_mem>>) {add = true}
        %dma_wait3A_206 = arith.constant 0 : i32
        %dma_wait3A_207 = arith.constant 0 : i32
        %dma_wait3A_208 = tpu.memref_slice %arg9[%run_scoped3A_165, %dma_wait3A_206, %dma_wait3A_207] : memref<2x128x128xf32, #tpu.memory_space<vmem>> -> memref<1x128x128xf32, #tpu.memory_space<vmem>>
        %dma_wait3A_209 = tpu.memref_squeeze %dma_wait3A_208 : memref<1x128x128xf32, #tpu.memory_space<vmem>> -> memref<128x128xf32, #tpu.memory_space<vmem>>
        %dma_wait3A_210 = arith.constant 0 : i32
        %dma_wait3A_211 = tpu.memref_slice %arg8[%add3A_140, %dma_wait3A_210] : memref<40x128xi32, #tpu.memory_space<vmem>> -> memref<1x128xi32, #tpu.memory_space<vmem>>
        %dma_wait3A_212 = tpu.memref_squeeze %dma_wait3A_211 : memref<1x128xi32, #tpu.memory_space<vmem>> -> memref<128xi32, #tpu.memory_space<vmem>>
        %dma_wait3A_213 = arith.constant 0 : i32
        %dma_wait3A_214 = arith.constant 0 : i32
        %dma_wait3A_215 = tpu.memref_slice %arg10[%dma_wait3A_213, %dma_wait3A_214] : memref<10112x128xf32, #tpu.memory_space<vmem_shared>> -> memref<10112x128xf32, #tpu.memory_space<vmem_shared>>
        tpu.wait_indirect_dma semaphore(%run_scoped3A_195 : memref<!tpu.dma_semaphore, #tpu.memory_space<semaphore_mem>>) src(%dma_wait3A_209 : memref<128x128xf32, #tpu.memory_space<vmem>>) dst(%dma_wait3A_215 : memref<10112x128xf32, #tpu.memory_space<vmem_shared>>)
        tpu.yield
      }) : () -> ()
      %mul3A_166 = arith.constant 2 : i32
      %mul3A_167 = arith.muli %scan3A_136, %mul3A_166 : i32
      %add3A_168 = arith.constant 1 : i32
      %add3A_169 = arith.addi %mul3A_167, %add3A_168 : i32
      %add3A_170 = arith.constant 1 : i32
      %add3A_171 = arith.addi %add3A_169, %add3A_170 : i32
      %dma_start3A_172 = arith.constant 0 : i32
      %dma_start3A_173 = arith.constant 0 : i32
      %dma_start3A_174 = arith.constant 0 : i32
      %dma_start3A_175 = tpu.memref_slice %arg9[%dma_start3A_172, %dma_start3A_173, %dma_start3A_174] : memref<2x128x128xf32, #tpu.memory_space<vmem>> -> memref<1x128x128xf32, #tpu.memory_space<vmem>>
      %dma_start3A_176 = tpu.memref_squeeze %dma_start3A_175 : memref<1x128x128xf32, #tpu.memory_space<vmem>> -> memref<128x128xf32, #tpu.memory_space<vmem>>
      %dma_start3A_177 = arith.constant 0 : i32
      %dma_start3A_178 = tpu.memref_slice %arg7[%add3A_171, %dma_start3A_177] : memref<40x128xi32, #tpu.memory_space<vmem>> -> memref<1x128xi32, #tpu.memory_space<vmem>>
      %dma_start3A_179 = tpu.memref_squeeze %dma_start3A_178 : memref<1x128xi32, #tpu.memory_space<vmem>> -> memref<128xi32, #tpu.memory_space<vmem>>
      %dma_start3A_180 = arith.constant 0 : i32
      %dma_start3A_181 = arith.constant 0 : i32
      %dma_start3A_182 = tpu.memref_slice %arg2[%dma_start3A_180, %dma_start3A_181] : memref<10000x128xf32, #tpu.memory_space<hbm>> -> memref<10000x128xf32, #tpu.memory_space<hbm>>
      tpu.enqueue_indirect_dma source(%dma_start3A_182 : memref<10000x128xf32, #tpu.memory_space<hbm>>) target(%dma_start3A_176 : memref<128x128xf32, #tpu.memory_space<vmem>>) offsets(%dma_start3A_179 : memref<128xi32, #tpu.memory_space<vmem>>) semaphore(%arg11 : memref<!tpu.dma_semaphore, #tpu.memory_space<semaphore_mem>>)
      %dma_wait3A_183 = arith.constant 1 : i32
      %dma_wait3A_184 = arith.constant 0 : i32
      %dma_wait3A_185 = arith.constant 0 : i32
      %dma_wait3A_186 = tpu.memref_slice %arg9[%dma_wait3A_183, %dma_wait3A_184, %dma_wait3A_185] : memref<2x128x128xf32, #tpu.memory_space<vmem>> -> memref<1x128x128xf32, #tpu.memory_space<vmem>>
      %dma_wait3A_187 = tpu.memref_squeeze %dma_wait3A_186 : memref<1x128x128xf32, #tpu.memory_space<vmem>> -> memref<128x128xf32, #tpu.memory_space<vmem>>
      %dma_wait3A_188 = arith.constant 0 : i32
      %dma_wait3A_189 = tpu.memref_slice %arg7[%add3A_169, %dma_wait3A_188] : memref<40x128xi32, #tpu.memory_space<vmem>> -> memref<1x128xi32, #tpu.memory_space<vmem>>
      %dma_wait3A_190 = tpu.memref_squeeze %dma_wait3A_189 : memref<1x128xi32, #tpu.memory_space<vmem>> -> memref<128xi32, #tpu.memory_space<vmem>>
      %dma_wait3A_191 = arith.constant 0 : i32
      %dma_wait3A_192 = arith.constant 0 : i32
      %dma_wait3A_193 = tpu.memref_slice %arg2[%dma_wait3A_191, %dma_wait3A_192] : memref<10000x128xf32, #tpu.memory_space<hbm>> -> memref<10000x128xf32, #tpu.memory_space<hbm>>
      tpu.wait_indirect_dma semaphore(%arg12 : memref<!tpu.dma_semaphore, #tpu.memory_space<semaphore_mem>>) src(%dma_wait3A_193 : memref<10000x128xf32, #tpu.memory_space<hbm>>) dst(%dma_wait3A_187 : memref<128x128xf32, #tpu.memory_space<vmem>>)
      %run_scoped3A_194 = arith.constant 1 : i32
      "tpu.region"() ({
        %run_scoped3A_195 = tpu.sem_alloc : memref<!tpu.dma_semaphore, #tpu.memory_space<semaphore_mem>>
        %dma_start3A_196 = arith.constant 0 : i32
        %dma_start3A_197 = arith.constant 0 : i32
        %dma_start3A_198 = tpu.memref_slice %arg9[%run_scoped3A_194, %dma_start3A_196, %dma_start3A_197] : memref<2x128x128xf32, #tpu.memory_space<vmem>> -> memref<1x128x128xf32, #tpu.memory_space<vmem>>
        %dma_start3A_199 = tpu.memref_squeeze %dma_start3A_198 : memref<1x128x128xf32, #tpu.memory_space<vmem>> -> memref<128x128xf32, #tpu.memory_space<vmem>>
        %dma_start3A_200 = arith.constant 0 : i32
        %dma_start3A_201 = tpu.memref_slice %arg8[%add3A_169, %dma_start3A_200] : memref<40x128xi32, #tpu.memory_space<vmem>> -> memref<1x128xi32, #tpu.memory_space<vmem>>
        %dma_start3A_202 = tpu.memref_squeeze %dma_start3A_201 : memref<1x128xi32, #tpu.memory_space<vmem>> -> memref<128xi32, #tpu.memory_space<vmem>>
        %dma_start3A_203 = arith.constant 0 : i32
        %dma_start3A_204 = arith.constant 0 : i32
        %dma_start3A_205 = tpu.memref_slice %arg10[%dma_start3A_203, %dma_start3A_204] : memref<10112x128xf32, #tpu.memory_space<vmem_shared>> -> memref<10112x128xf32, #tpu.memory_space<vmem_shared>>
        tpu.enqueue_indirect_dma source(%dma_start3A_199 : memref<128x128xf32, #tpu.memory_space<vmem>>) target(%dma_start3A_205 : memref<10112x128xf32, #tpu.memory_space<vmem_shared>>) offsets(%dma_start3A_202 : memref<128xi32, #tpu.memory_space<vmem>>) semaphore(%run_scoped3A_195 : memref<!tpu.dma_semaphore, #tpu.memory_space<semaphore_mem>>) {add = true}
        %dma_wait3A_206 = arith.constant 0 : i32
        %dma_wait3A_207 = arith.constant 0 : i32
        %dma_wait3A_208 = tpu.memref_slice %arg9[%run_scoped3A_194, %dma_wait3A_206, %dma_wait3A_207] : memref<2x128x128xf32, #tpu.memory_space<vmem>> -> memref<1x128x128xf32, #tpu.memory_space<vmem>>
        %dma_wait3A_209 = tpu.memref_squeeze %dma_wait3A_208 : memref<1x128x128xf32, #tpu.memory_space<vmem>> -> memref<128x128xf32, #tpu.memory_space<vmem>>
        %dma_wait3A_210 = arith.constant 0 : i32
        %dma_wait3A_211 = tpu.memref_slice %arg8[%add3A_169, %dma_wait3A_210] : memref<40x128xi32, #tpu.memory_space<vmem>> -> memref<1x128xi32, #tpu.memory_space<vmem>>
        %dma_wait3A_212 = tpu.memref_squeeze %dma_wait3A_211 : memref<1x128xi32, #tpu.memory_space<vmem>> -> memref<128xi32, #tpu.memory_space<vmem>>
        %dma_wait3A_213 = arith.constant 0 : i32
        %dma_wait3A_214 = arith.constant 0 : i32
        %dma_wait3A_215 = tpu.memref_slice %arg10[%dma_wait3A_213, %dma_wait3A_214] : memref<10112x128xf32, #tpu.memory_space<vmem_shared>> -> memref<10112x128xf32, #tpu.memory_space<vmem_shared>>
        tpu.wait_indirect_dma semaphore(%run_scoped3A_195 : memref<!tpu.dma_semaphore, #tpu.memory_space<semaphore_mem>>) src(%dma_wait3A_209 : memref<128x128xf32, #tpu.memory_space<vmem>>) dst(%dma_wait3A_215 : memref<10112x128xf32, #tpu.memory_space<vmem_shared>>)
        tpu.yield
      }) : () -> ()
    }
    %scan3A_26 = arith.constant 19 : i32
    %dma_start3A_27 = arith.constant 39 : i32
    %dma_start3A_28 = arith.constant 1 : i32
    %dma_start3A_29 = arith.constant 0 : i32
    %dma_start3A_30 = arith.constant 0 : i32
    %dma_start3A_31 = tpu.memref_slice %arg9[%dma_start3A_28, %dma_start3A_29, %dma_start3A_30] : memref<2x128x128xf32, #tpu.memory_space<vmem>> -> memref<1x128x128xf32, #tpu.memory_space<vmem>>
    %dma_start3A_32 = tpu.memref_squeeze %dma_start3A_31 : memref<1x128x128xf32, #tpu.memory_space<vmem>> -> memref<128x128xf32, #tpu.memory_space<vmem>>
    %dma_start3A_33 = arith.constant 0 : i32
    %dma_start3A_34 = tpu.memref_slice %arg7[%dma_start3A_27, %dma_start3A_33] : memref<40x128xi32, #tpu.memory_space<vmem>> -> memref<1x128xi32, #tpu.memory_space<vmem>>
    %dma_start3A_35 = tpu.memref_squeeze %dma_start3A_34 : memref<1x128xi32, #tpu.memory_space<vmem>> -> memref<128xi32, #tpu.memory_space<vmem>>
    %dma_start3A_36 = arith.constant 0 : i32
    %dma_start3A_37 = arith.constant 0 : i32
    %dma_start3A_38 = tpu.memref_slice %arg2[%dma_start3A_36, %dma_start3A_37] : memref<10000x128xf32, #tpu.memory_space<hbm>> -> memref<10000x128xf32, #tpu.memory_space<hbm>>
    tpu.enqueue_indirect_dma source(%dma_start3A_38 : memref<10000x128xf32, #tpu.memory_space<hbm>>) target(%dma_start3A_32 : memref<128x128xf32, #tpu.memory_space<vmem>>) offsets(%dma_start3A_35 : memref<128xi32, #tpu.memory_space<vmem>>) semaphore(%arg12 : memref<!tpu.dma_semaphore, #tpu.memory_space<semaphore_mem>>)
    %dma_wait3A = arith.constant 38 : i32
    %dma_wait3A_39 = arith.constant 0 : i32
    %dma_wait3A_40 = arith.constant 0 : i32
    %dma_wait3A_41 = arith.constant 0 : i32
    %dma_wait3A_42 = tpu.memref_slice %arg9[%dma_wait3A_39, %dma_wait3A_40, %dma_wait3A_41] : memref<2x128x128xf32, #tpu.memory_space<vmem>> -> memref<1x128x128xf32, #tpu.memory_space<vmem>>
    %dma_wait3A_43 = tpu.memref_squeeze %dma_wait3A_42 : memref<1x128x128xf32, #tpu.memory_space<vmem>> -> memref<128x128xf32, #tpu.memory_space<vmem>>
    %dma_wait3A_44 = arith.constant 0 : i32
    %dma_wait3A_45 = tpu.memref_slice %arg7[%dma_wait3A, %dma_wait3A_44] : memref<40x128xi32, #tpu.memory_space<vmem>> -> memref<1x128xi32, #tpu.memory_space<vmem>>
    %dma_wait3A_46 = tpu.memref_squeeze %dma_wait3A_45 : memref<1x128xi32, #tpu.memory_space<vmem>> -> memref<128xi32, #tpu.memory_space<vmem>>
    %dma_wait3A_47 = arith.constant 0 : i32
    %dma_wait3A_48 = arith.constant 0 : i32
    %dma_wait3A_49 = tpu.memref_slice %arg2[%dma_wait3A_47, %dma_wait3A_48] : memref<10000x128xf32, #tpu.memory_space<hbm>> -> memref<10000x128xf32, #tpu.memory_space<hbm>>
    tpu.wait_indirect_dma semaphore(%arg11 : memref<!tpu.dma_semaphore, #tpu.memory_space<semaphore_mem>>) src(%dma_wait3A_49 : memref<10000x128xf32, #tpu.memory_space<hbm>>) dst(%dma_wait3A_43 : memref<128x128xf32, #tpu.memory_space<vmem>>)
    %run_scoped3A = arith.constant 0 : i32
    %run_scoped3A_50 = arith.constant 38 : i32
    "tpu.region"() ({
      %run_scoped3A_136 = tpu.sem_alloc : memref<!tpu.dma_semaphore, #tpu.memory_space<semaphore_mem>>
      %dma_start3A_137 = arith.constant 0 : i32
      %dma_start3A_138 = arith.constant 0 : i32
      %dma_start3A_139 = tpu.memref_slice %arg9[%run_scoped3A, %dma_start3A_137, %dma_start3A_138] : memref<2x128x128xf32, #tpu.memory_space<vmem>> -> memref<1x128x128xf32, #tpu.memory_space<vmem>>
      %dma_start3A_140 = tpu.memref_squeeze %dma_start3A_139 : memref<1x128x128xf32, #tpu.memory_space<vmem>> -> memref<128x128xf32, #tpu.memory_space<vmem>>
      %dma_start3A_141 = arith.constant 0 : i32
      %dma_start3A_142 = tpu.memref_slice %arg8[%run_scoped3A_50, %dma_start3A_141] : memref<40x128xi32, #tpu.memory_space<vmem>> -> memref<1x128xi32, #tpu.memory_space<vmem>>
      %dma_start3A_143 = tpu.memref_squeeze %dma_start3A_142 : memref<1x128xi32, #tpu.memory_space<vmem>> -> memref<128xi32, #tpu.memory_space<vmem>>
      %dma_start3A_144 = arith.constant 0 : i32
      %dma_start3A_145 = arith.constant 0 : i32
      %dma_start3A_146 = tpu.memref_slice %arg10[%dma_start3A_144, %dma_start3A_145] : memref<10112x128xf32, #tpu.memory_space<vmem_shared>> -> memref<10112x128xf32, #tpu.memory_space<vmem_shared>>
      tpu.enqueue_indirect_dma source(%dma_start3A_140 : memref<128x128xf32, #tpu.memory_space<vmem>>) target(%dma_start3A_146 : memref<10112x128xf32, #tpu.memory_space<vmem_shared>>) offsets(%dma_start3A_143 : memref<128xi32, #tpu.memory_space<vmem>>) semaphore(%run_scoped3A_136 : memref<!tpu.dma_semaphore, #tpu.memory_space<semaphore_mem>>) {add = true}
      %dma_wait3A_147 = arith.constant 0 : i32
      %dma_wait3A_148 = arith.constant 0 : i32
      %dma_wait3A_149 = tpu.memref_slice %arg9[%run_scoped3A, %dma_wait3A_147, %dma_wait3A_148] : memref<2x128x128xf32, #tpu.memory_space<vmem>> -> memref<1x128x128xf32, #tpu.memory_space<vmem>>
      %dma_wait3A_150 = tpu.memref_squeeze %dma_wait3A_149 : memref<1x128x128xf32, #tpu.memory_space<vmem>> -> memref<128x128xf32, #tpu.memory_space<vmem>>
      %dma_wait3A_151 = arith.constant 0 : i32
      %dma_wait3A_152 = tpu.memref_slice %arg8[%run_scoped3A_50, %dma_wait3A_151] : memref<40x128xi32, #tpu.memory_space<vmem>> -> memref<1x128xi32, #tpu.memory_space<vmem>>
      %dma_wait3A_153 = tpu.memref_squeeze %dma_wait3A_152 : memref<1x128xi32, #tpu.memory_space<vmem>> -> memref<128xi32, #tpu.memory_space<vmem>>
      %dma_wait3A_154 = arith.constant 0 : i32
      %dma_wait3A_155 = arith.constant 0 : i32
      %dma_wait3A_156 = tpu.memref_slice %arg10[%dma_wait3A_154, %dma_wait3A_155] : memref<10112x128xf32, #tpu.memory_space<vmem_shared>> -> memref<10112x128xf32, #tpu.memory_space<vmem_shared>>
      tpu.wait_indirect_dma semaphore(%run_scoped3A_136 : memref<!tpu.dma_semaphore, #tpu.memory_space<semaphore_mem>>) src(%dma_wait3A_150 : memref<128x128xf32, #tpu.memory_space<vmem>>) dst(%dma_wait3A_156 : memref<10112x128xf32, #tpu.memory_space<vmem_shared>>)
      tpu.yield
    }) : () -> ()
    %dma_wait3A_51 = arith.constant 39 : i32
    %dma_wait3A_52 = arith.constant 1 : i32
    %dma_wait3A_53 = arith.constant 0 : i32
    %dma_wait3A_54 = arith.constant 0 : i32
    %dma_wait3A_55 = tpu.memref_slice %arg9[%dma_wait3A_52, %dma_wait3A_53, %dma_wait3A_54] : memref<2x128x128xf32, #tpu.memory_space<vmem>> -> memref<1x128x128xf32, #tpu.memory_space<vmem>>
    %dma_wait3A_56 = tpu.memref_squeeze %dma_wait3A_55 : memref<1x128x128xf32, #tpu.memory_space<vmem>> -> memref<128x128xf32, #tpu.memory_space<vmem>>
    %dma_wait3A_57 = arith.constant 0 : i32
    %dma_wait3A_58 = tpu.memref_slice %arg7[%dma_wait3A_51, %dma_wait3A_57] : memref<40x128xi32, #tpu.memory_space<vmem>> -> memref<1x128xi32, #tpu.memory_space<vmem>>
    %dma_wait3A_59 = tpu.memref_squeeze %dma_wait3A_58 : memref<1x128xi32, #tpu.memory_space<vmem>> -> memref<128xi32, #tpu.memory_space<vmem>>
    %dma_wait3A_60 = arith.constant 0 : i32
    %dma_wait3A_61 = arith.constant 0 : i32
    %dma_wait3A_62 = tpu.memref_slice %arg2[%dma_wait3A_60, %dma_wait3A_61] : memref<10000x128xf32, #tpu.memory_space<hbm>> -> memref<10000x128xf32, #tpu.memory_space<hbm>>
    tpu.wait_indirect_dma semaphore(%arg12 : memref<!tpu.dma_semaphore, #tpu.memory_space<semaphore_mem>>) src(%dma_wait3A_62 : memref<10000x128xf32, #tpu.memory_space<hbm>>) dst(%dma_wait3A_56 : memref<128x128xf32, #tpu.memory_space<vmem>>)
    %run_scoped3A_63 = arith.constant 1 : i32
    %run_scoped3A_64 = arith.constant 39 : i32
    "tpu.region"() ({
      %run_scoped3A_136 = tpu.sem_alloc : memref<!tpu.dma_semaphore, #tpu.memory_space<semaphore_mem>>
      %dma_start3A_137 = arith.constant 0 : i32
      %dma_start3A_138 = arith.constant 0 : i32
      %dma_start3A_139 = tpu.memref_slice %arg9[%run_scoped3A_63, %dma_start3A_137, %dma_start3A_138] : memref<2x128x128xf32, #tpu.memory_space<vmem>> -> memref<1x128x128xf32, #tpu.memory_space<vmem>>
      %dma_start3A_140 = tpu.memref_squeeze %dma_start3A_139 : memref<1x128x128xf32, #tpu.memory_space<vmem>> -> memref<128x128xf32, #tpu.memory_space<vmem>>
      %dma_start3A_141 = arith.constant 0 : i32
      %dma_start3A_142 = tpu.memref_slice %arg8[%run_scoped3A_64, %dma_start3A_141] : memref<40x128xi32, #tpu.memory_space<vmem>> -> memref<1x128xi32, #tpu.memory_space<vmem>>
      %dma_start3A_143 = tpu.memref_squeeze %dma_start3A_142 : memref<1x128xi32, #tpu.memory_space<vmem>> -> memref<128xi32, #tpu.memory_space<vmem>>
      %dma_start3A_144 = arith.constant 0 : i32
      %dma_start3A_145 = arith.constant 0 : i32
      %dma_start3A_146 = tpu.memref_slice %arg10[%dma_start3A_144, %dma_start3A_145] : memref<10112x128xf32, #tpu.memory_space<vmem_shared>> -> memref<10112x128xf32, #tpu.memory_space<vmem_shared>>
      tpu.enqueue_indirect_dma source(%dma_start3A_140 : memref<128x128xf32, #tpu.memory_space<vmem>>) target(%dma_start3A_146 : memref<10112x128xf32, #tpu.memory_space<vmem_shared>>) offsets(%dma_start3A_143 : memref<128xi32, #tpu.memory_space<vmem>>) semaphore(%run_scoped3A_136 : memref<!tpu.dma_semaphore, #tpu.memory_space<semaphore_mem>>) {add = true}
      %dma_wait3A_147 = arith.constant 0 : i32
      %dma_wait3A_148 = arith.constant 0 : i32
      %dma_wait3A_149 = tpu.memref_slice %arg9[%run_scoped3A_63, %dma_wait3A_147, %dma_wait3A_148] : memref<2x128x128xf32, #tpu.memory_space<vmem>> -> memref<1x128x128xf32, #tpu.memory_space<vmem>>
      %dma_wait3A_150 = tpu.memref_squeeze %dma_wait3A_149 : memref<1x128x128xf32, #tpu.memory_space<vmem>> -> memref<128x128xf32, #tpu.memory_space<vmem>>
      %dma_wait3A_151 = arith.constant 0 : i32
      %dma_wait3A_152 = tpu.memref_slice %arg8[%run_scoped3A_64, %dma_wait3A_151] : memref<40x128xi32, #tpu.memory_space<vmem>> -> memref<1x128xi32, #tpu.memory_space<vmem>>
      %dma_wait3A_153 = tpu.memref_squeeze %dma_wait3A_152 : memref<1x128xi32, #tpu.memory_space<vmem>> -> memref<128xi32, #tpu.memory_space<vmem>>
      %dma_wait3A_154 = arith.constant 0 : i32
      %dma_wait3A_155 = arith.constant 0 : i32
      %dma_wait3A_156 = tpu.memref_slice %arg10[%dma_wait3A_154, %dma_wait3A_155] : memref<10112x128xf32, #tpu.memory_space<vmem_shared>> -> memref<10112x128xf32, #tpu.memory_space<vmem_shared>>
      tpu.wait_indirect_dma semaphore(%run_scoped3A_136 : memref<!tpu.dma_semaphore, #tpu.memory_space<semaphore_mem>>) src(%dma_wait3A_150 : memref<128x128xf32, #tpu.memory_space<vmem>>) dst(%dma_wait3A_156 : memref<10112x128xf32, #tpu.memory_space<vmem_shared>>)
      tpu.yield
    }) : () -> ()
    %mul3A_65 = arith.constant 80 : i32
    %mul3A_66 = arith.muli %add3A, %mul3A_65 : i32
    %add3A_67 = arith.constant 40 : i32
    %add3A_68 = arith.addi %mul3A_66, %add3A_67 : i32
    "tpu.region"() ({
      %run_scoped3A_136 = tpu.sem_alloc : memref<!tpu.dma_semaphore, #tpu.memory_space<semaphore_mem>>
      %dma_start3A_137 = arith.constant 0 : i32
      %dma_start3A_138 = tpu.memref_slice %arg3[%add3A_68, %dma_start3A_137] : memref<2560x128xi32, #tpu.memory_space<hbm>> -> memref<40x128xi32, #tpu.memory_space<hbm>>
      %dma_start3A_139 = arith.constant 0 : i32
      %dma_start3A_140 = tpu.memref_slice %arg3[%add3A_68, %dma_start3A_139] : memref<2560x128xi32, #tpu.memory_space<hbm>> -> memref<40x128xi32, #tpu.memory_space<hbm>>
      tpu.enqueue_dma source(%dma_start3A_140 : memref<40x128xi32, #tpu.memory_space<hbm>>) target(%arg7 : memref<40x128xi32, #tpu.memory_space<vmem>>) target_semaphore(%run_scoped3A_136 : memref<!tpu.dma_semaphore, #tpu.memory_space<semaphore_mem>>)
      %dma_wait3A_141 = arith.constant 0 : i32
      %dma_wait3A_142 = tpu.memref_slice %arg3[%add3A_68, %dma_wait3A_141] : memref<2560x128xi32, #tpu.memory_space<hbm>> -> memref<40x128xi32, #tpu.memory_space<hbm>>
      %dma_wait3A_143 = arith.constant 0 : i32
      %dma_wait3A_144 = tpu.memref_slice %arg3[%add3A_68, %dma_wait3A_143] : memref<2560x128xi32, #tpu.memory_space<hbm>> -> memref<40x128xi32, #tpu.memory_space<hbm>>
      tpu.wait_dma2 semaphore(%run_scoped3A_136 : memref<!tpu.dma_semaphore, #tpu.memory_space<semaphore_mem>>) src(%dma_wait3A_144 : memref<40x128xi32, #tpu.memory_space<hbm>>) dst(%arg7 : memref<40x128xi32, #tpu.memory_space<vmem>>)
      tpu.yield
    }) : () -> ()
    %mul3A_69 = arith.constant 80 : i32
    %mul3A_70 = arith.muli %add3A, %mul3A_69 : i32
    %add3A_71 = arith.constant 40 : i32
    %add3A_72 = arith.addi %mul3A_70, %add3A_71 : i32
    "tpu.region"() ({
      %run_scoped3A_136 = tpu.sem_alloc : memref<!tpu.dma_semaphore, #tpu.memory_space<semaphore_mem>>
      %dma_start3A_137 = arith.constant 0 : i32
      %dma_start3A_138 = tpu.memref_slice %arg4[%add3A_72, %dma_start3A_137] : memref<2560x128xi32, #tpu.memory_space<hbm>> -> memref<40x128xi32, #tpu.memory_space<hbm>>
      %dma_start3A_139 = arith.constant 0 : i32
      %dma_start3A_140 = tpu.memref_slice %arg4[%add3A_72, %dma_start3A_139] : memref<2560x128xi32, #tpu.memory_space<hbm>> -> memref<40x128xi32, #tpu.memory_space<hbm>>
      tpu.enqueue_dma source(%dma_start3A_140 : memref<40x128xi32, #tpu.memory_space<hbm>>) target(%arg8 : memref<40x128xi32, #tpu.memory_space<vmem>>) target_semaphore(%run_scoped3A_136 : memref<!tpu.dma_semaphore, #tpu.memory_space<semaphore_mem>>)
      %dma_wait3A_141 = arith.constant 0 : i32
      %dma_wait3A_142 = tpu.memref_slice %arg4[%add3A_72, %dma_wait3A_141] : memref<2560x128xi32, #tpu.memory_space<hbm>> -> memref<40x128xi32, #tpu.memory_space<hbm>>
      %dma_wait3A_143 = arith.constant 0 : i32
      %dma_wait3A_144 = tpu.memref_slice %arg4[%add3A_72, %dma_wait3A_143] : memref<2560x128xi32, #tpu.memory_space<hbm>> -> memref<40x128xi32, #tpu.memory_space<hbm>>
      tpu.wait_dma2 semaphore(%run_scoped3A_136 : memref<!tpu.dma_semaphore, #tpu.memory_space<semaphore_mem>>) src(%dma_wait3A_144 : memref<40x128xi32, #tpu.memory_space<hbm>>) dst(%arg8 : memref<40x128xi32, #tpu.memory_space<vmem>>)
      tpu.yield
    }) : () -> ()
    %dma_start3A_73 = arith.constant 0 : i32
    %dma_start3A_74 = arith.constant 0 : i32
    %dma_start3A_75 = arith.constant 0 : i32
    %dma_start3A_76 = arith.constant 0 : i32
    %dma_start3A_77 = tpu.memref_slice %arg9[%dma_start3A_74, %dma_start3A_75, %dma_start3A_76] : memref<2x128x128xf32, #tpu.memory_space<vmem>> -> memref<1x128x128xf32, #tpu.memory_space<vmem>>
    %dma_start3A_78 = tpu.memref_squeeze %dma_start3A_77 : memref<1x128x128xf32, #tpu.memory_space<vmem>> -> memref<128x128xf32, #tpu.memory_space<vmem>>
    %dma_start3A_79 = arith.constant 0 : i32
    %dma_start3A_80 = tpu.memref_slice %arg7[%dma_start3A_73, %dma_start3A_79] : memref<40x128xi32, #tpu.memory_space<vmem>> -> memref<1x128xi32, #tpu.memory_space<vmem>>
    %dma_start3A_81 = tpu.memref_squeeze %dma_start3A_80 : memref<1x128xi32, #tpu.memory_space<vmem>> -> memref<128xi32, #tpu.memory_space<vmem>>
    %dma_start3A_82 = arith.constant 0 : i32
    %dma_start3A_83 = arith.constant 0 : i32
    %dma_start3A_84 = tpu.memref_slice %arg2[%dma_start3A_82, %dma_start3A_83] : memref<10000x128xf32, #tpu.memory_space<hbm>> -> memref<10000x128xf32, #tpu.memory_space<hbm>>
    tpu.enqueue_indirect_dma source(%dma_start3A_84 : memref<10000x128xf32, #tpu.memory_space<hbm>>) target(%dma_start3A_78 : memref<128x128xf32, #tpu.memory_space<vmem>>) offsets(%dma_start3A_81 : memref<128xi32, #tpu.memory_space<vmem>>) semaphore(%arg11 : memref<!tpu.dma_semaphore, #tpu.memory_space<semaphore_mem>>)
    %scan3A_85 = arith.constant 0 : i32
    %scan3A_86 = arith.constant 0 : i32
    %scan3A_87 = arith.constant 19 : i32
    %scan3A_88 = arith.addi %scan3A_86, %scan3A_87 : i32
    %scan3A_89 = arith.constant 1 : i32
    scf.for %scan3A_136 = %scan3A_86 to %scan3A_88 step %scan3A_89  : i32 {
      %mul3A_137 = arith.constant 2 : i32
      %mul3A_138 = arith.muli %scan3A_136, %mul3A_137 : i32
      %add3A_139 = arith.constant 0 : i32
      %add3A_140 = arith.addi %mul3A_138, %add3A_139 : i32
      %add3A_141 = arith.constant 1 : i32
      %add3A_142 = arith.addi %add3A_140, %add3A_141 : i32
      %dma_start3A_143 = arith.constant 1 : i32
      %dma_start3A_144 = arith.constant 0 : i32
      %dma_start3A_145 = arith.constant 0 : i32
      %dma_start3A_146 = tpu.memref_slice %arg9[%dma_start3A_143, %dma_start3A_144, %dma_start3A_145] : memref<2x128x128xf32, #tpu.memory_space<vmem>> -> memref<1x128x128xf32, #tpu.memory_space<vmem>>
      %dma_start3A_147 = tpu.memref_squeeze %dma_start3A_146 : memref<1x128x128xf32, #tpu.memory_space<vmem>> -> memref<128x128xf32, #tpu.memory_space<vmem>>
      %dma_start3A_148 = arith.constant 0 : i32
      %dma_start3A_149 = tpu.memref_slice %arg7[%add3A_142, %dma_start3A_148] : memref<40x128xi32, #tpu.memory_space<vmem>> -> memref<1x128xi32, #tpu.memory_space<vmem>>
      %dma_start3A_150 = tpu.memref_squeeze %dma_start3A_149 : memref<1x128xi32, #tpu.memory_space<vmem>> -> memref<128xi32, #tpu.memory_space<vmem>>
      %dma_start3A_151 = arith.constant 0 : i32
      %dma_start3A_152 = arith.constant 0 : i32
      %dma_start3A_153 = tpu.memref_slice %arg2[%dma_start3A_151, %dma_start3A_152] : memref<10000x128xf32, #tpu.memory_space<hbm>> -> memref<10000x128xf32, #tpu.memory_space<hbm>>
      tpu.enqueue_indirect_dma source(%dma_start3A_153 : memref<10000x128xf32, #tpu.memory_space<hbm>>) target(%dma_start3A_147 : memref<128x128xf32, #tpu.memory_space<vmem>>) offsets(%dma_start3A_150 : memref<128xi32, #tpu.memory_space<vmem>>) semaphore(%arg12 : memref<!tpu.dma_semaphore, #tpu.memory_space<semaphore_mem>>)
      %dma_wait3A_154 = arith.constant 0 : i32
      %dma_wait3A_155 = arith.constant 0 : i32
      %dma_wait3A_156 = arith.constant 0 : i32
      %dma_wait3A_157 = tpu.memref_slice %arg9[%dma_wait3A_154, %dma_wait3A_155, %dma_wait3A_156] : memref<2x128x128xf32, #tpu.memory_space<vmem>> -> memref<1x128x128xf32, #tpu.memory_space<vmem>>
      %dma_wait3A_158 = tpu.memref_squeeze %dma_wait3A_157 : memref<1x128x128xf32, #tpu.memory_space<vmem>> -> memref<128x128xf32, #tpu.memory_space<vmem>>
      %dma_wait3A_159 = arith.constant 0 : i32
      %dma_wait3A_160 = tpu.memref_slice %arg7[%add3A_140, %dma_wait3A_159] : memref<40x128xi32, #tpu.memory_space<vmem>> -> memref<1x128xi32, #tpu.memory_space<vmem>>
      %dma_wait3A_161 = tpu.memref_squeeze %dma_wait3A_160 : memref<1x128xi32, #tpu.memory_space<vmem>> -> memref<128xi32, #tpu.memory_space<vmem>>
      %dma_wait3A_162 = arith.constant 0 : i32
      %dma_wait3A_163 = arith.constant 0 : i32
      %dma_wait3A_164 = tpu.memref_slice %arg2[%dma_wait3A_162, %dma_wait3A_163] : memref<10000x128xf32, #tpu.memory_space<hbm>> -> memref<10000x128xf32, #tpu.memory_space<hbm>>
      tpu.wait_indirect_dma semaphore(%arg11 : memref<!tpu.dma_semaphore, #tpu.memory_space<semaphore_mem>>) src(%dma_wait3A_164 : memref<10000x128xf32, #tpu.memory_space<hbm>>) dst(%dma_wait3A_158 : memref<128x128xf32, #tpu.memory_space<vmem>>)
      %run_scoped3A_165 = arith.constant 0 : i32
      "tpu.region"() ({
        %run_scoped3A_195 = tpu.sem_alloc : memref<!tpu.dma_semaphore, #tpu.memory_space<semaphore_mem>>
        %dma_start3A_196 = arith.constant 0 : i32
        %dma_start3A_197 = arith.constant 0 : i32
        %dma_start3A_198 = tpu.memref_slice %arg9[%run_scoped3A_165, %dma_start3A_196, %dma_start3A_197] : memref<2x128x128xf32, #tpu.memory_space<vmem>> -> memref<1x128x128xf32, #tpu.memory_space<vmem>>
        %dma_start3A_199 = tpu.memref_squeeze %dma_start3A_198 : memref<1x128x128xf32, #tpu.memory_space<vmem>> -> memref<128x128xf32, #tpu.memory_space<vmem>>
        %dma_start3A_200 = arith.constant 0 : i32
        %dma_start3A_201 = tpu.memref_slice %arg8[%add3A_140, %dma_start3A_200] : memref<40x128xi32, #tpu.memory_space<vmem>> -> memref<1x128xi32, #tpu.memory_space<vmem>>
        %dma_start3A_202 = tpu.memref_squeeze %dma_start3A_201 : memref<1x128xi32, #tpu.memory_space<vmem>> -> memref<128xi32, #tpu.memory_space<vmem>>
        %dma_start3A_203 = arith.constant 0 : i32
        %dma_start3A_204 = arith.constant 0 : i32
        %dma_start3A_205 = tpu.memref_slice %arg10[%dma_start3A_203, %dma_start3A_204] : memref<10112x128xf32, #tpu.memory_space<vmem_shared>> -> memref<10112x128xf32, #tpu.memory_space<vmem_shared>>
        tpu.enqueue_indirect_dma source(%dma_start3A_199 : memref<128x128xf32, #tpu.memory_space<vmem>>) target(%dma_start3A_205 : memref<10112x128xf32, #tpu.memory_space<vmem_shared>>) offsets(%dma_start3A_202 : memref<128xi32, #tpu.memory_space<vmem>>) semaphore(%run_scoped3A_195 : memref<!tpu.dma_semaphore, #tpu.memory_space<semaphore_mem>>) {add = true}
        %dma_wait3A_206 = arith.constant 0 : i32
        %dma_wait3A_207 = arith.constant 0 : i32
        %dma_wait3A_208 = tpu.memref_slice %arg9[%run_scoped3A_165, %dma_wait3A_206, %dma_wait3A_207] : memref<2x128x128xf32, #tpu.memory_space<vmem>> -> memref<1x128x128xf32, #tpu.memory_space<vmem>>
        %dma_wait3A_209 = tpu.memref_squeeze %dma_wait3A_208 : memref<1x128x128xf32, #tpu.memory_space<vmem>> -> memref<128x128xf32, #tpu.memory_space<vmem>>
        %dma_wait3A_210 = arith.constant 0 : i32
        %dma_wait3A_211 = tpu.memref_slice %arg8[%add3A_140, %dma_wait3A_210] : memref<40x128xi32, #tpu.memory_space<vmem>> -> memref<1x128xi32, #tpu.memory_space<vmem>>
        %dma_wait3A_212 = tpu.memref_squeeze %dma_wait3A_211 : memref<1x128xi32, #tpu.memory_space<vmem>> -> memref<128xi32, #tpu.memory_space<vmem>>
        %dma_wait3A_213 = arith.constant 0 : i32
        %dma_wait3A_214 = arith.constant 0 : i32
        %dma_wait3A_215 = tpu.memref_slice %arg10[%dma_wait3A_213, %dma_wait3A_214] : memref<10112x128xf32, #tpu.memory_space<vmem_shared>> -> memref<10112x128xf32, #tpu.memory_space<vmem_shared>>
        tpu.wait_indirect_dma semaphore(%run_scoped3A_195 : memref<!tpu.dma_semaphore, #tpu.memory_space<semaphore_mem>>) src(%dma_wait3A_209 : memref<128x128xf32, #tpu.memory_space<vmem>>) dst(%dma_wait3A_215 : memref<10112x128xf32, #tpu.memory_space<vmem_shared>>)
        tpu.yield
      }) : () -> ()
      %mul3A_166 = arith.constant 2 : i32
      %mul3A_167 = arith.muli %scan3A_136, %mul3A_166 : i32
      %add3A_168 = arith.constant 1 : i32
      %add3A_169 = arith.addi %mul3A_167, %add3A_168 : i32
      %add3A_170 = arith.constant 1 : i32
      %add3A_171 = arith.addi %add3A_169, %add3A_170 : i32
      %dma_start3A_172 = arith.constant 0 : i32
      %dma_start3A_173 = arith.constant 0 : i32
      %dma_start3A_174 = arith.constant 0 : i32
      %dma_start3A_175 = tpu.memref_slice %arg9[%dma_start3A_172, %dma_start3A_173, %dma_start3A_174] : memref<2x128x128xf32, #tpu.memory_space<vmem>> -> memref<1x128x128xf32, #tpu.memory_space<vmem>>
      %dma_start3A_176 = tpu.memref_squeeze %dma_start3A_175 : memref<1x128x128xf32, #tpu.memory_space<vmem>> -> memref<128x128xf32, #tpu.memory_space<vmem>>
      %dma_start3A_177 = arith.constant 0 : i32
      %dma_start3A_178 = tpu.memref_slice %arg7[%add3A_171, %dma_start3A_177] : memref<40x128xi32, #tpu.memory_space<vmem>> -> memref<1x128xi32, #tpu.memory_space<vmem>>
      %dma_start3A_179 = tpu.memref_squeeze %dma_start3A_178 : memref<1x128xi32, #tpu.memory_space<vmem>> -> memref<128xi32, #tpu.memory_space<vmem>>
      %dma_start3A_180 = arith.constant 0 : i32
      %dma_start3A_181 = arith.constant 0 : i32
      %dma_start3A_182 = tpu.memref_slice %arg2[%dma_start3A_180, %dma_start3A_181] : memref<10000x128xf32, #tpu.memory_space<hbm>> -> memref<10000x128xf32, #tpu.memory_space<hbm>>
      tpu.enqueue_indirect_dma source(%dma_start3A_182 : memref<10000x128xf32, #tpu.memory_space<hbm>>) target(%dma_start3A_176 : memref<128x128xf32, #tpu.memory_space<vmem>>) offsets(%dma_start3A_179 : memref<128xi32, #tpu.memory_space<vmem>>) semaphore(%arg11 : memref<!tpu.dma_semaphore, #tpu.memory_space<semaphore_mem>>)
      %dma_wait3A_183 = arith.constant 1 : i32
      %dma_wait3A_184 = arith.constant 0 : i32
      %dma_wait3A_185 = arith.constant 0 : i32
      %dma_wait3A_186 = tpu.memref_slice %arg9[%dma_wait3A_183, %dma_wait3A_184, %dma_wait3A_185] : memref<2x128x128xf32, #tpu.memory_space<vmem>> -> memref<1x128x128xf32, #tpu.memory_space<vmem>>
      %dma_wait3A_187 = tpu.memref_squeeze %dma_wait3A_186 : memref<1x128x128xf32, #tpu.memory_space<vmem>> -> memref<128x128xf32, #tpu.memory_space<vmem>>
      %dma_wait3A_188 = arith.constant 0 : i32
      %dma_wait3A_189 = tpu.memref_slice %arg7[%add3A_169, %dma_wait3A_188] : memref<40x128xi32, #tpu.memory_space<vmem>> -> memref<1x128xi32, #tpu.memory_space<vmem>>
      %dma_wait3A_190 = tpu.memref_squeeze %dma_wait3A_189 : memref<1x128xi32, #tpu.memory_space<vmem>> -> memref<128xi32, #tpu.memory_space<vmem>>
      %dma_wait3A_191 = arith.constant 0 : i32
      %dma_wait3A_192 = arith.constant 0 : i32
      %dma_wait3A_193 = tpu.memref_slice %arg2[%dma_wait3A_191, %dma_wait3A_192] : memref<10000x128xf32, #tpu.memory_space<hbm>> -> memref<10000x128xf32, #tpu.memory_space<hbm>>
      tpu.wait_indirect_dma semaphore(%arg12 : memref<!tpu.dma_semaphore, #tpu.memory_space<semaphore_mem>>) src(%dma_wait3A_193 : memref<10000x128xf32, #tpu.memory_space<hbm>>) dst(%dma_wait3A_187 : memref<128x128xf32, #tpu.memory_space<vmem>>)
      %run_scoped3A_194 = arith.constant 1 : i32
      "tpu.region"() ({
        %run_scoped3A_195 = tpu.sem_alloc : memref<!tpu.dma_semaphore, #tpu.memory_space<semaphore_mem>>
        %dma_start3A_196 = arith.constant 0 : i32
        %dma_start3A_197 = arith.constant 0 : i32
        %dma_start3A_198 = tpu.memref_slice %arg9[%run_scoped3A_194, %dma_start3A_196, %dma_start3A_197] : memref<2x128x128xf32, #tpu.memory_space<vmem>> -> memref<1x128x128xf32, #tpu.memory_space<vmem>>
        %dma_start3A_199 = tpu.memref_squeeze %dma_start3A_198 : memref<1x128x128xf32, #tpu.memory_space<vmem>> -> memref<128x128xf32, #tpu.memory_space<vmem>>
        %dma_start3A_200 = arith.constant 0 : i32
        %dma_start3A_201 = tpu.memref_slice %arg8[%add3A_169, %dma_start3A_200] : memref<40x128xi32, #tpu.memory_space<vmem>> -> memref<1x128xi32, #tpu.memory_space<vmem>>
        %dma_start3A_202 = tpu.memref_squeeze %dma_start3A_201 : memref<1x128xi32, #tpu.memory_space<vmem>> -> memref<128xi32, #tpu.memory_space<vmem>>
        %dma_start3A_203 = arith.constant 0 : i32
        %dma_start3A_204 = arith.constant 0 : i32
        %dma_start3A_205 = tpu.memref_slice %arg10[%dma_start3A_203, %dma_start3A_204] : memref<10112x128xf32, #tpu.memory_space<vmem_shared>> -> memref<10112x128xf32, #tpu.memory_space<vmem_shared>>
        tpu.enqueue_indirect_dma source(%dma_start3A_199 : memref<128x128xf32, #tpu.memory_space<vmem>>) target(%dma_start3A_205 : memref<10112x128xf32, #tpu.memory_space<vmem_shared>>) offsets(%dma_start3A_202 : memref<128xi32, #tpu.memory_space<vmem>>) semaphore(%run_scoped3A_195 : memref<!tpu.dma_semaphore, #tpu.memory_space<semaphore_mem>>) {add = true}
        %dma_wait3A_206 = arith.constant 0 : i32
        %dma_wait3A_207 = arith.constant 0 : i32
        %dma_wait3A_208 = tpu.memref_slice %arg9[%run_scoped3A_194, %dma_wait3A_206, %dma_wait3A_207] : memref<2x128x128xf32, #tpu.memory_space<vmem>> -> memref<1x128x128xf32, #tpu.memory_space<vmem>>
        %dma_wait3A_209 = tpu.memref_squeeze %dma_wait3A_208 : memref<1x128x128xf32, #tpu.memory_space<vmem>> -> memref<128x128xf32, #tpu.memory_space<vmem>>
        %dma_wait3A_210 = arith.constant 0 : i32
        %dma_wait3A_211 = tpu.memref_slice %arg8[%add3A_169, %dma_wait3A_210] : memref<40x128xi32, #tpu.memory_space<vmem>> -> memref<1x128xi32, #tpu.memory_space<vmem>>
        %dma_wait3A_212 = tpu.memref_squeeze %dma_wait3A_211 : memref<1x128xi32, #tpu.memory_space<vmem>> -> memref<128xi32, #tpu.memory_space<vmem>>
        %dma_wait3A_213 = arith.constant 0 : i32
        %dma_wait3A_214 = arith.constant 0 : i32
        %dma_wait3A_215 = tpu.memref_slice %arg10[%dma_wait3A_213, %dma_wait3A_214] : memref<10112x128xf32, #tpu.memory_space<vmem_shared>> -> memref<10112x128xf32, #tpu.memory_space<vmem_shared>>
        tpu.wait_indirect_dma semaphore(%run_scoped3A_195 : memref<!tpu.dma_semaphore, #tpu.memory_space<semaphore_mem>>) src(%dma_wait3A_209 : memref<128x128xf32, #tpu.memory_space<vmem>>) dst(%dma_wait3A_215 : memref<10112x128xf32, #tpu.memory_space<vmem_shared>>)
        tpu.yield
      }) : () -> ()
    }
    %scan3A_90 = arith.constant 19 : i32
    %dma_start3A_91 = arith.constant 39 : i32
    %dma_start3A_92 = arith.constant 1 : i32
    %dma_start3A_93 = arith.constant 0 : i32
    %dma_start3A_94 = arith.constant 0 : i32
    %dma_start3A_95 = tpu.memref_slice %arg9[%dma_start3A_92, %dma_start3A_93, %dma_start3A_94] : memref<2x128x128xf32, #tpu.memory_space<vmem>> -> memref<1x128x128xf32, #tpu.memory_space<vmem>>
    %dma_start3A_96 = tpu.memref_squeeze %dma_start3A_95 : memref<1x128x128xf32, #tpu.memory_space<vmem>> -> memref<128x128xf32, #tpu.memory_space<vmem>>
    %dma_start3A_97 = arith.constant 0 : i32
    %dma_start3A_98 = tpu.memref_slice %arg7[%dma_start3A_91, %dma_start3A_97] : memref<40x128xi32, #tpu.memory_space<vmem>> -> memref<1x128xi32, #tpu.memory_space<vmem>>
    %dma_start3A_99 = tpu.memref_squeeze %dma_start3A_98 : memref<1x128xi32, #tpu.memory_space<vmem>> -> memref<128xi32, #tpu.memory_space<vmem>>
    %dma_start3A_100 = arith.constant 0 : i32
    %dma_start3A_101 = arith.constant 0 : i32
    %dma_start3A_102 = tpu.memref_slice %arg2[%dma_start3A_100, %dma_start3A_101] : memref<10000x128xf32, #tpu.memory_space<hbm>> -> memref<10000x128xf32, #tpu.memory_space<hbm>>
    tpu.enqueue_indirect_dma source(%dma_start3A_102 : memref<10000x128xf32, #tpu.memory_space<hbm>>) target(%dma_start3A_96 : memref<128x128xf32, #tpu.memory_space<vmem>>) offsets(%dma_start3A_99 : memref<128xi32, #tpu.memory_space<vmem>>) semaphore(%arg12 : memref<!tpu.dma_semaphore, #tpu.memory_space<semaphore_mem>>)
    %dma_wait3A_103 = arith.constant 38 : i32
    %dma_wait3A_104 = arith.constant 0 : i32
    %dma_wait3A_105 = arith.constant 0 : i32
    %dma_wait3A_106 = arith.constant 0 : i32
    %dma_wait3A_107 = tpu.memref_slice %arg9[%dma_wait3A_104, %dma_wait3A_105, %dma_wait3A_106] : memref<2x128x128xf32, #tpu.memory_space<vmem>> -> memref<1x128x128xf32, #tpu.memory_space<vmem>>
    %dma_wait3A_108 = tpu.memref_squeeze %dma_wait3A_107 : memref<1x128x128xf32, #tpu.memory_space<vmem>> -> memref<128x128xf32, #tpu.memory_space<vmem>>
    %dma_wait3A_109 = arith.constant 0 : i32
    %dma_wait3A_110 = tpu.memref_slice %arg7[%dma_wait3A_103, %dma_wait3A_109] : memref<40x128xi32, #tpu.memory_space<vmem>> -> memref<1x128xi32, #tpu.memory_space<vmem>>
    %dma_wait3A_111 = tpu.memref_squeeze %dma_wait3A_110 : memref<1x128xi32, #tpu.memory_space<vmem>> -> memref<128xi32, #tpu.memory_space<vmem>>
    %dma_wait3A_112 = arith.constant 0 : i32
    %dma_wait3A_113 = arith.constant 0 : i32
    %dma_wait3A_114 = tpu.memref_slice %arg2[%dma_wait3A_112, %dma_wait3A_113] : memref<10000x128xf32, #tpu.memory_space<hbm>> -> memref<10000x128xf32, #tpu.memory_space<hbm>>
    tpu.wait_indirect_dma semaphore(%arg11 : memref<!tpu.dma_semaphore, #tpu.memory_space<semaphore_mem>>) src(%dma_wait3A_114 : memref<10000x128xf32, #tpu.memory_space<hbm>>) dst(%dma_wait3A_108 : memref<128x128xf32, #tpu.memory_space<vmem>>)
    %run_scoped3A_115 = arith.constant 0 : i32
    %run_scoped3A_116 = arith.constant 38 : i32
    "tpu.region"() ({
      %run_scoped3A_136 = tpu.sem_alloc : memref<!tpu.dma_semaphore, #tpu.memory_space<semaphore_mem>>
      %dma_start3A_137 = arith.constant 0 : i32
      %dma_start3A_138 = arith.constant 0 : i32
      %dma_start3A_139 = tpu.memref_slice %arg9[%run_scoped3A_115, %dma_start3A_137, %dma_start3A_138] : memref<2x128x128xf32, #tpu.memory_space<vmem>> -> memref<1x128x128xf32, #tpu.memory_space<vmem>>
      %dma_start3A_140 = tpu.memref_squeeze %dma_start3A_139 : memref<1x128x128xf32, #tpu.memory_space<vmem>> -> memref<128x128xf32, #tpu.memory_space<vmem>>
      %dma_start3A_141 = arith.constant 0 : i32
      %dma_start3A_142 = tpu.memref_slice %arg8[%run_scoped3A_116, %dma_start3A_141] : memref<40x128xi32, #tpu.memory_space<vmem>> -> memref<1x128xi32, #tpu.memory_space<vmem>>
      %dma_start3A_143 = tpu.memref_squeeze %dma_start3A_142 : memref<1x128xi32, #tpu.memory_space<vmem>> -> memref<128xi32, #tpu.memory_space<vmem>>
      %dma_start3A_144 = arith.constant 0 : i32
      %dma_start3A_145 = arith.constant 0 : i32
      %dma_start3A_146 = tpu.memref_slice %arg10[%dma_start3A_144, %dma_start3A_145] : memref<10112x128xf32, #tpu.memory_space<vmem_shared>> -> memref<10112x128xf32, #tpu.memory_space<vmem_shared>>
      tpu.enqueue_indirect_dma source(%dma_start3A_140 : memref<128x128xf32, #tpu.memory_space<vmem>>) target(%dma_start3A_146 : memref<10112x128xf32, #tpu.memory_space<vmem_shared>>) offsets(%dma_start3A_143 : memref<128xi32, #tpu.memory_space<vmem>>) semaphore(%run_scoped3A_136 : memref<!tpu.dma_semaphore, #tpu.memory_space<semaphore_mem>>) {add = true}
      %dma_wait3A_147 = arith.constant 0 : i32
      %dma_wait3A_148 = arith.constant 0 : i32
      %dma_wait3A_149 = tpu.memref_slice %arg9[%run_scoped3A_115, %dma_wait3A_147, %dma_wait3A_148] : memref<2x128x128xf32, #tpu.memory_space<vmem>> -> memref<1x128x128xf32, #tpu.memory_space<vmem>>
      %dma_wait3A_150 = tpu.memref_squeeze %dma_wait3A_149 : memref<1x128x128xf32, #tpu.memory_space<vmem>> -> memref<128x128xf32, #tpu.memory_space<vmem>>
      %dma_wait3A_151 = arith.constant 0 : i32
      %dma_wait3A_152 = tpu.memref_slice %arg8[%run_scoped3A_116, %dma_wait3A_151] : memref<40x128xi32, #tpu.memory_space<vmem>> -> memref<1x128xi32, #tpu.memory_space<vmem>>
      %dma_wait3A_153 = tpu.memref_squeeze %dma_wait3A_152 : memref<1x128xi32, #tpu.memory_space<vmem>> -> memref<128xi32, #tpu.memory_space<vmem>>
      %dma_wait3A_154 = arith.constant 0 : i32
      %dma_wait3A_155 = arith.constant 0 : i32
      %dma_wait3A_156 = tpu.memref_slice %arg10[%dma_wait3A_154, %dma_wait3A_155] : memref<10112x128xf32, #tpu.memory_space<vmem_shared>> -> memref<10112x128xf32, #tpu.memory_space<vmem_shared>>
      tpu.wait_indirect_dma semaphore(%run_scoped3A_136 : memref<!tpu.dma_semaphore, #tpu.memory_space<semaphore_mem>>) src(%dma_wait3A_150 : memref<128x128xf32, #tpu.memory_space<vmem>>) dst(%dma_wait3A_156 : memref<10112x128xf32, #tpu.memory_space<vmem_shared>>)
      tpu.yield
    }) : () -> ()
    %dma_wait3A_117 = arith.constant 39 : i32
    %dma_wait3A_118 = arith.constant 1 : i32
    %dma_wait3A_119 = arith.constant 0 : i32
    %dma_wait3A_120 = arith.constant 0 : i32
    %dma_wait3A_121 = tpu.memref_slice %arg9[%dma_wait3A_118, %dma_wait3A_119, %dma_wait3A_120] : memref<2x128x128xf32, #tpu.memory_space<vmem>> -> memref<1x128x128xf32, #tpu.memory_space<vmem>>
    %dma_wait3A_122 = tpu.memref_squeeze %dma_wait3A_121 : memref<1x128x128xf32, #tpu.memory_space<vmem>> -> memref<128x128xf32, #tpu.memory_space<vmem>>
    %dma_wait3A_123 = arith.constant 0 : i32
    %dma_wait3A_124 = tpu.memref_slice %arg7[%dma_wait3A_117, %dma_wait3A_123] : memref<40x128xi32, #tpu.memory_space<vmem>> -> memref<1x128xi32, #tpu.memory_space<vmem>>
    %dma_wait3A_125 = tpu.memref_squeeze %dma_wait3A_124 : memref<1x128xi32, #tpu.memory_space<vmem>> -> memref<128xi32, #tpu.memory_space<vmem>>
    %dma_wait3A_126 = arith.constant 0 : i32
    %dma_wait3A_127 = arith.constant 0 : i32
    %dma_wait3A_128 = tpu.memref_slice %arg2[%dma_wait3A_126, %dma_wait3A_127] : memref<10000x128xf32, #tpu.memory_space<hbm>> -> memref<10000x128xf32, #tpu.memory_space<hbm>>
    tpu.wait_indirect_dma semaphore(%arg12 : memref<!tpu.dma_semaphore, #tpu.memory_space<semaphore_mem>>) src(%dma_wait3A_128 : memref<10000x128xf32, #tpu.memory_space<hbm>>) dst(%dma_wait3A_122 : memref<128x128xf32, #tpu.memory_space<vmem>>)
    %run_scoped3A_129 = arith.constant 1 : i32
    %run_scoped3A_130 = arith.constant 39 : i32
    "tpu.region"() ({
      %run_scoped3A_136 = tpu.sem_alloc : memref<!tpu.dma_semaphore, #tpu.memory_space<semaphore_mem>>
      %dma_start3A_137 = arith.constant 0 : i32
      %dma_start3A_138 = arith.constant 0 : i32
      %dma_start3A_139 = tpu.memref_slice %arg9[%run_scoped3A_129, %dma_start3A_137, %dma_start3A_138] : memref<2x128x128xf32, #tpu.memory_space<vmem>> -> memref<1x128x128xf32, #tpu.memory_space<vmem>>
      %dma_start3A_140 = tpu.memref_squeeze %dma_start3A_139 : memref<1x128x128xf32, #tpu.memory_space<vmem>> -> memref<128x128xf32, #tpu.memory_space<vmem>>
      %dma_start3A_141 = arith.constant 0 : i32
      %dma_start3A_142 = tpu.memref_slice %arg8[%run_scoped3A_130, %dma_start3A_141] : memref<40x128xi32, #tpu.memory_space<vmem>> -> memref<1x128xi32, #tpu.memory_space<vmem>>
      %dma_start3A_143 = tpu.memref_squeeze %dma_start3A_142 : memref<1x128xi32, #tpu.memory_space<vmem>> -> memref<128xi32, #tpu.memory_space<vmem>>
      %dma_start3A_144 = arith.constant 0 : i32
      %dma_start3A_145 = arith.constant 0 : i32
      %dma_start3A_146 = tpu.memref_slice %arg10[%dma_start3A_144, %dma_start3A_145] : memref<10112x128xf32, #tpu.memory_space<vmem_shared>> -> memref<10112x128xf32, #tpu.memory_space<vmem_shared>>
      tpu.enqueue_indirect_dma source(%dma_start3A_140 : memref<128x128xf32, #tpu.memory_space<vmem>>) target(%dma_start3A_146 : memref<10112x128xf32, #tpu.memory_space<vmem_shared>>) offsets(%dma_start3A_143 : memref<128xi32, #tpu.memory_space<vmem>>) semaphore(%run_scoped3A_136 : memref<!tpu.dma_semaphore, #tpu.memory_space<semaphore_mem>>) {add = true}
      %dma_wait3A_147 = arith.constant 0 : i32
      %dma_wait3A_148 = arith.constant 0 : i32
      %dma_wait3A_149 = tpu.memref_slice %arg9[%run_scoped3A_129, %dma_wait3A_147, %dma_wait3A_148] : memref<2x128x128xf32, #tpu.memory_space<vmem>> -> memref<1x128x128xf32, #tpu.memory_space<vmem>>
      %dma_wait3A_150 = tpu.memref_squeeze %dma_wait3A_149 : memref<1x128x128xf32, #tpu.memory_space<vmem>> -> memref<128x128xf32, #tpu.memory_space<vmem>>
      %dma_wait3A_151 = arith.constant 0 : i32
      %dma_wait3A_152 = tpu.memref_slice %arg8[%run_scoped3A_130, %dma_wait3A_151] : memref<40x128xi32, #tpu.memory_space<vmem>> -> memref<1x128xi32, #tpu.memory_space<vmem>>
      %dma_wait3A_153 = tpu.memref_squeeze %dma_wait3A_152 : memref<1x128xi32, #tpu.memory_space<vmem>> -> memref<128xi32, #tpu.memory_space<vmem>>
      %dma_wait3A_154 = arith.constant 0 : i32
      %dma_wait3A_155 = arith.constant 0 : i32
      %dma_wait3A_156 = tpu.memref_slice %arg10[%dma_wait3A_154, %dma_wait3A_155] : memref<10112x128xf32, #tpu.memory_space<vmem_shared>> -> memref<10112x128xf32, #tpu.memory_space<vmem_shared>>
      tpu.wait_indirect_dma semaphore(%run_scoped3A_136 : memref<!tpu.dma_semaphore, #tpu.memory_space<semaphore_mem>>) src(%dma_wait3A_150 : memref<128x128xf32, #tpu.memory_space<vmem>>) dst(%dma_wait3A_156 : memref<10112x128xf32, #tpu.memory_space<vmem_shared>>)
      tpu.yield
    }) : () -> ()
    %barrier3A_131 = arith.constant 0 : index
    tpu.barrier barrier_id(%barrier3A_131)
    %mul3A_132 = arith.constant 632 : i32
    %mul3A_133 = arith.muli %arg1, %mul3A_132 : i32
    %mul3A_134 = arith.constant 632 : i32
    %mul3A_135 = arith.muli %arg1, %mul3A_134 : i32
    "tpu.region"() ({
      %run_scoped3A_136 = tpu.sem_alloc : memref<!tpu.dma_semaphore, #tpu.memory_space<semaphore_mem>>
      %dma_start3A_137 = arith.constant 0 : i32
      %dma_start3A_138 = tpu.memref_slice %arg6[%arg0, %mul3A_135, %dma_start3A_137] : memref<2x10112x128xf32, #tpu.memory_space<hbm>> -> memref<1x632x128xf32, #tpu.memory_space<hbm>>
      %dma_start3A_139 = tpu.memref_squeeze %dma_start3A_138 : memref<1x632x128xf32, #tpu.memory_space<hbm>> -> memref<632x128xf32, #tpu.memory_space<hbm>>
      %dma_start3A_140 = arith.constant 0 : i32
      %dma_start3A_141 = tpu.memref_slice %arg10[%mul3A_133, %dma_start3A_140] : memref<10112x128xf32, #tpu.memory_space<vmem_shared>> -> memref<632x128xf32, #tpu.memory_space<vmem_shared>>
      tpu.enqueue_dma source(%dma_start3A_141 : memref<632x128xf32, #tpu.memory_space<vmem_shared>>) target(%dma_start3A_139 : memref<632x128xf32, #tpu.memory_space<hbm>>) target_semaphore(%run_scoped3A_136 : memref<!tpu.dma_semaphore, #tpu.memory_space<semaphore_mem>>)
      %dma_wait3A_142 = arith.constant 0 : i32
      %dma_wait3A_143 = tpu.memref_slice %arg6[%arg0, %mul3A_135, %dma_wait3A_142] : memref<2x10112x128xf32, #tpu.memory_space<hbm>> -> memref<1x632x128xf32, #tpu.memory_space<hbm>>
      %dma_wait3A_144 = tpu.memref_squeeze %dma_wait3A_143 : memref<1x632x128xf32, #tpu.memory_space<hbm>> -> memref<632x128xf32, #tpu.memory_space<hbm>>
      %dma_wait3A_145 = arith.constant 0 : i32
      %dma_wait3A_146 = tpu.memref_slice %arg10[%mul3A_133, %dma_wait3A_145] : memref<10112x128xf32, #tpu.memory_space<vmem_shared>> -> memref<632x128xf32, #tpu.memory_space<vmem_shared>>
      tpu.wait_dma2 semaphore(%run_scoped3A_136 : memref<!tpu.dma_semaphore, #tpu.memory_space<semaphore_mem>>) src(%dma_wait3A_146 : memref<632x128xf32, #tpu.memory_space<vmem_shared>>) dst(%dma_wait3A_144 : memref<632x128xf32, #tpu.memory_space<hbm>>)
      tpu.yield
    }) : () -> ()
    return
  }
}

module attributes {stable_mosaic.version = 14 : i64} {
  func.func @_combine_body(%arg0: i32, %arg1: memref<2x1000x128xf32, #tpu.memory_space<vmem>>, %arg2: memref<1000x128xf32, #tpu.memory_space<vmem>>, %arg3: memref<128x128xf32, #tpu.memory_space<vmem>>, %arg4: memref<1000x128xf32, #tpu.memory_space<vmem>>) attributes {dimension_semantics = [#tpu.dimension_semantics<arbitrary>], iteration_bounds = array<i64: 10>, scalar_prefetch = 0 : i64, scratch_operands = 0 : i64, tpu.core_type = #tpu.core_type<tc>, window_params = [{transform_indices = @transform_0, window_bounds = array<i64: 2, 1000, 128>}, {transform_indices = @transform_1, window_bounds = array<i64: 1000, 128>}, {pipeline_mode = #tpu.pipeline_mode<synchronous>, transform_indices = @transform_2, window_bounds = array<i64: 128, 128>}, {transform_indices = @transform_3, window_bounds = array<i64: 1000, 128>}]} {
    %get3A = arith.constant 0 : index
    %get3A_0 = arith.constant 0 : index
    %get3A_1 = arith.constant 0 : index
    %get3A_2 = vector.load %arg1[%get3A, %get3A_0, %get3A_1] : memref<2x1000x128xf32, #tpu.memory_space<vmem>>, vector<1x1000x128xf32>
    %get3A_3 = vector.shape_cast %get3A_2 : vector<1x1000x128xf32> to vector<1000x128xf32>
    %get3A_4 = arith.constant 1 : index
    %get3A_5 = arith.constant 0 : index
    %get3A_6 = arith.constant 0 : index
    %get3A_7 = vector.load %arg1[%get3A_4, %get3A_5, %get3A_6] : memref<2x1000x128xf32, #tpu.memory_space<vmem>>, vector<1x1000x128xf32>
    %get3A_8 = vector.shape_cast %get3A_7 : vector<1x1000x128xf32> to vector<1000x128xf32>
    %add3A = arith.addf %get3A_3, %get3A_8 : vector<1000x128xf32>
    %mul3A = arith.constant 0.899999976 : f32
    %mul3A_9 = vector.broadcast %mul3A : f32 to vector<1000x128xf32>
    %mul3A_10 = arith.mulf %mul3A_9, %add3A : vector<1000x128xf32>
    %get3A_11 = arith.constant 0 : index
    %get3A_12 = arith.constant 0 : index
    %get3A_13 = vector.load %arg2[%get3A_11, %get3A_12] : memref<1000x128xf32, #tpu.memory_space<vmem>>, vector<1000x128xf32>
    %mul3A_14 = arith.constant 1.000000e-01 : f32
    %mul3A_15 = vector.broadcast %mul3A_14 : f32 to vector<1000x128xf32>
    %mul3A_16 = arith.mulf %mul3A_15, %get3A_13 : vector<1000x128xf32>
    %add3A_17 = arith.addf %mul3A_10, %mul3A_16 : vector<1000x128xf32>
    %mul3A_18 = arith.constant 0.594534874 : f32
    %mul3A_19 = vector.broadcast %mul3A_18 : f32 to vector<1000x128xf32>
    %mul3A_20 = arith.mulf %mul3A_19, %add3A_17 : vector<1000x128xf32>
    %get3A_21 = arith.constant 0 : index
    %get3A_22 = arith.constant 0 : index
    %get3A_23 = vector.load %arg3[%get3A_21, %get3A_22] : memref<128x128xf32, #tpu.memory_space<vmem>>, vector<128x128xf32>
    %dot_general3A = arith.constant dense<0.000000e+00> : vector<1000x128xf32>
    %dot_general3A_24 = tpu.matmul %add3A_17, %get3A_23, %dot_general3A {dimension_numbers = #tpu.dot_dimension_numbers<[1], [0], [0], [1], [0, 0, 1, 1], [], []>, transpose_lhs_hint = false} : vector<1000x128xf32>, vector<128x128xf32>, vector<1000x128xf32> -> vector<1000x128xf32>
    %mul3A_25 = arith.constant 0.405465096 : f32
    %mul3A_26 = vector.broadcast %mul3A_25 : f32 to vector<1000x128xf32>
    %mul3A_27 = arith.mulf %mul3A_26, %dot_general3A_24 : vector<1000x128xf32>
    %add3A_28 = arith.addf %mul3A_20, %mul3A_27 : vector<1000x128xf32>
    %max3A = arith.constant 0.000000e+00 : f32
    %max3A_29 = vector.broadcast %max3A : f32 to vector<1000x128xf32>
    %max3A_30 = arith.maximumf %add3A_28, %max3A_29 : vector<1000x128xf32>
    %swap3A = arith.constant 0 : index
    %swap3A_31 = arith.constant 0 : index
    %swap3A_32 = vector.load %arg4[%swap3A, %swap3A_31] : memref<1000x128xf32, #tpu.memory_space<vmem>>, vector<1000x128xf32>
    tpu.vector_store %arg4[%swap3A, %swap3A_31], %max3A_30 {strides = array<i32>} : memref<1000x128xf32, #tpu.memory_space<vmem>>, vector<1000x128xf32>,
    return
  }
  func.func @transform_0(%arg0: i32) -> (i32, i32, i32) {
    %c0_i32 = arith.constant 0 : i32
    %c0_i32_0 = arith.constant 0 : i32
    %c0_i32_1 = arith.constant 0 : i32
    return %c0_i32, %arg0, %c0_i32_0 : i32, i32, i32
  }
  func.func @transform_1(%arg0: i32) -> (i32, i32) {
    %c0_i32 = arith.constant 0 : i32
    %c0_i32_0 = arith.constant 0 : i32
    return %arg0, %c0_i32 : i32, i32
  }
  func.func @transform_2(%arg0: i32) -> (i32, i32) {
    %c0_i32 = arith.constant 0 : i32
    %c0_i32_0 = arith.constant 0 : i32
    %c0_i32_1 = arith.constant 0 : i32
    return %c0_i32, %c0_i32_0 : i32, i32
  }
  func.func @transform_3(%arg0: i32) -> (i32, i32) {
    %c0_i32 = arith.constant 0 : i32
    %c0_i32_0 = arith.constant 0 : i32
    return %arg0, %c0_i32 : i32, i32
  }
}

module attributes {stable_mosaic.version = 14 : i64} {
  func.func @_linear_body(%arg0: i32, %arg1: memref<1000x128xf32, #tpu.memory_space<vmem>>, %arg2: memref<128x128xf32, #tpu.memory_space<vmem>>, %arg3: memref<1x128xf32, #tpu.memory_space<vmem>>, %arg4: memref<1000x128xf32, #tpu.memory_space<vmem>>) attributes {dimension_semantics = [#tpu.dimension_semantics<arbitrary>], iteration_bounds = array<i64: 10>, scalar_prefetch = 0 : i64, scratch_operands = 0 : i64, tpu.core_type = #tpu.core_type<tc>, window_params = [{transform_indices = @transform_0, window_bounds = array<i64: 1000, 128>}, {pipeline_mode = #tpu.pipeline_mode<synchronous>, transform_indices = @transform_1, window_bounds = array<i64: 128, 128>}, {pipeline_mode = #tpu.pipeline_mode<synchronous>, transform_indices = @transform_2, window_bounds = array<i64: 1, 128>}, {transform_indices = @transform_3, window_bounds = array<i64: 1000, 128>}]} {
    %get3A = arith.constant 0 : index
    %get3A_0 = arith.constant 0 : index
    %get3A_1 = vector.load %arg1[%get3A, %get3A_0] : memref<1000x128xf32, #tpu.memory_space<vmem>>, vector<1000x128xf32>
    %get3A_2 = arith.constant 0 : index
    %get3A_3 = arith.constant 0 : index
    %get3A_4 = vector.load %arg2[%get3A_2, %get3A_3] : memref<128x128xf32, #tpu.memory_space<vmem>>, vector<128x128xf32>
    %dot_general3A = arith.constant dense<0.000000e+00> : vector<1000x128xf32>
    %dot_general3A_5 = tpu.matmul %get3A_1, %get3A_4, %dot_general3A {dimension_numbers = #tpu.dot_dimension_numbers<[1], [0], [0], [1], [0, 0, 1, 1], [], []>, transpose_lhs_hint = false} : vector<1000x128xf32>, vector<128x128xf32>, vector<1000x128xf32> -> vector<1000x128xf32>
    %get3A_6 = arith.constant 0 : index
    %get3A_7 = arith.constant 0 : index
    %get3A_8 = vector.load %arg3[%get3A_6, %get3A_7] : memref<1x128xf32, #tpu.memory_space<vmem>>, vector<1x128xf32>
    %add3A = vector.broadcast %get3A_8 : vector<1x128xf32> to vector<1000x128xf32>
    %add3A_9 = arith.addf %dot_general3A_5, %add3A : vector<1000x128xf32>
    %max3A = arith.constant 0.000000e+00 : f32
    %max3A_10 = vector.broadcast %max3A : f32 to vector<1000x128xf32>
    %max3A_11 = arith.maximumf %add3A_9, %max3A_10 : vector<1000x128xf32>
    %swap3A = arith.constant 0 : index
    %swap3A_12 = arith.constant 0 : index
    %swap3A_13 = vector.load %arg4[%swap3A, %swap3A_12] : memref<1000x128xf32, #tpu.memory_space<vmem>>, vector<1000x128xf32>
    tpu.vector_store %arg4[%swap3A, %swap3A_12], %max3A_11 {strides = array<i32>} : memref<1000x128xf32, #tpu.memory_space<vmem>>, vector<1000x128xf32>,
    return
  }
  func.func @transform_0(%arg0: i32) -> (i32, i32) {
    %c0_i32 = arith.constant 0 : i32
    %c0_i32_0 = arith.constant 0 : i32
    return %arg0, %c0_i32 : i32, i32
  }
  func.func @transform_1(%arg0: i32) -> (i32, i32) {
    %c0_i32 = arith.constant 0 : i32
    %c0_i32_0 = arith.constant 0 : i32
    %c0_i32_1 = arith.constant 0 : i32
    return %c0_i32, %c0_i32_0 : i32, i32
  }
  func.func @transform_2(%arg0: i32) -> (i32, i32) {
    %c0_i32 = arith.constant 0 : i32
    %c0_i32_0 = arith.constant 0 : i32
    %c0_i32_1 = arith.constant 0 : i32
    return %c0_i32, %c0_i32_0 : i32, i32
  }
  func.func @transform_3(%arg0: i32) -> (i32, i32) {
    %c0_i32 = arith.constant 0 : i32
    %c0_i32_0 = arith.constant 0 : i32
    return %arg0, %c0_i32 : i32, i32
  }
}

module attributes {stable_mosaic.version = 14 : i64} {
  func.func @_combine_body(%arg0: i32, %arg1: memref<2x1000x128xf32, #tpu.memory_space<vmem>>, %arg2: memref<1000x128xf32, #tpu.memory_space<vmem>>, %arg3: memref<128x128xf32, #tpu.memory_space<vmem>>, %arg4: memref<1000x128xf32, #tpu.memory_space<vmem>>) attributes {dimension_semantics = [#tpu.dimension_semantics<arbitrary>], iteration_bounds = array<i64: 10>, scalar_prefetch = 0 : i64, scratch_operands = 0 : i64, tpu.core_type = #tpu.core_type<tc>, window_params = [{transform_indices = @transform_0, window_bounds = array<i64: 2, 1000, 128>}, {transform_indices = @transform_1, window_bounds = array<i64: 1000, 128>}, {pipeline_mode = #tpu.pipeline_mode<synchronous>, transform_indices = @transform_2, window_bounds = array<i64: 128, 128>}, {transform_indices = @transform_3, window_bounds = array<i64: 1000, 128>}]} {
    %get3A = arith.constant 0 : index
    %get3A_0 = arith.constant 0 : index
    %get3A_1 = arith.constant 0 : index
    %get3A_2 = vector.load %arg1[%get3A, %get3A_0, %get3A_1] : memref<2x1000x128xf32, #tpu.memory_space<vmem>>, vector<1x1000x128xf32>
    %get3A_3 = vector.shape_cast %get3A_2 : vector<1x1000x128xf32> to vector<1000x128xf32>
    %get3A_4 = arith.constant 1 : index
    %get3A_5 = arith.constant 0 : index
    %get3A_6 = arith.constant 0 : index
    %get3A_7 = vector.load %arg1[%get3A_4, %get3A_5, %get3A_6] : memref<2x1000x128xf32, #tpu.memory_space<vmem>>, vector<1x1000x128xf32>
    %get3A_8 = vector.shape_cast %get3A_7 : vector<1x1000x128xf32> to vector<1000x128xf32>
    %add3A = arith.addf %get3A_3, %get3A_8 : vector<1000x128xf32>
    %mul3A = arith.constant 0.899999976 : f32
    %mul3A_9 = vector.broadcast %mul3A : f32 to vector<1000x128xf32>
    %mul3A_10 = arith.mulf %mul3A_9, %add3A : vector<1000x128xf32>
    %get3A_11 = arith.constant 0 : index
    %get3A_12 = arith.constant 0 : index
    %get3A_13 = vector.load %arg2[%get3A_11, %get3A_12] : memref<1000x128xf32, #tpu.memory_space<vmem>>, vector<1000x128xf32>
    %mul3A_14 = arith.constant 1.000000e-01 : f32
    %mul3A_15 = vector.broadcast %mul3A_14 : f32 to vector<1000x128xf32>
    %mul3A_16 = arith.mulf %mul3A_15, %get3A_13 : vector<1000x128xf32>
    %add3A_17 = arith.addf %mul3A_10, %mul3A_16 : vector<1000x128xf32>
    %mul3A_18 = arith.constant 0.776856422 : f32
    %mul3A_19 = vector.broadcast %mul3A_18 : f32 to vector<1000x128xf32>
    %mul3A_20 = arith.mulf %mul3A_19, %add3A_17 : vector<1000x128xf32>
    %get3A_21 = arith.constant 0 : index
    %get3A_22 = arith.constant 0 : index
    %get3A_23 = vector.load %arg3[%get3A_21, %get3A_22] : memref<128x128xf32, #tpu.memory_space<vmem>>, vector<128x128xf32>
    %dot_general3A = arith.constant dense<0.000000e+00> : vector<1000x128xf32>
    %dot_general3A_24 = tpu.matmul %add3A_17, %get3A_23, %dot_general3A {dimension_numbers = #tpu.dot_dimension_numbers<[1], [0], [0], [1], [0, 0, 1, 1], [], []>, transpose_lhs_hint = false} : vector<1000x128xf32>, vector<128x128xf32>, vector<1000x128xf32> -> vector<1000x128xf32>
    %mul3A_25 = arith.constant 0.223143548 : f32
    %mul3A_26 = vector.broadcast %mul3A_25 : f32 to vector<1000x128xf32>
    %mul3A_27 = arith.mulf %mul3A_26, %dot_general3A_24 : vector<1000x128xf32>
    %add3A_28 = arith.addf %mul3A_20, %mul3A_27 : vector<1000x128xf32>
    %max3A = arith.constant 0.000000e+00 : f32
    %max3A_29 = vector.broadcast %max3A : f32 to vector<1000x128xf32>
    %max3A_30 = arith.maximumf %add3A_28, %max3A_29 : vector<1000x128xf32>
    %swap3A = arith.constant 0 : index
    %swap3A_31 = arith.constant 0 : index
    %swap3A_32 = vector.load %arg4[%swap3A, %swap3A_31] : memref<1000x128xf32, #tpu.memory_space<vmem>>, vector<1000x128xf32>
    tpu.vector_store %arg4[%swap3A, %swap3A_31], %max3A_30 {strides = array<i32>} : memref<1000x128xf32, #tpu.memory_space<vmem>>, vector<1000x128xf32>,
    return
  }
  func.func @transform_0(%arg0: i32) -> (i32, i32, i32) {
    %c0_i32 = arith.constant 0 : i32
    %c0_i32_0 = arith.constant 0 : i32
    %c0_i32_1 = arith.constant 0 : i32
    return %c0_i32, %arg0, %c0_i32_0 : i32, i32, i32
  }
  func.func @transform_1(%arg0: i32) -> (i32, i32) {
    %c0_i32 = arith.constant 0 : i32
    %c0_i32_0 = arith.constant 0 : i32
    return %arg0, %c0_i32 : i32, i32
  }
  func.func @transform_2(%arg0: i32) -> (i32, i32) {
    %c0_i32 = arith.constant 0 : i32
    %c0_i32_0 = arith.constant 0 : i32
    %c0_i32_1 = arith.constant 0 : i32
    return %c0_i32, %c0_i32_0 : i32, i32
  }
  func.func @transform_3(%arg0: i32) -> (i32, i32) {
    %c0_i32 = arith.constant 0 : i32
    %c0_i32_0 = arith.constant 0 : i32
    return %arg0, %c0_i32 : i32, i32
  }
}

module attributes {stable_mosaic.version = 14 : i64} {
  func.func @_combine_body(%arg0: i32, %arg1: memref<2x1000x128xf32, #tpu.memory_space<vmem>>, %arg2: memref<1000x128xf32, #tpu.memory_space<vmem>>, %arg3: memref<128x128xf32, #tpu.memory_space<vmem>>, %arg4: memref<1000x128xf32, #tpu.memory_space<vmem>>) attributes {dimension_semantics = [#tpu.dimension_semantics<arbitrary>], iteration_bounds = array<i64: 10>, scalar_prefetch = 0 : i64, scratch_operands = 0 : i64, tpu.core_type = #tpu.core_type<tc>, window_params = [{transform_indices = @transform_0, window_bounds = array<i64: 2, 1000, 128>}, {transform_indices = @transform_1, window_bounds = array<i64: 1000, 128>}, {pipeline_mode = #tpu.pipeline_mode<synchronous>, transform_indices = @transform_2, window_bounds = array<i64: 128, 128>}, {transform_indices = @transform_3, window_bounds = array<i64: 1000, 128>}]} {
    %get3A = arith.constant 0 : index
    %get3A_0 = arith.constant 0 : index
    %get3A_1 = arith.constant 0 : index
    %get3A_2 = vector.load %arg1[%get3A, %get3A_0, %get3A_1] : memref<2x1000x128xf32, #tpu.memory_space<vmem>>, vector<1x1000x128xf32>
    %get3A_3 = vector.shape_cast %get3A_2 : vector<1x1000x128xf32> to vector<1000x128xf32>
    %get3A_4 = arith.constant 1 : index
    %get3A_5 = arith.constant 0 : index
    %get3A_6 = arith.constant 0 : index
    %get3A_7 = vector.load %arg1[%get3A_4, %get3A_5, %get3A_6] : memref<2x1000x128xf32, #tpu.memory_space<vmem>>, vector<1x1000x128xf32>
    %get3A_8 = vector.shape_cast %get3A_7 : vector<1x1000x128xf32> to vector<1000x128xf32>
    %add3A = arith.addf %get3A_3, %get3A_8 : vector<1000x128xf32>
    %mul3A = arith.constant 0.899999976 : f32
    %mul3A_9 = vector.broadcast %mul3A : f32 to vector<1000x128xf32>
    %mul3A_10 = arith.mulf %mul3A_9, %add3A : vector<1000x128xf32>
    %get3A_11 = arith.constant 0 : index
    %get3A_12 = arith.constant 0 : index
    %get3A_13 = vector.load %arg2[%get3A_11, %get3A_12] : memref<1000x128xf32, #tpu.memory_space<vmem>>, vector<1000x128xf32>
    %mul3A_14 = arith.constant 1.000000e-01 : f32
    %mul3A_15 = vector.broadcast %mul3A_14 : f32 to vector<1000x128xf32>
    %mul3A_16 = arith.mulf %mul3A_15, %get3A_13 : vector<1000x128xf32>
    %add3A_17 = arith.addf %mul3A_10, %mul3A_16 : vector<1000x128xf32>
    %mul3A_18 = arith.constant 0.845849335 : f32
    %mul3A_19 = vector.broadcast %mul3A_18 : f32 to vector<1000x128xf32>
    %mul3A_20 = arith.mulf %mul3A_19, %add3A_17 : vector<1000x128xf32>
    %get3A_21 = arith.constant 0 : index
    %get3A_22 = arith.constant 0 : index
    %get3A_23 = vector.load %arg3[%get3A_21, %get3A_22] : memref<128x128xf32, #tpu.memory_space<vmem>>, vector<128x128xf32>
    %dot_general3A = arith.constant dense<0.000000e+00> : vector<1000x128xf32>
    %dot_general3A_24 = tpu.matmul %add3A_17, %get3A_23, %dot_general3A {dimension_numbers = #tpu.dot_dimension_numbers<[1], [0], [0], [1], [0, 0, 1, 1], [], []>, transpose_lhs_hint = false} : vector<1000x128xf32>, vector<128x128xf32>, vector<1000x128xf32> -> vector<1000x128xf32>
    %mul3A_25 = arith.constant 0.15415068 : f32
    %mul3A_26 = vector.broadcast %mul3A_25 : f32 to vector<1000x128xf32>
    %mul3A_27 = arith.mulf %mul3A_26, %dot_general3A_24 : vector<1000x128xf32>
    %add3A_28 = arith.addf %mul3A_20, %mul3A_27 : vector<1000x128xf32>
    %max3A = arith.constant 0.000000e+00 : f32
    %max3A_29 = vector.broadcast %max3A : f32 to vector<1000x128xf32>
    %max3A_30 = arith.maximumf %add3A_28, %max3A_29 : vector<1000x128xf32>
    %swap3A = arith.constant 0 : index
    %swap3A_31 = arith.constant 0 : index
    %swap3A_32 = vector.load %arg4[%swap3A, %swap3A_31] : memref<1000x128xf32, #tpu.memory_space<vmem>>, vector<1000x128xf32>
    tpu.vector_store %arg4[%swap3A, %swap3A_31], %max3A_30 {strides = array<i32>} : memref<1000x128xf32, #tpu.memory_space<vmem>>, vector<1000x128xf32>,
    return
  }
  func.func @transform_0(%arg0: i32) -> (i32, i32, i32) {
    %c0_i32 = arith.constant 0 : i32
    %c0_i32_0 = arith.constant 0 : i32
    %c0_i32_1 = arith.constant 0 : i32
    return %c0_i32, %arg0, %c0_i32_0 : i32, i32, i32
  }
  func.func @transform_1(%arg0: i32) -> (i32, i32) {
    %c0_i32 = arith.constant 0 : i32
    %c0_i32_0 = arith.constant 0 : i32
    return %arg0, %c0_i32 : i32, i32
  }
  func.func @transform_2(%arg0: i32) -> (i32, i32) {
    %c0_i32 = arith.constant 0 : i32
    %c0_i32_0 = arith.constant 0 : i32
    %c0_i32_1 = arith.constant 0 : i32
    return %c0_i32, %c0_i32_0 : i32, i32
  }
  func.func @transform_3(%arg0: i32) -> (i32, i32) {
    %c0_i32 = arith.constant 0 : i32
    %c0_i32_0 = arith.constant 0 : i32
    return %arg0, %c0_i32 : i32, i32
  }
}

module attributes {stable_mosaic.version = 14 : i64} {
  func.func @_combine_body(%arg0: i32, %arg1: memref<2x1000x128xf32, #tpu.memory_space<vmem>>, %arg2: memref<1000x128xf32, #tpu.memory_space<vmem>>, %arg3: memref<128x128xf32, #tpu.memory_space<vmem>>, %arg4: memref<1000x128xf32, #tpu.memory_space<vmem>>) attributes {dimension_semantics = [#tpu.dimension_semantics<arbitrary>], iteration_bounds = array<i64: 10>, scalar_prefetch = 0 : i64, scratch_operands = 0 : i64, tpu.core_type = #tpu.core_type<tc>, window_params = [{transform_indices = @transform_0, window_bounds = array<i64: 2, 1000, 128>}, {transform_indices = @transform_1, window_bounds = array<i64: 1000, 128>}, {pipeline_mode = #tpu.pipeline_mode<synchronous>, transform_indices = @transform_2, window_bounds = array<i64: 128, 128>}, {transform_indices = @transform_3, window_bounds = array<i64: 1000, 128>}]} {
    %get3A = arith.constant 0 : index
    %get3A_0 = arith.constant 0 : index
    %get3A_1 = arith.constant 0 : index
    %get3A_2 = vector.load %arg1[%get3A, %get3A_0, %get3A_1] : memref<2x1000x128xf32, #tpu.memory_space<vmem>>, vector<1x1000x128xf32>
    %get3A_3 = vector.shape_cast %get3A_2 : vector<1x1000x128xf32> to vector<1000x128xf32>
    %get3A_4 = arith.constant 1 : index
    %get3A_5 = arith.constant 0 : index
    %get3A_6 = arith.constant 0 : index
    %get3A_7 = vector.load %arg1[%get3A_4, %get3A_5, %get3A_6] : memref<2x1000x128xf32, #tpu.memory_space<vmem>>, vector<1x1000x128xf32>
    %get3A_8 = vector.shape_cast %get3A_7 : vector<1x1000x128xf32> to vector<1000x128xf32>
    %add3A = arith.addf %get3A_3, %get3A_8 : vector<1000x128xf32>
    %mul3A = arith.constant 0.899999976 : f32
    %mul3A_9 = vector.broadcast %mul3A : f32 to vector<1000x128xf32>
    %mul3A_10 = arith.mulf %mul3A_9, %add3A : vector<1000x128xf32>
    %get3A_11 = arith.constant 0 : index
    %get3A_12 = arith.constant 0 : index
    %get3A_13 = vector.load %arg2[%get3A_11, %get3A_12] : memref<1000x128xf32, #tpu.memory_space<vmem>>, vector<1000x128xf32>
    %mul3A_14 = arith.constant 1.000000e-01 : f32
    %mul3A_15 = vector.broadcast %mul3A_14 : f32 to vector<1000x128xf32>
    %mul3A_16 = arith.mulf %mul3A_15, %get3A_13 : vector<1000x128xf32>
    %add3A_17 = arith.addf %mul3A_10, %mul3A_16 : vector<1000x128xf32>
    %mul3A_18 = arith.constant 0.882216989 : f32
    %mul3A_19 = vector.broadcast %mul3A_18 : f32 to vector<1000x128xf32>
    %mul3A_20 = arith.mulf %mul3A_19, %add3A_17 : vector<1000x128xf32>
    %get3A_21 = arith.constant 0 : index
    %get3A_22 = arith.constant 0 : index
    %get3A_23 = vector.load %arg3[%get3A_21, %get3A_22] : memref<128x128xf32, #tpu.memory_space<vmem>>, vector<128x128xf32>
    %dot_general3A = arith.constant dense<0.000000e+00> : vector<1000x128xf32>
    %dot_general3A_24 = tpu.matmul %add3A_17, %get3A_23, %dot_general3A {dimension_numbers = #tpu.dot_dimension_numbers<[1], [0], [0], [1], [0, 0, 1, 1], [], []>, transpose_lhs_hint = false} : vector<1000x128xf32>, vector<128x128xf32>, vector<1000x128xf32> -> vector<1000x128xf32>
    %mul3A_25 = arith.constant 0.117783032 : f32
    %mul3A_26 = vector.broadcast %mul3A_25 : f32 to vector<1000x128xf32>
    %mul3A_27 = arith.mulf %mul3A_26, %dot_general3A_24 : vector<1000x128xf32>
    %add3A_28 = arith.addf %mul3A_20, %mul3A_27 : vector<1000x128xf32>
    %max3A = arith.constant 0.000000e+00 : f32
    %max3A_29 = vector.broadcast %max3A : f32 to vector<1000x128xf32>
    %max3A_30 = arith.maximumf %add3A_28, %max3A_29 : vector<1000x128xf32>
    %swap3A = arith.constant 0 : index
    %swap3A_31 = arith.constant 0 : index
    %swap3A_32 = vector.load %arg4[%swap3A, %swap3A_31] : memref<1000x128xf32, #tpu.memory_space<vmem>>, vector<1000x128xf32>
    tpu.vector_store %arg4[%swap3A, %swap3A_31], %max3A_30 {strides = array<i32>} : memref<1000x128xf32, #tpu.memory_space<vmem>>, vector<1000x128xf32>,
    return
  }
  func.func @transform_0(%arg0: i32) -> (i32, i32, i32) {
    %c0_i32 = arith.constant 0 : i32
    %c0_i32_0 = arith.constant 0 : i32
    %c0_i32_1 = arith.constant 0 : i32
    return %c0_i32, %arg0, %c0_i32_0 : i32, i32, i32
  }
  func.func @transform_1(%arg0: i32) -> (i32, i32) {
    %c0_i32 = arith.constant 0 : i32
    %c0_i32_0 = arith.constant 0 : i32
    return %arg0, %c0_i32 : i32, i32
  }
  func.func @transform_2(%arg0: i32) -> (i32, i32) {
    %c0_i32 = arith.constant 0 : i32
    %c0_i32_0 = arith.constant 0 : i32
    %c0_i32_1 = arith.constant 0 : i32
    return %c0_i32, %c0_i32_0 : i32, i32
  }
  func.func @transform_3(%arg0: i32) -> (i32, i32) {
    %c0_i32 = arith.constant 0 : i32
    %c0_i32_0 = arith.constant 0 : i32
    return %arg0, %c0_i32 : i32, i32
  }
}

module attributes {stable_mosaic.version = 14 : i64} {
  func.func @_linear_body(%arg0: i32, %arg1: memref<1000x128xf32, #tpu.memory_space<vmem>>, %arg2: memref<128x128xf32, #tpu.memory_space<vmem>>, %arg3: memref<1x128xf32, #tpu.memory_space<vmem>>, %arg4: memref<1000x128xf32, #tpu.memory_space<vmem>>) attributes {dimension_semantics = [#tpu.dimension_semantics<arbitrary>], iteration_bounds = array<i64: 10>, scalar_prefetch = 0 : i64, scratch_operands = 0 : i64, tpu.core_type = #tpu.core_type<tc>, window_params = [{transform_indices = @transform_0, window_bounds = array<i64: 1000, 128>}, {pipeline_mode = #tpu.pipeline_mode<synchronous>, transform_indices = @transform_1, window_bounds = array<i64: 128, 128>}, {pipeline_mode = #tpu.pipeline_mode<synchronous>, transform_indices = @transform_2, window_bounds = array<i64: 1, 128>}, {transform_indices = @transform_3, window_bounds = array<i64: 1000, 128>}]} {
    %get3A = arith.constant 0 : index
    %get3A_0 = arith.constant 0 : index
    %get3A_1 = vector.load %arg1[%get3A, %get3A_0] : memref<1000x128xf32, #tpu.memory_space<vmem>>, vector<1000x128xf32>
    %get3A_2 = arith.constant 0 : index
    %get3A_3 = arith.constant 0 : index
    %get3A_4 = vector.load %arg2[%get3A_2, %get3A_3] : memref<128x128xf32, #tpu.memory_space<vmem>>, vector<128x128xf32>
    %dot_general3A = arith.constant dense<0.000000e+00> : vector<1000x128xf32>
    %dot_general3A_5 = tpu.matmul %get3A_1, %get3A_4, %dot_general3A {dimension_numbers = #tpu.dot_dimension_numbers<[1], [0], [0], [1], [0, 0, 1, 1], [], []>, transpose_lhs_hint = false} : vector<1000x128xf32>, vector<128x128xf32>, vector<1000x128xf32> -> vector<1000x128xf32>
    %get3A_6 = arith.constant 0 : index
    %get3A_7 = arith.constant 0 : index
    %get3A_8 = vector.load %arg3[%get3A_6, %get3A_7] : memref<1x128xf32, #tpu.memory_space<vmem>>, vector<1x128xf32>
    %add3A = vector.broadcast %get3A_8 : vector<1x128xf32> to vector<1000x128xf32>
    %add3A_9 = arith.addf %dot_general3A_5, %add3A : vector<1000x128xf32>
    %swap3A = arith.constant 0 : index
    %swap3A_10 = arith.constant 0 : index
    %swap3A_11 = vector.load %arg4[%swap3A, %swap3A_10] : memref<1000x128xf32, #tpu.memory_space<vmem>>, vector<1000x128xf32>
    tpu.vector_store %arg4[%swap3A, %swap3A_10], %add3A_9 {strides = array<i32>} : memref<1000x128xf32, #tpu.memory_space<vmem>>, vector<1000x128xf32>,
    return
  }
  func.func @transform_0(%arg0: i32) -> (i32, i32) {
    %c0_i32 = arith.constant 0 : i32
    %c0_i32_0 = arith.constant 0 : i32
    return %arg0, %c0_i32 : i32, i32
  }
  func.func @transform_1(%arg0: i32) -> (i32, i32) {
    %c0_i32 = arith.constant 0 : i32
    %c0_i32_0 = arith.constant 0 : i32
    %c0_i32_1 = arith.constant 0 : i32
    return %c0_i32, %c0_i32_0 : i32, i32
  }
  func.func @transform_2(%arg0: i32) -> (i32, i32) {
    %c0_i32 = arith.constant 0 : i32
    %c0_i32_0 = arith.constant 0 : i32
    %c0_i32_1 = arith.constant 0 : i32
    return %c0_i32, %c0_i32_0 : i32, i32
  }
  func.func @transform_3(%arg0: i32) -> (i32, i32) {
    %c0_i32 = arith.constant 0 : i32
    %c0_i32_0 = arith.constant 0 : i32
    return %arg0, %c0_i32 : i32, i32
  }
}

</mosaic_0001>

<sc_bundles>
// kernel: kernel.12.cloned.1.call-start
scs
__scs_entry_jumppad:
0x0: {  	(pc) =	sbr.rel $0x88, $3  }
0x1: {  	(tag) =	ssettag $0x0;
	lr =	simm.s32 $0x1  }
0x2: {  	[smem:$0x3F9A] =	sst lr;
	_ =	strace $0xD0000000  }
0x3: {  	_ = 	snop  }
0x4: {  	_ = 	snop  }
0x5: {  	_ = 	snop  }
0x6: {  	_ = 	snop  }
0x7: {  	_ = 	snop  }
__scs_overlays_trampoline_lowered:
0x8: {  	[smem:$0x3FA9] =	sst s0  }
0x9: {  	[smem:$0x3FAA] =	sst s1  }
0xa: {  	[smem:$0x3FAB] =	sst s2  }
0xb: {  	[smem:$0x3FAC] =	sst s3  }
0xc: {  	[smem:$0x3FAD] =	sst s4  }
0xd: {  	[smem:$0x3FAE] =	sst s5  }
0xe: {  	[smem:$0x3FAF] =	sst s6  }
0xf: {  	[smem:$0x3FB0] =	sst s7  }
0x10: {  	[smem:$0x3FB1] =	sst s8  }
0x11: {  	[smem:$0x3FB2] =	sst s9;
	s0 =	simm.s32 @!p0 $0x0  }
0x12: {  	s1 =	sld [smem:$0x3F98];
	s0 =	simm.s32 @p0 $0x1  }
0x13: {  	[smem:$0x3FB3] =	sst s0;
	s0 =	simm.s32 @!p1 $0x0  }
0x14: {  	s2 =	sld [smem:$0x3F97];
	s0 =	simm.s32 @p1 $0x1  }
0x15: {  	[smem:$0x3FB4] =	sst s0;
	s0 =	simm.s32 @!p2 $0x0  }
0x16: {  	s3 =	sld [smem:$0x3FDB];
	s0 =	simm.s32 @p2 $0x1  }
0x17: {  	s4 =	simm.s32 $0x1BF5;
	[smem:$0x3FB6] =	sst s0  }
0x18: {  	s0 =	sld [smem:$0x3F99];
	_ =	swait.ge [sflag:s4], $0x0  }
0x19: {  	s7 =	sld [smem:$0x3F9A]  }
0x1a: {  	s8 =	sadd.s32 $0xFFFFE003, lr  }
0x1b: {  	s9 =	sadd.s32 $0xFFFFFEF7, lr;
	s5 =	simm.s32 $0xFFFFFFFF;
	p2 =	slt.u32 s8, $0xFFFFF086  }
0x1c: {  	p1 =	slt.u32 s9, $0xF7A;
	s5 =	simm.s32 @!p2 $0x0  }
0x1d: {  	s5 =	simm.s32 @p1 $0x1;
	p0 =	seq.s32 s7, s2  }
0x1e: {  	s7 =	smul.u32 @!p0 $0xF7A, s2;
	p2 =	seq.s32 @!p0 s5, $0x0  }
0x1f: {  	s9 =	smul.u32 $0xF7A, s1;
	s8 =	simm.s32 @!p0 $0x1BF5;
	p2 =	por !p2, p0  }
0x20: {  	[sflag:s8] =	ssyncset.s32 @!p0 $0xFFFFF086;
	s6 =	sadd.s32 @!p0 s3, s7;
	s7 =	simm.s32 @!p0 $0x108  }
0x21: {  	s3 =	sadd.s32 s3, s9;
	s6 =	sadd.s32 @!p0 $0x88, s6;
	s7 =	simm.s32 @p2 $0x1082  }
0x22: {  	[simem:s7], [sflag:s8] =	dma.local @!p0 [hbm:s6], $0xF7A  }
0x23: {  	s9 =	sor.u32 $0xD0000000, s2;
	s6 =	simm.s32 $0x108;
	_ =	swait.ge @!p0 [sflag:s8], $0x0  }
0x24: {  	s3 =	sadd.s32 $0x88, s3;
	s6 =	simm.s32 @!p1 $0x1082;
	[sflag:s4] =	ssyncset.s32 $0xFFFFF086  }
0x25: {  	[simem:s6], [sflag:s4] =	dma.local [hbm:s3], $0xF7A  }
0x26: {  	[smem:$0x3F9A] =	sst s1;
	(tag) =	ssettag s2;
	_ =	strace s9  }
0x27: {  	s1 =	sld [smem:$0x3FAA]  }
0x28: {  	s2 =	sld [smem:$0x3FAB]  }
0x29: {  	s4 =	sld [smem:$0x3FAD]  }
0x2a: {  	p0 =	seq.s32 s5, $0x0;
	s5 =	sld [smem:$0x3FAE]  }
0x2b: {  	s6 =	sld [smem:$0x3FAF]  }
0x2c: {  	s7 =	sld [smem:$0x3FB0]  }
0x2d: {  	s3 =	simm.s32 $0x108;
	s8 =	sld [smem:$0x3FB1]  }
0x2e: {  	s3 =	simm.s32 @!p0 $0x1082;
	s9 =	sld [smem:$0x3FB2]  }
0x2f: {  	lr =	sadd.s32 s0, s3;
	s0 =	sld [smem:$0x3FA9]  }
0x30: {  	s3 =	sld [smem:$0x3FAC]  }
0x31: {  	[smem:$0x3FB5] =	sst s10  }
0x32: {  	s10 =	sld [smem:$0x3FB3];
	_ =	sdelay $0x3  }
0x33: {  	p0 =	seq.s32 s10, $0x1;
	s10 =	sld [smem:$0x3FB5];
	_ =	sdelay $0x3  }
0x34: {  	[smem:$0x3FB5] =	sst s10  }
0x35: {  	s10 =	sld [smem:$0x3FB4];
	_ =	sdelay $0x3  }
0x36: {  	p1 =	seq.s32 s10, $0x1;
	s10 =	sld [smem:$0x3FB5];
	_ =	sdelay $0x3  }
0x37: {  	[smem:$0x3FB5] =	sst s10  }
0x38: {  	s10 =	sld [smem:$0x3FB6]  }
0x39: {  	_ = 	snop;
	(pc) =	sbr.ind lr, $3  }
0x3a: {  	_ = 	snop  }
0x3b: {  	_ = 	snop  }
0x3c: {  	p2 =	seq.s32 s10, $0x1;
	s10 =	sld [smem:$0x3FB5]  }
0x3d: {  	_ =	shalt  }
0x3e: {  	_ =	shalt  }
0x3f: {  	_ =	shalt  }
0x40: {  	_ =	shalt  }
0x41: {  	_ =	shalt  }
0x42: {  	_ =	shalt  }
0x43: {  	_ =	shalt  }
0x44: {  	_ =	shalt  }
0x45: {  	_ =	shalt  }
0x46: {  	_ =	shalt  }
0x47: {  	_ =	shalt  }
0x48: {  	_ =	shalt  }
0x49: {  	_ =	shalt  }
0x4a: {  	_ =	shalt  }
0x4b: {  	_ =	shalt  }
0x4c: {  	_ =	shalt  }
0x4d: {  	_ =	shalt  }
0x4e: {  	_ =	shalt  }
0x4f: {  	_ =	shalt  }
0x50: {  	_ =	shalt  }
0x51: {  	_ =	shalt  }
0x52: {  	_ =	shalt  }
0x53: {  	_ =	shalt  }
0x54: {  	_ =	shalt  }
0x55: {  	_ =	shalt  }
0x56: {  	_ =	shalt  }
0x57: {  	_ =	shalt  }
0x58: {  	_ =	shalt  }
0x59: {  	_ =	shalt  }
0x5a: {  	_ =	shalt  }
0x5b: {  	_ =	shalt  }
0x5c: {  	_ =	shalt  }
0x5d: {  	_ =	shalt  }
0x5e: {  	_ =	shalt  }
0x5f: {  	_ =	shalt  }
0x60: {  	_ =	shalt  }
0x61: {  	_ =	shalt  }
0x62: {  	_ =	shalt  }
0x63: {  	_ =	shalt  }
0x64: {  	_ =	shalt  }
0x65: {  	_ =	shalt  }
0x66: {  	_ =	shalt  }
0x67: {  	_ =	shalt  }
0x68: {  	_ =	shalt  }
0x69: {  	_ =	shalt  }
0x6a: {  	_ =	shalt  }
0x6b: {  	_ =	shalt  }
0x6c: {  	_ =	shalt  }
0x6d: {  	_ =	shalt  }
0x6e: {  	_ =	shalt  }
0x6f: {  	_ =	shalt  }
0x70: {  	_ =	shalt  }
0x71: {  	_ =	shalt  }
0x72: {  	_ =	shalt  }
0x73: {  	_ =	shalt  }
0x74: {  	_ =	shalt  }
0x75: {  	_ =	shalt  }
0x76: {  	_ =	shalt  }
0x77: {  	_ =	shalt  }
0x78: {  	_ =	shalt  }
0x79: {  	_ =	shalt  }
0x7a: {  	_ =	shalt  }
0x7b: {  	_ =	shalt  }
0x7c: {  	_ =	shalt  }
0x7d: {  	_ =	shalt  }
0x7e: {  	_ =	shalt  }
0x7f: {  	_ =	shalt  }
0x80: {  	_ =	shalt  }
0x81: {  	_ =	shalt  }
0x82: {  	_ =	shalt  }
0x83: {  	_ =	shalt  }
0x84: {  	_ =	shalt  }
0x85: {  	_ =	shalt  }
0x86: {  	_ =	shalt  }
0x87: {  	_ =	shalt  }
.Lfunc_end0:
.L_simem_size_0:
called_computation_lowered:
.L_overlay_start_0:
0x88: {  	s2 =	sld [smem:$0x3FD9]  }
0x89: {  	s3 =	sld [smem:$0x3FFE];
	_ =	sdelay $0x1  }
0x8a: {  	s1 =	srdreg.scid  }
0x8b: {  	s0 =	sand.u32 $0x1, s1  }
0x8c: {  	s17 =	sshll.u32 s0, $0xA;
	s2 =	sadd.s32 s3, s2  }
0x8d: {  	s2 =	sadd.s32 s2, s17  }
0x8e: {  	[smem:$0x3FC1] =	sst s2  }
0x8f: {  	_ = 	snop  }
0x90: {  	s2 =	sld [smem:$0x3FD0];
	(tm) =	ssettm $0x1  }
0x91: {  	s18 =	sld [smem:$0x3FFB];
	_ =	sdelay $0x3  }
0x92: {  	_ =	strace s18  }
0x93: {  	s3 =	sld [smem:$0x3FFC];
	_ =	sdelay $0x3  }
0x94: {  	_ =	strace s3  }
0x95: {  	s3 =	sld [smem:$0x3FFD];
	_ =	sdelay $0x3  }
0x96: {  	_ =	strace s3  }
0x97: {  	_ =	strace $0x8FFFFFFF  }
0x98: {  	s19 =	sld [smem:$0x3FDB];
	_ =	sdelay $0x1  }
0x99: {  	s4 =	simm.s32 $_scs_section_size  }
0x9a: {  	s5 =	simm.s32 $_size__tile_overlayer_lowered;
	s6 =	simm.s32 $_tile_overlayer_lowered  }
0x9b: {  	s22 =	simm.s32 $0x1BFF;
	s21 =	sshll.u32 s6, $0x1;
	s3 =	sadd.s32 s4, s19  }
0x9c: {  	s7 =	simm.s32 $0x0;
	s20 =	sshll.u32 s5, $0x1;
	s5 =	sadd.s32 s21, s3  }
0x9d: {  	[timem:s7], [sflag:s22] =	dma.local [hbm:s5], s20  }
0x9e: {  	_ =	swait.ge [sflag:s22], s20  }
0x9f: {  	s4 =	ssub.s32 $0x0, s20;
	[sflag:s22] =	ssyncset.done $0x0  }
0xa0: {  	[sflag:s22] =	ssyncadd.s32 s4;
	_ =	sdelay $0x1  }
0xa1: {  	s23 =	simm.s32 $0x1B8B  }
0xa2: {  	_ =	swait.ge [sflag:s23], $0x1  }
0xa3: {  	[sflag:s23] =	ssyncset.done $0x0  }
0xa4: {  	s25 =	simm.s32 $0x1B8E;
	s24 =	sld [smem:$0x3FFE];
	[sflag:s23] =	ssyncadd.s32 $0xFFFFFFFF  }
0xa5: {  	s26 =	simm.s32 $execute0_lowered;
	[smem:$0x3FD2] =	sst s25  }
0xa6: {  	s5 =	sshll.u32 s26, $0x1;
	_ =	strace $0x80000046;
	[dreg:$0x1] =	wrdreg $0xFFFFFFFF  }
0xa7: {  	s28 =	simm.s32 $_size_execute0_lowered;
	s3 =	sadd.s32 s3, s5;
	[dreg:$0x0] =	wrdreg $0x0  }
0xa8: {  	s5 =	sshll.u32 s28, $0x1;
	[dreg:$0x2] =	wrdreg s3  }
0xa9: {  	[dreg:$0x3] =	wrdreg s5  }
0xaa: {  	[dreg:$0x4] =	wrdreg $0xC0  }
0xab: {  	_ =	task [dreg:s7], $0x5FFFF  }
0xac: {  	[dreg:$0x1] =	wrdreg $0xFFFFFFFF  }
0xad: {  	[dreg:$0x0] =	wrdreg $0x60  }
0xae: {  	[dreg:$0x2] =	wrdreg s2  }
0xaf: {  	[dreg:$0x3] =	wrdreg s24  }
0xb0: {  	[dreg:$0x4] =	wrdreg $0xA8000  }
0xb1: {  	[dreg:$0x5] =	wrdreg $0x9  }
0xb2: {  	_ =	task.clear_ibuf [dreg:s7], $0x6FFFF;
	_ =	strace $0x90000046  }
0xb3: {  	s29 =	simm.s32 $0x9;
	_ =	strace $0x80000048  }
0xb4: {  	_ =	swait.ge [sflag:s29], $0x1  }
0xb5: {  	[sflag:s29] =	ssyncadd.s32 $0xFFFFFFFF  }
0xb6: {  	_ =	strace $0x90000048  }
0xb7: {  	_ =	sfence  }
0xb8: {  	s30 =	sld [smem:$0x0];
	_ =	sdelay $0x2  }
0xb9: {  	s31 =	sshll.u32 s1, $0xD;
	s1 =	sshrl.u32 s1, $0x2  }
0xba: {  	s3 =	sand.u32 $0x4000, s31;
	s1 =	sadd.s32 s1, s30  }
0xbb: {  	s0 =	sor.u32 s3, s0;
	s1 =	sshll.u32 s1, $0x11  }
0xbc: {  	s0 =	sor.u32 s1, s0  }
0xbd: {  	s0 =	sadd.s32 $0x8F2B, s0  }
0xbe: {  	[sflag:s0] =	ssyncadd.remote.s32 $0x1  }
0xbf: {  	_ =	sfence.sel $0xFFFF  }
0xc0: {  	[dreg:$0x0] =	wrdreg $0xFFFFFFFF;
	(pc) =	sbr.abs _section_cstart, $3  }
0xc1: {  	[dreg:$0x1] =	wrdreg $0xFFFFFFFF  }
0xc2: {  	_ =	task.clear_ibuf [dreg:s7], $0x2FFFF;
	_ =	strace $0x9FFFFFFF  }
0xc3: {  	(tm) =	ssettm $0x7FFFFFFF  }
tec
execute0_lowered:
.L_overlay_start_1:
0x0: {  	(tag) =	ssettag $0x1  }
0x1: {  	s1 =	rddreg [dreg:$0x0]  }
0x2: {  	s6 =	rddreg [dreg:$0x1]  }
0x3: {  	s2 =	rddreg [dreg:$0x2]  }
0x4: {  	s3 =	srdreg.scid;
	s0 =	rddreg [dreg:$0x3]  }
0x5: {  	s4 =	simm.s32 $0x0;
	s16 =	simm.s32 $0x80;
	s17 =	simm.s32 $0x2800  }
0x6: {  	s18 =	simm.s32 $0x6800;
	s19 =	simm.s32 $0x1;
	s20 =	simm.s32 $0x2  }
0x7: {  	s21 =	simm.s32 $0x1380;
	s22 =	simm.s32 $0x2700;
	s23 =	simm.s32 $0x2780  }
0x8: {  	s7 =	sand.u32 $0x1, s3;
	s3 =	stileid.u32;
	[smem:$0x7FF] =	sst s4  }
0x9: {  	s10 =	sadd.s32 $0xD000, s6;
	s11 =	sadd.s32 $0x3000, s6;
	s8 =	smul.u32 $0x13C000, s7  }
0xa: {  	s5 =	sadd.s32 $0x17000, s6;
	s9 =	smul.u32 $0x13C00, s3;
	_ =	strace $0x80000047  }
0xb: {  	s24 =	sshll.u32 s3, $0x1;
	s12 =	ssub.s32 $0x2, s7;
	s25 =	smul.u32 $0x4F000, s3  }
0xc: {  	s28 =	sshll.u32 s3, $0x6;
	s7 =	sor.u32 s7, s24;
	s13 =	sshrl.u32 s12, $0x1  }
0xd: {  	s24 =	simm.s32 $0x0;
	s8 =	sadd.s32 s9, s8;
	s14 =	smul.u32 $0x2800, s7  }
0xe: {  	s12 =	ssub.s32 s12, s13;
	s26 =	sshrl.u32 s25, $0x2;
	s29 =	smul.u32 $0x500, s7  }
0xf: {  	s8 =	sshrl.u32 s8, $0x3;
	s31 =	sadd.s32 s26, s2;
	s12 =	smax.u32 s12, $0x1  }
0x10: {  	s15 =	sadd.s32 s8, s6;
	s30 =	sshrl.u32 s14, $0x3;
	s6 =	sor.u32 $0x1C03, s28  }
0x11: {  	s7 =	sadd.s32 s10, s29;
	s8 =	sadd.s32 s11, s29;
	s14 =	sadd.s32 $0x280, s30  }
0x12: {  	s13 =	sshrl.u32 s31, $0x3;
	s9 =	sadd.s32 s10, s14;
	s10 =	sadd.s32 s11, s14  }
0x13: {  	s11 =	sadd.s32 $0x19800, s15;
	s14 =	simm.s32 $0x3;
	s15 =	simm.s32 $0x1400  }
.LBB2_1:
0x14: {  	[spmem:s13], [sflag:s6] =	dma.local [hbm:s5], $0x2780  }
0x15: {  	_ =	swait.ge [sflag:s14], $0x2780  }
0x16: {  	[sflag:s14] =	ssyncset.done $0x0  }
0x17: {  	[sflag:s14] =	ssyncadd.s32 $0xFFFFD880  }
0x18: {  	[bflag:$0x0] =	sbarrier.arrive $0xFFFF  }
0x19: {  	[tilespmem:s4], [sflag:$0x3] =	stream.linear.gather [hbm4b:s7+s4], $0x1400, $0x38;
	[tilespmem:$0x1E400] =	vst v63  }
0x1a: {  	_ =	swait.ge [sflag:s14], $0x1400  }
0x1b: {  	[sflag:s14] =	ssyncset.done $0x0  }
0x1c: {  	[sflag:s14] =	ssyncadd.s32 $0xFFFFEC00  }
0x1d: {  	[tilespmem:s15], [sflag:$0x3] =	stream.linear.gather [hbm4b:s8+s4], $0x1400, $0x38;
	[tilespmem:$0x1E400] =	vst v63  }
0x1e: {  	_ =	swait.ge [sflag:s14], $0x1400  }
0x1f: {  	[sflag:s14] =	ssyncset.done $0x0  }
0x20: {  	[sflag:s14] =	ssyncadd.s32 $0xFFFFEC00  }
0x21: {  	[tilespmem:s17], [sflag:$0x1] =	stream.indirect.gather [hbm4b:s1+s16], $0x80, s4, s16, $0xb8;
	[tilespmem:$0x1E400] =	vst v63  }
0x22: {  	s25 =	simm.s32 $0x80  }
0x23: {  	[tilespmem:s18], [sflag:$0x2] =	stream.indirect.gather [hbm4b:s1+s16], $0x80, s25, s16, $0xb8;
	[tilespmem:$0x1E400] =	vst v63  }
0x24: {  	_ =	swait.ge [sflag:s19], $0x4000  }
0x25: {  	[sflag:s19] =	ssyncset.done $0x0  }
0x26: {  	s29 =	simm.s32 $0x1400;
	[sflag:s19] =	ssyncadd.s32 $0xFFFFC000  }
0x27: {  	[spmem:s2] =	stream.indirect.scatter.add.f32 [tilespmem:s17], [sflag:$0x3], $0x80, s29, s16, $0xb8;
	[tilespmem:$0x1E400] =	vst v63  }
0x28: {  	_ =	swait.ge [sflag:s14], $0x4000  }
0x29: {  	[sflag:s14] =	ssyncset.done $0x0  }
0x2a: {  	s30 =	simm.s32 $0x100;
	[sflag:s14] =	ssyncadd.s32 $0xFFFFC000  }
0x2b: {  	[tilespmem:s17], [sflag:$0x1] =	stream.indirect.gather [hbm4b:s1+s16], $0x80, s30, s16, $0xb8;
	[tilespmem:$0x1E400] =	vst v63  }
0x2c: {  	_ =	swait.ge [sflag:s20], $0x4000  }
0x2d: {  	[sflag:s20] =	ssyncset.done $0x0  }
0x2e: {  	s31 =	simm.s32 $0x1480;
	[sflag:s20] =	ssyncadd.s32 $0xFFFFC000  }
0x2f: {  	[spmem:s2] =	stream.indirect.scatter.add.f32 [tilespmem:s18], [sflag:$0x3], $0x80, s31, s16, $0xb8;
	[tilespmem:$0x1E400] =	vst v63  }
0x30: {  	_ =	swait.ge [sflag:s14], $0x4000  }
0x31: {  	s26 =	simm.s32 $0x800;
	s25 =	simm.s32 $0x100;
	[sflag:s14] =	ssyncset.done $0x0  }
.LBB2_2:
0x32: {  	s28 =	sadd.s32 $0x80, s25  }
0x33: {  	[sflag:s14] =	ssyncadd.s32 $0xFFFFC000;
	s29 =	smov.u32 s26;
	s30 =	sadd.s32 $0x400, s26  }
0x34: {  	[tilespmem:s18], [sflag:$0x2] =	stream.indirect.gather [hbm4b:s1+s16], $0x80, s28, s16, $0xb8;
	[tilespmem:$0x1E400] =	vst v63  }
0x35: {  	p0 =	sne.s32 s26, $0x4800;
	_ =	swait.ge [sflag:s19], $0x4000  }
0x36: {  	[sflag:s19] =	ssyncset.done $0x0  }
0x37: {  	s26 =	sadd.s32 $0x1400, s25;
	[sflag:s19] =	ssyncadd.s32 $0xFFFFC000  }
0x38: {  	[spmem:s2] =	stream.indirect.scatter.add.f32 [tilespmem:s17], [sflag:$0x3], $0x80, s26, s16, $0xb8;
	[tilespmem:$0x1E400] =	vst v63  }
0x39: {  	_ =	swait.ge [sflag:s14], $0x4000  }
0x3a: {  	[sflag:s14] =	ssyncset.done $0x0  }
0x3b: {  	s26 =	sadd.s32 $0x100, s25;
	[sflag:s14] =	ssyncadd.s32 $0xFFFFC000  }
0x3c: {  	[tilespmem:s17], [sflag:$0x1] =	stream.indirect.gather [hbm4b:s1+s16], $0x80, s26, s16, $0xb8;
	[tilespmem:$0x1E400] =	vst v63  }
0x3d: {  	_ =	swait.ge [sflag:s20], $0x4000  }
.Ltmp0:
0x3e: {  	[sflag:s20] =	ssyncset.done $0x0;
	(pc) =	sbr.rel @p0 .LBB2_2-.Ltmp0, $4  }
0x3f: {  	s25 =	sadd.s32 $0x1480, s25;
	[sflag:s20] =	ssyncadd.s32 $0xFFFFC000  }
0x40: {  	[spmem:s2] =	stream.indirect.scatter.add.f32 [tilespmem:s18], [sflag:$0x3], $0x80, s25, s16, $0xb8;
	[tilespmem:$0x1E400] =	vst v63  }
0x41: {  	_ =	swait.ge [sflag:s14], $0x4000  }
0x42: {  	s26 =	smov.u32 s30;
	s25 =	sshra.s32 s29, $0x2;
	[sflag:s14] =	ssyncset.done $0x0  }
0x43: {  	s26 =	sadd.s32 $0x80, s25;
	[sflag:s14] =	ssyncadd.s32 $0xFFFFC000  }
0x44: {  	[tilespmem:s18], [sflag:$0x2] =	stream.indirect.gather [hbm4b:s1+s16], $0x80, s26, s16, $0xb8;
	[tilespmem:$0x1E400] =	vst v63  }
0x45: {  	_ =	swait.ge [sflag:s19], $0x4000  }
0x46: {  	[sflag:s19] =	ssyncset.done $0x0  }
0x47: {  	s29 =	sadd.s32 $0x1400, s25;
	[sflag:s19] =	ssyncadd.s32 $0xFFFFC000  }
0x48: {  	[spmem:s2] =	stream.indirect.scatter.add.f32 [tilespmem:s17], [sflag:$0x3], $0x80, s29, s16, $0xb8;
	[tilespmem:$0x1E400] =	vst v63  }
0x49: {  	_ =	swait.ge [sflag:s14], $0x4000  }
0x4a: {  	[sflag:s14] =	ssyncset.done $0x0  }
0x4b: {  	s30 =	sadd.s32 $0x100, s25;
	[sflag:s14] =	ssyncadd.s32 $0xFFFFC000  }
0x4c: {  	[tilespmem:s17], [sflag:$0x1] =	stream.indirect.gather [hbm4b:s1+s16], $0x80, s30, s16, $0xb8;
	[tilespmem:$0x1E400] =	vst v63  }
0x4d: {  	_ =	swait.ge [sflag:s20], $0x4000  }
0x4e: {  	[sflag:s20] =	ssyncset.done $0x0  }
0x4f: {  	s31 =	sadd.s32 $0x1480, s25;
	[sflag:s20] =	ssyncadd.s32 $0xFFFFC000  }
0x50: {  	[spmem:s2] =	stream.indirect.scatter.add.f32 [tilespmem:s18], [sflag:$0x3], $0x80, s31, s16, $0xb8;
	[tilespmem:$0x1E400] =	vst v63  }
0x51: {  	_ =	swait.ge [sflag:s14], $0x4000  }
0x52: {  	[sflag:s14] =	ssyncset.done $0x0  }
0x53: {  	[sflag:s14] =	ssyncadd.s32 $0xFFFFC000  }
0x54: {  	[tilespmem:s18], [sflag:$0x2] =	stream.indirect.gather [hbm4b:s1+s16], $0x80, s21, s16, $0xb8;
	[tilespmem:$0x1E400] =	vst v63  }
0x55: {  	_ =	swait.ge [sflag:s19], $0x4000  }
0x56: {  	[sflag:s19] =	ssyncset.done $0x0  }
0x57: {  	[sflag:s19] =	ssyncadd.s32 $0xFFFFC000  }
0x58: {  	[spmem:s2] =	stream.indirect.scatter.add.f32 [tilespmem:s17], [sflag:$0x3], $0x80, s22, s16, $0xb8;
	[tilespmem:$0x1E400] =	vst v63  }
0x59: {  	_ =	swait.ge [sflag:s14], $0x4000  }
0x5a: {  	[sflag:s14] =	ssyncset.done $0x0  }
0x5b: {  	[sflag:s14] =	ssyncadd.s32 $0xFFFFC000  }
0x5c: {  	_ =	swait.ge [sflag:s20], $0x4000  }
0x5d: {  	[sflag:s20] =	ssyncset.done $0x0  }
0x5e: {  	[sflag:s20] =	ssyncadd.s32 $0xFFFFC000  }
0x5f: {  	[spmem:s2] =	stream.indirect.scatter.add.f32 [tilespmem:s18], [sflag:$0x3], $0x80, s23, s16, $0xb8;
	[tilespmem:$0x1E400] =	vst v63  }
0x60: {  	_ =	swait.ge [sflag:s14], $0x4000  }
0x61: {  	[sflag:s14] =	ssyncset.done $0x0  }
0x62: {  	s26 =	simm.s32 $0x0;
	[sflag:s14] =	ssyncadd.s32 $0xFFFFC000  }
0x63: {  	[tilespmem:s26], [sflag:$0x3] =	stream.linear.gather [hbm4b:s9+s26], $0x1400, $0x38;
	[tilespmem:$0x1E400] =	vst v63  }
0x64: {  	_ =	swait.ge [sflag:s14], $0x1400  }
0x65: {  	[sflag:s14] =	ssyncset.done $0x0  }
0x66: {  	[sflag:s14] =	ssyncadd.s32 $0xFFFFEC00  }
0x67: {  	[tilespmem:s15], [sflag:$0x3] =	stream.linear.gather [hbm4b:s10+s26], $0x1400, $0x38;
	[tilespmem:$0x1E400] =	vst v63  }
0x68: {  	_ =	swait.ge [sflag:s14], $0x1400  }
0x69: {  	[sflag:s14] =	ssyncset.done $0x0  }
0x6a: {  	[sflag:s14] =	ssyncadd.s32 $0xFFFFEC00  }
0x6b: {  	[tilespmem:s17], [sflag:$0x1] =	stream.indirect.gather [hbm4b:s1+s16], $0x80, s26, s16, $0xb8;
	[tilespmem:$0x1E400] =	vst v63  }
0x6c: {  	s28 =	simm.s32 $0x80  }
0x6d: {  	[tilespmem:s18], [sflag:$0x2] =	stream.indirect.gather [hbm4b:s1+s16], $0x80, s28, s16, $0xb8;
	[tilespmem:$0x1E400] =	vst v63  }
0x6e: {  	_ =	swait.ge [sflag:s19], $0x4000  }
0x6f: {  	[sflag:s19] =	ssyncset.done $0x0  }
0x70: {  	s29 =	simm.s32 $0x1400;
	[sflag:s19] =	ssyncadd.s32 $0xFFFFC000  }
0x71: {  	[spmem:s2] =	stream.indirect.scatter.add.f32 [tilespmem:s17], [sflag:$0x3], $0x80, s29, s16, $0xb8;
	[tilespmem:$0x1E400] =	vst v63  }
0x72: {  	_ =	swait.ge [sflag:s14], $0x4000  }
0x73: {  	[sflag:s14] =	ssyncset.done $0x0  }
0x74: {  	s30 =	simm.s32 $0x100;
	[sflag:s14] =	ssyncadd.s32 $0xFFFFC000  }
0x75: {  	[tilespmem:s17], [sflag:$0x1] =	stream.indirect.gather [hbm4b:s1+s16], $0x80, s30, s16, $0xb8;
	[tilespmem:$0x1E400] =	vst v63  }
0x76: {  	_ =	swait.ge [sflag:s20], $0x4000  }
0x77: {  	[sflag:s20] =	ssyncset.done $0x0  }
0x78: {  	s31 =	simm.s32 $0x1480;
	[sflag:s20] =	ssyncadd.s32 $0xFFFFC000  }
0x79: {  	[spmem:s2] =	stream.indirect.scatter.add.f32 [tilespmem:s18], [sflag:$0x3], $0x80, s31, s16, $0xb8;
	[tilespmem:$0x1E400] =	vst v63  }
0x7a: {  	_ =	swait.ge [sflag:s14], $0x4000  }
0x7b: {  	s25 =	simm.s32 $0x100;
	s26 =	simm.s32 $0x800;
	[sflag:s14] =	ssyncset.done $0x0  }
.LBB2_4:
0x7c: {  	s28 =	sadd.s32 $0x80, s25  }
0x7d: {  	[sflag:s14] =	ssyncadd.s32 $0xFFFFC000;
	s29 =	smov.u32 s26;
	s30 =	sadd.s32 $0x400, s26  }
0x7e: {  	[tilespmem:s18], [sflag:$0x2] =	stream.indirect.gather [hbm4b:s1+s16], $0x80, s28, s16, $0xb8;
	[tilespmem:$0x1E400] =	vst v63  }
0x7f: {  	p0 =	sne.s32 s26, $0x4800;
	_ =	swait.ge [sflag:s19], $0x4000  }
0x80: {  	[sflag:s19] =	ssyncset.done $0x0  }
0x81: {  	s26 =	sadd.s32 $0x1400, s25;
	[sflag:s19] =	ssyncadd.s32 $0xFFFFC000  }
0x82: {  	[spmem:s2] =	stream.indirect.scatter.add.f32 [tilespmem:s17], [sflag:$0x3], $0x80, s26, s16, $0xb8;
	[tilespmem:$0x1E400] =	vst v63  }
0x83: {  	_ =	swait.ge [sflag:s14], $0x4000  }
0x84: {  	[sflag:s14] =	ssyncset.done $0x0  }
0x85: {  	s26 =	sadd.s32 $0x100, s25;
	[sflag:s14] =	ssyncadd.s32 $0xFFFFC000  }
0x86: {  	[tilespmem:s17], [sflag:$0x1] =	stream.indirect.gather [hbm4b:s1+s16], $0x80, s26, s16, $0xb8;
	[tilespmem:$0x1E400] =	vst v63  }
0x87: {  	_ =	swait.ge [sflag:s20], $0x4000  }
.Ltmp1:
0x88: {  	[sflag:s20] =	ssyncset.done $0x0;
	(pc) =	sbr.rel @p0 .LBB2_4-.Ltmp1, $4  }
0x89: {  	s25 =	sadd.s32 $0x1480, s25;
	[sflag:s20] =	ssyncadd.s32 $0xFFFFC000  }
0x8a: {  	[spmem:s2] =	stream.indirect.scatter.add.f32 [tilespmem:s18], [sflag:$0x3], $0x80, s25, s16, $0xb8;
	[tilespmem:$0x1E400] =	vst v63  }
0x8b: {  	_ =	swait.ge [sflag:s14], $0x4000  }
0x8c: {  	s26 =	smov.u32 s30;
	s25 =	sshra.s32 s29, $0x2;
	[sflag:s14] =	ssyncset.done $0x0  }
0x8d: {  	s26 =	sadd.s32 $0x80, s25;
	[sflag:s14] =	ssyncadd.s32 $0xFFFFC000  }
0x8e: {  	[tilespmem:s18], [sflag:$0x2] =	stream.indirect.gather [hbm4b:s1+s16], $0x80, s26, s16, $0xb8;
	[tilespmem:$0x1E400] =	vst v63  }
0x8f: {  	_ =	swait.ge [sflag:s19], $0x4000  }
0x90: {  	[sflag:s19] =	ssyncset.done $0x0  }
0x91: {  	s29 =	sadd.s32 $0x1400, s25;
	[sflag:s19] =	ssyncadd.s32 $0xFFFFC000  }
0x92: {  	[spmem:s2] =	stream.indirect.scatter.add.f32 [tilespmem:s17], [sflag:$0x3], $0x80, s29, s16, $0xb8;
	[tilespmem:$0x1E400] =	vst v63  }
0x93: {  	_ =	swait.ge [sflag:s14], $0x4000  }
0x94: {  	[sflag:s14] =	ssyncset.done $0x0  }
0x95: {  	s30 =	sadd.s32 $0x100, s25;
	[sflag:s14] =	ssyncadd.s32 $0xFFFFC000  }
0x96: {  	[tilespmem:s17], [sflag:$0x1] =	stream.indirect.gather [hbm4b:s1+s16], $0x80, s30, s16, $0xb8;
	[tilespmem:$0x1E400] =	vst v63  }
0x97: {  	_ =	swait.ge [sflag:s20], $0x4000  }
0x98: {  	[sflag:s20] =	ssyncset.done $0x0  }
0x99: {  	s31 =	sadd.s32 $0x1480, s25;
	[sflag:s20] =	ssyncadd.s32 $0xFFFFC000  }
0x9a: {  	[spmem:s2] =	stream.indirect.scatter.add.f32 [tilespmem:s18], [sflag:$0x3], $0x80, s31, s16, $0xb8;
	[tilespmem:$0x1E400] =	vst v63  }
0x9b: {  	_ =	swait.ge [sflag:s14], $0x4000  }
0x9c: {  	[sflag:s14] =	ssyncset.done $0x0  }
0x9d: {  	[sflag:s14] =	ssyncadd.s32 $0xFFFFC000  }
0x9e: {  	[tilespmem:s18], [sflag:$0x2] =	stream.indirect.gather [hbm4b:s1+s16], $0x80, s21, s16, $0xb8;
	[tilespmem:$0x1E400] =	vst v63  }
0x9f: {  	_ =	swait.ge [sflag:s19], $0x4000  }
0xa0: {  	[sflag:s19] =	ssyncset.done $0x0  }
0xa1: {  	[sflag:s19] =	ssyncadd.s32 $0xFFFFC000  }
0xa2: {  	[spmem:s2] =	stream.indirect.scatter.add.f32 [tilespmem:s17], [sflag:$0x3], $0x80, s22, s16, $0xb8;
	[tilespmem:$0x1E400] =	vst v63  }
0xa3: {  	_ =	swait.ge [sflag:s14], $0x4000  }
0xa4: {  	[sflag:s14] =	ssyncset.done $0x0  }
0xa5: {  	[sflag:s14] =	ssyncadd.s32 $0xFFFFC000  }
0xa6: {  	_ =	swait.ge [sflag:s20], $0x4000  }
0xa7: {  	[sflag:s20] =	ssyncset.done $0x0  }
0xa8: {  	[sflag:s20] =	ssyncadd.s32 $0xFFFFC000  }
0xa9: {  	[spmem:s2] =	stream.indirect.scatter.add.f32 [tilespmem:s18], [sflag:$0x3], $0x80, s23, s16, $0xb8;
	[tilespmem:$0x1E400] =	vst v63  }
0xaa: {  	_ =	swait.ge [sflag:s14], $0x4000  }
0xab: {  	s24 =	sadd.s32 $0x1, s24;
	[sflag:s14] =	ssyncset.done $0x0  }
0xac: {  	p0 =	sne.s32 s24, s12;
	[sflag:s14] =	ssyncadd.s32 $0xFFFFC000  }
.Ltmp2:
0xad: {  	[bflag:$0x0] =	sbarrier.arrive $0xFFFF;
	(pc) =	sbr.rel @p0 .LBB2_1-.Ltmp2, $4  }
0xae: {  	[hbm:s11], [sflag:s6] =	dma.local [spmem:s13], $0x2780  }
0xaf: {  	_ =	swait.ge [sflag:s14], $0x2780  }
0xb0: {  	[sflag:s14] =	ssyncset.done $0x0  }
0xb1: {  	[sflag:s14] =	ssyncadd.s32 $0xFFFFD880  }
0xb2: {  	_ =	sfence.sel $0x180000  }
0xb3: {  	[bflag:$0x0] =	sbarrier.arrive $0xFFFF  }
0xb4: {  	p0 =	sne.s32 s3, $0x0;
	_ =	strace $0x90000047  }
0xb5: {  	s0 =	sadd.s32 @!p0 $0x100000, s0;
	[bflag:$0x2] =	sbarrier.arrive $0xFFFF  }
0xb6: {  	[sflag:s0] =	ssyncadd.tile.s32 @!p0 $0x1;
	_ =	shalt  }
.Lfunc_end2:
_tile_overlayer_lowered:
.L_overlay_start_2:
0xb7: {  	(tag) =	ssettag $0x2  }
0xb8: {  	s0 =	rddreg [dreg:$0x0];
	s2 =	stileid.u32  }
0xb9: {  	s1 =	rddreg [dreg:$0x1];
	p0 =	sne.s32 s2, $0x0  }
0xba: {  	s3 =	rddreg [dreg:$0x2];
	[bflag:$0x3] =	sbarrier.arrive $0xFFFF;
	s2 =	simm.s32 @!p0 $0x1C03  }
0xbb: {  	[timem:s3], [sflag:s2] =	dma.local @!p0 [hbm:s0], s1  }
0xbc: {  	s0 =	simm.s32 @!p0 $0x3  }
0xbd: {  	_ =	swait.ge @!p0 [sflag:s0], s1  }
0xbe: {  	s1 =	ssub.s32 @!p0 $0x0, s1;
	[sflag:s0] =	ssyncset.done @!p0 $0x0  }
0xbf: {  	[sflag:s0] =	ssyncadd.s32 @!p0 s1  }
0xc0: {  	[bflag:$0x3] =	sbarrier.arrive $0xFFFF  }
0xc1: {  	_ =	shalt  }

// kernel: kernel.15.cloned.1.call-start
scs
__scs_entry_jumppad:
0x0: {  	(pc) =	sbr.rel $0x88, $3  }
0x1: {  	(tag) =	ssettag $0x0;
	lr =	simm.s32 $0x1  }
0x2: {  	[smem:$0x3F9A] =	sst lr;
	_ =	strace $0xD0000000  }
0x3: {  	_ = 	snop  }
0x4: {  	_ = 	snop  }
0x5: {  	_ = 	snop  }
0x6: {  	_ = 	snop  }
0x7: {  	_ = 	snop  }
__scs_overlays_trampoline_lowered:
0x8: {  	[smem:$0x3FA9] =	sst s0  }
0x9: {  	[smem:$0x3FAA] =	sst s1  }
0xa: {  	[smem:$0x3FAB] =	sst s2  }
0xb: {  	[smem:$0x3FAC] =	sst s3  }
0xc: {  	[smem:$0x3FAD] =	sst s4  }
0xd: {  	[smem:$0x3FAE] =	sst s5  }
0xe: {  	[smem:$0x3FAF] =	sst s6  }
0xf: {  	[smem:$0x3FB0] =	sst s7  }
0x10: {  	[smem:$0x3FB1] =	sst s8  }
0x11: {  	[smem:$0x3FB2] =	sst s9;
	s0 =	simm.s32 @!p0 $0x0  }
0x12: {  	s1 =	sld [smem:$0x3F98];
	s0 =	simm.s32 @p0 $0x1  }
0x13: {  	[smem:$0x3FB3] =	sst s0;
	s0 =	simm.s32 @!p1 $0x0  }
0x14: {  	s2 =	sld [smem:$0x3F97];
	s0 =	simm.s32 @p1 $0x1  }
0x15: {  	[smem:$0x3FB4] =	sst s0;
	s0 =	simm.s32 @!p2 $0x0  }
0x16: {  	s3 =	sld [smem:$0x3FDB];
	s0 =	simm.s32 @p2 $0x1  }
0x17: {  	s4 =	simm.s32 $0x1BF5;
	[smem:$0x3FB6] =	sst s0  }
0x18: {  	s0 =	sld [smem:$0x3F99];
	_ =	swait.ge [sflag:s4], $0x0  }
0x19: {  	s7 =	sld [smem:$0x3F9A]  }
0x1a: {  	s8 =	sadd.s32 $0xFFFFE003, lr  }
0x1b: {  	s9 =	sadd.s32 $0xFFFFFEF7, lr;
	s5 =	simm.s32 $0xFFFFFFFF;
	p2 =	slt.u32 s8, $0xFFFFF086  }
0x1c: {  	p1 =	slt.u32 s9, $0xF7A;
	s5 =	simm.s32 @!p2 $0x0  }
0x1d: {  	s5 =	simm.s32 @p1 $0x1;
	p0 =	seq.s32 s7, s2  }
0x1e: {  	s7 =	smul.u32 @!p0 $0xF7A, s2;
	p2 =	seq.s32 @!p0 s5, $0x0  }
0x1f: {  	s9 =	smul.u32 $0xF7A, s1;
	s8 =	simm.s32 @!p0 $0x1BF5;
	p2 =	por !p2, p0  }
0x20: {  	[sflag:s8] =	ssyncset.s32 @!p0 $0xFFFFF086;
	s6 =	sadd.s32 @!p0 s3, s7;
	s7 =	simm.s32 @!p0 $0x108  }
0x21: {  	s3 =	sadd.s32 s3, s9;
	s6 =	sadd.s32 @!p0 $0x88, s6;
	s7 =	simm.s32 @p2 $0x1082  }
0x22: {  	[simem:s7], [sflag:s8] =	dma.local @!p0 [hbm:s6], $0xF7A  }
0x23: {  	s9 =	sor.u32 $0xD0000000, s2;
	s6 =	simm.s32 $0x108;
	_ =	swait.ge @!p0 [sflag:s8], $0x0  }
0x24: {  	s3 =	sadd.s32 $0x88, s3;
	s6 =	simm.s32 @!p1 $0x1082;
	[sflag:s4] =	ssyncset.s32 $0xFFFFF086  }
0x25: {  	[simem:s6], [sflag:s4] =	dma.local [hbm:s3], $0xF7A  }
0x26: {  	[smem:$0x3F9A] =	sst s1;
	(tag) =	ssettag s2;
	_ =	strace s9  }
0x27: {  	s1 =	sld [smem:$0x3FAA]  }
0x28: {  	s2 =	sld [smem:$0x3FAB]  }
0x29: {  	s4 =	sld [smem:$0x3FAD]  }
0x2a: {  	p0 =	seq.s32 s5, $0x0;
	s5 =	sld [smem:$0x3FAE]  }
0x2b: {  	s6 =	sld [smem:$0x3FAF]  }
0x2c: {  	s7 =	sld [smem:$0x3FB0]  }
0x2d: {  	s3 =	simm.s32 $0x108;
	s8 =	sld [smem:$0x3FB1]  }
0x2e: {  	s3 =	simm.s32 @!p0 $0x1082;
	s9 =	sld [smem:$0x3FB2]  }
0x2f: {  	lr =	sadd.s32 s0, s3;
	s0 =	sld [smem:$0x3FA9]  }
0x30: {  	s3 =	sld [smem:$0x3FAC]  }
0x31: {  	[smem:$0x3FB5] =	sst s10  }
0x32: {  	s10 =	sld [smem:$0x3FB3];
	_ =	sdelay $0x3  }
0x33: {  	p0 =	seq.s32 s10, $0x1;
	s10 =	sld [smem:$0x3FB5];
	_ =	sdelay $0x3  }
0x34: {  	[smem:$0x3FB5] =	sst s10  }
0x35: {  	s10 =	sld [smem:$0x3FB4];
	_ =	sdelay $0x3  }
0x36: {  	p1 =	seq.s32 s10, $0x1;
	s10 =	sld [smem:$0x3FB5];
	_ =	sdelay $0x3  }
0x37: {  	[smem:$0x3FB5] =	sst s10  }
0x38: {  	s10 =	sld [smem:$0x3FB6]  }
0x39: {  	_ = 	snop;
	(pc) =	sbr.ind lr, $3  }
0x3a: {  	_ = 	snop  }
0x3b: {  	_ = 	snop  }
0x3c: {  	p2 =	seq.s32 s10, $0x1;
	s10 =	sld [smem:$0x3FB5]  }
0x3d: {  	_ =	shalt  }
0x3e: {  	_ =	shalt  }
0x3f: {  	_ =	shalt  }
0x40: {  	_ =	shalt  }
0x41: {  	_ =	shalt  }
0x42: {  	_ =	shalt  }
0x43: {  	_ =	shalt  }
0x44: {  	_ =	shalt  }
0x45: {  	_ =	shalt  }
0x46: {  	_ =	shalt  }
0x47: {  	_ =	shalt  }
0x48: {  	_ =	shalt  }
0x49: {  	_ =	shalt  }
0x4a: {  	_ =	shalt  }
0x4b: {  	_ =	shalt  }
0x4c: {  	_ =	shalt  }
0x4d: {  	_ =	shalt  }
0x4e: {  	_ =	shalt  }
0x4f: {  	_ =	shalt  }
0x50: {  	_ =	shalt  }
0x51: {  	_ =	shalt  }
0x52: {  	_ =	shalt  }
0x53: {  	_ =	shalt  }
0x54: {  	_ =	shalt  }
0x55: {  	_ =	shalt  }
0x56: {  	_ =	shalt  }
0x57: {  	_ =	shalt  }
0x58: {  	_ =	shalt  }
0x59: {  	_ =	shalt  }
0x5a: {  	_ =	shalt  }
0x5b: {  	_ =	shalt  }
0x5c: {  	_ =	shalt  }
0x5d: {  	_ =	shalt  }
0x5e: {  	_ =	shalt  }
0x5f: {  	_ =	shalt  }
0x60: {  	_ =	shalt  }
0x61: {  	_ =	shalt  }
0x62: {  	_ =	shalt  }
0x63: {  	_ =	shalt  }
0x64: {  	_ =	shalt  }
0x65: {  	_ =	shalt  }
0x66: {  	_ =	shalt  }
0x67: {  	_ =	shalt  }
0x68: {  	_ =	shalt  }
0x69: {  	_ =	shalt  }
0x6a: {  	_ =	shalt  }
0x6b: {  	_ =	shalt  }
0x6c: {  	_ =	shalt  }
0x6d: {  	_ =	shalt  }
0x6e: {  	_ =	shalt  }
0x6f: {  	_ =	shalt  }
0x70: {  	_ =	shalt  }
0x71: {  	_ =	shalt  }
0x72: {  	_ =	shalt  }
0x73: {  	_ =	shalt  }
0x74: {  	_ =	shalt  }
0x75: {  	_ =	shalt  }
0x76: {  	_ =	shalt  }
0x77: {  	_ =	shalt  }
0x78: {  	_ =	shalt  }
0x79: {  	_ =	shalt  }
0x7a: {  	_ =	shalt  }
0x7b: {  	_ =	shalt  }
0x7c: {  	_ =	shalt  }
0x7d: {  	_ =	shalt  }
0x7e: {  	_ =	shalt  }
0x7f: {  	_ =	shalt  }
0x80: {  	_ =	shalt  }
0x81: {  	_ =	shalt  }
0x82: {  	_ =	shalt  }
0x83: {  	_ =	shalt  }
0x84: {  	_ =	shalt  }
0x85: {  	_ =	shalt  }
0x86: {  	_ =	shalt  }
0x87: {  	_ =	shalt  }
.Lfunc_end0:
.L_simem_size_0:
called_computation.1_lowered:
.L_overlay_start_0:
0x88: {  	s2 =	sld [smem:$0x3FD9]  }
0x89: {  	s3 =	sld [smem:$0x3FFE];
	_ =	sdelay $0x1  }
0x8a: {  	s1 =	srdreg.scid  }
0x8b: {  	s0 =	sand.u32 $0x1, s1  }
0x8c: {  	s17 =	sshll.u32 s0, $0xA;
	s2 =	sadd.s32 s3, s2  }
0x8d: {  	s2 =	sadd.s32 s2, s17  }
0x8e: {  	[smem:$0x3FC1] =	sst s2  }
0x8f: {  	_ = 	snop  }
0x90: {  	s2 =	sld [smem:$0x3FD0];
	(tm) =	ssettm $0x1  }
0x91: {  	s18 =	sld [smem:$0x3FFB];
	_ =	sdelay $0x3  }
0x92: {  	_ =	strace s18  }
0x93: {  	s3 =	sld [smem:$0x3FFC];
	_ =	sdelay $0x3  }
0x94: {  	_ =	strace s3  }
0x95: {  	s3 =	sld [smem:$0x3FFD];
	_ =	sdelay $0x3  }
0x96: {  	_ =	strace s3  }
0x97: {  	_ =	strace $0x8FFFFFFF  }
0x98: {  	s19 =	sld [smem:$0x3FDB];
	_ =	sdelay $0x1  }
0x99: {  	s4 =	simm.s32 $_scs_section_size  }
0x9a: {  	s5 =	simm.s32 $_size__tile_overlayer_lowered;
	s6 =	simm.s32 $_tile_overlayer_lowered  }
0x9b: {  	s22 =	simm.s32 $0x1BFF;
	s21 =	sshll.u32 s6, $0x1;
	s3 =	sadd.s32 s4, s19  }
0x9c: {  	s7 =	simm.s32 $0x0;
	s20 =	sshll.u32 s5, $0x1;
	s5 =	sadd.s32 s21, s3  }
0x9d: {  	[timem:s7], [sflag:s22] =	dma.local [hbm:s5], s20  }
0x9e: {  	_ =	swait.ge [sflag:s22], s20  }
0x9f: {  	s4 =	ssub.s32 $0x0, s20;
	[sflag:s22] =	ssyncset.done $0x0  }
0xa0: {  	[sflag:s22] =	ssyncadd.s32 s4;
	_ =	sdelay $0x1  }
0xa1: {  	s23 =	simm.s32 $0x1B8B  }
0xa2: {  	_ =	swait.ge [sflag:s23], $0x1  }
0xa3: {  	[sflag:s23] =	ssyncset.done $0x0  }
0xa4: {  	s25 =	simm.s32 $0x1B8E;
	s24 =	sld [smem:$0x3FFE];
	[sflag:s23] =	ssyncadd.s32 $0xFFFFFFFF  }
0xa5: {  	s26 =	simm.s32 $execute0_lowered;
	[smem:$0x3FD2] =	sst s25  }
0xa6: {  	s5 =	sshll.u32 s26, $0x1;
	_ =	strace $0x80000049;
	[dreg:$0x1] =	wrdreg $0xFFFFFFFF  }
0xa7: {  	s28 =	simm.s32 $_size_execute0_lowered;
	s3 =	sadd.s32 s3, s5;
	[dreg:$0x0] =	wrdreg $0x0  }
0xa8: {  	s5 =	sshll.u32 s28, $0x1;
	[dreg:$0x2] =	wrdreg s3  }
0xa9: {  	[dreg:$0x3] =	wrdreg s5  }
0xaa: {  	[dreg:$0x4] =	wrdreg $0xC0  }
0xab: {  	_ =	task [dreg:s7], $0x5FFFF  }
0xac: {  	[dreg:$0x1] =	wrdreg $0xFFFFFFFF  }
0xad: {  	[dreg:$0x0] =	wrdreg $0x60  }
0xae: {  	[dreg:$0x2] =	wrdreg s2  }
0xaf: {  	[dreg:$0x3] =	wrdreg s24  }
0xb0: {  	[dreg:$0x4] =	wrdreg $0xA8000  }
0xb1: {  	[dreg:$0x5] =	wrdreg $0x9  }
0xb2: {  	_ =	task.clear_ibuf [dreg:s7], $0x6FFFF;
	_ =	strace $0x90000049  }
0xb3: {  	s29 =	simm.s32 $0x9;
	_ =	strace $0x8000004B  }
0xb4: {  	_ =	swait.ge [sflag:s29], $0x1  }
0xb5: {  	[sflag:s29] =	ssyncadd.s32 $0xFFFFFFFF  }
0xb6: {  	_ =	strace $0x9000004B  }
0xb7: {  	_ =	sfence  }
0xb8: {  	s30 =	sld [smem:$0x0];
	_ =	sdelay $0x2  }
0xb9: {  	s31 =	sshll.u32 s1, $0xD;
	s1 =	sshrl.u32 s1, $0x2  }
0xba: {  	s3 =	sand.u32 $0x4000, s31;
	s1 =	sadd.s32 s1, s30  }
0xbb: {  	s0 =	sor.u32 s3, s0;
	s1 =	sshll.u32 s1, $0x11  }
0xbc: {  	s0 =	sor.u32 s1, s0  }
0xbd: {  	s0 =	sadd.s32 $0x8F2B, s0  }
0xbe: {  	[sflag:s0] =	ssyncadd.remote.s32 $0x1  }
0xbf: {  	_ =	sfence.sel $0xFFFF  }
0xc0: {  	[dreg:$0x0] =	wrdreg $0xFFFFFFFF;
	(pc) =	sbr.abs _section_cstart, $3  }
0xc1: {  	[dreg:$0x1] =	wrdreg $0xFFFFFFFF  }
0xc2: {  	_ =	task.clear_ibuf [dreg:s7], $0x2FFFF;
	_ =	strace $0x9FFFFFFF  }
0xc3: {  	(tm) =	ssettm $0x7FFFFFFF  }
tec
execute0_lowered:
.L_overlay_start_1:
0x0: {  	(tag) =	ssettag $0x1  }
0x1: {  	s1 =	rddreg [dreg:$0x0]  }
0x2: {  	s6 =	rddreg [dreg:$0x1]  }
0x3: {  	s2 =	rddreg [dreg:$0x2]  }
0x4: {  	s3 =	srdreg.scid;
	s0 =	rddreg [dreg:$0x3]  }
0x5: {  	s4 =	simm.s32 $0x0;
	s16 =	simm.s32 $0x80;
	s17 =	simm.s32 $0x2800  }
0x6: {  	s18 =	simm.s32 $0x6800;
	s19 =	simm.s32 $0x1;
	s20 =	simm.s32 $0x2  }
0x7: {  	s21 =	simm.s32 $0x1380;
	s22 =	simm.s32 $0x2700;
	s23 =	simm.s32 $0x2780  }
0x8: {  	s7 =	sand.u32 $0x1, s3;
	s3 =	stileid.u32;
	[smem:$0x7FF] =	sst s4  }
0x9: {  	s10 =	sadd.s32 $0xD000, s6;
	s11 =	sadd.s32 $0x3000, s6;
	s8 =	smul.u32 $0x13C000, s7  }
0xa: {  	s5 =	sadd.s32 $0x17000, s6;
	s9 =	smul.u32 $0x13C00, s3;
	_ =	strace $0x8000004A  }
0xb: {  	s24 =	sshll.u32 s3, $0x1;
	s12 =	ssub.s32 $0x2, s7;
	s25 =	smul.u32 $0x4F000, s3  }
0xc: {  	s28 =	sshll.u32 s3, $0x6;
	s7 =	sor.u32 s7, s24;
	s13 =	sshrl.u32 s12, $0x1  }
0xd: {  	s24 =	simm.s32 $0x0;
	s8 =	sadd.s32 s9, s8;
	s14 =	smul.u32 $0x2800, s7  }
0xe: {  	s12 =	ssub.s32 s12, s13;
	s26 =	sshrl.u32 s25, $0x2;
	s29 =	smul.u32 $0x500, s7  }
0xf: {  	s8 =	sshrl.u32 s8, $0x3;
	s31 =	sadd.s32 s26, s2;
	s12 =	smax.u32 s12, $0x1  }
0x10: {  	s15 =	sadd.s32 s8, s6;
	s30 =	sshrl.u32 s14, $0x3;
	s6 =	sor.u32 $0x1C03, s28  }
0x11: {  	s7 =	sadd.s32 s10, s29;
	s8 =	sadd.s32 s11, s29;
	s14 =	sadd.s32 $0x280, s30  }
0x12: {  	s13 =	sshrl.u32 s31, $0x3;
	s9 =	sadd.s32 s10, s14;
	s10 =	sadd.s32 s11, s14  }
0x13: {  	s11 =	sadd.s32 $0x19800, s15;
	s14 =	simm.s32 $0x3;
	s15 =	simm.s32 $0x1400  }
.LBB2_1:
0x14: {  	[spmem:s13], [sflag:s6] =	dma.local [hbm:s5], $0x2780  }
0x15: {  	_ =	swait.ge [sflag:s14], $0x2780  }
0x16: {  	[sflag:s14] =	ssyncset.done $0x0  }
0x17: {  	[sflag:s14] =	ssyncadd.s32 $0xFFFFD880  }
0x18: {  	[bflag:$0x0] =	sbarrier.arrive $0xFFFF  }
0x19: {  	[tilespmem:s4], [sflag:$0x3] =	stream.linear.gather [hbm4b:s7+s4], $0x1400, $0x38;
	[tilespmem:$0x1E400] =	vst v63  }
0x1a: {  	_ =	swait.ge [sflag:s14], $0x1400  }
0x1b: {  	[sflag:s14] =	ssyncset.done $0x0  }
0x1c: {  	[sflag:s14] =	ssyncadd.s32 $0xFFFFEC00  }
0x1d: {  	[tilespmem:s15], [sflag:$0x3] =	stream.linear.gather [hbm4b:s8+s4], $0x1400, $0x38;
	[tilespmem:$0x1E400] =	vst v63  }
0x1e: {  	_ =	swait.ge [sflag:s14], $0x1400  }
0x1f: {  	[sflag:s14] =	ssyncset.done $0x0  }
0x20: {  	[sflag:s14] =	ssyncadd.s32 $0xFFFFEC00  }
0x21: {  	[tilespmem:s17], [sflag:$0x1] =	stream.indirect.gather [hbm4b:s1+s16], $0x80, s4, s16, $0xb8;
	[tilespmem:$0x1E400] =	vst v63  }
0x22: {  	s25 =	simm.s32 $0x80  }
0x23: {  	[tilespmem:s18], [sflag:$0x2] =	stream.indirect.gather [hbm4b:s1+s16], $0x80, s25, s16, $0xb8;
	[tilespmem:$0x1E400] =	vst v63  }
0x24: {  	_ =	swait.ge [sflag:s19], $0x4000  }
0x25: {  	[sflag:s19] =	ssyncset.done $0x0  }
0x26: {  	s29 =	simm.s32 $0x1400;
	[sflag:s19] =	ssyncadd.s32 $0xFFFFC000  }
0x27: {  	[spmem:s2] =	stream.indirect.scatter.add.f32 [tilespmem:s17], [sflag:$0x3], $0x80, s29, s16, $0xb8;
	[tilespmem:$0x1E400] =	vst v63  }
0x28: {  	_ =	swait.ge [sflag:s14], $0x4000  }
0x29: {  	[sflag:s14] =	ssyncset.done $0x0  }
0x2a: {  	s30 =	simm.s32 $0x100;
	[sflag:s14] =	ssyncadd.s32 $0xFFFFC000  }
0x2b: {  	[tilespmem:s17], [sflag:$0x1] =	stream.indirect.gather [hbm4b:s1+s16], $0x80, s30, s16, $0xb8;
	[tilespmem:$0x1E400] =	vst v63  }
0x2c: {  	_ =	swait.ge [sflag:s20], $0x4000  }
0x2d: {  	[sflag:s20] =	ssyncset.done $0x0  }
0x2e: {  	s31 =	simm.s32 $0x1480;
	[sflag:s20] =	ssyncadd.s32 $0xFFFFC000  }
0x2f: {  	[spmem:s2] =	stream.indirect.scatter.add.f32 [tilespmem:s18], [sflag:$0x3], $0x80, s31, s16, $0xb8;
	[tilespmem:$0x1E400] =	vst v63  }
0x30: {  	_ =	swait.ge [sflag:s14], $0x4000  }
0x31: {  	s26 =	simm.s32 $0x800;
	s25 =	simm.s32 $0x100;
	[sflag:s14] =	ssyncset.done $0x0  }
.LBB2_2:
0x32: {  	s28 =	sadd.s32 $0x80, s25  }
0x33: {  	[sflag:s14] =	ssyncadd.s32 $0xFFFFC000;
	s29 =	smov.u32 s26;
	s30 =	sadd.s32 $0x400, s26  }
0x34: {  	[tilespmem:s18], [sflag:$0x2] =	stream.indirect.gather [hbm4b:s1+s16], $0x80, s28, s16, $0xb8;
	[tilespmem:$0x1E400] =	vst v63  }
0x35: {  	p0 =	sne.s32 s26, $0x4800;
	_ =	swait.ge [sflag:s19], $0x4000  }
0x36: {  	[sflag:s19] =	ssyncset.done $0x0  }
0x37: {  	s26 =	sadd.s32 $0x1400, s25;
	[sflag:s19] =	ssyncadd.s32 $0xFFFFC000  }
0x38: {  	[spmem:s2] =	stream.indirect.scatter.add.f32 [tilespmem:s17], [sflag:$0x3], $0x80, s26, s16, $0xb8;
	[tilespmem:$0x1E400] =	vst v63  }
0x39: {  	_ =	swait.ge [sflag:s14], $0x4000  }
0x3a: {  	[sflag:s14] =	ssyncset.done $0x0  }
0x3b: {  	s26 =	sadd.s32 $0x100, s25;
	[sflag:s14] =	ssyncadd.s32 $0xFFFFC000  }
0x3c: {  	[tilespmem:s17], [sflag:$0x1] =	stream.indirect.gather [hbm4b:s1+s16], $0x80, s26, s16, $0xb8;
	[tilespmem:$0x1E400] =	vst v63  }
0x3d: {  	_ =	swait.ge [sflag:s20], $0x4000  }
.Ltmp0:
0x3e: {  	[sflag:s20] =	ssyncset.done $0x0;
	(pc) =	sbr.rel @p0 .LBB2_2-.Ltmp0, $4  }
0x3f: {  	s25 =	sadd.s32 $0x1480, s25;
	[sflag:s20] =	ssyncadd.s32 $0xFFFFC000  }
0x40: {  	[spmem:s2] =	stream.indirect.scatter.add.f32 [tilespmem:s18], [sflag:$0x3], $0x80, s25, s16, $0xb8;
	[tilespmem:$0x1E400] =	vst v63  }
0x41: {  	_ =	swait.ge [sflag:s14], $0x4000  }
0x42: {  	s26 =	smov.u32 s30;
	s25 =	sshra.s32 s29, $0x2;
	[sflag:s14] =	ssyncset.done $0x0  }
0x43: {  	s26 =	sadd.s32 $0x80, s25;
	[sflag:s14] =	ssyncadd.s32 $0xFFFFC000  }
0x44: {  	[tilespmem:s18], [sflag:$0x2] =	stream.indirect.gather [hbm4b:s1+s16], $0x80, s26, s16, $0xb8;
	[tilespmem:$0x1E400] =	vst v63  }
0x45: {  	_ =	swait.ge [sflag:s19], $0x4000  }
0x46: {  	[sflag:s19] =	ssyncset.done $0x0  }
0x47: {  	s29 =	sadd.s32 $0x1400, s25;
	[sflag:s19] =	ssyncadd.s32 $0xFFFFC000  }
0x48: {  	[spmem:s2] =	stream.indirect.scatter.add.f32 [tilespmem:s17], [sflag:$0x3], $0x80, s29, s16, $0xb8;
	[tilespmem:$0x1E400] =	vst v63  }
0x49: {  	_ =	swait.ge [sflag:s14], $0x4000  }
0x4a: {  	[sflag:s14] =	ssyncset.done $0x0  }
0x4b: {  	s30 =	sadd.s32 $0x100, s25;
	[sflag:s14] =	ssyncadd.s32 $0xFFFFC000  }
0x4c: {  	[tilespmem:s17], [sflag:$0x1] =	stream.indirect.gather [hbm4b:s1+s16], $0x80, s30, s16, $0xb8;
	[tilespmem:$0x1E400] =	vst v63  }
0x4d: {  	_ =	swait.ge [sflag:s20], $0x4000  }
0x4e: {  	[sflag:s20] =	ssyncset.done $0x0  }
0x4f: {  	s31 =	sadd.s32 $0x1480, s25;
	[sflag:s20] =	ssyncadd.s32 $0xFFFFC000  }
0x50: {  	[spmem:s2] =	stream.indirect.scatter.add.f32 [tilespmem:s18], [sflag:$0x3], $0x80, s31, s16, $0xb8;
	[tilespmem:$0x1E400] =	vst v63  }
0x51: {  	_ =	swait.ge [sflag:s14], $0x4000  }
0x52: {  	[sflag:s14] =	ssyncset.done $0x0  }
0x53: {  	[sflag:s14] =	ssyncadd.s32 $0xFFFFC000  }
0x54: {  	[tilespmem:s18], [sflag:$0x2] =	stream.indirect.gather [hbm4b:s1+s16], $0x80, s21, s16, $0xb8;
	[tilespmem:$0x1E400] =	vst v63  }
0x55: {  	_ =	swait.ge [sflag:s19], $0x4000  }
0x56: {  	[sflag:s19] =	ssyncset.done $0x0  }
0x57: {  	[sflag:s19] =	ssyncadd.s32 $0xFFFFC000  }
0x58: {  	[spmem:s2] =	stream.indirect.scatter.add.f32 [tilespmem:s17], [sflag:$0x3], $0x80, s22, s16, $0xb8;
	[tilespmem:$0x1E400] =	vst v63  }
0x59: {  	_ =	swait.ge [sflag:s14], $0x4000  }
0x5a: {  	[sflag:s14] =	ssyncset.done $0x0  }
0x5b: {  	[sflag:s14] =	ssyncadd.s32 $0xFFFFC000  }
0x5c: {  	_ =	swait.ge [sflag:s20], $0x4000  }
0x5d: {  	[sflag:s20] =	ssyncset.done $0x0  }
0x5e: {  	[sflag:s20] =	ssyncadd.s32 $0xFFFFC000  }
0x5f: {  	[spmem:s2] =	stream.indirect.scatter.add.f32 [tilespmem:s18], [sflag:$0x3], $0x80, s23, s16, $0xb8;
	[tilespmem:$0x1E400] =	vst v63  }
0x60: {  	_ =	swait.ge [sflag:s14], $0x4000  }
0x61: {  	[sflag:s14] =	ssyncset.done $0x0  }
0x62: {  	s26 =	simm.s32 $0x0;
	[sflag:s14] =	ssyncadd.s32 $0xFFFFC000  }
0x63: {  	[tilespmem:s26], [sflag:$0x3] =	stream.linear.gather [hbm4b:s9+s26], $0x1400, $0x38;
	[tilespmem:$0x1E400] =	vst v63  }
0x64: {  	_ =	swait.ge [sflag:s14], $0x1400  }
0x65: {  	[sflag:s14] =	ssyncset.done $0x0  }
0x66: {  	[sflag:s14] =	ssyncadd.s32 $0xFFFFEC00  }
0x67: {  	[tilespmem:s15], [sflag:$0x3] =	stream.linear.gather [hbm4b:s10+s26], $0x1400, $0x38;
	[tilespmem:$0x1E400] =	vst v63  }
0x68: {  	_ =	swait.ge [sflag:s14], $0x1400  }
0x69: {  	[sflag:s14] =	ssyncset.done $0x0  }
0x6a: {  	[sflag:s14] =	ssyncadd.s32 $0xFFFFEC00  }
0x6b: {  	[tilespmem:s17], [sflag:$0x1] =	stream.indirect.gather [hbm4b:s1+s16], $0x80, s26, s16, $0xb8;
	[tilespmem:$0x1E400] =	vst v63  }
0x6c: {  	s28 =	simm.s32 $0x80  }
0x6d: {  	[tilespmem:s18], [sflag:$0x2] =	stream.indirect.gather [hbm4b:s1+s16], $0x80, s28, s16, $0xb8;
	[tilespmem:$0x1E400] =	vst v63  }
0x6e: {  	_ =	swait.ge [sflag:s19], $0x4000  }
0x6f: {  	[sflag:s19] =	ssyncset.done $0x0  }
0x70: {  	s29 =	simm.s32 $0x1400;
	[sflag:s19] =	ssyncadd.s32 $0xFFFFC000  }
0x71: {  	[spmem:s2] =	stream.indirect.scatter.add.f32 [tilespmem:s17], [sflag:$0x3], $0x80, s29, s16, $0xb8;
	[tilespmem:$0x1E400] =	vst v63  }
0x72: {  	_ =	swait.ge [sflag:s14], $0x4000  }
0x73: {  	[sflag:s14] =	ssyncset.done $0x0  }
0x74: {  	s30 =	simm.s32 $0x100;
	[sflag:s14] =	ssyncadd.s32 $0xFFFFC000  }
0x75: {  	[tilespmem:s17], [sflag:$0x1] =	stream.indirect.gather [hbm4b:s1+s16], $0x80, s30, s16, $0xb8;
	[tilespmem:$0x1E400] =	vst v63  }
0x76: {  	_ =	swait.ge [sflag:s20], $0x4000  }
0x77: {  	[sflag:s20] =	ssyncset.done $0x0  }
0x78: {  	s31 =	simm.s32 $0x1480;
	[sflag:s20] =	ssyncadd.s32 $0xFFFFC000  }
0x79: {  	[spmem:s2] =	stream.indirect.scatter.add.f32 [tilespmem:s18], [sflag:$0x3], $0x80, s31, s16, $0xb8;
	[tilespmem:$0x1E400] =	vst v63  }
0x7a: {  	_ =	swait.ge [sflag:s14], $0x4000  }
0x7b: {  	s25 =	simm.s32 $0x100;
	s26 =	simm.s32 $0x800;
	[sflag:s14] =	ssyncset.done $0x0  }
.LBB2_4:
0x7c: {  	s28 =	sadd.s32 $0x80, s25  }
0x7d: {  	[sflag:s14] =	ssyncadd.s32 $0xFFFFC000;
	s29 =	smov.u32 s26;
	s30 =	sadd.s32 $0x400, s26  }
0x7e: {  	[tilespmem:s18], [sflag:$0x2] =	stream.indirect.gather [hbm4b:s1+s16], $0x80, s28, s16, $0xb8;
	[tilespmem:$0x1E400] =	vst v63  }
0x7f: {  	p0 =	sne.s32 s26, $0x4800;
	_ =	swait.ge [sflag:s19], $0x4000  }
0x80: {  	[sflag:s19] =	ssyncset.done $0x0  }
0x81: {  	s26 =	sadd.s32 $0x1400, s25;
	[sflag:s19] =	ssyncadd.s32 $0xFFFFC000  }
0x82: {  	[spmem:s2] =	stream.indirect.scatter.add.f32 [tilespmem:s17], [sflag:$0x3], $0x80, s26, s16, $0xb8;
	[tilespmem:$0x1E400] =	vst v63  }
0x83: {  	_ =	swait.ge [sflag:s14], $0x4000  }
0x84: {  	[sflag:s14] =	ssyncset.done $0x0  }
0x85: {  	s26 =	sadd.s32 $0x100, s25;
	[sflag:s14] =	ssyncadd.s32 $0xFFFFC000  }
0x86: {  	[tilespmem:s17], [sflag:$0x1] =	stream.indirect.gather [hbm4b:s1+s16], $0x80, s26, s16, $0xb8;
	[tilespmem:$0x1E400] =	vst v63  }
0x87: {  	_ =	swait.ge [sflag:s20], $0x4000  }
.Ltmp1:
0x88: {  	[sflag:s20] =	ssyncset.done $0x0;
	(pc) =	sbr.rel @p0 .LBB2_4-.Ltmp1, $4  }
0x89: {  	s25 =	sadd.s32 $0x1480, s25;
	[sflag:s20] =	ssyncadd.s32 $0xFFFFC000  }
0x8a: {  	[spmem:s2] =	stream.indirect.scatter.add.f32 [tilespmem:s18], [sflag:$0x3], $0x80, s25, s16, $0xb8;
	[tilespmem:$0x1E400] =	vst v63  }
0x8b: {  	_ =	swait.ge [sflag:s14], $0x4000  }
0x8c: {  	s26 =	smov.u32 s30;
	s25 =	sshra.s32 s29, $0x2;
	[sflag:s14] =	ssyncset.done $0x0  }
0x8d: {  	s26 =	sadd.s32 $0x80, s25;
	[sflag:s14] =	ssyncadd.s32 $0xFFFFC000  }
0x8e: {  	[tilespmem:s18], [sflag:$0x2] =	stream.indirect.gather [hbm4b:s1+s16], $0x80, s26, s16, $0xb8;
	[tilespmem:$0x1E400] =	vst v63  }
0x8f: {  	_ =	swait.ge [sflag:s19], $0x4000  }
0x90: {  	[sflag:s19] =	ssyncset.done $0x0  }
0x91: {  	s29 =	sadd.s32 $0x1400, s25;
	[sflag:s19] =	ssyncadd.s32 $0xFFFFC000  }
0x92: {  	[spmem:s2] =	stream.indirect.scatter.add.f32 [tilespmem:s17], [sflag:$0x3], $0x80, s29, s16, $0xb8;
	[tilespmem:$0x1E400] =	vst v63  }
0x93: {  	_ =	swait.ge [sflag:s14], $0x4000  }
0x94: {  	[sflag:s14] =	ssyncset.done $0x0  }
0x95: {  	s30 =	sadd.s32 $0x100, s25;
	[sflag:s14] =	ssyncadd.s32 $0xFFFFC000  }
0x96: {  	[tilespmem:s17], [sflag:$0x1] =	stream.indirect.gather [hbm4b:s1+s16], $0x80, s30, s16, $0xb8;
	[tilespmem:$0x1E400] =	vst v63  }
0x97: {  	_ =	swait.ge [sflag:s20], $0x4000  }
0x98: {  	[sflag:s20] =	ssyncset.done $0x0  }
0x99: {  	s31 =	sadd.s32 $0x1480, s25;
	[sflag:s20] =	ssyncadd.s32 $0xFFFFC000  }
0x9a: {  	[spmem:s2] =	stream.indirect.scatter.add.f32 [tilespmem:s18], [sflag:$0x3], $0x80, s31, s16, $0xb8;
	[tilespmem:$0x1E400] =	vst v63  }
0x9b: {  	_ =	swait.ge [sflag:s14], $0x4000  }
0x9c: {  	[sflag:s14] =	ssyncset.done $0x0  }
0x9d: {  	[sflag:s14] =	ssyncadd.s32 $0xFFFFC000  }
0x9e: {  	[tilespmem:s18], [sflag:$0x2] =	stream.indirect.gather [hbm4b:s1+s16], $0x80, s21, s16, $0xb8;
	[tilespmem:$0x1E400] =	vst v63  }
0x9f: {  	_ =	swait.ge [sflag:s19], $0x4000  }
0xa0: {  	[sflag:s19] =	ssyncset.done $0x0  }
0xa1: {  	[sflag:s19] =	ssyncadd.s32 $0xFFFFC000  }
0xa2: {  	[spmem:s2] =	stream.indirect.scatter.add.f32 [tilespmem:s17], [sflag:$0x3], $0x80, s22, s16, $0xb8;
	[tilespmem:$0x1E400] =	vst v63  }
0xa3: {  	_ =	swait.ge [sflag:s14], $0x4000  }
0xa4: {  	[sflag:s14] =	ssyncset.done $0x0  }
0xa5: {  	[sflag:s14] =	ssyncadd.s32 $0xFFFFC000  }
0xa6: {  	_ =	swait.ge [sflag:s20], $0x4000  }
0xa7: {  	[sflag:s20] =	ssyncset.done $0x0  }
0xa8: {  	[sflag:s20] =	ssyncadd.s32 $0xFFFFC000  }
0xa9: {  	[spmem:s2] =	stream.indirect.scatter.add.f32 [tilespmem:s18], [sflag:$0x3], $0x80, s23, s16, $0xb8;
	[tilespmem:$0x1E400] =	vst v63  }
0xaa: {  	_ =	swait.ge [sflag:s14], $0x4000  }
0xab: {  	s24 =	sadd.s32 $0x1, s24;
	[sflag:s14] =	ssyncset.done $0x0  }
0xac: {  	p0 =	sne.s32 s24, s12;
	[sflag:s14] =	ssyncadd.s32 $0xFFFFC000  }
.Ltmp2:
0xad: {  	[bflag:$0x0] =	sbarrier.arrive $0xFFFF;
	(pc) =	sbr.rel @p0 .LBB2_1-.Ltmp2, $4  }
0xae: {  	[hbm:s11], [sflag:s6] =	dma.local [spmem:s13], $0x2780  }
0xaf: {  	_ =	swait.ge [sflag:s14], $0x2780  }
0xb0: {  	[sflag:s14] =	ssyncset.done $0x0  }
0xb1: {  	[sflag:s14] =	ssyncadd.s32 $0xFFFFD880  }
0xb2: {  	_ =	sfence.sel $0x180000  }
0xb3: {  	[bflag:$0x0] =	sbarrier.arrive $0xFFFF  }
0xb4: {  	p0 =	sne.s32 s3, $0x0;
	_ =	strace $0x9000004A  }
0xb5: {  	s0 =	sadd.s32 @!p0 $0x100000, s0;
	[bflag:$0x2] =	sbarrier.arrive $0xFFFF  }
0xb6: {  	[sflag:s0] =	ssyncadd.tile.s32 @!p0 $0x1;
	_ =	shalt  }
.Lfunc_end2:
_tile_overlayer_lowered:
.L_overlay_start_2:
0xb7: {  	(tag) =	ssettag $0x2  }
0xb8: {  	s0 =	rddreg [dreg:$0x0];
	s2 =	stileid.u32  }
0xb9: {  	s1 =	rddreg [dreg:$0x1];
	p0 =	sne.s32 s2, $0x0  }
0xba: {  	s3 =	rddreg [dreg:$0x2];
	[bflag:$0x3] =	sbarrier.arrive $0xFFFF;
	s2 =	simm.s32 @!p0 $0x1C03  }
0xbb: {  	[timem:s3], [sflag:s2] =	dma.local @!p0 [hbm:s0], s1  }
0xbc: {  	s0 =	simm.s32 @!p0 $0x3  }
0xbd: {  	_ =	swait.ge @!p0 [sflag:s0], s1  }
0xbe: {  	s1 =	ssub.s32 @!p0 $0x0, s1;
	[sflag:s0] =	ssyncset.done @!p0 $0x0  }
0xbf: {  	[sflag:s0] =	ssyncadd.s32 @!p0 s1  }
0xc0: {  	[bflag:$0x3] =	sbarrier.arrive $0xFFFF  }
0xc1: {  	_ =	shalt  }

// kernel: kernel.18.cloned.1.call-start
scs
__scs_entry_jumppad:
0x0: {  	(pc) =	sbr.rel $0x88, $3  }
0x1: {  	(tag) =	ssettag $0x0;
	lr =	simm.s32 $0x1  }
0x2: {  	[smem:$0x3F9A] =	sst lr;
	_ =	strace $0xD0000000  }
0x3: {  	_ = 	snop  }
0x4: {  	_ = 	snop  }
0x5: {  	_ = 	snop  }
0x6: {  	_ = 	snop  }
0x7: {  	_ = 	snop  }
__scs_overlays_trampoline_lowered:
0x8: {  	[smem:$0x3FA9] =	sst s0  }
0x9: {  	[smem:$0x3FAA] =	sst s1  }
0xa: {  	[smem:$0x3FAB] =	sst s2  }
0xb: {  	[smem:$0x3FAC] =	sst s3  }
0xc: {  	[smem:$0x3FAD] =	sst s4  }
0xd: {  	[smem:$0x3FAE] =	sst s5  }
0xe: {  	[smem:$0x3FAF] =	sst s6  }
0xf: {  	[smem:$0x3FB0] =	sst s7  }
0x10: {  	[smem:$0x3FB1] =	sst s8  }
0x11: {  	[smem:$0x3FB2] =	sst s9;
	s0 =	simm.s32 @!p0 $0x0  }
0x12: {  	s1 =	sld [smem:$0x3F98];
	s0 =	simm.s32 @p0 $0x1  }
0x13: {  	[smem:$0x3FB3] =	sst s0;
	s0 =	simm.s32 @!p1 $0x0  }
0x14: {  	s2 =	sld [smem:$0x3F97];
	s0 =	simm.s32 @p1 $0x1  }
0x15: {  	[smem:$0x3FB4] =	sst s0;
	s0 =	simm.s32 @!p2 $0x0  }
0x16: {  	s3 =	sld [smem:$0x3FDB];
	s0 =	simm.s32 @p2 $0x1  }
0x17: {  	s4 =	simm.s32 $0x1BF5;
	[smem:$0x3FB6] =	sst s0  }
0x18: {  	s0 =	sld [smem:$0x3F99];
	_ =	swait.ge [sflag:s4], $0x0  }
0x19: {  	s7 =	sld [smem:$0x3F9A]  }
0x1a: {  	s8 =	sadd.s32 $0xFFFFE003, lr  }
0x1b: {  	s9 =	sadd.s32 $0xFFFFFEF7, lr;
	s5 =	simm.s32 $0xFFFFFFFF;
	p2 =	slt.u32 s8, $0xFFFFF086  }
0x1c: {  	p1 =	slt.u32 s9, $0xF7A;
	s5 =	simm.s32 @!p2 $0x0  }
0x1d: {  	s5 =	simm.s32 @p1 $0x1;
	p0 =	seq.s32 s7, s2  }
0x1e: {  	s7 =	smul.u32 @!p0 $0xF7A, s2;
	p2 =	seq.s32 @!p0 s5, $0x0  }
0x1f: {  	s9 =	smul.u32 $0xF7A, s1;
	s8 =	simm.s32 @!p0 $0x1BF5;
	p2 =	por !p2, p0  }
0x20: {  	[sflag:s8] =	ssyncset.s32 @!p0 $0xFFFFF086;
	s6 =	sadd.s32 @!p0 s3, s7;
	s7 =	simm.s32 @!p0 $0x108  }
0x21: {  	s3 =	sadd.s32 s3, s9;
	s6 =	sadd.s32 @!p0 $0x88, s6;
	s7 =	simm.s32 @p2 $0x1082  }
0x22: {  	[simem:s7], [sflag:s8] =	dma.local @!p0 [hbm:s6], $0xF7A  }
0x23: {  	s9 =	sor.u32 $0xD0000000, s2;
	s6 =	simm.s32 $0x108;
	_ =	swait.ge @!p0 [sflag:s8], $0x0  }
0x24: {  	s3 =	sadd.s32 $0x88, s3;
	s6 =	simm.s32 @!p1 $0x1082;
	[sflag:s4] =	ssyncset.s32 $0xFFFFF086  }
0x25: {  	[simem:s6], [sflag:s4] =	dma.local [hbm:s3], $0xF7A  }
0x26: {  	[smem:$0x3F9A] =	sst s1;
	(tag) =	ssettag s2;
	_ =	strace s9  }
0x27: {  	s1 =	sld [smem:$0x3FAA]  }
0x28: {  	s2 =	sld [smem:$0x3FAB]  }
0x29: {  	s4 =	sld [smem:$0x3FAD]  }
0x2a: {  	p0 =	seq.s32 s5, $0x0;
	s5 =	sld [smem:$0x3FAE]  }
0x2b: {  	s6 =	sld [smem:$0x3FAF]  }
0x2c: {  	s7 =	sld [smem:$0x3FB0]  }
0x2d: {  	s3 =	simm.s32 $0x108;
	s8 =	sld [smem:$0x3FB1]  }
0x2e: {  	s3 =	simm.s32 @!p0 $0x1082;
	s9 =	sld [smem:$0x3FB2]  }
0x2f: {  	lr =	sadd.s32 s0, s3;
	s0 =	sld [smem:$0x3FA9]  }
0x30: {  	s3 =	sld [smem:$0x3FAC]  }
0x31: {  	[smem:$0x3FB5] =	sst s10  }
0x32: {  	s10 =	sld [smem:$0x3FB3];
	_ =	sdelay $0x3  }
0x33: {  	p0 =	seq.s32 s10, $0x1;
	s10 =	sld [smem:$0x3FB5];
	_ =	sdelay $0x3  }
0x34: {  	[smem:$0x3FB5] =	sst s10  }
0x35: {  	s10 =	sld [smem:$0x3FB4];
	_ =	sdelay $0x3  }
0x36: {  	p1 =	seq.s32 s10, $0x1;
	s10 =	sld [smem:$0x3FB5];
	_ =	sdelay $0x3  }
0x37: {  	[smem:$0x3FB5] =	sst s10  }
0x38: {  	s10 =	sld [smem:$0x3FB6]  }
0x39: {  	_ = 	snop;
	(pc) =	sbr.ind lr, $3  }
0x3a: {  	_ = 	snop  }
0x3b: {  	_ = 	snop  }
0x3c: {  	p2 =	seq.s32 s10, $0x1;
	s10 =	sld [smem:$0x3FB5]  }
0x3d: {  	_ =	shalt  }
0x3e: {  	_ =	shalt  }
0x3f: {  	_ =	shalt  }
0x40: {  	_ =	shalt  }
0x41: {  	_ =	shalt  }
0x42: {  	_ =	shalt  }
0x43: {  	_ =	shalt  }
0x44: {  	_ =	shalt  }
0x45: {  	_ =	shalt  }
0x46: {  	_ =	shalt  }
0x47: {  	_ =	shalt  }
0x48: {  	_ =	shalt  }
0x49: {  	_ =	shalt  }
0x4a: {  	_ =	shalt  }
0x4b: {  	_ =	shalt  }
0x4c: {  	_ =	shalt  }
0x4d: {  	_ =	shalt  }
0x4e: {  	_ =	shalt  }
0x4f: {  	_ =	shalt  }
0x50: {  	_ =	shalt  }
0x51: {  	_ =	shalt  }
0x52: {  	_ =	shalt  }
0x53: {  	_ =	shalt  }
0x54: {  	_ =	shalt  }
0x55: {  	_ =	shalt  }
0x56: {  	_ =	shalt  }
0x57: {  	_ =	shalt  }
0x58: {  	_ =	shalt  }
0x59: {  	_ =	shalt  }
0x5a: {  	_ =	shalt  }
0x5b: {  	_ =	shalt  }
0x5c: {  	_ =	shalt  }
0x5d: {  	_ =	shalt  }
0x5e: {  	_ =	shalt  }
0x5f: {  	_ =	shalt  }
0x60: {  	_ =	shalt  }
0x61: {  	_ =	shalt  }
0x62: {  	_ =	shalt  }
0x63: {  	_ =	shalt  }
0x64: {  	_ =	shalt  }
0x65: {  	_ =	shalt  }
0x66: {  	_ =	shalt  }
0x67: {  	_ =	shalt  }
0x68: {  	_ =	shalt  }
0x69: {  	_ =	shalt  }
0x6a: {  	_ =	shalt  }
0x6b: {  	_ =	shalt  }
0x6c: {  	_ =	shalt  }
0x6d: {  	_ =	shalt  }
0x6e: {  	_ =	shalt  }
0x6f: {  	_ =	shalt  }
0x70: {  	_ =	shalt  }
0x71: {  	_ =	shalt  }
0x72: {  	_ =	shalt  }
0x73: {  	_ =	shalt  }
0x74: {  	_ =	shalt  }
0x75: {  	_ =	shalt  }
0x76: {  	_ =	shalt  }
0x77: {  	_ =	shalt  }
0x78: {  	_ =	shalt  }
0x79: {  	_ =	shalt  }
0x7a: {  	_ =	shalt  }
0x7b: {  	_ =	shalt  }
0x7c: {  	_ =	shalt  }
0x7d: {  	_ =	shalt  }
0x7e: {  	_ =	shalt  }
0x7f: {  	_ =	shalt  }
0x80: {  	_ =	shalt  }
0x81: {  	_ =	shalt  }
0x82: {  	_ =	shalt  }
0x83: {  	_ =	shalt  }
0x84: {  	_ =	shalt  }
0x85: {  	_ =	shalt  }
0x86: {  	_ =	shalt  }
0x87: {  	_ =	shalt  }
.Lfunc_end0:
.L_simem_size_0:
called_computation.2_lowered:
.L_overlay_start_0:
0x88: {  	s2 =	sld [smem:$0x3FD9]  }
0x89: {  	s3 =	sld [smem:$0x3FFE];
	_ =	sdelay $0x1  }
0x8a: {  	s1 =	srdreg.scid  }
0x8b: {  	s0 =	sand.u32 $0x1, s1  }
0x8c: {  	s17 =	sshll.u32 s0, $0xA;
	s2 =	sadd.s32 s3, s2  }
0x8d: {  	s2 =	sadd.s32 s2, s17  }
0x8e: {  	[smem:$0x3FC1] =	sst s2  }
0x8f: {  	_ = 	snop  }
0x90: {  	s2 =	sld [smem:$0x3FD0];
	(tm) =	ssettm $0x1  }
0x91: {  	s18 =	sld [smem:$0x3FFB];
	_ =	sdelay $0x3  }
0x92: {  	_ =	strace s18  }
0x93: {  	s3 =	sld [smem:$0x3FFC];
	_ =	sdelay $0x3  }
0x94: {  	_ =	strace s3  }
0x95: {  	s3 =	sld [smem:$0x3FFD];
	_ =	sdelay $0x3  }
0x96: {  	_ =	strace s3  }
0x97: {  	_ =	strace $0x8FFFFFFF  }
0x98: {  	s19 =	sld [smem:$0x3FDB];
	_ =	sdelay $0x1  }
0x99: {  	s4 =	simm.s32 $_scs_section_size  }
0x9a: {  	s5 =	simm.s32 $_size__tile_overlayer_lowered;
	s6 =	simm.s32 $_tile_overlayer_lowered  }
0x9b: {  	s22 =	simm.s32 $0x1BFF;
	s21 =	sshll.u32 s6, $0x1;
	s3 =	sadd.s32 s4, s19  }
0x9c: {  	s7 =	simm.s32 $0x0;
	s20 =	sshll.u32 s5, $0x1;
	s5 =	sadd.s32 s21, s3  }
0x9d: {  	[timem:s7], [sflag:s22] =	dma.local [hbm:s5], s20  }
0x9e: {  	_ =	swait.ge [sflag:s22], s20  }
0x9f: {  	s4 =	ssub.s32 $0x0, s20;
	[sflag:s22] =	ssyncset.done $0x0  }
0xa0: {  	[sflag:s22] =	ssyncadd.s32 s4;
	_ =	sdelay $0x1  }
0xa1: {  	s23 =	simm.s32 $0x1B8B  }
0xa2: {  	_ =	swait.ge [sflag:s23], $0x1  }
0xa3: {  	[sflag:s23] =	ssyncset.done $0x0  }
0xa4: {  	s25 =	simm.s32 $0x1B8E;
	s24 =	sld [smem:$0x3FFE];
	[sflag:s23] =	ssyncadd.s32 $0xFFFFFFFF  }
0xa5: {  	s26 =	simm.s32 $execute0_lowered;
	[smem:$0x3FD2] =	sst s25  }
0xa6: {  	s5 =	sshll.u32 s26, $0x1;
	_ =	strace $0x8000004C;
	[dreg:$0x1] =	wrdreg $0xFFFFFFFF  }
0xa7: {  	s28 =	simm.s32 $_size_execute0_lowered;
	s3 =	sadd.s32 s3, s5;
	[dreg:$0x0] =	wrdreg $0x0  }
0xa8: {  	s5 =	sshll.u32 s28, $0x1;
	[dreg:$0x2] =	wrdreg s3  }
0xa9: {  	[dreg:$0x3] =	wrdreg s5  }
0xaa: {  	[dreg:$0x4] =	wrdreg $0xC0  }
0xab: {  	_ =	task [dreg:s7], $0x5FFFF  }
0xac: {  	[dreg:$0x1] =	wrdreg $0xFFFFFFFF  }
0xad: {  	[dreg:$0x0] =	wrdreg $0x60  }
0xae: {  	[dreg:$0x2] =	wrdreg s2  }
0xaf: {  	[dreg:$0x3] =	wrdreg s24  }
0xb0: {  	[dreg:$0x4] =	wrdreg $0xA8000  }
0xb1: {  	[dreg:$0x5] =	wrdreg $0x9  }
0xb2: {  	_ =	task.clear_ibuf [dreg:s7], $0x6FFFF;
	_ =	strace $0x9000004C  }
0xb3: {  	s29 =	simm.s32 $0x9;
	_ =	strace $0x8000004E  }
0xb4: {  	_ =	swait.ge [sflag:s29], $0x1  }
0xb5: {  	[sflag:s29] =	ssyncadd.s32 $0xFFFFFFFF  }
0xb6: {  	_ =	strace $0x9000004E  }
0xb7: {  	_ =	sfence  }
0xb8: {  	s30 =	sld [smem:$0x0];
	_ =	sdelay $0x2  }
0xb9: {  	s31 =	sshll.u32 s1, $0xD;
	s1 =	sshrl.u32 s1, $0x2  }
0xba: {  	s3 =	sand.u32 $0x4000, s31;
	s1 =	sadd.s32 s1, s30  }
0xbb: {  	s0 =	sor.u32 s3, s0;
	s1 =	sshll.u32 s1, $0x11  }
0xbc: {  	s0 =	sor.u32 s1, s0  }
0xbd: {  	s0 =	sadd.s32 $0x8F2B, s0  }
0xbe: {  	[sflag:s0] =	ssyncadd.remote.s32 $0x1  }
0xbf: {  	_ =	sfence.sel $0xFFFF  }
0xc0: {  	[dreg:$0x0] =	wrdreg $0xFFFFFFFF;
	(pc) =	sbr.abs _section_cstart, $3  }
0xc1: {  	[dreg:$0x1] =	wrdreg $0xFFFFFFFF  }
0xc2: {  	_ =	task.clear_ibuf [dreg:s7], $0x2FFFF;
	_ =	strace $0x9FFFFFFF  }
0xc3: {  	(tm) =	ssettm $0x7FFFFFFF  }
tec
execute0_lowered:
.L_overlay_start_1:
0x0: {  	(tag) =	ssettag $0x1  }
0x1: {  	s1 =	rddreg [dreg:$0x0]  }
0x2: {  	s6 =	rddreg [dreg:$0x1]  }
0x3: {  	s2 =	rddreg [dreg:$0x2]  }
0x4: {  	s3 =	srdreg.scid;
	s0 =	rddreg [dreg:$0x3]  }
0x5: {  	s4 =	simm.s32 $0x0;
	s16 =	simm.s32 $0x80;
	s17 =	simm.s32 $0x2800  }
0x6: {  	s18 =	simm.s32 $0x6800;
	s19 =	simm.s32 $0x1;
	s20 =	simm.s32 $0x2  }
0x7: {  	s21 =	simm.s32 $0x1380;
	s22 =	simm.s32 $0x2700;
	s23 =	simm.s32 $0x2780  }
0x8: {  	s7 =	sand.u32 $0x1, s3;
	s3 =	stileid.u32;
	[smem:$0x7FF] =	sst s4  }
0x9: {  	s10 =	sadd.s32 $0xD000, s6;
	s11 =	sadd.s32 $0x3000, s6;
	s8 =	smul.u32 $0x13C000, s7  }
0xa: {  	s5 =	sadd.s32 $0x17000, s6;
	s9 =	smul.u32 $0x13C00, s3;
	_ =	strace $0x8000004D  }
0xb: {  	s24 =	sshll.u32 s3, $0x1;
	s12 =	ssub.s32 $0x2, s7;
	s25 =	smul.u32 $0x4F000, s3  }
0xc: {  	s28 =	sshll.u32 s3, $0x6;
	s7 =	sor.u32 s7, s24;
	s13 =	sshrl.u32 s12, $0x1  }
0xd: {  	s24 =	simm.s32 $0x0;
	s8 =	sadd.s32 s9, s8;
	s14 =	smul.u32 $0x2800, s7  }
0xe: {  	s12 =	ssub.s32 s12, s13;
	s26 =	sshrl.u32 s25, $0x2;
	s29 =	smul.u32 $0x500, s7  }
0xf: {  	s8 =	sshrl.u32 s8, $0x3;
	s31 =	sadd.s32 s26, s2;
	s12 =	smax.u32 s12, $0x1  }
0x10: {  	s15 =	sadd.s32 s8, s6;
	s30 =	sshrl.u32 s14, $0x3;
	s6 =	sor.u32 $0x1C03, s28  }
0x11: {  	s7 =	sadd.s32 s10, s29;
	s8 =	sadd.s32 s11, s29;
	s14 =	sadd.s32 $0x280, s30  }
0x12: {  	s13 =	sshrl.u32 s31, $0x3;
	s9 =	sadd.s32 s10, s14;
	s10 =	sadd.s32 s11, s14  }
0x13: {  	s11 =	sadd.s32 $0x19800, s15;
	s14 =	simm.s32 $0x3;
	s15 =	simm.s32 $0x1400  }
.LBB2_1:
0x14: {  	[spmem:s13], [sflag:s6] =	dma.local [hbm:s5], $0x2780  }
0x15: {  	_ =	swait.ge [sflag:s14], $0x2780  }
0x16: {  	[sflag:s14] =	ssyncset.done $0x0  }
0x17: {  	[sflag:s14] =	ssyncadd.s32 $0xFFFFD880  }
0x18: {  	[bflag:$0x0] =	sbarrier.arrive $0xFFFF  }
0x19: {  	[tilespmem:s4], [sflag:$0x3] =	stream.linear.gather [hbm4b:s7+s4], $0x1400, $0x38;
	[tilespmem:$0x1E400] =	vst v63  }
0x1a: {  	_ =	swait.ge [sflag:s14], $0x1400  }
0x1b: {  	[sflag:s14] =	ssyncset.done $0x0  }
0x1c: {  	[sflag:s14] =	ssyncadd.s32 $0xFFFFEC00  }
0x1d: {  	[tilespmem:s15], [sflag:$0x3] =	stream.linear.gather [hbm4b:s8+s4], $0x1400, $0x38;
	[tilespmem:$0x1E400] =	vst v63  }
0x1e: {  	_ =	swait.ge [sflag:s14], $0x1400  }
0x1f: {  	[sflag:s14] =	ssyncset.done $0x0  }
0x20: {  	[sflag:s14] =	ssyncadd.s32 $0xFFFFEC00  }
0x21: {  	[tilespmem:s17], [sflag:$0x1] =	stream.indirect.gather [hbm4b:s1+s16], $0x80, s4, s16, $0xb8;
	[tilespmem:$0x1E400] =	vst v63  }
0x22: {  	s25 =	simm.s32 $0x80  }
0x23: {  	[tilespmem:s18], [sflag:$0x2] =	stream.indirect.gather [hbm4b:s1+s16], $0x80, s25, s16, $0xb8;
	[tilespmem:$0x1E400] =	vst v63  }
0x24: {  	_ =	swait.ge [sflag:s19], $0x4000  }
0x25: {  	[sflag:s19] =	ssyncset.done $0x0  }
0x26: {  	s29 =	simm.s32 $0x1400;
	[sflag:s19] =	ssyncadd.s32 $0xFFFFC000  }
0x27: {  	[spmem:s2] =	stream.indirect.scatter.add.f32 [tilespmem:s17], [sflag:$0x3], $0x80, s29, s16, $0xb8;
	[tilespmem:$0x1E400] =	vst v63  }
0x28: {  	_ =	swait.ge [sflag:s14], $0x4000  }
0x29: {  	[sflag:s14] =	ssyncset.done $0x0  }
0x2a: {  	s30 =	simm.s32 $0x100;
	[sflag:s14] =	ssyncadd.s32 $0xFFFFC000  }
0x2b: {  	[tilespmem:s17], [sflag:$0x1] =	stream.indirect.gather [hbm4b:s1+s16], $0x80, s30, s16, $0xb8;
	[tilespmem:$0x1E400] =	vst v63  }
0x2c: {  	_ =	swait.ge [sflag:s20], $0x4000  }
0x2d: {  	[sflag:s20] =	ssyncset.done $0x0  }
0x2e: {  	s31 =	simm.s32 $0x1480;
	[sflag:s20] =	ssyncadd.s32 $0xFFFFC000  }
0x2f: {  	[spmem:s2] =	stream.indirect.scatter.add.f32 [tilespmem:s18], [sflag:$0x3], $0x80, s31, s16, $0xb8;
	[tilespmem:$0x1E400] =	vst v63  }
0x30: {  	_ =	swait.ge [sflag:s14], $0x4000  }
0x31: {  	s26 =	simm.s32 $0x800;
	s25 =	simm.s32 $0x100;
	[sflag:s14] =	ssyncset.done $0x0  }
.LBB2_2:
0x32: {  	s28 =	sadd.s32 $0x80, s25  }
0x33: {  	[sflag:s14] =	ssyncadd.s32 $0xFFFFC000;
	s29 =	smov.u32 s26;
	s30 =	sadd.s32 $0x400, s26  }
0x34: {  	[tilespmem:s18], [sflag:$0x2] =	stream.indirect.gather [hbm4b:s1+s16], $0x80, s28, s16, $0xb8;
	[tilespmem:$0x1E400] =	vst v63  }
0x35: {  	p0 =	sne.s32 s26, $0x4800;
	_ =	swait.ge [sflag:s19], $0x4000  }
0x36: {  	[sflag:s19] =	ssyncset.done $0x0  }
0x37: {  	s26 =	sadd.s32 $0x1400, s25;
	[sflag:s19] =	ssyncadd.s32 $0xFFFFC000  }
0x38: {  	[spmem:s2] =	stream.indirect.scatter.add.f32 [tilespmem:s17], [sflag:$0x3], $0x80, s26, s16, $0xb8;
	[tilespmem:$0x1E400] =	vst v63  }
0x39: {  	_ =	swait.ge [sflag:s14], $0x4000  }
0x3a: {  	[sflag:s14] =	ssyncset.done $0x0  }
0x3b: {  	s26 =	sadd.s32 $0x100, s25;
	[sflag:s14] =	ssyncadd.s32 $0xFFFFC000  }
0x3c: {  	[tilespmem:s17], [sflag:$0x1] =	stream.indirect.gather [hbm4b:s1+s16], $0x80, s26, s16, $0xb8;
	[tilespmem:$0x1E400] =	vst v63  }
0x3d: {  	_ =	swait.ge [sflag:s20], $0x4000  }
.Ltmp0:
0x3e: {  	[sflag:s20] =	ssyncset.done $0x0;
	(pc) =	sbr.rel @p0 .LBB2_2-.Ltmp0, $4  }
0x3f: {  	s25 =	sadd.s32 $0x1480, s25;
	[sflag:s20] =	ssyncadd.s32 $0xFFFFC000  }
0x40: {  	[spmem:s2] =	stream.indirect.scatter.add.f32 [tilespmem:s18], [sflag:$0x3], $0x80, s25, s16, $0xb8;
	[tilespmem:$0x1E400] =	vst v63  }
0x41: {  	_ =	swait.ge [sflag:s14], $0x4000  }
0x42: {  	s26 =	smov.u32 s30;
	s25 =	sshra.s32 s29, $0x2;
	[sflag:s14] =	ssyncset.done $0x0  }
0x43: {  	s26 =	sadd.s32 $0x80, s25;
	[sflag:s14] =	ssyncadd.s32 $0xFFFFC000  }
0x44: {  	[tilespmem:s18], [sflag:$0x2] =	stream.indirect.gather [hbm4b:s1+s16], $0x80, s26, s16, $0xb8;
	[tilespmem:$0x1E400] =	vst v63  }
0x45: {  	_ =	swait.ge [sflag:s19], $0x4000  }
0x46: {  	[sflag:s19] =	ssyncset.done $0x0  }
0x47: {  	s29 =	sadd.s32 $0x1400, s25;
	[sflag:s19] =	ssyncadd.s32 $0xFFFFC000  }
0x48: {  	[spmem:s2] =	stream.indirect.scatter.add.f32 [tilespmem:s17], [sflag:$0x3], $0x80, s29, s16, $0xb8;
	[tilespmem:$0x1E400] =	vst v63  }
0x49: {  	_ =	swait.ge [sflag:s14], $0x4000  }
0x4a: {  	[sflag:s14] =	ssyncset.done $0x0  }
0x4b: {  	s30 =	sadd.s32 $0x100, s25;
	[sflag:s14] =	ssyncadd.s32 $0xFFFFC000  }
0x4c: {  	[tilespmem:s17], [sflag:$0x1] =	stream.indirect.gather [hbm4b:s1+s16], $0x80, s30, s16, $0xb8;
	[tilespmem:$0x1E400] =	vst v63  }
0x4d: {  	_ =	swait.ge [sflag:s20], $0x4000  }
0x4e: {  	[sflag:s20] =	ssyncset.done $0x0  }
0x4f: {  	s31 =	sadd.s32 $0x1480, s25;
	[sflag:s20] =	ssyncadd.s32 $0xFFFFC000  }
0x50: {  	[spmem:s2] =	stream.indirect.scatter.add.f32 [tilespmem:s18], [sflag:$0x3], $0x80, s31, s16, $0xb8;
	[tilespmem:$0x1E400] =	vst v63  }
0x51: {  	_ =	swait.ge [sflag:s14], $0x4000  }
0x52: {  	[sflag:s14] =	ssyncset.done $0x0  }
0x53: {  	[sflag:s14] =	ssyncadd.s32 $0xFFFFC000  }
0x54: {  	[tilespmem:s18], [sflag:$0x2] =	stream.indirect.gather [hbm4b:s1+s16], $0x80, s21, s16, $0xb8;
	[tilespmem:$0x1E400] =	vst v63  }
0x55: {  	_ =	swait.ge [sflag:s19], $0x4000  }
0x56: {  	[sflag:s19] =	ssyncset.done $0x0  }
0x57: {  	[sflag:s19] =	ssyncadd.s32 $0xFFFFC000  }
0x58: {  	[spmem:s2] =	stream.indirect.scatter.add.f32 [tilespmem:s17], [sflag:$0x3], $0x80, s22, s16, $0xb8;
	[tilespmem:$0x1E400] =	vst v63  }
0x59: {  	_ =	swait.ge [sflag:s14], $0x4000  }
0x5a: {  	[sflag:s14] =	ssyncset.done $0x0  }
0x5b: {  	[sflag:s14] =	ssyncadd.s32 $0xFFFFC000  }
0x5c: {  	_ =	swait.ge [sflag:s20], $0x4000  }
0x5d: {  	[sflag:s20] =	ssyncset.done $0x0  }
0x5e: {  	[sflag:s20] =	ssyncadd.s32 $0xFFFFC000  }
0x5f: {  	[spmem:s2] =	stream.indirect.scatter.add.f32 [tilespmem:s18], [sflag:$0x3], $0x80, s23, s16, $0xb8;
	[tilespmem:$0x1E400] =	vst v63  }
0x60: {  	_ =	swait.ge [sflag:s14], $0x4000  }
0x61: {  	[sflag:s14] =	ssyncset.done $0x0  }
0x62: {  	s26 =	simm.s32 $0x0;
	[sflag:s14] =	ssyncadd.s32 $0xFFFFC000  }
0x63: {  	[tilespmem:s26], [sflag:$0x3] =	stream.linear.gather [hbm4b:s9+s26], $0x1400, $0x38;
	[tilespmem:$0x1E400] =	vst v63  }
0x64: {  	_ =	swait.ge [sflag:s14], $0x1400  }
0x65: {  	[sflag:s14] =	ssyncset.done $0x0  }
0x66: {  	[sflag:s14] =	ssyncadd.s32 $0xFFFFEC00  }
0x67: {  	[tilespmem:s15], [sflag:$0x3] =	stream.linear.gather [hbm4b:s10+s26], $0x1400, $0x38;
	[tilespmem:$0x1E400] =	vst v63  }
0x68: {  	_ =	swait.ge [sflag:s14], $0x1400  }
0x69: {  	[sflag:s14] =	ssyncset.done $0x0  }
0x6a: {  	[sflag:s14] =	ssyncadd.s32 $0xFFFFEC00  }
0x6b: {  	[tilespmem:s17], [sflag:$0x1] =	stream.indirect.gather [hbm4b:s1+s16], $0x80, s26, s16, $0xb8;
	[tilespmem:$0x1E400] =	vst v63  }
0x6c: {  	s28 =	simm.s32 $0x80  }
0x6d: {  	[tilespmem:s18], [sflag:$0x2] =	stream.indirect.gather [hbm4b:s1+s16], $0x80, s28, s16, $0xb8;
	[tilespmem:$0x1E400] =	vst v63  }
0x6e: {  	_ =	swait.ge [sflag:s19], $0x4000  }
0x6f: {  	[sflag:s19] =	ssyncset.done $0x0  }
0x70: {  	s29 =	simm.s32 $0x1400;
	[sflag:s19] =	ssyncadd.s32 $0xFFFFC000  }
0x71: {  	[spmem:s2] =	stream.indirect.scatter.add.f32 [tilespmem:s17], [sflag:$0x3], $0x80, s29, s16, $0xb8;
	[tilespmem:$0x1E400] =	vst v63  }
0x72: {  	_ =	swait.ge [sflag:s14], $0x4000  }
0x73: {  	[sflag:s14] =	ssyncset.done $0x0  }
0x74: {  	s30 =	simm.s32 $0x100;
	[sflag:s14] =	ssyncadd.s32 $0xFFFFC000  }
0x75: {  	[tilespmem:s17], [sflag:$0x1] =	stream.indirect.gather [hbm4b:s1+s16], $0x80, s30, s16, $0xb8;
	[tilespmem:$0x1E400] =	vst v63  }
0x76: {  	_ =	swait.ge [sflag:s20], $0x4000  }
0x77: {  	[sflag:s20] =	ssyncset.done $0x0  }
0x78: {  	s31 =	simm.s32 $0x1480;
	[sflag:s20] =	ssyncadd.s32 $0xFFFFC000  }
0x79: {  	[spmem:s2] =	stream.indirect.scatter.add.f32 [tilespmem:s18], [sflag:$0x3], $0x80, s31, s16, $0xb8;
	[tilespmem:$0x1E400] =	vst v63  }
0x7a: {  	_ =	swait.ge [sflag:s14], $0x4000  }
0x7b: {  	s25 =	simm.s32 $0x100;
	s26 =	simm.s32 $0x800;
	[sflag:s14] =	ssyncset.done $0x0  }
.LBB2_4:
0x7c: {  	s28 =	sadd.s32 $0x80, s25  }
0x7d: {  	[sflag:s14] =	ssyncadd.s32 $0xFFFFC000;
	s29 =	smov.u32 s26;
	s30 =	sadd.s32 $0x400, s26  }
0x7e: {  	[tilespmem:s18], [sflag:$0x2] =	stream.indirect.gather [hbm4b:s1+s16], $0x80, s28, s16, $0xb8;
	[tilespmem:$0x1E400] =	vst v63  }
0x7f: {  	p0 =	sne.s32 s26, $0x4800;
	_ =	swait.ge [sflag:s19], $0x4000  }
0x80: {  	[sflag:s19] =	ssyncset.done $0x0  }
0x81: {  	s26 =	sadd.s32 $0x1400, s25;
	[sflag:s19] =	ssyncadd.s32 $0xFFFFC000  }
0x82: {  	[spmem:s2] =	stream.indirect.scatter.add.f32 [tilespmem:s17], [sflag:$0x3], $0x80, s26, s16, $0xb8;
	[tilespmem:$0x1E400] =	vst v63  }
0x83: {  	_ =	swait.ge [sflag:s14], $0x4000  }
0x84: {  	[sflag:s14] =	ssyncset.done $0x0  }
0x85: {  	s26 =	sadd.s32 $0x100, s25;
	[sflag:s14] =	ssyncadd.s32 $0xFFFFC000  }
0x86: {  	[tilespmem:s17], [sflag:$0x1] =	stream.indirect.gather [hbm4b:s1+s16], $0x80, s26, s16, $0xb8;
	[tilespmem:$0x1E400] =	vst v63  }
0x87: {  	_ =	swait.ge [sflag:s20], $0x4000  }
.Ltmp1:
0x88: {  	[sflag:s20] =	ssyncset.done $0x0;
	(pc) =	sbr.rel @p0 .LBB2_4-.Ltmp1, $4  }
0x89: {  	s25 =	sadd.s32 $0x1480, s25;
	[sflag:s20] =	ssyncadd.s32 $0xFFFFC000  }
0x8a: {  	[spmem:s2] =	stream.indirect.scatter.add.f32 [tilespmem:s18], [sflag:$0x3], $0x80, s25, s16, $0xb8;
	[tilespmem:$0x1E400] =	vst v63  }
0x8b: {  	_ =	swait.ge [sflag:s14], $0x4000  }
0x8c: {  	s26 =	smov.u32 s30;
	s25 =	sshra.s32 s29, $0x2;
	[sflag:s14] =	ssyncset.done $0x0  }
0x8d: {  	s26 =	sadd.s32 $0x80, s25;
	[sflag:s14] =	ssyncadd.s32 $0xFFFFC000  }
0x8e: {  	[tilespmem:s18], [sflag:$0x2] =	stream.indirect.gather [hbm4b:s1+s16], $0x80, s26, s16, $0xb8;
	[tilespmem:$0x1E400] =	vst v63  }
0x8f: {  	_ =	swait.ge [sflag:s19], $0x4000  }
0x90: {  	[sflag:s19] =	ssyncset.done $0x0  }
0x91: {  	s29 =	sadd.s32 $0x1400, s25;
	[sflag:s19] =	ssyncadd.s32 $0xFFFFC000  }
0x92: {  	[spmem:s2] =	stream.indirect.scatter.add.f32 [tilespmem:s17], [sflag:$0x3], $0x80, s29, s16, $0xb8;
	[tilespmem:$0x1E400] =	vst v63  }
0x93: {  	_ =	swait.ge [sflag:s14], $0x4000  }
0x94: {  	[sflag:s14] =	ssyncset.done $0x0  }
0x95: {  	s30 =	sadd.s32 $0x100, s25;
	[sflag:s14] =	ssyncadd.s32 $0xFFFFC000  }
0x96: {  	[tilespmem:s17], [sflag:$0x1] =	stream.indirect.gather [hbm4b:s1+s16], $0x80, s30, s16, $0xb8;
	[tilespmem:$0x1E400] =	vst v63  }
0x97: {  	_ =	swait.ge [sflag:s20], $0x4000  }
0x98: {  	[sflag:s20] =	ssyncset.done $0x0  }
0x99: {  	s31 =	sadd.s32 $0x1480, s25;
	[sflag:s20] =	ssyncadd.s32 $0xFFFFC000  }
0x9a: {  	[spmem:s2] =	stream.indirect.scatter.add.f32 [tilespmem:s18], [sflag:$0x3], $0x80, s31, s16, $0xb8;
	[tilespmem:$0x1E400] =	vst v63  }
0x9b: {  	_ =	swait.ge [sflag:s14], $0x4000  }
0x9c: {  	[sflag:s14] =	ssyncset.done $0x0  }
0x9d: {  	[sflag:s14] =	ssyncadd.s32 $0xFFFFC000  }
0x9e: {  	[tilespmem:s18], [sflag:$0x2] =	stream.indirect.gather [hbm4b:s1+s16], $0x80, s21, s16, $0xb8;
	[tilespmem:$0x1E400] =	vst v63  }
0x9f: {  	_ =	swait.ge [sflag:s19], $0x4000  }
0xa0: {  	[sflag:s19] =	ssyncset.done $0x0  }
0xa1: {  	[sflag:s19] =	ssyncadd.s32 $0xFFFFC000  }
0xa2: {  	[spmem:s2] =	stream.indirect.scatter.add.f32 [tilespmem:s17], [sflag:$0x3], $0x80, s22, s16, $0xb8;
	[tilespmem:$0x1E400] =	vst v63  }
0xa3: {  	_ =	swait.ge [sflag:s14], $0x4000  }
0xa4: {  	[sflag:s14] =	ssyncset.done $0x0  }
0xa5: {  	[sflag:s14] =	ssyncadd.s32 $0xFFFFC000  }
0xa6: {  	_ =	swait.ge [sflag:s20], $0x4000  }
0xa7: {  	[sflag:s20] =	ssyncset.done $0x0  }
0xa8: {  	[sflag:s20] =	ssyncadd.s32 $0xFFFFC000  }
0xa9: {  	[spmem:s2] =	stream.indirect.scatter.add.f32 [tilespmem:s18], [sflag:$0x3], $0x80, s23, s16, $0xb8;
	[tilespmem:$0x1E400] =	vst v63  }
0xaa: {  	_ =	swait.ge [sflag:s14], $0x4000  }
0xab: {  	s24 =	sadd.s32 $0x1, s24;
	[sflag:s14] =	ssyncset.done $0x0  }
0xac: {  	p0 =	sne.s32 s24, s12;
	[sflag:s14] =	ssyncadd.s32 $0xFFFFC000  }
.Ltmp2:
0xad: {  	[bflag:$0x0] =	sbarrier.arrive $0xFFFF;
	(pc) =	sbr.rel @p0 .LBB2_1-.Ltmp2, $4  }
0xae: {  	[hbm:s11], [sflag:s6] =	dma.local [spmem:s13], $0x2780  }
0xaf: {  	_ =	swait.ge [sflag:s14], $0x2780  }
0xb0: {  	[sflag:s14] =	ssyncset.done $0x0  }
0xb1: {  	[sflag:s14] =	ssyncadd.s32 $0xFFFFD880  }
0xb2: {  	_ =	sfence.sel $0x180000  }
0xb3: {  	[bflag:$0x0] =	sbarrier.arrive $0xFFFF  }
0xb4: {  	p0 =	sne.s32 s3, $0x0;
	_ =	strace $0x9000004D  }
0xb5: {  	s0 =	sadd.s32 @!p0 $0x100000, s0;
	[bflag:$0x2] =	sbarrier.arrive $0xFFFF  }
0xb6: {  	[sflag:s0] =	ssyncadd.tile.s32 @!p0 $0x1;
	_ =	shalt  }
.Lfunc_end2:
_tile_overlayer_lowered:
.L_overlay_start_2:
0xb7: {  	(tag) =	ssettag $0x2  }
0xb8: {  	s0 =	rddreg [dreg:$0x0];
	s2 =	stileid.u32  }
0xb9: {  	s1 =	rddreg [dreg:$0x1];
	p0 =	sne.s32 s2, $0x0  }
0xba: {  	s3 =	rddreg [dreg:$0x2];
	[bflag:$0x3] =	sbarrier.arrive $0xFFFF;
	s2 =	simm.s32 @!p0 $0x1C03  }
0xbb: {  	[timem:s3], [sflag:s2] =	dma.local @!p0 [hbm:s0], s1  }
0xbc: {  	s0 =	simm.s32 @!p0 $0x3  }
0xbd: {  	_ =	swait.ge @!p0 [sflag:s0], s1  }
0xbe: {  	s1 =	ssub.s32 @!p0 $0x0, s1;
	[sflag:s0] =	ssyncset.done @!p0 $0x0  }
0xbf: {  	[sflag:s0] =	ssyncadd.s32 @!p0 s1  }
0xc0: {  	[bflag:$0x3] =	sbarrier.arrive $0xFFFF  }
0xc1: {  	_ =	shalt  }

// kernel: kernel.21.cloned.1.call-start
scs
__scs_entry_jumppad:
0x0: {  	(pc) =	sbr.rel $0x88, $3  }
0x1: {  	(tag) =	ssettag $0x0;
	lr =	simm.s32 $0x1  }
0x2: {  	[smem:$0x3F9A] =	sst lr;
	_ =	strace $0xD0000000  }
0x3: {  	_ = 	snop  }
0x4: {  	_ = 	snop  }
0x5: {  	_ = 	snop  }
0x6: {  	_ = 	snop  }
0x7: {  	_ = 	snop  }
__scs_overlays_trampoline_lowered:
0x8: {  	[smem:$0x3FA9] =	sst s0  }
0x9: {  	[smem:$0x3FAA] =	sst s1  }
0xa: {  	[smem:$0x3FAB] =	sst s2  }
0xb: {  	[smem:$0x3FAC] =	sst s3  }
0xc: {  	[smem:$0x3FAD] =	sst s4  }
0xd: {  	[smem:$0x3FAE] =	sst s5  }
0xe: {  	[smem:$0x3FAF] =	sst s6  }
0xf: {  	[smem:$0x3FB0] =	sst s7  }
0x10: {  	[smem:$0x3FB1] =	sst s8  }
0x11: {  	[smem:$0x3FB2] =	sst s9;
	s0 =	simm.s32 @!p0 $0x0  }
0x12: {  	s1 =	sld [smem:$0x3F98];
	s0 =	simm.s32 @p0 $0x1  }
0x13: {  	[smem:$0x3FB3] =	sst s0;
	s0 =	simm.s32 @!p1 $0x0  }
0x14: {  	s2 =	sld [smem:$0x3F97];
	s0 =	simm.s32 @p1 $0x1  }
0x15: {  	[smem:$0x3FB4] =	sst s0;
	s0 =	simm.s32 @!p2 $0x0  }
0x16: {  	s3 =	sld [smem:$0x3FDB];
	s0 =	simm.s32 @p2 $0x1  }
0x17: {  	s4 =	simm.s32 $0x1BF5;
	[smem:$0x3FB6] =	sst s0  }
0x18: {  	s0 =	sld [smem:$0x3F99];
	_ =	swait.ge [sflag:s4], $0x0  }
0x19: {  	s7 =	sld [smem:$0x3F9A]  }
0x1a: {  	s8 =	sadd.s32 $0xFFFFE003, lr  }
0x1b: {  	s9 =	sadd.s32 $0xFFFFFEF7, lr;
	s5 =	simm.s32 $0xFFFFFFFF;
	p2 =	slt.u32 s8, $0xFFFFF086  }
0x1c: {  	p1 =	slt.u32 s9, $0xF7A;
	s5 =	simm.s32 @!p2 $0x0  }
0x1d: {  	s5 =	simm.s32 @p1 $0x1;
	p0 =	seq.s32 s7, s2  }
0x1e: {  	s7 =	smul.u32 @!p0 $0xF7A, s2;
	p2 =	seq.s32 @!p0 s5, $0x0  }
0x1f: {  	s9 =	smul.u32 $0xF7A, s1;
	s8 =	simm.s32 @!p0 $0x1BF5;
	p2 =	por !p2, p0  }
0x20: {  	[sflag:s8] =	ssyncset.s32 @!p0 $0xFFFFF086;
	s6 =	sadd.s32 @!p0 s3, s7;
	s7 =	simm.s32 @!p0 $0x108  }
0x21: {  	s3 =	sadd.s32 s3, s9;
	s6 =	sadd.s32 @!p0 $0x88, s6;
	s7 =	simm.s32 @p2 $0x1082  }
0x22: {  	[simem:s7], [sflag:s8] =	dma.local @!p0 [hbm:s6], $0xF7A  }
0x23: {  	s9 =	sor.u32 $0xD0000000, s2;
	s6 =	simm.s32 $0x108;
	_ =	swait.ge @!p0 [sflag:s8], $0x0  }
0x24: {  	s3 =	sadd.s32 $0x88, s3;
	s6 =	simm.s32 @!p1 $0x1082;
	[sflag:s4] =	ssyncset.s32 $0xFFFFF086  }
0x25: {  	[simem:s6], [sflag:s4] =	dma.local [hbm:s3], $0xF7A  }
0x26: {  	[smem:$0x3F9A] =	sst s1;
	(tag) =	ssettag s2;
	_ =	strace s9  }
0x27: {  	s1 =	sld [smem:$0x3FAA]  }
0x28: {  	s2 =	sld [smem:$0x3FAB]  }
0x29: {  	s4 =	sld [smem:$0x3FAD]  }
0x2a: {  	p0 =	seq.s32 s5, $0x0;
	s5 =	sld [smem:$0x3FAE]  }
0x2b: {  	s6 =	sld [smem:$0x3FAF]  }
0x2c: {  	s7 =	sld [smem:$0x3FB0]  }
0x2d: {  	s3 =	simm.s32 $0x108;
	s8 =	sld [smem:$0x3FB1]  }
0x2e: {  	s3 =	simm.s32 @!p0 $0x1082;
	s9 =	sld [smem:$0x3FB2]  }
0x2f: {  	lr =	sadd.s32 s0, s3;
	s0 =	sld [smem:$0x3FA9]  }
0x30: {  	s3 =	sld [smem:$0x3FAC]  }
0x31: {  	[smem:$0x3FB5] =	sst s10  }
0x32: {  	s10 =	sld [smem:$0x3FB3];
	_ =	sdelay $0x3  }
0x33: {  	p0 =	seq.s32 s10, $0x1;
	s10 =	sld [smem:$0x3FB5];
	_ =	sdelay $0x3  }
0x34: {  	[smem:$0x3FB5] =	sst s10  }
0x35: {  	s10 =	sld [smem:$0x3FB4];
	_ =	sdelay $0x3  }
0x36: {  	p1 =	seq.s32 s10, $0x1;
	s10 =	sld [smem:$0x3FB5];
	_ =	sdelay $0x3  }
0x37: {  	[smem:$0x3FB5] =	sst s10  }
0x38: {  	s10 =	sld [smem:$0x3FB6]  }
0x39: {  	_ = 	snop;
	(pc) =	sbr.ind lr, $3  }
0x3a: {  	_ = 	snop  }
0x3b: {  	_ = 	snop  }
0x3c: {  	p2 =	seq.s32 s10, $0x1;
	s10 =	sld [smem:$0x3FB5]  }
0x3d: {  	_ =	shalt  }
0x3e: {  	_ =	shalt  }
0x3f: {  	_ =	shalt  }
0x40: {  	_ =	shalt  }
0x41: {  	_ =	shalt  }
0x42: {  	_ =	shalt  }
0x43: {  	_ =	shalt  }
0x44: {  	_ =	shalt  }
0x45: {  	_ =	shalt  }
0x46: {  	_ =	shalt  }
0x47: {  	_ =	shalt  }
0x48: {  	_ =	shalt  }
0x49: {  	_ =	shalt  }
0x4a: {  	_ =	shalt  }
0x4b: {  	_ =	shalt  }
0x4c: {  	_ =	shalt  }
0x4d: {  	_ =	shalt  }
0x4e: {  	_ =	shalt  }
0x4f: {  	_ =	shalt  }
0x50: {  	_ =	shalt  }
0x51: {  	_ =	shalt  }
0x52: {  	_ =	shalt  }
0x53: {  	_ =	shalt  }
0x54: {  	_ =	shalt  }
0x55: {  	_ =	shalt  }
0x56: {  	_ =	shalt  }
0x57: {  	_ =	shalt  }
0x58: {  	_ =	shalt  }
0x59: {  	_ =	shalt  }
0x5a: {  	_ =	shalt  }
0x5b: {  	_ =	shalt  }
0x5c: {  	_ =	shalt  }
0x5d: {  	_ =	shalt  }
0x5e: {  	_ =	shalt  }
0x5f: {  	_ =	shalt  }
0x60: {  	_ =	shalt  }
0x61: {  	_ =	shalt  }
0x62: {  	_ =	shalt  }
0x63: {  	_ =	shalt  }
0x64: {  	_ =	shalt  }
0x65: {  	_ =	shalt  }
0x66: {  	_ =	shalt  }
0x67: {  	_ =	shalt  }
0x68: {  	_ =	shalt  }
0x69: {  	_ =	shalt  }
0x6a: {  	_ =	shalt  }
0x6b: {  	_ =	shalt  }
0x6c: {  	_ =	shalt  }
0x6d: {  	_ =	shalt  }
0x6e: {  	_ =	shalt  }
0x6f: {  	_ =	shalt  }
0x70: {  	_ =	shalt  }
0x71: {  	_ =	shalt  }
0x72: {  	_ =	shalt  }
0x73: {  	_ =	shalt  }
0x74: {  	_ =	shalt  }
0x75: {  	_ =	shalt  }
0x76: {  	_ =	shalt  }
0x77: {  	_ =	shalt  }
0x78: {  	_ =	shalt  }
0x79: {  	_ =	shalt  }
0x7a: {  	_ =	shalt  }
0x7b: {  	_ =	shalt  }
0x7c: {  	_ =	shalt  }
0x7d: {  	_ =	shalt  }
0x7e: {  	_ =	shalt  }
0x7f: {  	_ =	shalt  }
0x80: {  	_ =	shalt  }
0x81: {  	_ =	shalt  }
0x82: {  	_ =	shalt  }
0x83: {  	_ =	shalt  }
0x84: {  	_ =	shalt  }
0x85: {  	_ =	shalt  }
0x86: {  	_ =	shalt  }
0x87: {  	_ =	shalt  }
.Lfunc_end0:
.L_simem_size_0:
called_computation.3_lowered:
.L_overlay_start_0:
0x88: {  	s2 =	sld [smem:$0x3FD9]  }
0x89: {  	s3 =	sld [smem:$0x3FFE];
	_ =	sdelay $0x1  }
0x8a: {  	s1 =	srdreg.scid  }
0x8b: {  	s0 =	sand.u32 $0x1, s1  }
0x8c: {  	s17 =	sshll.u32 s0, $0xA;
	s2 =	sadd.s32 s3, s2  }
0x8d: {  	s2 =	sadd.s32 s2, s17  }
0x8e: {  	[smem:$0x3FC1] =	sst s2  }
0x8f: {  	_ = 	snop  }
0x90: {  	s2 =	sld [smem:$0x3FD0];
	(tm) =	ssettm $0x1  }
0x91: {  	s18 =	sld [smem:$0x3FFB];
	_ =	sdelay $0x3  }
0x92: {  	_ =	strace s18  }
0x93: {  	s3 =	sld [smem:$0x3FFC];
	_ =	sdelay $0x3  }
0x94: {  	_ =	strace s3  }
0x95: {  	s3 =	sld [smem:$0x3FFD];
	_ =	sdelay $0x3  }
0x96: {  	_ =	strace s3  }
0x97: {  	_ =	strace $0x8FFFFFFF  }
0x98: {  	s19 =	sld [smem:$0x3FDB];
	_ =	sdelay $0x1  }
0x99: {  	s4 =	simm.s32 $_scs_section_size  }
0x9a: {  	s5 =	simm.s32 $_size__tile_overlayer_lowered;
	s6 =	simm.s32 $_tile_overlayer_lowered  }
0x9b: {  	s22 =	simm.s32 $0x1BFF;
	s21 =	sshll.u32 s6, $0x1;
	s3 =	sadd.s32 s4, s19  }
0x9c: {  	s7 =	simm.s32 $0x0;
	s20 =	sshll.u32 s5, $0x1;
	s5 =	sadd.s32 s21, s3  }
0x9d: {  	[timem:s7], [sflag:s22] =	dma.local [hbm:s5], s20  }
0x9e: {  	_ =	swait.ge [sflag:s22], s20  }
0x9f: {  	s4 =	ssub.s32 $0x0, s20;
	[sflag:s22] =	ssyncset.done $0x0  }
0xa0: {  	[sflag:s22] =	ssyncadd.s32 s4;
	_ =	sdelay $0x1  }
0xa1: {  	s23 =	simm.s32 $0x1B8B  }
0xa2: {  	_ =	swait.ge [sflag:s23], $0x1  }
0xa3: {  	[sflag:s23] =	ssyncset.done $0x0  }
0xa4: {  	s25 =	simm.s32 $0x1B8E;
	s24 =	sld [smem:$0x3FFE];
	[sflag:s23] =	ssyncadd.s32 $0xFFFFFFFF  }
0xa5: {  	s26 =	simm.s32 $execute0_lowered;
	[smem:$0x3FD2] =	sst s25  }
0xa6: {  	s5 =	sshll.u32 s26, $0x1;
	_ =	strace $0x8000004F;
	[dreg:$0x1] =	wrdreg $0xFFFFFFFF  }
0xa7: {  	s28 =	simm.s32 $_size_execute0_lowered;
	s3 =	sadd.s32 s3, s5;
	[dreg:$0x0] =	wrdreg $0x0  }
0xa8: {  	s5 =	sshll.u32 s28, $0x1;
	[dreg:$0x2] =	wrdreg s3  }
0xa9: {  	[dreg:$0x3] =	wrdreg s5  }
0xaa: {  	[dreg:$0x4] =	wrdreg $0xC0  }
0xab: {  	_ =	task [dreg:s7], $0x5FFFF  }
0xac: {  	[dreg:$0x1] =	wrdreg $0xFFFFFFFF  }
0xad: {  	[dreg:$0x0] =	wrdreg $0x60  }
0xae: {  	[dreg:$0x2] =	wrdreg s2  }
0xaf: {  	[dreg:$0x3] =	wrdreg s24  }
0xb0: {  	[dreg:$0x4] =	wrdreg $0xA8000  }
0xb1: {  	[dreg:$0x5] =	wrdreg $0x9  }
0xb2: {  	_ =	task.clear_ibuf [dreg:s7], $0x6FFFF;
	_ =	strace $0x9000004F  }
0xb3: {  	s29 =	simm.s32 $0x9;
	_ =	strace $0x80000051  }
0xb4: {  	_ =	swait.ge [sflag:s29], $0x1  }
0xb5: {  	[sflag:s29] =	ssyncadd.s32 $0xFFFFFFFF  }
0xb6: {  	_ =	strace $0x90000051  }
0xb7: {  	_ =	sfence  }
0xb8: {  	s30 =	sld [smem:$0x0];
	_ =	sdelay $0x2  }
0xb9: {  	s31 =	sshll.u32 s1, $0xD;
	s1 =	sshrl.u32 s1, $0x2  }
0xba: {  	s3 =	sand.u32 $0x4000, s31;
	s1 =	sadd.s32 s1, s30  }
0xbb: {  	s0 =	sor.u32 s3, s0;
	s1 =	sshll.u32 s1, $0x11  }
0xbc: {  	s0 =	sor.u32 s1, s0  }
0xbd: {  	s0 =	sadd.s32 $0x8F2B, s0  }
0xbe: {  	[sflag:s0] =	ssyncadd.remote.s32 $0x1  }
0xbf: {  	_ =	sfence.sel $0xFFFF  }
0xc0: {  	[dreg:$0x0] =	wrdreg $0xFFFFFFFF;
	(pc) =	sbr.abs _section_cstart, $3  }
0xc1: {  	[dreg:$0x1] =	wrdreg $0xFFFFFFFF  }
0xc2: {  	_ =	task.clear_ibuf [dreg:s7], $0x2FFFF;
	_ =	strace $0x9FFFFFFF  }
0xc3: {  	(tm) =	ssettm $0x7FFFFFFF  }
tec
execute0_lowered:
.L_overlay_start_1:
0x0: {  	(tag) =	ssettag $0x1  }
0x1: {  	s1 =	rddreg [dreg:$0x0]  }
0x2: {  	s6 =	rddreg [dreg:$0x1]  }
0x3: {  	s2 =	rddreg [dreg:$0x2]  }
0x4: {  	s3 =	srdreg.scid;
	s0 =	rddreg [dreg:$0x3]  }
0x5: {  	s4 =	simm.s32 $0x0;
	s16 =	simm.s32 $0x80;
	s17 =	simm.s32 $0x2800  }
0x6: {  	s18 =	simm.s32 $0x6800;
	s19 =	simm.s32 $0x1;
	s20 =	simm.s32 $0x2  }
0x7: {  	s21 =	simm.s32 $0x1380;
	s22 =	simm.s32 $0x2700;
	s23 =	simm.s32 $0x2780  }
0x8: {  	s7 =	sand.u32 $0x1, s3;
	s3 =	stileid.u32;
	[smem:$0x7FF] =	sst s4  }
0x9: {  	s10 =	sadd.s32 $0xD000, s6;
	s11 =	sadd.s32 $0x3000, s6;
	s8 =	smul.u32 $0x13C000, s7  }
0xa: {  	s5 =	sadd.s32 $0x17000, s6;
	s9 =	smul.u32 $0x13C00, s3;
	_ =	strace $0x80000050  }
0xb: {  	s24 =	sshll.u32 s3, $0x1;
	s12 =	ssub.s32 $0x2, s7;
	s25 =	smul.u32 $0x4F000, s3  }
0xc: {  	s28 =	sshll.u32 s3, $0x6;
	s7 =	sor.u32 s7, s24;
	s13 =	sshrl.u32 s12, $0x1  }
0xd: {  	s24 =	simm.s32 $0x0;
	s8 =	sadd.s32 s9, s8;
	s14 =	smul.u32 $0x2800, s7  }
0xe: {  	s12 =	ssub.s32 s12, s13;
	s26 =	sshrl.u32 s25, $0x2;
	s29 =	smul.u32 $0x500, s7  }
0xf: {  	s8 =	sshrl.u32 s8, $0x3;
	s31 =	sadd.s32 s26, s2;
	s12 =	smax.u32 s12, $0x1  }
0x10: {  	s15 =	sadd.s32 s8, s6;
	s30 =	sshrl.u32 s14, $0x3;
	s6 =	sor.u32 $0x1C03, s28  }
0x11: {  	s7 =	sadd.s32 s10, s29;
	s8 =	sadd.s32 s11, s29;
	s14 =	sadd.s32 $0x280, s30  }
0x12: {  	s13 =	sshrl.u32 s31, $0x3;
	s9 =	sadd.s32 s10, s14;
	s10 =	sadd.s32 s11, s14  }
0x13: {  	s11 =	sadd.s32 $0x19800, s15;
	s14 =	simm.s32 $0x3;
	s15 =	simm.s32 $0x1400  }
.LBB2_1:
0x14: {  	[spmem:s13], [sflag:s6] =	dma.local [hbm:s5], $0x2780  }
0x15: {  	_ =	swait.ge [sflag:s14], $0x2780  }
0x16: {  	[sflag:s14] =	ssyncset.done $0x0  }
0x17: {  	[sflag:s14] =	ssyncadd.s32 $0xFFFFD880  }
0x18: {  	[bflag:$0x0] =	sbarrier.arrive $0xFFFF  }
0x19: {  	[tilespmem:s4], [sflag:$0x3] =	stream.linear.gather [hbm4b:s7+s4], $0x1400, $0x38;
	[tilespmem:$0x1E400] =	vst v63  }
0x1a: {  	_ =	swait.ge [sflag:s14], $0x1400  }
0x1b: {  	[sflag:s14] =	ssyncset.done $0x0  }
0x1c: {  	[sflag:s14] =	ssyncadd.s32 $0xFFFFEC00  }
0x1d: {  	[tilespmem:s15], [sflag:$0x3] =	stream.linear.gather [hbm4b:s8+s4], $0x1400, $0x38;
	[tilespmem:$0x1E400] =	vst v63  }
0x1e: {  	_ =	swait.ge [sflag:s14], $0x1400  }
0x1f: {  	[sflag:s14] =	ssyncset.done $0x0  }
0x20: {  	[sflag:s14] =	ssyncadd.s32 $0xFFFFEC00  }
0x21: {  	[tilespmem:s17], [sflag:$0x1] =	stream.indirect.gather [hbm4b:s1+s16], $0x80, s4, s16, $0xb8;
	[tilespmem:$0x1E400] =	vst v63  }
0x22: {  	s25 =	simm.s32 $0x80  }
0x23: {  	[tilespmem:s18], [sflag:$0x2] =	stream.indirect.gather [hbm4b:s1+s16], $0x80, s25, s16, $0xb8;
	[tilespmem:$0x1E400] =	vst v63  }
0x24: {  	_ =	swait.ge [sflag:s19], $0x4000  }
0x25: {  	[sflag:s19] =	ssyncset.done $0x0  }
0x26: {  	s29 =	simm.s32 $0x1400;
	[sflag:s19] =	ssyncadd.s32 $0xFFFFC000  }
0x27: {  	[spmem:s2] =	stream.indirect.scatter.add.f32 [tilespmem:s17], [sflag:$0x3], $0x80, s29, s16, $0xb8;
	[tilespmem:$0x1E400] =	vst v63  }
0x28: {  	_ =	swait.ge [sflag:s14], $0x4000  }
0x29: {  	[sflag:s14] =	ssyncset.done $0x0  }
0x2a: {  	s30 =	simm.s32 $0x100;
	[sflag:s14] =	ssyncadd.s32 $0xFFFFC000  }
0x2b: {  	[tilespmem:s17], [sflag:$0x1] =	stream.indirect.gather [hbm4b:s1+s16], $0x80, s30, s16, $0xb8;
	[tilespmem:$0x1E400] =	vst v63  }
0x2c: {  	_ =	swait.ge [sflag:s20], $0x4000  }
0x2d: {  	[sflag:s20] =	ssyncset.done $0x0  }
0x2e: {  	s31 =	simm.s32 $0x1480;
	[sflag:s20] =	ssyncadd.s32 $0xFFFFC000  }
0x2f: {  	[spmem:s2] =	stream.indirect.scatter.add.f32 [tilespmem:s18], [sflag:$0x3], $0x80, s31, s16, $0xb8;
	[tilespmem:$0x1E400] =	vst v63  }
0x30: {  	_ =	swait.ge [sflag:s14], $0x4000  }
0x31: {  	s26 =	simm.s32 $0x800;
	s25 =	simm.s32 $0x100;
	[sflag:s14] =	ssyncset.done $0x0  }
.LBB2_2:
0x32: {  	s28 =	sadd.s32 $0x80, s25  }
0x33: {  	[sflag:s14] =	ssyncadd.s32 $0xFFFFC000;
	s29 =	smov.u32 s26;
	s30 =	sadd.s32 $0x400, s26  }
0x34: {  	[tilespmem:s18], [sflag:$0x2] =	stream.indirect.gather [hbm4b:s1+s16], $0x80, s28, s16, $0xb8;
	[tilespmem:$0x1E400] =	vst v63  }
0x35: {  	p0 =	sne.s32 s26, $0x4800;
	_ =	swait.ge [sflag:s19], $0x4000  }
0x36: {  	[sflag:s19] =	ssyncset.done $0x0  }
0x37: {  	s26 =	sadd.s32 $0x1400, s25;
	[sflag:s19] =	ssyncadd.s32 $0xFFFFC000  }
0x38: {  	[spmem:s2] =	stream.indirect.scatter.add.f32 [tilespmem:s17], [sflag:$0x3], $0x80, s26, s16, $0xb8;
	[tilespmem:$0x1E400] =	vst v63  }
0x39: {  	_ =	swait.ge [sflag:s14], $0x4000  }
0x3a: {  	[sflag:s14] =	ssyncset.done $0x0  }
0x3b: {  	s26 =	sadd.s32 $0x100, s25;
	[sflag:s14] =	ssyncadd.s32 $0xFFFFC000  }
0x3c: {  	[tilespmem:s17], [sflag:$0x1] =	stream.indirect.gather [hbm4b:s1+s16], $0x80, s26, s16, $0xb8;
	[tilespmem:$0x1E400] =	vst v63  }
0x3d: {  	_ =	swait.ge [sflag:s20], $0x4000  }
.Ltmp0:
0x3e: {  	[sflag:s20] =	ssyncset.done $0x0;
	(pc) =	sbr.rel @p0 .LBB2_2-.Ltmp0, $4  }
0x3f: {  	s25 =	sadd.s32 $0x1480, s25;
	[sflag:s20] =	ssyncadd.s32 $0xFFFFC000  }
0x40: {  	[spmem:s2] =	stream.indirect.scatter.add.f32 [tilespmem:s18], [sflag:$0x3], $0x80, s25, s16, $0xb8;
	[tilespmem:$0x1E400] =	vst v63  }
0x41: {  	_ =	swait.ge [sflag:s14], $0x4000  }
0x42: {  	s26 =	smov.u32 s30;
	s25 =	sshra.s32 s29, $0x2;
	[sflag:s14] =	ssyncset.done $0x0  }
0x43: {  	s26 =	sadd.s32 $0x80, s25;
	[sflag:s14] =	ssyncadd.s32 $0xFFFFC000  }
0x44: {  	[tilespmem:s18], [sflag:$0x2] =	stream.indirect.gather [hbm4b:s1+s16], $0x80, s26, s16, $0xb8;
	[tilespmem:$0x1E400] =	vst v63  }
0x45: {  	_ =	swait.ge [sflag:s19], $0x4000  }
0x46: {  	[sflag:s19] =	ssyncset.done $0x0  }
0x47: {  	s29 =	sadd.s32 $0x1400, s25;
	[sflag:s19] =	ssyncadd.s32 $0xFFFFC000  }
0x48: {  	[spmem:s2] =	stream.indirect.scatter.add.f32 [tilespmem:s17], [sflag:$0x3], $0x80, s29, s16, $0xb8;
	[tilespmem:$0x1E400] =	vst v63  }
0x49: {  	_ =	swait.ge [sflag:s14], $0x4000  }
0x4a: {  	[sflag:s14] =	ssyncset.done $0x0  }
0x4b: {  	s30 =	sadd.s32 $0x100, s25;
	[sflag:s14] =	ssyncadd.s32 $0xFFFFC000  }
0x4c: {  	[tilespmem:s17], [sflag:$0x1] =	stream.indirect.gather [hbm4b:s1+s16], $0x80, s30, s16, $0xb8;
	[tilespmem:$0x1E400] =	vst v63  }
0x4d: {  	_ =	swait.ge [sflag:s20], $0x4000  }
0x4e: {  	[sflag:s20] =	ssyncset.done $0x0  }
0x4f: {  	s31 =	sadd.s32 $0x1480, s25;
	[sflag:s20] =	ssyncadd.s32 $0xFFFFC000  }
0x50: {  	[spmem:s2] =	stream.indirect.scatter.add.f32 [tilespmem:s18], [sflag:$0x3], $0x80, s31, s16, $0xb8;
	[tilespmem:$0x1E400] =	vst v63  }
0x51: {  	_ =	swait.ge [sflag:s14], $0x4000  }
0x52: {  	[sflag:s14] =	ssyncset.done $0x0  }
0x53: {  	[sflag:s14] =	ssyncadd.s32 $0xFFFFC000  }
0x54: {  	[tilespmem:s18], [sflag:$0x2] =	stream.indirect.gather [hbm4b:s1+s16], $0x80, s21, s16, $0xb8;
	[tilespmem:$0x1E400] =	vst v63  }
0x55: {  	_ =	swait.ge [sflag:s19], $0x4000  }
0x56: {  	[sflag:s19] =	ssyncset.done $0x0  }
0x57: {  	[sflag:s19] =	ssyncadd.s32 $0xFFFFC000  }
0x58: {  	[spmem:s2] =	stream.indirect.scatter.add.f32 [tilespmem:s17], [sflag:$0x3], $0x80, s22, s16, $0xb8;
	[tilespmem:$0x1E400] =	vst v63  }
0x59: {  	_ =	swait.ge [sflag:s14], $0x4000  }
0x5a: {  	[sflag:s14] =	ssyncset.done $0x0  }
0x5b: {  	[sflag:s14] =	ssyncadd.s32 $0xFFFFC000  }
0x5c: {  	_ =	swait.ge [sflag:s20], $0x4000  }
0x5d: {  	[sflag:s20] =	ssyncset.done $0x0  }
0x5e: {  	[sflag:s20] =	ssyncadd.s32 $0xFFFFC000  }
0x5f: {  	[spmem:s2] =	stream.indirect.scatter.add.f32 [tilespmem:s18], [sflag:$0x3], $0x80, s23, s16, $0xb8;
	[tilespmem:$0x1E400] =	vst v63  }
0x60: {  	_ =	swait.ge [sflag:s14], $0x4000  }
0x61: {  	[sflag:s14] =	ssyncset.done $0x0  }
0x62: {  	s26 =	simm.s32 $0x0;
	[sflag:s14] =	ssyncadd.s32 $0xFFFFC000  }
0x63: {  	[tilespmem:s26], [sflag:$0x3] =	stream.linear.gather [hbm4b:s9+s26], $0x1400, $0x38;
	[tilespmem:$0x1E400] =	vst v63  }
0x64: {  	_ =	swait.ge [sflag:s14], $0x1400  }
0x65: {  	[sflag:s14] =	ssyncset.done $0x0  }
0x66: {  	[sflag:s14] =	ssyncadd.s32 $0xFFFFEC00  }
0x67: {  	[tilespmem:s15], [sflag:$0x3] =	stream.linear.gather [hbm4b:s10+s26], $0x1400, $0x38;
	[tilespmem:$0x1E400] =	vst v63  }
0x68: {  	_ =	swait.ge [sflag:s14], $0x1400  }
0x69: {  	[sflag:s14] =	ssyncset.done $0x0  }
0x6a: {  	[sflag:s14] =	ssyncadd.s32 $0xFFFFEC00  }
0x6b: {  	[tilespmem:s17], [sflag:$0x1] =	stream.indirect.gather [hbm4b:s1+s16], $0x80, s26, s16, $0xb8;
	[tilespmem:$0x1E400] =	vst v63  }
0x6c: {  	s28 =	simm.s32 $0x80  }
0x6d: {  	[tilespmem:s18], [sflag:$0x2] =	stream.indirect.gather [hbm4b:s1+s16], $0x80, s28, s16, $0xb8;
	[tilespmem:$0x1E400] =	vst v63  }
0x6e: {  	_ =	swait.ge [sflag:s19], $0x4000  }
0x6f: {  	[sflag:s19] =	ssyncset.done $0x0  }
0x70: {  	s29 =	simm.s32 $0x1400;
	[sflag:s19] =	ssyncadd.s32 $0xFFFFC000  }
0x71: {  	[spmem:s2] =	stream.indirect.scatter.add.f32 [tilespmem:s17], [sflag:$0x3], $0x80, s29, s16, $0xb8;
	[tilespmem:$0x1E400] =	vst v63  }
0x72: {  	_ =	swait.ge [sflag:s14], $0x4000  }
0x73: {  	[sflag:s14] =	ssyncset.done $0x0  }
0x74: {  	s30 =	simm.s32 $0x100;
	[sflag:s14] =	ssyncadd.s32 $0xFFFFC000  }
0x75: {  	[tilespmem:s17], [sflag:$0x1] =	stream.indirect.gather [hbm4b:s1+s16], $0x80, s30, s16, $0xb8;
	[tilespmem:$0x1E400] =	vst v63  }
0x76: {  	_ =	swait.ge [sflag:s20], $0x4000  }
0x77: {  	[sflag:s20] =	ssyncset.done $0x0  }
0x78: {  	s31 =	simm.s32 $0x1480;
	[sflag:s20] =	ssyncadd.s32 $0xFFFFC000  }
0x79: {  	[spmem:s2] =	stream.indirect.scatter.add.f32 [tilespmem:s18], [sflag:$0x3], $0x80, s31, s16, $0xb8;
	[tilespmem:$0x1E400] =	vst v63  }
0x7a: {  	_ =	swait.ge [sflag:s14], $0x4000  }
0x7b: {  	s25 =	simm.s32 $0x100;
	s26 =	simm.s32 $0x800;
	[sflag:s14] =	ssyncset.done $0x0  }
.LBB2_4:
0x7c: {  	s28 =	sadd.s32 $0x80, s25  }
0x7d: {  	[sflag:s14] =	ssyncadd.s32 $0xFFFFC000;
	s29 =	smov.u32 s26;
	s30 =	sadd.s32 $0x400, s26  }
0x7e: {  	[tilespmem:s18], [sflag:$0x2] =	stream.indirect.gather [hbm4b:s1+s16], $0x80, s28, s16, $0xb8;
	[tilespmem:$0x1E400] =	vst v63  }
0x7f: {  	p0 =	sne.s32 s26, $0x4800;
	_ =	swait.ge [sflag:s19], $0x4000  }
0x80: {  	[sflag:s19] =	ssyncset.done $0x0  }
0x81: {  	s26 =	sadd.s32 $0x1400, s25;
	[sflag:s19] =	ssyncadd.s32 $0xFFFFC000  }
0x82: {  	[spmem:s2] =	stream.indirect.scatter.add.f32 [tilespmem:s17], [sflag:$0x3], $0x80, s26, s16, $0xb8;
	[tilespmem:$0x1E400] =	vst v63  }
0x83: {  	_ =	swait.ge [sflag:s14], $0x4000  }
0x84: {  	[sflag:s14] =	ssyncset.done $0x0  }
0x85: {  	s26 =	sadd.s32 $0x100, s25;
	[sflag:s14] =	ssyncadd.s32 $0xFFFFC000  }
0x86: {  	[tilespmem:s17], [sflag:$0x1] =	stream.indirect.gather [hbm4b:s1+s16], $0x80, s26, s16, $0xb8;
	[tilespmem:$0x1E400] =	vst v63  }
0x87: {  	_ =	swait.ge [sflag:s20], $0x4000  }
.Ltmp1:
0x88: {  	[sflag:s20] =	ssyncset.done $0x0;
	(pc) =	sbr.rel @p0 .LBB2_4-.Ltmp1, $4  }
0x89: {  	s25 =	sadd.s32 $0x1480, s25;
	[sflag:s20] =	ssyncadd.s32 $0xFFFFC000  }
0x8a: {  	[spmem:s2] =	stream.indirect.scatter.add.f32 [tilespmem:s18], [sflag:$0x3], $0x80, s25, s16, $0xb8;
	[tilespmem:$0x1E400] =	vst v63  }
0x8b: {  	_ =	swait.ge [sflag:s14], $0x4000  }
0x8c: {  	s26 =	smov.u32 s30;
	s25 =	sshra.s32 s29, $0x2;
	[sflag:s14] =	ssyncset.done $0x0  }
0x8d: {  	s26 =	sadd.s32 $0x80, s25;
	[sflag:s14] =	ssyncadd.s32 $0xFFFFC000  }
0x8e: {  	[tilespmem:s18], [sflag:$0x2] =	stream.indirect.gather [hbm4b:s1+s16], $0x80, s26, s16, $0xb8;
	[tilespmem:$0x1E400] =	vst v63  }
0x8f: {  	_ =	swait.ge [sflag:s19], $0x4000  }
0x90: {  	[sflag:s19] =	ssyncset.done $0x0  }
0x91: {  	s29 =	sadd.s32 $0x1400, s25;
	[sflag:s19] =	ssyncadd.s32 $0xFFFFC000  }
0x92: {  	[spmem:s2] =	stream.indirect.scatter.add.f32 [tilespmem:s17], [sflag:$0x3], $0x80, s29, s16, $0xb8;
	[tilespmem:$0x1E400] =	vst v63  }
0x93: {  	_ =	swait.ge [sflag:s14], $0x4000  }
0x94: {  	[sflag:s14] =	ssyncset.done $0x0  }
0x95: {  	s30 =	sadd.s32 $0x100, s25;
	[sflag:s14] =	ssyncadd.s32 $0xFFFFC000  }
0x96: {  	[tilespmem:s17], [sflag:$0x1] =	stream.indirect.gather [hbm4b:s1+s16], $0x80, s30, s16, $0xb8;
	[tilespmem:$0x1E400] =	vst v63  }
0x97: {  	_ =	swait.ge [sflag:s20], $0x4000  }
0x98: {  	[sflag:s20] =	ssyncset.done $0x0  }
0x99: {  	s31 =	sadd.s32 $0x1480, s25;
	[sflag:s20] =	ssyncadd.s32 $0xFFFFC000  }
0x9a: {  	[spmem:s2] =	stream.indirect.scatter.add.f32 [tilespmem:s18], [sflag:$0x3], $0x80, s31, s16, $0xb8;
	[tilespmem:$0x1E400] =	vst v63  }
0x9b: {  	_ =	swait.ge [sflag:s14], $0x4000  }
0x9c: {  	[sflag:s14] =	ssyncset.done $0x0  }
0x9d: {  	[sflag:s14] =	ssyncadd.s32 $0xFFFFC000  }
0x9e: {  	[tilespmem:s18], [sflag:$0x2] =	stream.indirect.gather [hbm4b:s1+s16], $0x80, s21, s16, $0xb8;
	[tilespmem:$0x1E400] =	vst v63  }
0x9f: {  	_ =	swait.ge [sflag:s19], $0x4000  }
0xa0: {  	[sflag:s19] =	ssyncset.done $0x0  }
0xa1: {  	[sflag:s19] =	ssyncadd.s32 $0xFFFFC000  }
0xa2: {  	[spmem:s2] =	stream.indirect.scatter.add.f32 [tilespmem:s17], [sflag:$0x3], $0x80, s22, s16, $0xb8;
	[tilespmem:$0x1E400] =	vst v63  }
0xa3: {  	_ =	swait.ge [sflag:s14], $0x4000  }
0xa4: {  	[sflag:s14] =	ssyncset.done $0x0  }
0xa5: {  	[sflag:s14] =	ssyncadd.s32 $0xFFFFC000  }
0xa6: {  	_ =	swait.ge [sflag:s20], $0x4000  }
0xa7: {  	[sflag:s20] =	ssyncset.done $0x0  }
0xa8: {  	[sflag:s20] =	ssyncadd.s32 $0xFFFFC000  }
0xa9: {  	[spmem:s2] =	stream.indirect.scatter.add.f32 [tilespmem:s18], [sflag:$0x3], $0x80, s23, s16, $0xb8;
	[tilespmem:$0x1E400] =	vst v63  }
0xaa: {  	_ =	swait.ge [sflag:s14], $0x4000  }
0xab: {  	s24 =	sadd.s32 $0x1, s24;
	[sflag:s14] =	ssyncset.done $0x0  }
0xac: {  	p0 =	sne.s32 s24, s12;
	[sflag:s14] =	ssyncadd.s32 $0xFFFFC000  }
.Ltmp2:
0xad: {  	[bflag:$0x0] =	sbarrier.arrive $0xFFFF;
	(pc) =	sbr.rel @p0 .LBB2_1-.Ltmp2, $4  }
0xae: {  	[hbm:s11], [sflag:s6] =	dma.local [spmem:s13], $0x2780  }
0xaf: {  	_ =	swait.ge [sflag:s14], $0x2780  }
0xb0: {  	[sflag:s14] =	ssyncset.done $0x0  }
0xb1: {  	[sflag:s14] =	ssyncadd.s32 $0xFFFFD880  }
0xb2: {  	_ =	sfence.sel $0x180000  }
0xb3: {  	[bflag:$0x0] =	sbarrier.arrive $0xFFFF  }
0xb4: {  	p0 =	sne.s32 s3, $0x0;
	_ =	strace $0x90000050  }
0xb5: {  	s0 =	sadd.s32 @!p0 $0x100000, s0;
	[bflag:$0x2] =	sbarrier.arrive $0xFFFF  }
0xb6: {  	[sflag:s0] =	ssyncadd.tile.s32 @!p0 $0x1;
	_ =	shalt  }
.Lfunc_end2:
_tile_overlayer_lowered:
.L_overlay_start_2:
0xb7: {  	(tag) =	ssettag $0x2  }
0xb8: {  	s0 =	rddreg [dreg:$0x0];
	s2 =	stileid.u32  }
0xb9: {  	s1 =	rddreg [dreg:$0x1];
	p0 =	sne.s32 s2, $0x0  }
0xba: {  	s3 =	rddreg [dreg:$0x2];
	[bflag:$0x3] =	sbarrier.arrive $0xFFFF;
	s2 =	simm.s32 @!p0 $0x1C03  }
0xbb: {  	[timem:s3], [sflag:s2] =	dma.local @!p0 [hbm:s0], s1  }
0xbc: {  	s0 =	simm.s32 @!p0 $0x3  }
0xbd: {  	_ =	swait.ge @!p0 [sflag:s0], s1  }
0xbe: {  	s1 =	ssub.s32 @!p0 $0x0, s1;
	[sflag:s0] =	ssyncset.done @!p0 $0x0  }
0xbf: {  	[sflag:s0] =	ssyncadd.s32 @!p0 s1  }
0xc0: {  	[bflag:$0x3] =	sbarrier.arrive $0xFFFF  }
0xc1: {  	_ =	shalt  }

</sc_bundles>
